<compile_context>
chip_gen: v7x
topology: tpu7x:2x2x1
jax: 0.10.2.dev20260603
libtpu: 0.0.44.dev20260713+nightly
codegen_flags: <defaults>
</compile_context>

<pallas_src>
import functools

import jax
import jax.numpy as jnp
from jax import lax
from jax.experimental import pallas as pl
from jax.experimental.pallas import tpu as pltpu
from jax.experimental.pallas import tpu_sc as plsc

_L = 16
_VTW = 128
_VT = 4
_CH = _VT * _VTW
_SUB = 128
_NB = 3
_NC = 2
_NS = 16


def _feat_to_rowmajor(feat):
    n_in, d = feat.shape
    featT = feat.T
    cw = 2 * _VTW
    units = n_in // cw
    tail = n_in - units * cw
    lin_rows = n_in * d // _VTW
    rpu = cw * d // _VTW
    tail128 = feat[units * cw:].reshape(tail * d // _VTW, _VTW)

    nw = _NC * _NS
    iters = (units + nw - 1) // nw

    mesh = plsc.VectorSubcoreMesh(
        core_axis_name="c", subcore_axis_name="s",
        num_cores=_NC, num_subcores=_NS,
    )

    @functools.partial(
        pl.kernel,
        out_type=jax.ShapeDtypeStruct((lin_rows, _VTW), jnp.float32),
        mesh=mesh,
        scratch_types=[
            pltpu.VMEM((2, d, cw), jnp.float32),
            pltpu.VMEM((2, cw * d // _VTW, _VTW), jnp.float32),
            pltpu.SemaphoreType.DMA((2,)),
            pltpu.SemaphoreType.DMA((2,)),
        ],
        compiler_params=pltpu.CompilerParams(
            needs_layout_passes=False,
            use_tc_tiling_on_sc=True,
        ),
    )
    def conv(ft_hbm, tail_hbm, lin_hbm, blk_v, tblk_v, isem, osem):
        wid = lax.axis_index("s") * _NC + lax.axis_index("c")
        lane = lax.iota(jnp.int32, _L)

        @pl.when(wid == 0)
        def _():
            pltpu.sync_copy(tail_hbm, lin_hbm.at[pl.ds(units * rpu, tail * d
                                                       // _VTW)])

        def step(i, carry):
            ua = i * nw + wid

            @pl.when(jnp.logical_and(i < iters, ua < units))
            def _():
                s = lax.rem(i, 2)
                pltpu.async_copy(
                    ft_hbm.at[pl.ds(0, d), pl.ds(ua * cw, cw)],
                    blk_v.at[s], isem.at[s])

            ub = (i - 1) * nw + wid

            @pl.when(jnp.logical_and(
                jnp.logical_and(i >= 1, i - 1 < iters), ub < units))
            def _():
                s = lax.rem(i - 1, 2)
                pltpu.make_async_copy(
                    ft_hbm.at[pl.ds(0, d), pl.ds(0, cw)], blk_v.at[s],
                    isem.at[s]).wait()

                uo = (i - 3) * nw + wid

                @pl.when(jnp.logical_and(i >= 3, uo < units))
                def _():
                    pltpu.make_async_copy(
                        tblk_v.at[s], lin_hbm.at[pl.ds(0, rpu)],
                        osem.at[s]).wait()

                lane32 = lane * d

                @plsc.parallel_loop(0, cw // _L, 1, unroll=2)
                def trans(gv):
                    vl = lane + gv * _L
                    fl0 = lane32 + gv * (_L * d)
                    for cc in range(d):
                        cvec = (lane + cc) & (d - 1)
                        x = plsc.load_gather(blk_v.at[s], [cvec, vl])
                        flat = fl0 + cvec
                        plsc.store_scatter(
                            tblk_v.at[s],
                            [flat >> 7, flat & (_VTW - 1)], x)

                pltpu.async_copy(tblk_v.at[s],
                                 lin_hbm.at[pl.ds(ub * rpu, rpu)],
                                 osem.at[s])

            return carry

        lax.fori_loop(0, iters + 1, step, 0)

        def drain(i, carry):
            tstep = iters - 1 - i
            ut = tstep * nw + wid

            @pl.when(jnp.logical_and(
                jnp.logical_and(tstep >= 0, ut < units),
                (tstep + 2) * nw + wid >= units))
            def _():
                s = lax.rem(tstep, 2)
                pltpu.make_async_copy(
                    tblk_v.at[s], lin_hbm.at[pl.ds(0, rpu)],
                    osem.at[s]).wait()

            return carry

        lax.fori_loop(0, min(3, iters), drain, 0)

    return conv(featT, tail128).reshape(n_in, d)


def kernel(feat, in_idx):
    n_in, d = feat.shape
    n_out = in_idx.shape[0]
    feat = _feat_to_rowmajor(feat)
    ct_n = d // 8
    vt_n = (n_out + _VTW - 1) // _VTW
    n_pad = vt_n * _VTW

    idx32 = jnp.pad(in_idx.astype(jnp.int32), (0, n_pad - n_out),
                    constant_values=-1)

    nw = _NC * _NS
    n_chunks = (vt_n + _VT - 1) // _VT
    iters = (n_chunks + nw - 1) // nw
    last_vt0 = vt_n - _VT
    spread_mask = (1 << (n_in.bit_length() - 1)) - 1

    mesh = plsc.VectorSubcoreMesh(
        core_axis_name="c", subcore_axis_name="s",
        num_cores=_NC, num_subcores=_NS,
    )

    @functools.partial(
        pl.kernel,
        out_type=jax.ShapeDtypeStruct((ct_n, vt_n * 8 * _VTW), jnp.float32),
        mesh=mesh,
        scratch_types=[
            pltpu.VMEM((_NB, _CH), jnp.int32),
            pltpu.VMEM((_NB, _CH), jnp.int32),
            pltpu.VMEM((_NB, _CH), jnp.float32),
            pltpu.VMEM((_NB, _CH, d), jnp.float32),
            pltpu.VMEM((_NB, ct_n, _VT * 8 * _VTW), jnp.float32),
            pltpu.SemaphoreType.DMA((_NB,)),
            pltpu.SemaphoreType.DMA((_NB,)),
            pltpu.SemaphoreType.DMA((_NB,)),
        ],
        compiler_params=pltpu.CompilerParams(
            needs_layout_passes=False,
            use_tc_tiling_on_sc=False,
        ),
    )
    def body(feat_hbm, idx_hbm, out_hbm, idx_v, sidx_v, mval_v, rows_v, tr_v,
             isem, gsem, osem):
        wid = lax.axis_index("s") * _NC + lax.axis_index("c")
        lane = lax.iota(jnp.int32, _L)

        def vt0_of(c):
            return jnp.minimum(c * _VT, last_vt0)

        def step(i, carry):
            chunk_a = i * nw + wid

            @pl.when(jnp.logical_and(i < iters, chunk_a < n_chunks))
            def _():
                s = lax.rem(i, _NB)
                pltpu.async_copy(
                    idx_hbm.at[pl.ds(vt0_of(chunk_a) * _VTW, _CH)],
                    idx_v.at[s], isem.at[s])

            ib = i - 1
            chunk_b = ib * nw + wid

            @pl.when(jnp.logical_and(
                jnp.logical_and(ib >= 0, ib < iters), chunk_b < n_chunks))
            def _():
                s = lax.rem(ib, _NB)
                pltpu.make_async_copy(
                    idx_hbm.at[pl.ds(0, _CH)], idx_v.at[s],
                    isem.at[s]).wait()
                base = vt0_of(chunk_b) * _VTW

                @plsc.parallel_loop(0, _CH // _L, 1, unroll=2)
                def remap(g):
                    v = idx_v[s, pl.ds(g * _L, _L)]
                    valid = v >= 0
                    spread = (lane + (base + g * _L)) & spread_mask
                    sidx_v[s, pl.ds(g * _L, _L)] = jnp.where(valid, v, spread)
                    mval_v[s, pl.ds(g * _L, _L)] = jnp.where(
                        valid, jnp.float32(1.0), jnp.float32(0.0))

                io = i - 4
                chunk_o = io * nw + wid

                @pl.when(jnp.logical_and(io >= 0, chunk_o < n_chunks))
                def _():
                    pltpu.make_async_copy(
                        tr_v.at[s],
                        out_hbm.at[pl.ds(0, ct_n), pl.ds(0, _VT * 8 * _VTW)],
                        osem.at[s]).wait()

                for j in range(0, _CH, _SUB):
                    pltpu.async_copy(
                        feat_hbm.at[sidx_v.at[s, pl.ds(j, _SUB)]],
                        rows_v.at[s, pl.ds(j, _SUB)],
                        gsem.at[s])

            ic = i - 2
            chunk_c = ic * nw + wid

            @pl.when(jnp.logical_and(
                jnp.logical_and(ic >= 0, ic < iters), chunk_c < n_chunks))
            def _():
                s = lax.rem(ic, _NB)
                pltpu.make_async_copy(
                    feat_hbm.at[pl.ds(0, _CH)], rows_v.at[s],
                    gsem.at[s]).wait()

                @plsc.parallel_loop(0, _CH // _L, 1, unroll=2)
                def trans(g):
                    mv = mval_v[s, pl.ds(g * _L, _L)]
                    rows = lane + g * _L
                    fl0 = lane + (g % (_VTW // _L)) * _L + (
                        g // (_VTW // _L)) * (8 * _VTW)
                    for h in range(d // _L):
                        for cc in range(_L):
                            colv = ((lane + cc) & (_L - 1)) + h * _L
                            x = plsc.load_gather(rows_v.at[s], [rows, colv])
                            flatv = ((colv & 7) << 7) + fl0
                            plsc.store_scatter(
                                tr_v.at[s], [colv >> 3, flatv], x * mv)

                vt0 = vt0_of(chunk_c)
                for ct in range(ct_n):
                    pltpu.async_copy(
                        tr_v.at[s, ct],
                        out_hbm.at[ct, pl.ds(vt0 * (8 * _VTW), _VT * 8 * _VTW)],
                        osem.at[s])

            return carry

        lax.fori_loop(0, iters + 2, step, 0)

        def drain(i, carry):
            it = iters - 1 - i
            chunk_t = it * nw + wid

            @pl.when(jnp.logical_and(
                jnp.logical_and(it >= 0, chunk_t < n_chunks),
                (it + 3) * nw + wid >= n_chunks))
            def _():
                s = lax.rem(it, _NB)
                pltpu.make_async_copy(
                    tr_v.at[s],
                    out_hbm.at[pl.ds(0, ct_n), pl.ds(0, _VT * 8 * _VTW)],
                    osem.at[s]).wait()

            return carry

        lax.fori_loop(0, min(4, iters), drain, 0)

    phys = body(feat, idx32)
    phys = phys.reshape(ct_n, vt_n, 8, _VTW)
    out = phys.transpose(1, 3, 0, 2).reshape(n_pad, d)
    return out[:n_out]

# --- scband reference (transcript-rebuilt; emitter-appended) ---
"""Pipeline reference for scband-sparse-zero-padding-1125281432062 (READ-ONLY COPY).

The authoritative reference and input builder live on the scoring server;
editing this copy changes nothing except your own understanding.
"""

import jax, jax.numpy as jnp
import numpy as np

N_IN = 500000
N_OUT = 1000000
D = 32

def setup_inputs(seed: int = 0) -> dict:
    key = jax.random.key(seed)
    k1, k2, k3 = jax.random.split(key, 3)
    feat = jax.random.normal(k1, (N_IN, D), dtype=jnp.float32)
    # in_idx = in_grid.ijk_to_index(out_grid.active_grid_coords()):
    # maps each output voxel to an input voxel index, or -1 if the input
    # grid does not contain that coordinate. ~25% of output voxels are new.
    idx = jax.random.randint(k2, (N_OUT,), 0, N_IN, dtype=jnp.int64)
    drop = jax.random.uniform(k3, (N_OUT,)) < 0.25
    in_idx = jnp.where(drop, jnp.int64(-1), idx)
    return {"feat": feat, "in_idx": in_idx}

def reference(feat, in_idx):
    # Faithful to: out_feat = zeros(num_out_voxels, C); out_feat[mask] = feat[in_idx[mask]]
    in_mask = in_idx != -1
    safe_idx = jnp.where(in_mask, in_idx, 0)
    gathered = jnp.take(feat, safe_idx, axis=0)
    out_feat = jnp.where(in_mask[:, None], gathered, jnp.zeros((), dtype=feat.dtype))
    return out_feat

if __name__ == "__main__":
    import jax
    _d = setup_inputs()
    print(jax.jit(kernel)(*tuple(_d.values())))

</pallas_src>

<mosaic_0001>
#map = affine_map<(d0, d1) -> (0, 0)>
#map1 = affine_map<(d0, d1) -> (0)>
module attributes {stable_mosaic.version = 14 : i64} {
  func.func @body(%arg0: i32, %arg1: i32, %arg2: memref<500000x32xf32, #tpu.memory_space<hbm>>, %arg3: memref<1000064xi32, #tpu.memory_space<hbm>>, %arg4: memref<4x8000512xf32, #tpu.memory_space<hbm>>, %arg5: memref<3x512xi32, #tpu.memory_space<vmem>>, %arg6: memref<3x512xi32, #tpu.memory_space<vmem>>, %arg7: memref<3x512xf32, #tpu.memory_space<vmem>>, %arg8: memref<3x512x32xf32, #tpu.memory_space<vmem>>, %arg9: memref<3x4x4096xf32, #tpu.memory_space<vmem>>, %arg10: memref<3x!tpu.dma_semaphore, #tpu.memory_space<semaphore_mem>>, %arg11: memref<3x!tpu.dma_semaphore, #tpu.memory_space<semaphore_mem>>, %arg12: memref<3x!tpu.dma_semaphore, #tpu.memory_space<semaphore_mem>>) attributes {dimension_semantics = [#tpu.dimension_semantics<core_parallel>, #tpu.dimension_semantics<subcore_parallel>], iteration_bounds = array<i64: 2, 16>, scalar_prefetch = 0 : i64, scratch_operands = 8 : i64, tpu.core_type = #tpu.core_type<sc_vector_subcore>, window_params = [{transform_indices = #map}, {transform_indices = #map1}, {transform_indices = #map}]} {
    %mul3A = arith.constant 2 : i32
    %mul3A_0 = arith.muli %arg1, %mul3A : i32
    %add3A = arith.addi %mul3A_0, %arg0 : i32
    %iota3A = tpu.iota {dimensions = array<i32: 0>} : vector<16xi32>
    %scan3A = arith.constant 0 : i32
    %scan3A_1 = arith.constant 0 : i32
    %scan3A_2 = arith.constant 64 : i32
    %scan3A_3 = arith.addi %scan3A_1, %scan3A_2 : i32
    %scan3A_4 = arith.constant 1 : i32
    scf.for %scan3A_12 = %scan3A_1 to %scan3A_3 step %scan3A_4  : i32 {
      %mul3A_13 = arith.constant 32 : i32
      %mul3A_14 = arith.muli %scan3A_12, %mul3A_13 : i32
      %add3A_15 = arith.addi %mul3A_14, %add3A : i32
      %lt3A = arith.constant 62 : i32
      %lt3A_16 = arith.cmpi slt, %scan3A_12, %lt3A : i32
      %lt3A_17 = arith.constant 1954 : i32
      %lt3A_18 = arith.cmpi slt, %add3A_15, %lt3A_17 : i32
      %and3A = arith.andi %lt3A_16, %lt3A_18 : i1
      %convert_element_type3A = arith.extui %and3A : i1 to i32
      %cond3A = arith.constant 0 : i32
      %cond3A_19 = arith.cmpi ne, %convert_element_type3A, %cond3A : i32
      scf.if %cond3A_19 {
        %rem3A = arith.constant 3 : i32
        %rem3A_50 = arith.remsi %scan3A_12, %rem3A : i32
        %mul3A_51 = arith.constant 4 : i32
        %mul3A_52 = arith.muli %add3A_15, %mul3A_51 : i32
        %min3A = arith.constant 7809 : i32
        %min3A_53 = arith.minsi %mul3A_52, %min3A : i32
        %mul3A_54 = arith.constant 128 : i32
        %mul3A_55 = arith.muli %min3A_53, %mul3A_54 : i32
        %dma_start3A = arith.constant 0 : i32
        %dma_start3A_56 = tpu.memref_slice %arg5[%rem3A_50, %dma_start3A] : memref<3x512xi32, #tpu.memory_space<vmem>> -> memref<1x512xi32, #tpu.memory_space<vmem>>
        %dma_start3A_57 = tpu.memref_squeeze %dma_start3A_56 : memref<1x512xi32, #tpu.memory_space<vmem>> -> memref<512xi32, #tpu.memory_space<vmem>>
        %dma_start3A_58 = tpu.memref_slice %arg3[%mul3A_55] : memref<1000064xi32, #tpu.memory_space<hbm>> -> memref<512xi32, #tpu.memory_space<hbm>>
        %dma_start3A_59 = tpu.memref_slice %arg10[%rem3A_50] : memref<3x!tpu.dma_semaphore, #tpu.memory_space<semaphore_mem>> -> memref<1x!tpu.dma_semaphore, #tpu.memory_space<semaphore_mem>>
        %dma_start3A_60 = tpu.memref_squeeze %dma_start3A_59 : memref<1x!tpu.dma_semaphore, #tpu.memory_space<semaphore_mem>> -> memref<!tpu.dma_semaphore, #tpu.memory_space<semaphore_mem>>
        %dma_start3A_61 = arith.constant 0 : i32
        %dma_start3A_62 = tpu.memref_slice %arg5[%rem3A_50, %dma_start3A_61] : memref<3x512xi32, #tpu.memory_space<vmem>> -> memref<1x512xi32, #tpu.memory_space<vmem>>
        %dma_start3A_63 = tpu.memref_squeeze %dma_start3A_62 : memref<1x512xi32, #tpu.memory_space<vmem>> -> memref<512xi32, #tpu.memory_space<vmem>>
        %dma_start3A_64 = tpu.memref_slice %arg3[%mul3A_55] : memref<1000064xi32, #tpu.memory_space<hbm>> -> memref<512xi32, #tpu.memory_space<hbm>>
        tpu.enqueue_dma source(%dma_start3A_64 : memref<512xi32, #tpu.memory_space<hbm>>) target(%dma_start3A_63 : memref<512xi32, #tpu.memory_space<vmem>>) target_semaphore(%dma_start3A_60 : memref<!tpu.dma_semaphore, #tpu.memory_space<semaphore_mem>>)
      } else {
      }
      %sub3A = arith.constant 1 : i32
      %sub3A_20 = arith.subi %scan3A_12, %sub3A : i32
      %mul3A_21 = arith.constant 32 : i32
      %mul3A_22 = arith.muli %sub3A_20, %mul3A_21 : i32
      %add3A_23 = arith.addi %mul3A_22, %add3A : i32
      %ge3A = arith.constant 0 : i32
      %ge3A_24 = arith.cmpi sge, %sub3A_20, %ge3A : i32
      %lt3A_25 = arith.constant 62 : i32
      %lt3A_26 = arith.cmpi slt, %sub3A_20, %lt3A_25 : i32
      %and3A_27 = arith.andi %ge3A_24, %lt3A_26 : i1
      %lt3A_28 = arith.constant 1954 : i32
      %lt3A_29 = arith.cmpi slt, %add3A_23, %lt3A_28 : i32
      %and3A_30 = arith.andi %and3A_27, %lt3A_29 : i1
      %convert_element_type3A_31 = arith.extui %and3A_30 : i1 to i32
      %cond3A_32 = arith.constant 0 : i32
      %cond3A_33 = arith.cmpi ne, %convert_element_type3A_31, %cond3A_32 : i32
      scf.if %cond3A_33 {
        %rem3A = arith.constant 3 : i32
        %rem3A_50 = arith.remsi %sub3A_20, %rem3A : i32
        %dma_wait3A = arith.constant 0 : i32
        %dma_wait3A_51 = tpu.memref_slice %arg5[%rem3A_50, %dma_wait3A] : memref<3x512xi32, #tpu.memory_space<vmem>> -> memref<1x512xi32, #tpu.memory_space<vmem>>
        %dma_wait3A_52 = tpu.memref_squeeze %dma_wait3A_51 : memref<1x512xi32, #tpu.memory_space<vmem>> -> memref<512xi32, #tpu.memory_space<vmem>>
        %dma_wait3A_53 = arith.constant 0 : i32
        %dma_wait3A_54 = tpu.memref_slice %arg3[%dma_wait3A_53] : memref<1000064xi32, #tpu.memory_space<hbm>> -> memref<512xi32, #tpu.memory_space<hbm>>
        %dma_wait3A_55 = tpu.memref_slice %arg10[%rem3A_50] : memref<3x!tpu.dma_semaphore, #tpu.memory_space<semaphore_mem>> -> memref<1x!tpu.dma_semaphore, #tpu.memory_space<semaphore_mem>>
        %dma_wait3A_56 = tpu.memref_squeeze %dma_wait3A_55 : memref<1x!tpu.dma_semaphore, #tpu.memory_space<semaphore_mem>> -> memref<!tpu.dma_semaphore, #tpu.memory_space<semaphore_mem>>
        %dma_wait3A_57 = arith.constant 0 : i32
        %dma_wait3A_58 = tpu.memref_slice %arg5[%rem3A_50, %dma_wait3A_57] : memref<3x512xi32, #tpu.memory_space<vmem>> -> memref<1x512xi32, #tpu.memory_space<vmem>>
        %dma_wait3A_59 = tpu.memref_squeeze %dma_wait3A_58 : memref<1x512xi32, #tpu.memory_space<vmem>> -> memref<512xi32, #tpu.memory_space<vmem>>
        %dma_wait3A_60 = arith.constant 0 : i32
        %dma_wait3A_61 = tpu.memref_slice %arg3[%dma_wait3A_60] : memref<1000064xi32, #tpu.memory_space<hbm>> -> memref<512xi32, #tpu.memory_space<hbm>>
        tpu.wait_dma2 semaphore(%dma_wait3A_56 : memref<!tpu.dma_semaphore, #tpu.memory_space<semaphore_mem>>) src(%dma_wait3A_61 : memref<512xi32, #tpu.memory_space<hbm>>) dst(%dma_wait3A_59 : memref<512xi32, #tpu.memory_space<vmem>>)
        %mul3A_62 = arith.constant 4 : i32
        %mul3A_63 = arith.muli %add3A_23, %mul3A_62 : i32
        %min3A = arith.constant 7809 : i32
        %min3A_64 = arith.minsi %mul3A_63, %min3A : i32
        %mul3A_65 = arith.constant 128 : i32
        %mul3A_66 = arith.muli %min3A_64, %mul3A_65 : i32
        %parallel_loop3A = arith.constant 0 : i32
        %parallel_loop3A_67 = arith.constant 32 : i32
        %parallel_loop3A_68 = arith.constant 1 : i32
        scf.for %parallel_loop3A_129 = %parallel_loop3A to %parallel_loop3A_67 step %parallel_loop3A_68  : i32 {
          %parallel_loop3A_130 = arith.constant 16 : i32
          %parallel_loop3A_131 = arith.muli %parallel_loop3A_129, %parallel_loop3A_130 : i32
          %parallel_loop3A_132 = arith.index_cast %rem3A_50 : i32 to index
          %parallel_loop3A_133 = arith.index_cast %parallel_loop3A_131 : i32 to index
          %parallel_loop3A_134 = tpu.vector_load %arg5[%parallel_loop3A_132, %parallel_loop3A_133] {strides = array<i32>} : memref<3x512xi32, #tpu.memory_space<vmem>>, vector<16xi32>,
          %parallel_loop3A_135 = arith.constant 0 : i32
          %parallel_loop3A_136 = vector.broadcast %parallel_loop3A_135 : i32 to vector<16xi32>
          %parallel_loop3A_137 = arith.cmpi sge, %parallel_loop3A_134, %parallel_loop3A_136 : vector<16xi32>
          %parallel_loop3A_138 = arith.constant 16 : i32
          %parallel_loop3A_139 = arith.muli %parallel_loop3A_129, %parallel_loop3A_138 : i32
          %parallel_loop3A_140 = arith.addi %mul3A_66, %parallel_loop3A_139 : i32
          %parallel_loop3A_141 = vector.broadcast %parallel_loop3A_140 : i32 to vector<16xi32>
          %parallel_loop3A_142 = arith.addi %iota3A, %parallel_loop3A_141 : vector<16xi32>
          %parallel_loop3A_143 = arith.constant 262143 : i32
          %parallel_loop3A_144 = vector.broadcast %parallel_loop3A_143 : i32 to vector<16xi32>
          %parallel_loop3A_145 = arith.andi %parallel_loop3A_142, %parallel_loop3A_144 : vector<16xi32>
          %parallel_loop3A_146 = arith.select %parallel_loop3A_137, %parallel_loop3A_134, %parallel_loop3A_145 : vector<16xi1>, vector<16xi32>
          %parallel_loop3A_147 = arith.constant 16 : i32
          %parallel_loop3A_148 = arith.muli %parallel_loop3A_129, %parallel_loop3A_147 : i32
          %parallel_loop3A_149 = arith.index_cast %rem3A_50 : i32 to index
          %parallel_loop3A_150 = arith.index_cast %parallel_loop3A_148 : i32 to index
          %parallel_loop3A_151 = tpu.vector_load %arg6[%parallel_loop3A_149, %parallel_loop3A_150] {strides = array<i32>} : memref<3x512xi32, #tpu.memory_space<vmem>>, vector<16xi32>,
          tpu.vector_store %arg6[%parallel_loop3A_149, %parallel_loop3A_150], %parallel_loop3A_146 {strides = array<i32>} : memref<3x512xi32, #tpu.memory_space<vmem>>, vector<16xi32>,
          %parallel_loop3A_152 = arith.constant 1.000000e+00 : f32
          %parallel_loop3A_153 = arith.constant 0.000000e+00 : f32
          %parallel_loop3A_154 = vector.broadcast %parallel_loop3A_152 : f32 to vector<16xf32>
          %parallel_loop3A_155 = vector.broadcast %parallel_loop3A_153 : f32 to vector<16xf32>
          %parallel_loop3A_156 = arith.select %parallel_loop3A_137, %parallel_loop3A_154, %parallel_loop3A_155 : vector<16xi1>, vector<16xf32>
          %parallel_loop3A_157 = arith.constant 16 : i32
          %parallel_loop3A_158 = arith.muli %parallel_loop3A_129, %parallel_loop3A_157 : i32
          %parallel_loop3A_159 = arith.index_cast %rem3A_50 : i32 to index
          %parallel_loop3A_160 = arith.index_cast %parallel_loop3A_158 : i32 to index
          %parallel_loop3A_161 = tpu.vector_load %arg7[%parallel_loop3A_159, %parallel_loop3A_160] {strides = array<i32>} : memref<3x512xf32, #tpu.memory_space<vmem>>, vector<16xf32>,
          tpu.vector_store %arg7[%parallel_loop3A_159, %parallel_loop3A_160], %parallel_loop3A_156 {strides = array<i32>} : memref<3x512xf32, #tpu.memory_space<vmem>>, vector<16xf32>,
        } {sc.loop_unroll_factor = 2 : i64, sc.parallel_access}
        %sub3A_69 = arith.constant 4 : i32
        %sub3A_70 = arith.subi %scan3A_12, %sub3A_69 : i32
        %mul3A_71 = arith.constant 32 : i32
        %mul3A_72 = arith.muli %sub3A_70, %mul3A_71 : i32
        %add3A_73 = arith.addi %mul3A_72, %add3A : i32
        %ge3A_74 = arith.constant 0 : i32
        %ge3A_75 = arith.cmpi sge, %sub3A_70, %ge3A_74 : i32
        %lt3A_76 = arith.constant 1954 : i32
        %lt3A_77 = arith.cmpi slt, %add3A_73, %lt3A_76 : i32
        %and3A_78 = arith.andi %ge3A_75, %lt3A_77 : i1
        %convert_element_type3A_79 = arith.extui %and3A_78 : i1 to i32
        %cond3A_80 = arith.constant 0 : i32
        %cond3A_81 = arith.cmpi ne, %convert_element_type3A_79, %cond3A_80 : i32
        scf.if %cond3A_81 {
          %dma_wait3A_129 = arith.constant 0 : i32
          %dma_wait3A_130 = arith.constant 0 : i32
          %dma_wait3A_131 = tpu.memref_slice %arg9[%rem3A_50, %dma_wait3A_129, %dma_wait3A_130] : memref<3x4x4096xf32, #tpu.memory_space<vmem>> -> memref<1x4x4096xf32, #tpu.memory_space<vmem>>
          %dma_wait3A_132 = tpu.memref_squeeze %dma_wait3A_131 : memref<1x4x4096xf32, #tpu.memory_space<vmem>> -> memref<4x4096xf32, #tpu.memory_space<vmem>>
          %dma_wait3A_133 = arith.constant 0 : i32
          %dma_wait3A_134 = arith.constant 0 : i32
          %dma_wait3A_135 = tpu.memref_slice %arg4[%dma_wait3A_133, %dma_wait3A_134] : memref<4x8000512xf32, #tpu.memory_space<hbm>> -> memref<4x4096xf32, #tpu.memory_space<hbm>>
          %dma_wait3A_136 = tpu.memref_slice %arg12[%rem3A_50] : memref<3x!tpu.dma_semaphore, #tpu.memory_space<semaphore_mem>> -> memref<1x!tpu.dma_semaphore, #tpu.memory_space<semaphore_mem>>
          %dma_wait3A_137 = tpu.memref_squeeze %dma_wait3A_136 : memref<1x!tpu.dma_semaphore, #tpu.memory_space<semaphore_mem>> -> memref<!tpu.dma_semaphore, #tpu.memory_space<semaphore_mem>>
          %dma_wait3A_138 = arith.constant 0 : i32
          %dma_wait3A_139 = arith.constant 0 : i32
          %dma_wait3A_140 = tpu.memref_slice %arg4[%dma_wait3A_138, %dma_wait3A_139] : memref<4x8000512xf32, #tpu.memory_space<hbm>> -> memref<4x4096xf32, #tpu.memory_space<hbm>>
          %dma_wait3A_141 = arith.constant 0 : i32
          %dma_wait3A_142 = arith.constant 0 : i32
          %dma_wait3A_143 = tpu.memref_slice %arg9[%rem3A_50, %dma_wait3A_141, %dma_wait3A_142] : memref<3x4x4096xf32, #tpu.memory_space<vmem>> -> memref<1x4x4096xf32, #tpu.memory_space<vmem>>
          %dma_wait3A_144 = tpu.memref_squeeze %dma_wait3A_143 : memref<1x4x4096xf32, #tpu.memory_space<vmem>> -> memref<4x4096xf32, #tpu.memory_space<vmem>>
          tpu.wait_dma2 semaphore(%dma_wait3A_137 : memref<!tpu.dma_semaphore, #tpu.memory_space<semaphore_mem>>) src(%dma_wait3A_144 : memref<4x4096xf32, #tpu.memory_space<vmem>>) dst(%dma_wait3A_140 : memref<4x4096xf32, #tpu.memory_space<hbm>>)
        } else {
        }
        %dma_start3A = arith.constant 0 : i32
        %dma_start3A_82 = arith.constant 0 : i32
        %dma_start3A_83 = tpu.memref_slice %arg8[%rem3A_50, %dma_start3A, %dma_start3A_82] : memref<3x512x32xf32, #tpu.memory_space<vmem>> -> memref<1x128x32xf32, #tpu.memory_space<vmem>>
        %dma_start3A_84 = tpu.memref_squeeze %dma_start3A_83 : memref<1x128x32xf32, #tpu.memory_space<vmem>> -> memref<128x32xf32, #tpu.memory_space<vmem>>
        %dma_start3A_85 = arith.constant 0 : i32
        %dma_start3A_86 = tpu.memref_slice %arg6[%rem3A_50, %dma_start3A_85] : memref<3x512xi32, #tpu.memory_space<vmem>> -> memref<1x128xi32, #tpu.memory_space<vmem>>
        %dma_start3A_87 = tpu.memref_squeeze %dma_start3A_86 : memref<1x128xi32, #tpu.memory_space<vmem>> -> memref<128xi32, #tpu.memory_space<vmem>>
        %dma_start3A_88 = arith.constant 0 : i32
        %dma_start3A_89 = arith.constant 0 : i32
        %dma_start3A_90 = tpu.memref_slice %arg2[%dma_start3A_88, %dma_start3A_89] : memref<500000x32xf32, #tpu.memory_space<hbm>> -> memref<500000x32xf32, #tpu.memory_space<hbm>>
        %dma_start3A_91 = tpu.memref_slice %arg11[%rem3A_50] : memref<3x!tpu.dma_semaphore, #tpu.memory_space<semaphore_mem>> -> memref<1x!tpu.dma_semaphore, #tpu.memory_space<semaphore_mem>>
        %dma_start3A_92 = tpu.memref_squeeze %dma_start3A_91 : memref<1x!tpu.dma_semaphore, #tpu.memory_space<semaphore_mem>> -> memref<!tpu.dma_semaphore, #tpu.memory_space<semaphore_mem>>
        tpu.enqueue_indirect_dma source(%dma_start3A_90 : memref<500000x32xf32, #tpu.memory_space<hbm>>) target(%dma_start3A_84 : memref<128x32xf32, #tpu.memory_space<vmem>>) offsets(%dma_start3A_87 : memref<128xi32, #tpu.memory_space<vmem>>) semaphore(%dma_start3A_92 : memref<!tpu.dma_semaphore, #tpu.memory_space<semaphore_mem>>)
        %dma_start3A_93 = arith.constant 128 : i32
        %dma_start3A_94 = arith.constant 0 : i32
        %dma_start3A_95 = tpu.memref_slice %arg8[%rem3A_50, %dma_start3A_93, %dma_start3A_94] : memref<3x512x32xf32, #tpu.memory_space<vmem>> -> memref<1x128x32xf32, #tpu.memory_space<vmem>>
        %dma_start3A_96 = tpu.memref_squeeze %dma_start3A_95 : memref<1x128x32xf32, #tpu.memory_space<vmem>> -> memref<128x32xf32, #tpu.memory_space<vmem>>
        %dma_start3A_97 = arith.constant 128 : i32
        %dma_start3A_98 = tpu.memref_slice %arg6[%rem3A_50, %dma_start3A_97] : memref<3x512xi32, #tpu.memory_space<vmem>> -> memref<1x128xi32, #tpu.memory_space<vmem>>
        %dma_start3A_99 = tpu.memref_squeeze %dma_start3A_98 : memref<1x128xi32, #tpu.memory_space<vmem>> -> memref<128xi32, #tpu.memory_space<vmem>>
        %dma_start3A_100 = arith.constant 0 : i32
        %dma_start3A_101 = arith.constant 0 : i32
        %dma_start3A_102 = tpu.memref_slice %arg2[%dma_start3A_100, %dma_start3A_101] : memref<500000x32xf32, #tpu.memory_space<hbm>> -> memref<500000x32xf32, #tpu.memory_space<hbm>>
        %dma_start3A_103 = tpu.memref_slice %arg11[%rem3A_50] : memref<3x!tpu.dma_semaphore, #tpu.memory_space<semaphore_mem>> -> memref<1x!tpu.dma_semaphore, #tpu.memory_space<semaphore_mem>>
        %dma_start3A_104 = tpu.memref_squeeze %dma_start3A_103 : memref<1x!tpu.dma_semaphore, #tpu.memory_space<semaphore_mem>> -> memref<!tpu.dma_semaphore, #tpu.memory_space<semaphore_mem>>
        tpu.enqueue_indirect_dma source(%dma_start3A_102 : memref<500000x32xf32, #tpu.memory_space<hbm>>) target(%dma_start3A_96 : memref<128x32xf32, #tpu.memory_space<vmem>>) offsets(%dma_start3A_99 : memref<128xi32, #tpu.memory_space<vmem>>) semaphore(%dma_start3A_104 : memref<!tpu.dma_semaphore, #tpu.memory_space<semaphore_mem>>)
        %dma_start3A_105 = arith.constant 256 : i32
        %dma_start3A_106 = arith.constant 0 : i32
        %dma_start3A_107 = tpu.memref_slice %arg8[%rem3A_50, %dma_start3A_105, %dma_start3A_106] : memref<3x512x32xf32, #tpu.memory_space<vmem>> -> memref<1x128x32xf32, #tpu.memory_space<vmem>>
        %dma_start3A_108 = tpu.memref_squeeze %dma_start3A_107 : memref<1x128x32xf32, #tpu.memory_space<vmem>> -> memref<128x32xf32, #tpu.memory_space<vmem>>
        %dma_start3A_109 = arith.constant 256 : i32
        %dma_start3A_110 = tpu.memref_slice %arg6[%rem3A_50, %dma_start3A_109] : memref<3x512xi32, #tpu.memory_space<vmem>> -> memref<1x128xi32, #tpu.memory_space<vmem>>
        %dma_start3A_111 = tpu.memref_squeeze %dma_start3A_110 : memref<1x128xi32, #tpu.memory_space<vmem>> -> memref<128xi32, #tpu.memory_space<vmem>>
        %dma_start3A_112 = arith.constant 0 : i32
        %dma_start3A_113 = arith.constant 0 : i32
        %dma_start3A_114 = tpu.memref_slice %arg2[%dma_start3A_112, %dma_start3A_113] : memref<500000x32xf32, #tpu.memory_space<hbm>> -> memref<500000x32xf32, #tpu.memory_space<hbm>>
        %dma_start3A_115 = tpu.memref_slice %arg11[%rem3A_50] : memref<3x!tpu.dma_semaphore, #tpu.memory_space<semaphore_mem>> -> memref<1x!tpu.dma_semaphore, #tpu.memory_space<semaphore_mem>>
        %dma_start3A_116 = tpu.memref_squeeze %dma_start3A_115 : memref<1x!tpu.dma_semaphore, #tpu.memory_space<semaphore_mem>> -> memref<!tpu.dma_semaphore, #tpu.memory_space<semaphore_mem>>
        tpu.enqueue_indirect_dma source(%dma_start3A_114 : memref<500000x32xf32, #tpu.memory_space<hbm>>) target(%dma_start3A_108 : memref<128x32xf32, #tpu.memory_space<vmem>>) offsets(%dma_start3A_111 : memref<128xi32, #tpu.memory_space<vmem>>) semaphore(%dma_start3A_116 : memref<!tpu.dma_semaphore, #tpu.memory_space<semaphore_mem>>)
        %dma_start3A_117 = arith.constant 384 : i32
        %dma_start3A_118 = arith.constant 0 : i32
        %dma_start3A_119 = tpu.memref_slice %arg8[%rem3A_50, %dma_start3A_117, %dma_start3A_118] : memref<3x512x32xf32, #tpu.memory_space<vmem>> -> memref<1x128x32xf32, #tpu.memory_space<vmem>>
        %dma_start3A_120 = tpu.memref_squeeze %dma_start3A_119 : memref<1x128x32xf32, #tpu.memory_space<vmem>> -> memref<128x32xf32, #tpu.memory_space<vmem>>
        %dma_start3A_121 = arith.constant 384 : i32
        %dma_start3A_122 = tpu.memref_slice %arg6[%rem3A_50, %dma_start3A_121] : memref<3x512xi32, #tpu.memory_space<vmem>> -> memref<1x128xi32, #tpu.memory_space<vmem>>
        %dma_start3A_123 = tpu.memref_squeeze %dma_start3A_122 : memref<1x128xi32, #tpu.memory_space<vmem>> -> memref<128xi32, #tpu.memory_space<vmem>>
        %dma_start3A_124 = arith.constant 0 : i32
        %dma_start3A_125 = arith.constant 0 : i32
        %dma_start3A_126 = tpu.memref_slice %arg2[%dma_start3A_124, %dma_start3A_125] : memref<500000x32xf32, #tpu.memory_space<hbm>> -> memref<500000x32xf32, #tpu.memory_space<hbm>>
        %dma_start3A_127 = tpu.memref_slice %arg11[%rem3A_50] : memref<3x!tpu.dma_semaphore, #tpu.memory_space<semaphore_mem>> -> memref<1x!tpu.dma_semaphore, #tpu.memory_space<semaphore_mem>>
        %dma_start3A_128 = tpu.memref_squeeze %dma_start3A_127 : memref<1x!tpu.dma_semaphore, #tpu.memory_space<semaphore_mem>> -> memref<!tpu.dma_semaphore, #tpu.memory_space<semaphore_mem>>
        tpu.enqueue_indirect_dma source(%dma_start3A_126 : memref<500000x32xf32, #tpu.memory_space<hbm>>) target(%dma_start3A_120 : memref<128x32xf32, #tpu.memory_space<vmem>>) offsets(%dma_start3A_123 : memref<128xi32, #tpu.memory_space<vmem>>) semaphore(%dma_start3A_128 : memref<!tpu.dma_semaphore, #tpu.memory_space<semaphore_mem>>)
      } else {
      }
      %sub3A_34 = arith.constant 2 : i32
      %sub3A_35 = arith.subi %scan3A_12, %sub3A_34 : i32
      %mul3A_36 = arith.constant 32 : i32
      %mul3A_37 = arith.muli %sub3A_35, %mul3A_36 : i32
      %add3A_38 = arith.addi %mul3A_37, %add3A : i32
      %ge3A_39 = arith.constant 0 : i32
      %ge3A_40 = arith.cmpi sge, %sub3A_35, %ge3A_39 : i32
      %lt3A_41 = arith.constant 62 : i32
      %lt3A_42 = arith.cmpi slt, %sub3A_35, %lt3A_41 : i32
      %and3A_43 = arith.andi %ge3A_40, %lt3A_42 : i1
      %lt3A_44 = arith.constant 1954 : i32
      %lt3A_45 = arith.cmpi slt, %add3A_38, %lt3A_44 : i32
      %and3A_46 = arith.andi %and3A_43, %lt3A_45 : i1
      %convert_element_type3A_47 = arith.extui %and3A_46 : i1 to i32
      %cond3A_48 = arith.constant 0 : i32
      %cond3A_49 = arith.cmpi ne, %convert_element_type3A_47, %cond3A_48 : i32
      scf.if %cond3A_49 {
        %rem3A = arith.constant 3 : i32
        %rem3A_50 = arith.remsi %sub3A_35, %rem3A : i32
        %dma_wait3A = arith.constant 0 : i32
        %dma_wait3A_51 = arith.constant 0 : i32
        %dma_wait3A_52 = tpu.memref_slice %arg8[%rem3A_50, %dma_wait3A, %dma_wait3A_51] : memref<3x512x32xf32, #tpu.memory_space<vmem>> -> memref<1x512x32xf32, #tpu.memory_space<vmem>>
        %dma_wait3A_53 = tpu.memref_squeeze %dma_wait3A_52 : memref<1x512x32xf32, #tpu.memory_space<vmem>> -> memref<512x32xf32, #tpu.memory_space<vmem>>
        %dma_wait3A_54 = arith.constant 0 : i32
        %dma_wait3A_55 = arith.constant 0 : i32
        %dma_wait3A_56 = tpu.memref_slice %arg2[%dma_wait3A_54, %dma_wait3A_55] : memref<500000x32xf32, #tpu.memory_space<hbm>> -> memref<512x32xf32, #tpu.memory_space<hbm>>
        %dma_wait3A_57 = tpu.memref_slice %arg11[%rem3A_50] : memref<3x!tpu.dma_semaphore, #tpu.memory_space<semaphore_mem>> -> memref<1x!tpu.dma_semaphore, #tpu.memory_space<semaphore_mem>>
        %dma_wait3A_58 = tpu.memref_squeeze %dma_wait3A_57 : memref<1x!tpu.dma_semaphore, #tpu.memory_space<semaphore_mem>> -> memref<!tpu.dma_semaphore, #tpu.memory_space<semaphore_mem>>
        %dma_wait3A_59 = arith.constant 0 : i32
        %dma_wait3A_60 = arith.constant 0 : i32
        %dma_wait3A_61 = tpu.memref_slice %arg8[%rem3A_50, %dma_wait3A_59, %dma_wait3A_60] : memref<3x512x32xf32, #tpu.memory_space<vmem>> -> memref<1x512x32xf32, #tpu.memory_space<vmem>>
        %dma_wait3A_62 = tpu.memref_squeeze %dma_wait3A_61 : memref<1x512x32xf32, #tpu.memory_space<vmem>> -> memref<512x32xf32, #tpu.memory_space<vmem>>
        %dma_wait3A_63 = arith.constant 0 : i32
        %dma_wait3A_64 = arith.constant 0 : i32
        %dma_wait3A_65 = tpu.memref_slice %arg2[%dma_wait3A_63, %dma_wait3A_64] : memref<500000x32xf32, #tpu.memory_space<hbm>> -> memref<512x32xf32, #tpu.memory_space<hbm>>
        tpu.wait_dma2 semaphore(%dma_wait3A_58 : memref<!tpu.dma_semaphore, #tpu.memory_space<semaphore_mem>>) src(%dma_wait3A_65 : memref<512x32xf32, #tpu.memory_space<hbm>>) dst(%dma_wait3A_62 : memref<512x32xf32, #tpu.memory_space<vmem>>)
        %parallel_loop3A = arith.constant 0 : i32
        %parallel_loop3A_66 = arith.constant 32 : i32
        %parallel_loop3A_67 = arith.constant 1 : i32
        scf.for %parallel_loop3A_134 = %parallel_loop3A to %parallel_loop3A_66 step %parallel_loop3A_67  : i32 {
          %parallel_loop3A_135 = arith.constant 16 : i32
          %parallel_loop3A_136 = arith.muli %parallel_loop3A_134, %parallel_loop3A_135 : i32
          %parallel_loop3A_137 = arith.index_cast %rem3A_50 : i32 to index
          %parallel_loop3A_138 = arith.index_cast %parallel_loop3A_136 : i32 to index
          %parallel_loop3A_139 = tpu.vector_load %arg7[%parallel_loop3A_137, %parallel_loop3A_138] {strides = array<i32>} : memref<3x512xf32, #tpu.memory_space<vmem>>, vector<16xf32>,
          %parallel_loop3A_140 = arith.constant 16 : i32
          %parallel_loop3A_141 = arith.muli %parallel_loop3A_134, %parallel_loop3A_140 : i32
          %parallel_loop3A_142 = vector.broadcast %parallel_loop3A_141 : i32 to vector<16xi32>
          %parallel_loop3A_143 = arith.addi %iota3A, %parallel_loop3A_142 : vector<16xi32>
          %parallel_loop3A_144 = arith.constant 8 : i32
          %parallel_loop3A_145 = arith.constant 0 : i32
          %parallel_loop3A_146 = arith.cmpi eq, %parallel_loop3A_144, %parallel_loop3A_145 : i32
          %parallel_loop3A_147 = arith.constant 1 : i32
          %parallel_loop3A_148 = arith.select %parallel_loop3A_146, %parallel_loop3A_147, %parallel_loop3A_144 : i32
          %parallel_loop3A_149 = arith.remsi %parallel_loop3A_134, %parallel_loop3A_148 : i32
          %parallel_loop3A_150 = arith.constant 0 : i32
          %parallel_loop3A_151 = arith.cmpi ne, %parallel_loop3A_149, %parallel_loop3A_150 : i32
          %parallel_loop3A_152 = arith.constant 0 : i32
          %parallel_loop3A_153 = arith.cmpi slt, %parallel_loop3A_149, %parallel_loop3A_152 : i32
          %parallel_loop3A_154 = arith.constant 0 : i32
          %parallel_loop3A_155 = arith.cmpi slt, %parallel_loop3A_148, %parallel_loop3A_154 : i32
          %parallel_loop3A_156 = arith.xori %parallel_loop3A_153, %parallel_loop3A_155 : i1
          %parallel_loop3A_157 = arith.andi %parallel_loop3A_156, %parallel_loop3A_151 : i1
          %parallel_loop3A_158 = arith.addi %parallel_loop3A_149, %parallel_loop3A_148 : i32
          %parallel_loop3A_159 = arith.select %parallel_loop3A_157, %parallel_loop3A_158, %parallel_loop3A_149 : i32
          %parallel_loop3A_160 = arith.constant 16 : i32
          %parallel_loop3A_161 = arith.muli %parallel_loop3A_159, %parallel_loop3A_160 : i32
          %parallel_loop3A_162 = vector.broadcast %parallel_loop3A_161 : i32 to vector<16xi32>
          %parallel_loop3A_163 = arith.addi %iota3A, %parallel_loop3A_162 : vector<16xi32>
          %parallel_loop3A_164 = arith.constant 8 : i32
          %parallel_loop3A_165 = arith.divsi %parallel_loop3A_134, %parallel_loop3A_164 : i32
          %parallel_loop3A_166 = arith.constant 0 : i32
          %parallel_loop3A_167 = arith.cmpi sgt, %parallel_loop3A_134, %parallel_loop3A_166 : i32
          %parallel_loop3A_168 = arith.extui %parallel_loop3A_167 : i1 to i32
          %parallel_loop3A_169 = arith.constant 0 : i32
          %parallel_loop3A_170 = arith.cmpi slt, %parallel_loop3A_134, %parallel_loop3A_169 : i32
          %parallel_loop3A_171 = arith.extui %parallel_loop3A_170 : i1 to i32
          %parallel_loop3A_172 = arith.subi %parallel_loop3A_168, %parallel_loop3A_171 : i32
          %parallel_loop3A_173 = arith.constant 0 : i32
          %parallel_loop3A_174 = arith.cmpi sgt, %parallel_loop3A_164, %parallel_loop3A_173 : i32
          %parallel_loop3A_175 = arith.extui %parallel_loop3A_174 : i1 to i32
          %parallel_loop3A_176 = arith.constant 0 : i32
          %parallel_loop3A_177 = arith.cmpi slt, %parallel_loop3A_164, %parallel_loop3A_176 : i32
          %parallel_loop3A_178 = arith.extui %parallel_loop3A_177 : i1 to i32
          %parallel_loop3A_179 = arith.subi %parallel_loop3A_175, %parallel_loop3A_178 : i32
          %parallel_loop3A_180 = arith.cmpi ne, %parallel_loop3A_172, %parallel_loop3A_179 : i32
          %parallel_loop3A_181 = arith.remsi %parallel_loop3A_134, %parallel_loop3A_164 : i32
          %parallel_loop3A_182 = arith.constant 0 : i32
          %parallel_loop3A_183 = arith.cmpi ne, %parallel_loop3A_181, %parallel_loop3A_182 : i32
          %parallel_loop3A_184 = arith.andi %parallel_loop3A_180, %parallel_loop3A_183 : i1
          %parallel_loop3A_185 = arith.constant 1 : i32
          %parallel_loop3A_186 = arith.subi %parallel_loop3A_165, %parallel_loop3A_185 : i32
          %parallel_loop3A_187 = arith.select %parallel_loop3A_184, %parallel_loop3A_186, %parallel_loop3A_165 : i32
          %parallel_loop3A_188 = arith.constant 1024 : i32
          %parallel_loop3A_189 = arith.muli %parallel_loop3A_187, %parallel_loop3A_188 : i32
          %parallel_loop3A_190 = vector.broadcast %parallel_loop3A_189 : i32 to vector<16xi32>
          %parallel_loop3A_191 = arith.addi %parallel_loop3A_163, %parallel_loop3A_190 : vector<16xi32>
          %parallel_loop3A_192 = arith.constant 0 : i32
          %parallel_loop3A_193 = vector.broadcast %parallel_loop3A_192 : i32 to vector<16xi32>
          %parallel_loop3A_194 = arith.addi %iota3A, %parallel_loop3A_193 : vector<16xi32>
          %parallel_loop3A_195 = arith.constant 15 : i32
          %parallel_loop3A_196 = vector.broadcast %parallel_loop3A_195 : i32 to vector<16xi32>
          %parallel_loop3A_197 = arith.andi %parallel_loop3A_194, %parallel_loop3A_196 : vector<16xi32>
          %parallel_loop3A_198 = arith.constant 0 : i32
          %parallel_loop3A_199 = vector.broadcast %parallel_loop3A_198 : i32 to vector<16xi32>
          %parallel_loop3A_200 = arith.addi %parallel_loop3A_197, %parallel_loop3A_199 : vector<16xi32>
          %parallel_loop3A_201 = arith.constant 0 : i32
          %parallel_loop3A_202 = arith.constant 0 : i32
          %parallel_loop3A_203 = tpu.memref_slice %arg8[%rem3A_50, %parallel_loop3A_201, %parallel_loop3A_202] : memref<3x512x32xf32, #tpu.memory_space<vmem>> -> memref<1x512x32xf32, #tpu.memory_space<vmem>>
          %parallel_loop3A_204 = tpu.memref_squeeze %parallel_loop3A_203 : memref<1x512x32xf32, #tpu.memory_space<vmem>> -> memref<512x32xf32, #tpu.memory_space<vmem>>
          %parallel_loop3A_205 = tpu.vector_load_idx %parallel_loop3A_204[%parallel_loop3A_143, %parallel_loop3A_200] : memref<512x32xf32, #tpu.memory_space<vmem>>[vector<16xi32>, vector<16xi32>], vector<16xf32>,
          %parallel_loop3A_206 = arith.constant 7 : i32
          %parallel_loop3A_207 = vector.broadcast %parallel_loop3A_206 : i32 to vector<16xi32>
          %parallel_loop3A_208 = arith.andi %parallel_loop3A_200, %parallel_loop3A_207 : vector<16xi32>
          %parallel_loop3A_209 = arith.constant 7 : i32
          %parallel_loop3A_210 = vector.broadcast %parallel_loop3A_209 : i32 to vector<16xi32>
          %parallel_loop3A_211 = arith.shli %parallel_loop3A_208, %parallel_loop3A_210 : vector<16xi32>
          %parallel_loop3A_212 = arith.addi %parallel_loop3A_211, %parallel_loop3A_191 : vector<16xi32>
          %parallel_loop3A_213 = arith.constant 3 : i32
          %parallel_loop3A_214 = vector.broadcast %parallel_loop3A_213 : i32 to vector<16xi32>
          %parallel_loop3A_215 = arith.shrsi %parallel_loop3A_200, %parallel_loop3A_214 : vector<16xi32>
          %parallel_loop3A_216 = arith.mulf %parallel_loop3A_205, %parallel_loop3A_139 : vector<16xf32>
          %parallel_loop3A_217 = arith.constant 0 : i32
          %parallel_loop3A_218 = arith.constant 0 : i32
          %parallel_loop3A_219 = tpu.memref_slice %arg9[%rem3A_50, %parallel_loop3A_217, %parallel_loop3A_218] : memref<3x4x4096xf32, #tpu.memory_space<vmem>> -> memref<1x4x4096xf32, #tpu.memory_space<vmem>>
          %parallel_loop3A_220 = tpu.memref_squeeze %parallel_loop3A_219 : memref<1x4x4096xf32, #tpu.memory_space<vmem>> -> memref<4x4096xf32, #tpu.memory_space<vmem>>
          tpu.vector_store_idx %parallel_loop3A_220[%parallel_loop3A_215, %parallel_loop3A_212], %parallel_loop3A_216 : memref<4x4096xf32, #tpu.memory_space<vmem>>[vector<16xi32>, vector<16xi32>], vector<16xf32>,
          %parallel_loop3A_221 = arith.constant 1 : i32
          %parallel_loop3A_222 = vector.broadcast %parallel_loop3A_221 : i32 to vector<16xi32>
          %parallel_loop3A_223 = arith.addi %iota3A, %parallel_loop3A_222 : vector<16xi32>
          %parallel_loop3A_224 = arith.constant 15 : i32
          %parallel_loop3A_225 = vector.broadcast %parallel_loop3A_224 : i32 to vector<16xi32>
          %parallel_loop3A_226 = arith.andi %parallel_loop3A_223, %parallel_loop3A_225 : vector<16xi32>
          %parallel_loop3A_227 = arith.constant 0 : i32
          %parallel_loop3A_228 = vector.broadcast %parallel_loop3A_227 : i32 to vector<16xi32>
          %parallel_loop3A_229 = arith.addi %parallel_loop3A_226, %parallel_loop3A_228 : vector<16xi32>
          %parallel_loop3A_230 = arith.constant 0 : i32
          %parallel_loop3A_231 = arith.constant 0 : i32
          %parallel_loop3A_232 = tpu.memref_slice %arg8[%rem3A_50, %parallel_loop3A_230, %parallel_loop3A_231] : memref<3x512x32xf32, #tpu.memory_space<vmem>> -> memref<1x512x32xf32, #tpu.memory_space<vmem>>
          %parallel_loop3A_233 = tpu.memref_squeeze %parallel_loop3A_232 : memref<1x512x32xf32, #tpu.memory_space<vmem>> -> memref<512x32xf32, #tpu.memory_space<vmem>>
          %parallel_loop3A_234 = tpu.vector_load_idx %parallel_loop3A_233[%parallel_loop3A_143, %parallel_loop3A_229] : memref<512x32xf32, #tpu.memory_space<vmem>>[vector<16xi32>, vector<16xi32>], vector<16xf32>,
          %parallel_loop3A_235 = arith.constant 7 : i32
          %parallel_loop3A_236 = vector.broadcast %parallel_loop3A_235 : i32 to vector<16xi32>
          %parallel_loop3A_237 = arith.andi %parallel_loop3A_229, %parallel_loop3A_236 : vector<16xi32>
          %parallel_loop3A_238 = arith.constant 7 : i32
          %parallel_loop3A_239 = vector.broadcast %parallel_loop3A_238 : i32 to vector<16xi32>
          %parallel_loop3A_240 = arith.shli %parallel_loop3A_237, %parallel_loop3A_239 : vector<16xi32>
          %parallel_loop3A_241 = arith.addi %parallel_loop3A_240, %parallel_loop3A_191 : vector<16xi32>
          %parallel_loop3A_242 = arith.constant 3 : i32
          %parallel_loop3A_243 = vector.broadcast %parallel_loop3A_242 : i32 to vector<16xi32>
          %parallel_loop3A_244 = arith.shrsi %parallel_loop3A_229, %parallel_loop3A_243 : vector<16xi32>
          %parallel_loop3A_245 = arith.mulf %parallel_loop3A_234, %parallel_loop3A_139 : vector<16xf32>
          %parallel_loop3A_246 = arith.constant 0 : i32
          %parallel_loop3A_247 = arith.constant 0 : i32
          %parallel_loop3A_248 = tpu.memref_slice %arg9[%rem3A_50, %parallel_loop3A_246, %parallel_loop3A_247] : memref<3x4x4096xf32, #tpu.memory_space<vmem>> -> memref<1x4x4096xf32, #tpu.memory_space<vmem>>
          %parallel_loop3A_249 = tpu.memref_squeeze %parallel_loop3A_248 : memref<1x4x4096xf32, #tpu.memory_space<vmem>> -> memref<4x4096xf32, #tpu.memory_space<vmem>>
          tpu.vector_store_idx %parallel_loop3A_249[%parallel_loop3A_244, %parallel_loop3A_241], %parallel_loop3A_245 : memref<4x4096xf32, #tpu.memory_space<vmem>>[vector<16xi32>, vector<16xi32>], vector<16xf32>,
          %parallel_loop3A_250 = arith.constant 2 : i32
          %parallel_loop3A_251 = vector.broadcast %parallel_loop3A_250 : i32 to vector<16xi32>
          %parallel_loop3A_252 = arith.addi %iota3A, %parallel_loop3A_251 : vector<16xi32>
          %parallel_loop3A_253 = arith.constant 15 : i32
          %parallel_loop3A_254 = vector.broadcast %parallel_loop3A_253 : i32 to vector<16xi32>
          %parallel_loop3A_255 = arith.andi %parallel_loop3A_252, %parallel_loop3A_254 : vector<16xi32>
          %parallel_loop3A_256 = arith.constant 0 : i32
          %parallel_loop3A_257 = vector.broadcast %parallel_loop3A_256 : i32 to vector<16xi32>
          %parallel_loop3A_258 = arith.addi %parallel_loop3A_255, %parallel_loop3A_257 : vector<16xi32>
          %parallel_loop3A_259 = arith.constant 0 : i32
          %parallel_loop3A_260 = arith.constant 0 : i32
          %parallel_loop3A_261 = tpu.memref_slice %arg8[%rem3A_50, %parallel_loop3A_259, %parallel_loop3A_260] : memref<3x512x32xf32, #tpu.memory_space<vmem>> -> memref<1x512x32xf32, #tpu.memory_space<vmem>>
          %parallel_loop3A_262 = tpu.memref_squeeze %parallel_loop3A_261 : memref<1x512x32xf32, #tpu.memory_space<vmem>> -> memref<512x32xf32, #tpu.memory_space<vmem>>
          %parallel_loop3A_263 = tpu.vector_load_idx %parallel_loop3A_262[%parallel_loop3A_143, %parallel_loop3A_258] : memref<512x32xf32, #tpu.memory_space<vmem>>[vector<16xi32>, vector<16xi32>], vector<16xf32>,
          %parallel_loop3A_264 = arith.constant 7 : i32
          %parallel_loop3A_265 = vector.broadcast %parallel_loop3A_264 : i32 to vector<16xi32>
          %parallel_loop3A_266 = arith.andi %parallel_loop3A_258, %parallel_loop3A_265 : vector<16xi32>
          %parallel_loop3A_267 = arith.constant 7 : i32
          %parallel_loop3A_268 = vector.broadcast %parallel_loop3A_267 : i32 to vector<16xi32>
          %parallel_loop3A_269 = arith.shli %parallel_loop3A_266, %parallel_loop3A_268 : vector<16xi32>
          %parallel_loop3A_270 = arith.addi %parallel_loop3A_269, %parallel_loop3A_191 : vector<16xi32>
          %parallel_loop3A_271 = arith.constant 3 : i32
          %parallel_loop3A_272 = vector.broadcast %parallel_loop3A_271 : i32 to vector<16xi32>
          %parallel_loop3A_273 = arith.shrsi %parallel_loop3A_258, %parallel_loop3A_272 : vector<16xi32>
          %parallel_loop3A_274 = arith.mulf %parallel_loop3A_263, %parallel_loop3A_139 : vector<16xf32>
          %parallel_loop3A_275 = arith.constant 0 : i32
          %parallel_loop3A_276 = arith.constant 0 : i32
          %parallel_loop3A_277 = tpu.memref_slice %arg9[%rem3A_50, %parallel_loop3A_275, %parallel_loop3A_276] : memref<3x4x4096xf32, #tpu.memory_space<vmem>> -> memref<1x4x4096xf32, #tpu.memory_space<vmem>>
          %parallel_loop3A_278 = tpu.memref_squeeze %parallel_loop3A_277 : memref<1x4x4096xf32, #tpu.memory_space<vmem>> -> memref<4x4096xf32, #tpu.memory_space<vmem>>
          tpu.vector_store_idx %parallel_loop3A_278[%parallel_loop3A_273, %parallel_loop3A_270], %parallel_loop3A_274 : memref<4x4096xf32, #tpu.memory_space<vmem>>[vector<16xi32>, vector<16xi32>], vector<16xf32>,
          %parallel_loop3A_279 = arith.constant 3 : i32
          %parallel_loop3A_280 = vector.broadcast %parallel_loop3A_279 : i32 to vector<16xi32>
          %parallel_loop3A_281 = arith.addi %iota3A, %parallel_loop3A_280 : vector<16xi32>
          %parallel_loop3A_282 = arith.constant 15 : i32
          %parallel_loop3A_283 = vector.broadcast %parallel_loop3A_282 : i32 to vector<16xi32>
          %parallel_loop3A_284 = arith.andi %parallel_loop3A_281, %parallel_loop3A_283 : vector<16xi32>
          %parallel_loop3A_285 = arith.constant 0 : i32
          %parallel_loop3A_286 = vector.broadcast %parallel_loop3A_285 : i32 to vector<16xi32>
          %parallel_loop3A_287 = arith.addi %parallel_loop3A_284, %parallel_loop3A_286 : vector<16xi32>
          %parallel_loop3A_288 = arith.constant 0 : i32
          %parallel_loop3A_289 = arith.constant 0 : i32
          %parallel_loop3A_290 = tpu.memref_slice %arg8[%rem3A_50, %parallel_loop3A_288, %parallel_loop3A_289] : memref<3x512x32xf32, #tpu.memory_space<vmem>> -> memref<1x512x32xf32, #tpu.memory_space<vmem>>
          %parallel_loop3A_291 = tpu.memref_squeeze %parallel_loop3A_290 : memref<1x512x32xf32, #tpu.memory_space<vmem>> -> memref<512x32xf32, #tpu.memory_space<vmem>>
          %parallel_loop3A_292 = tpu.vector_load_idx %parallel_loop3A_291[%parallel_loop3A_143, %parallel_loop3A_287] : memref<512x32xf32, #tpu.memory_space<vmem>>[vector<16xi32>, vector<16xi32>], vector<16xf32>,
          %parallel_loop3A_293 = arith.constant 7 : i32
          %parallel_loop3A_294 = vector.broadcast %parallel_loop3A_293 : i32 to vector<16xi32>
          %parallel_loop3A_295 = arith.andi %parallel_loop3A_287, %parallel_loop3A_294 : vector<16xi32>
          %parallel_loop3A_296 = arith.constant 7 : i32
          %parallel_loop3A_297 = vector.broadcast %parallel_loop3A_296 : i32 to vector<16xi32>
          %parallel_loop3A_298 = arith.shli %parallel_loop3A_295, %parallel_loop3A_297 : vector<16xi32>
          %parallel_loop3A_299 = arith.addi %parallel_loop3A_298, %parallel_loop3A_191 : vector<16xi32>
          %parallel_loop3A_300 = arith.constant 3 : i32
          %parallel_loop3A_301 = vector.broadcast %parallel_loop3A_300 : i32 to vector<16xi32>
          %parallel_loop3A_302 = arith.shrsi %parallel_loop3A_287, %parallel_loop3A_301 : vector<16xi32>
          %parallel_loop3A_303 = arith.mulf %parallel_loop3A_292, %parallel_loop3A_139 : vector<16xf32>
          %parallel_loop3A_304 = arith.constant 0 : i32
          %parallel_loop3A_305 = arith.constant 0 : i32
          %parallel_loop3A_306 = tpu.memref_slice %arg9[%rem3A_50, %parallel_loop3A_304, %parallel_loop3A_305] : memref<3x4x4096xf32, #tpu.memory_space<vmem>> -> memref<1x4x4096xf32, #tpu.memory_space<vmem>>
          %parallel_loop3A_307 = tpu.memref_squeeze %parallel_loop3A_306 : memref<1x4x4096xf32, #tpu.memory_space<vmem>> -> memref<4x4096xf32, #tpu.memory_space<vmem>>
          tpu.vector_store_idx %parallel_loop3A_307[%parallel_loop3A_302, %parallel_loop3A_299], %parallel_loop3A_303 : memref<4x4096xf32, #tpu.memory_space<vmem>>[vector<16xi32>, vector<16xi32>], vector<16xf32>,
          %parallel_loop3A_308 = arith.constant 4 : i32
          %parallel_loop3A_309 = vector.broadcast %parallel_loop3A_308 : i32 to vector<16xi32>
          %parallel_loop3A_310 = arith.addi %iota3A, %parallel_loop3A_309 : vector<16xi32>
          %parallel_loop3A_311 = arith.constant 15 : i32
          %parallel_loop3A_312 = vector.broadcast %parallel_loop3A_311 : i32 to vector<16xi32>
          %parallel_loop3A_313 = arith.andi %parallel_loop3A_310, %parallel_loop3A_312 : vector<16xi32>
          %parallel_loop3A_314 = arith.constant 0 : i32
          %parallel_loop3A_315 = vector.broadcast %parallel_loop3A_314 : i32 to vector<16xi32>
          %parallel_loop3A_316 = arith.addi %parallel_loop3A_313, %parallel_loop3A_315 : vector<16xi32>
          %parallel_loop3A_317 = arith.constant 0 : i32
          %parallel_loop3A_318 = arith.constant 0 : i32
          %parallel_loop3A_319 = tpu.memref_slice %arg8[%rem3A_50, %parallel_loop3A_317, %parallel_loop3A_318] : memref<3x512x32xf32, #tpu.memory_space<vmem>> -> memref<1x512x32xf32, #tpu.memory_space<vmem>>
          %parallel_loop3A_320 = tpu.memref_squeeze %parallel_loop3A_319 : memref<1x512x32xf32, #tpu.memory_space<vmem>> -> memref<512x32xf32, #tpu.memory_space<vmem>>
          %parallel_loop3A_321 = tpu.vector_load_idx %parallel_loop3A_320[%parallel_loop3A_143, %parallel_loop3A_316] : memref<512x32xf32, #tpu.memory_space<vmem>>[vector<16xi32>, vector<16xi32>], vector<16xf32>,
          %parallel_loop3A_322 = arith.constant 7 : i32
          %parallel_loop3A_323 = vector.broadcast %parallel_loop3A_322 : i32 to vector<16xi32>
          %parallel_loop3A_324 = arith.andi %parallel_loop3A_316, %parallel_loop3A_323 : vector<16xi32>
          %parallel_loop3A_325 = arith.constant 7 : i32
          %parallel_loop3A_326 = vector.broadcast %parallel_loop3A_325 : i32 to vector<16xi32>
          %parallel_loop3A_327 = arith.shli %parallel_loop3A_324, %parallel_loop3A_326 : vector<16xi32>
          %parallel_loop3A_328 = arith.addi %parallel_loop3A_327, %parallel_loop3A_191 : vector<16xi32>
          %parallel_loop3A_329 = arith.constant 3 : i32
          %parallel_loop3A_330 = vector.broadcast %parallel_loop3A_329 : i32 to vector<16xi32>
          %parallel_loop3A_331 = arith.shrsi %parallel_loop3A_316, %parallel_loop3A_330 : vector<16xi32>
          %parallel_loop3A_332 = arith.mulf %parallel_loop3A_321, %parallel_loop3A_139 : vector<16xf32>
          %parallel_loop3A_333 = arith.constant 0 : i32
          %parallel_loop3A_334 = arith.constant 0 : i32
          %parallel_loop3A_335 = tpu.memref_slice %arg9[%rem3A_50, %parallel_loop3A_333, %parallel_loop3A_334] : memref<3x4x4096xf32, #tpu.memory_space<vmem>> -> memref<1x4x4096xf32, #tpu.memory_space<vmem>>
          %parallel_loop3A_336 = tpu.memref_squeeze %parallel_loop3A_335 : memref<1x4x4096xf32, #tpu.memory_space<vmem>> -> memref<4x4096xf32, #tpu.memory_space<vmem>>
          tpu.vector_store_idx %parallel_loop3A_336[%parallel_loop3A_331, %parallel_loop3A_328], %parallel_loop3A_332 : memref<4x4096xf32, #tpu.memory_space<vmem>>[vector<16xi32>, vector<16xi32>], vector<16xf32>,
          %parallel_loop3A_337 = arith.constant 5 : i32
          %parallel_loop3A_338 = vector.broadcast %parallel_loop3A_337 : i32 to vector<16xi32>
          %parallel_loop3A_339 = arith.addi %iota3A, %parallel_loop3A_338 : vector<16xi32>
          %parallel_loop3A_340 = arith.constant 15 : i32
          %parallel_loop3A_341 = vector.broadcast %parallel_loop3A_340 : i32 to vector<16xi32>
          %parallel_loop3A_342 = arith.andi %parallel_loop3A_339, %parallel_loop3A_341 : vector<16xi32>
          %parallel_loop3A_343 = arith.constant 0 : i32
          %parallel_loop3A_344 = vector.broadcast %parallel_loop3A_343 : i32 to vector<16xi32>
          %parallel_loop3A_345 = arith.addi %parallel_loop3A_342, %parallel_loop3A_344 : vector<16xi32>
          %parallel_loop3A_346 = arith.constant 0 : i32
          %parallel_loop3A_347 = arith.constant 0 : i32
          %parallel_loop3A_348 = tpu.memref_slice %arg8[%rem3A_50, %parallel_loop3A_346, %parallel_loop3A_347] : memref<3x512x32xf32, #tpu.memory_space<vmem>> -> memref<1x512x32xf32, #tpu.memory_space<vmem>>
          %parallel_loop3A_349 = tpu.memref_squeeze %parallel_loop3A_348 : memref<1x512x32xf32, #tpu.memory_space<vmem>> -> memref<512x32xf32, #tpu.memory_space<vmem>>
          %parallel_loop3A_350 = tpu.vector_load_idx %parallel_loop3A_349[%parallel_loop3A_143, %parallel_loop3A_345] : memref<512x32xf32, #tpu.memory_space<vmem>>[vector<16xi32>, vector<16xi32>], vector<16xf32>,
          %parallel_loop3A_351 = arith.constant 7 : i32
          %parallel_loop3A_352 = vector.broadcast %parallel_loop3A_351 : i32 to vector<16xi32>
          %parallel_loop3A_353 = arith.andi %parallel_loop3A_345, %parallel_loop3A_352 : vector<16xi32>
          %parallel_loop3A_354 = arith.constant 7 : i32
          %parallel_loop3A_355 = vector.broadcast %parallel_loop3A_354 : i32 to vector<16xi32>
          %parallel_loop3A_356 = arith.shli %parallel_loop3A_353, %parallel_loop3A_355 : vector<16xi32>
          %parallel_loop3A_357 = arith.addi %parallel_loop3A_356, %parallel_loop3A_191 : vector<16xi32>
          %parallel_loop3A_358 = arith.constant 3 : i32
          %parallel_loop3A_359 = vector.broadcast %parallel_loop3A_358 : i32 to vector<16xi32>
          %parallel_loop3A_360 = arith.shrsi %parallel_loop3A_345, %parallel_loop3A_359 : vector<16xi32>
          %parallel_loop3A_361 = arith.mulf %parallel_loop3A_350, %parallel_loop3A_139 : vector<16xf32>
          %parallel_loop3A_362 = arith.constant 0 : i32
          %parallel_loop3A_363 = arith.constant 0 : i32
          %parallel_loop3A_364 = tpu.memref_slice %arg9[%rem3A_50, %parallel_loop3A_362, %parallel_loop3A_363] : memref<3x4x4096xf32, #tpu.memory_space<vmem>> -> memref<1x4x4096xf32, #tpu.memory_space<vmem>>
          %parallel_loop3A_365 = tpu.memref_squeeze %parallel_loop3A_364 : memref<1x4x4096xf32, #tpu.memory_space<vmem>> -> memref<4x4096xf32, #tpu.memory_space<vmem>>
          tpu.vector_store_idx %parallel_loop3A_365[%parallel_loop3A_360, %parallel_loop3A_357], %parallel_loop3A_361 : memref<4x4096xf32, #tpu.memory_space<vmem>>[vector<16xi32>, vector<16xi32>], vector<16xf32>,
          %parallel_loop3A_366 = arith.constant 6 : i32
          %parallel_loop3A_367 = vector.broadcast %parallel_loop3A_366 : i32 to vector<16xi32>
          %parallel_loop3A_368 = arith.addi %iota3A, %parallel_loop3A_367 : vector<16xi32>
          %parallel_loop3A_369 = arith.constant 15 : i32
          %parallel_loop3A_370 = vector.broadcast %parallel_loop3A_369 : i32 to vector<16xi32>
          %parallel_loop3A_371 = arith.andi %parallel_loop3A_368, %parallel_loop3A_370 : vector<16xi32>
          %parallel_loop3A_372 = arith.constant 0 : i32
          %parallel_loop3A_373 = vector.broadcast %parallel_loop3A_372 : i32 to vector<16xi32>
          %parallel_loop3A_374 = arith.addi %parallel_loop3A_371, %parallel_loop3A_373 : vector<16xi32>
          %parallel_loop3A_375 = arith.constant 0 : i32
          %parallel_loop3A_376 = arith.constant 0 : i32
          %parallel_loop3A_377 = tpu.memref_slice %arg8[%rem3A_50, %parallel_loop3A_375, %parallel_loop3A_376] : memref<3x512x32xf32, #tpu.memory_space<vmem>> -> memref<1x512x32xf32, #tpu.memory_space<vmem>>
          %parallel_loop3A_378 = tpu.memref_squeeze %parallel_loop3A_377 : memref<1x512x32xf32, #tpu.memory_space<vmem>> -> memref<512x32xf32, #tpu.memory_space<vmem>>
          %parallel_loop3A_379 = tpu.vector_load_idx %parallel_loop3A_378[%parallel_loop3A_143, %parallel_loop3A_374] : memref<512x32xf32, #tpu.memory_space<vmem>>[vector<16xi32>, vector<16xi32>], vector<16xf32>,
          %parallel_loop3A_380 = arith.constant 7 : i32
          %parallel_loop3A_381 = vector.broadcast %parallel_loop3A_380 : i32 to vector<16xi32>
          %parallel_loop3A_382 = arith.andi %parallel_loop3A_374, %parallel_loop3A_381 : vector<16xi32>
          %parallel_loop3A_383 = arith.constant 7 : i32
          %parallel_loop3A_384 = vector.broadcast %parallel_loop3A_383 : i32 to vector<16xi32>
          %parallel_loop3A_385 = arith.shli %parallel_loop3A_382, %parallel_loop3A_384 : vector<16xi32>
          %parallel_loop3A_386 = arith.addi %parallel_loop3A_385, %parallel_loop3A_191 : vector<16xi32>
          %parallel_loop3A_387 = arith.constant 3 : i32
          %parallel_loop3A_388 = vector.broadcast %parallel_loop3A_387 : i32 to vector<16xi32>
          %parallel_loop3A_389 = arith.shrsi %parallel_loop3A_374, %parallel_loop3A_388 : vector<16xi32>
          %parallel_loop3A_390 = arith.mulf %parallel_loop3A_379, %parallel_loop3A_139 : vector<16xf32>
          %parallel_loop3A_391 = arith.constant 0 : i32
          %parallel_loop3A_392 = arith.constant 0 : i32
          %parallel_loop3A_393 = tpu.memref_slice %arg9[%rem3A_50, %parallel_loop3A_391, %parallel_loop3A_392] : memref<3x4x4096xf32, #tpu.memory_space<vmem>> -> memref<1x4x4096xf32, #tpu.memory_space<vmem>>
          %parallel_loop3A_394 = tpu.memref_squeeze %parallel_loop3A_393 : memref<1x4x4096xf32, #tpu.memory_space<vmem>> -> memref<4x4096xf32, #tpu.memory_space<vmem>>
          tpu.vector_store_idx %parallel_loop3A_394[%parallel_loop3A_389, %parallel_loop3A_386], %parallel_loop3A_390 : memref<4x4096xf32, #tpu.memory_space<vmem>>[vector<16xi32>, vector<16xi32>], vector<16xf32>,
          %parallel_loop3A_395 = arith.constant 7 : i32
          %parallel_loop3A_396 = vector.broadcast %parallel_loop3A_395 : i32 to vector<16xi32>
          %parallel_loop3A_397 = arith.addi %iota3A, %parallel_loop3A_396 : vector<16xi32>
          %parallel_loop3A_398 = arith.constant 15 : i32
          %parallel_loop3A_399 = vector.broadcast %parallel_loop3A_398 : i32 to vector<16xi32>
          %parallel_loop3A_400 = arith.andi %parallel_loop3A_397, %parallel_loop3A_399 : vector<16xi32>
          %parallel_loop3A_401 = arith.constant 0 : i32
          %parallel_loop3A_402 = vector.broadcast %parallel_loop3A_401 : i32 to vector<16xi32>
          %parallel_loop3A_403 = arith.addi %parallel_loop3A_400, %parallel_loop3A_402 : vector<16xi32>
          %parallel_loop3A_404 = arith.constant 0 : i32
          %parallel_loop3A_405 = arith.constant 0 : i32
          %parallel_loop3A_406 = tpu.memref_slice %arg8[%rem3A_50, %parallel_loop3A_404, %parallel_loop3A_405] : memref<3x512x32xf32, #tpu.memory_space<vmem>> -> memref<1x512x32xf32, #tpu.memory_space<vmem>>
          %parallel_loop3A_407 = tpu.memref_squeeze %parallel_loop3A_406 : memref<1x512x32xf32, #tpu.memory_space<vmem>> -> memref<512x32xf32, #tpu.memory_space<vmem>>
          %parallel_loop3A_408 = tpu.vector_load_idx %parallel_loop3A_407[%parallel_loop3A_143, %parallel_loop3A_403] : memref<512x32xf32, #tpu.memory_space<vmem>>[vector<16xi32>, vector<16xi32>], vector<16xf32>,
          %parallel_loop3A_409 = arith.constant 7 : i32
          %parallel_loop3A_410 = vector.broadcast %parallel_loop3A_409 : i32 to vector<16xi32>
          %parallel_loop3A_411 = arith.andi %parallel_loop3A_403, %parallel_loop3A_410 : vector<16xi32>
          %parallel_loop3A_412 = arith.constant 7 : i32
          %parallel_loop3A_413 = vector.broadcast %parallel_loop3A_412 : i32 to vector<16xi32>
          %parallel_loop3A_414 = arith.shli %parallel_loop3A_411, %parallel_loop3A_413 : vector<16xi32>
          %parallel_loop3A_415 = arith.addi %parallel_loop3A_414, %parallel_loop3A_191 : vector<16xi32>
          %parallel_loop3A_416 = arith.constant 3 : i32
          %parallel_loop3A_417 = vector.broadcast %parallel_loop3A_416 : i32 to vector<16xi32>
          %parallel_loop3A_418 = arith.shrsi %parallel_loop3A_403, %parallel_loop3A_417 : vector<16xi32>
          %parallel_loop3A_419 = arith.mulf %parallel_loop3A_408, %parallel_loop3A_139 : vector<16xf32>
          %parallel_loop3A_420 = arith.constant 0 : i32
          %parallel_loop3A_421 = arith.constant 0 : i32
          %parallel_loop3A_422 = tpu.memref_slice %arg9[%rem3A_50, %parallel_loop3A_420, %parallel_loop3A_421] : memref<3x4x4096xf32, #tpu.memory_space<vmem>> -> memref<1x4x4096xf32, #tpu.memory_space<vmem>>
          %parallel_loop3A_423 = tpu.memref_squeeze %parallel_loop3A_422 : memref<1x4x4096xf32, #tpu.memory_space<vmem>> -> memref<4x4096xf32, #tpu.memory_space<vmem>>
          tpu.vector_store_idx %parallel_loop3A_423[%parallel_loop3A_418, %parallel_loop3A_415], %parallel_loop3A_419 : memref<4x4096xf32, #tpu.memory_space<vmem>>[vector<16xi32>, vector<16xi32>], vector<16xf32>,
          %parallel_loop3A_424 = arith.constant 8 : i32
          %parallel_loop3A_425 = vector.broadcast %parallel_loop3A_424 : i32 to vector<16xi32>
          %parallel_loop3A_426 = arith.addi %iota3A, %parallel_loop3A_425 : vector<16xi32>
          %parallel_loop3A_427 = arith.constant 15 : i32
          %parallel_loop3A_428 = vector.broadcast %parallel_loop3A_427 : i32 to vector<16xi32>
          %parallel_loop3A_429 = arith.andi %parallel_loop3A_426, %parallel_loop3A_428 : vector<16xi32>
          %parallel_loop3A_430 = arith.constant 0 : i32
          %parallel_loop3A_431 = vector.broadcast %parallel_loop3A_430 : i32 to vector<16xi32>
          %parallel_loop3A_432 = arith.addi %parallel_loop3A_429, %parallel_loop3A_431 : vector<16xi32>
          %parallel_loop3A_433 = arith.constant 0 : i32
          %parallel_loop3A_434 = arith.constant 0 : i32
          %parallel_loop3A_435 = tpu.memref_slice %arg8[%rem3A_50, %parallel_loop3A_433, %parallel_loop3A_434] : memref<3x512x32xf32, #tpu.memory_space<vmem>> -> memref<1x512x32xf32, #tpu.memory_space<vmem>>
          %parallel_loop3A_436 = tpu.memref_squeeze %parallel_loop3A_435 : memref<1x512x32xf32, #tpu.memory_space<vmem>> -> memref<512x32xf32, #tpu.memory_space<vmem>>
          %parallel_loop3A_437 = tpu.vector_load_idx %parallel_loop3A_436[%parallel_loop3A_143, %parallel_loop3A_432] : memref<512x32xf32, #tpu.memory_space<vmem>>[vector<16xi32>, vector<16xi32>], vector<16xf32>,
          %parallel_loop3A_438 = arith.constant 7 : i32
          %parallel_loop3A_439 = vector.broadcast %parallel_loop3A_438 : i32 to vector<16xi32>
          %parallel_loop3A_440 = arith.andi %parallel_loop3A_432, %parallel_loop3A_439 : vector<16xi32>
          %parallel_loop3A_441 = arith.constant 7 : i32
          %parallel_loop3A_442 = vector.broadcast %parallel_loop3A_441 : i32 to vector<16xi32>
          %parallel_loop3A_443 = arith.shli %parallel_loop3A_440, %parallel_loop3A_442 : vector<16xi32>
          %parallel_loop3A_444 = arith.addi %parallel_loop3A_443, %parallel_loop3A_191 : vector<16xi32>
          %parallel_loop3A_445 = arith.constant 3 : i32
          %parallel_loop3A_446 = vector.broadcast %parallel_loop3A_445 : i32 to vector<16xi32>
          %parallel_loop3A_447 = arith.shrsi %parallel_loop3A_432, %parallel_loop3A_446 : vector<16xi32>
          %parallel_loop3A_448 = arith.mulf %parallel_loop3A_437, %parallel_loop3A_139 : vector<16xf32>
          %parallel_loop3A_449 = arith.constant 0 : i32
          %parallel_loop3A_450 = arith.constant 0 : i32
          %parallel_loop3A_451 = tpu.memref_slice %arg9[%rem3A_50, %parallel_loop3A_449, %parallel_loop3A_450] : memref<3x4x4096xf32, #tpu.memory_space<vmem>> -> memref<1x4x4096xf32, #tpu.memory_space<vmem>>
          %parallel_loop3A_452 = tpu.memref_squeeze %parallel_loop3A_451 : memref<1x4x4096xf32, #tpu.memory_space<vmem>> -> memref<4x4096xf32, #tpu.memory_space<vmem>>
          tpu.vector_store_idx %parallel_loop3A_452[%parallel_loop3A_447, %parallel_loop3A_444], %parallel_loop3A_448 : memref<4x4096xf32, #tpu.memory_space<vmem>>[vector<16xi32>, vector<16xi32>], vector<16xf32>,
          %parallel_loop3A_453 = arith.constant 9 : i32
          %parallel_loop3A_454 = vector.broadcast %parallel_loop3A_453 : i32 to vector<16xi32>
          %parallel_loop3A_455 = arith.addi %iota3A, %parallel_loop3A_454 : vector<16xi32>
          %parallel_loop3A_456 = arith.constant 15 : i32
          %parallel_loop3A_457 = vector.broadcast %parallel_loop3A_456 : i32 to vector<16xi32>
          %parallel_loop3A_458 = arith.andi %parallel_loop3A_455, %parallel_loop3A_457 : vector<16xi32>
          %parallel_loop3A_459 = arith.constant 0 : i32
          %parallel_loop3A_460 = vector.broadcast %parallel_loop3A_459 : i32 to vector<16xi32>
          %parallel_loop3A_461 = arith.addi %parallel_loop3A_458, %parallel_loop3A_460 : vector<16xi32>
          %parallel_loop3A_462 = arith.constant 0 : i32
          %parallel_loop3A_463 = arith.constant 0 : i32
          %parallel_loop3A_464 = tpu.memref_slice %arg8[%rem3A_50, %parallel_loop3A_462, %parallel_loop3A_463] : memref<3x512x32xf32, #tpu.memory_space<vmem>> -> memref<1x512x32xf32, #tpu.memory_space<vmem>>
          %parallel_loop3A_465 = tpu.memref_squeeze %parallel_loop3A_464 : memref<1x512x32xf32, #tpu.memory_space<vmem>> -> memref<512x32xf32, #tpu.memory_space<vmem>>
          %parallel_loop3A_466 = tpu.vector_load_idx %parallel_loop3A_465[%parallel_loop3A_143, %parallel_loop3A_461] : memref<512x32xf32, #tpu.memory_space<vmem>>[vector<16xi32>, vector<16xi32>], vector<16xf32>,
          %parallel_loop3A_467 = arith.constant 7 : i32
          %parallel_loop3A_468 = vector.broadcast %parallel_loop3A_467 : i32 to vector<16xi32>
          %parallel_loop3A_469 = arith.andi %parallel_loop3A_461, %parallel_loop3A_468 : vector<16xi32>
          %parallel_loop3A_470 = arith.constant 7 : i32
          %parallel_loop3A_471 = vector.broadcast %parallel_loop3A_470 : i32 to vector<16xi32>
          %parallel_loop3A_472 = arith.shli %parallel_loop3A_469, %parallel_loop3A_471 : vector<16xi32>
          %parallel_loop3A_473 = arith.addi %parallel_loop3A_472, %parallel_loop3A_191 : vector<16xi32>
          %parallel_loop3A_474 = arith.constant 3 : i32
          %parallel_loop3A_475 = vector.broadcast %parallel_loop3A_474 : i32 to vector<16xi32>
          %parallel_loop3A_476 = arith.shrsi %parallel_loop3A_461, %parallel_loop3A_475 : vector<16xi32>
          %parallel_loop3A_477 = arith.mulf %parallel_loop3A_466, %parallel_loop3A_139 : vector<16xf32>
          %parallel_loop3A_478 = arith.constant 0 : i32
          %parallel_loop3A_479 = arith.constant 0 : i32
          %parallel_loop3A_480 = tpu.memref_slice %arg9[%rem3A_50, %parallel_loop3A_478, %parallel_loop3A_479] : memref<3x4x4096xf32, #tpu.memory_space<vmem>> -> memref<1x4x4096xf32, #tpu.memory_space<vmem>>
          %parallel_loop3A_481 = tpu.memref_squeeze %parallel_loop3A_480 : memref<1x4x4096xf32, #tpu.memory_space<vmem>> -> memref<4x4096xf32, #tpu.memory_space<vmem>>
          tpu.vector_store_idx %parallel_loop3A_481[%parallel_loop3A_476, %parallel_loop3A_473], %parallel_loop3A_477 : memref<4x4096xf32, #tpu.memory_space<vmem>>[vector<16xi32>, vector<16xi32>], vector<16xf32>,
          %parallel_loop3A_482 = arith.constant 10 : i32
          %parallel_loop3A_483 = vector.broadcast %parallel_loop3A_482 : i32 to vector<16xi32>
          %parallel_loop3A_484 = arith.addi %iota3A, %parallel_loop3A_483 : vector<16xi32>
          %parallel_loop3A_485 = arith.constant 15 : i32
          %parallel_loop3A_486 = vector.broadcast %parallel_loop3A_485 : i32 to vector<16xi32>
          %parallel_loop3A_487 = arith.andi %parallel_loop3A_484, %parallel_loop3A_486 : vector<16xi32>
          %parallel_loop3A_488 = arith.constant 0 : i32
          %parallel_loop3A_489 = vector.broadcast %parallel_loop3A_488 : i32 to vector<16xi32>
          %parallel_loop3A_490 = arith.addi %parallel_loop3A_487, %parallel_loop3A_489 : vector<16xi32>
          %parallel_loop3A_491 = arith.constant 0 : i32
          %parallel_loop3A_492 = arith.constant 0 : i32
          %parallel_loop3A_493 = tpu.memref_slice %arg8[%rem3A_50, %parallel_loop3A_491, %parallel_loop3A_492] : memref<3x512x32xf32, #tpu.memory_space<vmem>> -> memref<1x512x32xf32, #tpu.memory_space<vmem>>
          %parallel_loop3A_494 = tpu.memref_squeeze %parallel_loop3A_493 : memref<1x512x32xf32, #tpu.memory_space<vmem>> -> memref<512x32xf32, #tpu.memory_space<vmem>>
          %parallel_loop3A_495 = tpu.vector_load_idx %parallel_loop3A_494[%parallel_loop3A_143, %parallel_loop3A_490] : memref<512x32xf32, #tpu.memory_space<vmem>>[vector<16xi32>, vector<16xi32>], vector<16xf32>,
          %parallel_loop3A_496 = arith.constant 7 : i32
          %parallel_loop3A_497 = vector.broadcast %parallel_loop3A_496 : i32 to vector<16xi32>
          %parallel_loop3A_498 = arith.andi %parallel_loop3A_490, %parallel_loop3A_497 : vector<16xi32>
          %parallel_loop3A_499 = arith.constant 7 : i32
          %parallel_loop3A_500 = vector.broadcast %parallel_loop3A_499 : i32 to vector<16xi32>
          %parallel_loop3A_501 = arith.shli %parallel_loop3A_498, %parallel_loop3A_500 : vector<16xi32>
          %parallel_loop3A_502 = arith.addi %parallel_loop3A_501, %parallel_loop3A_191 : vector<16xi32>
          %parallel_loop3A_503 = arith.constant 3 : i32
          %parallel_loop3A_504 = vector.broadcast %parallel_loop3A_503 : i32 to vector<16xi32>
          %parallel_loop3A_505 = arith.shrsi %parallel_loop3A_490, %parallel_loop3A_504 : vector<16xi32>
          %parallel_loop3A_506 = arith.mulf %parallel_loop3A_495, %parallel_loop3A_139 : vector<16xf32>
          %parallel_loop3A_507 = arith.constant 0 : i32
          %parallel_loop3A_508 = arith.constant 0 : i32
          %parallel_loop3A_509 = tpu.memref_slice %arg9[%rem3A_50, %parallel_loop3A_507, %parallel_loop3A_508] : memref<3x4x4096xf32, #tpu.memory_space<vmem>> -> memref<1x4x4096xf32, #tpu.memory_space<vmem>>
          %parallel_loop3A_510 = tpu.memref_squeeze %parallel_loop3A_509 : memref<1x4x4096xf32, #tpu.memory_space<vmem>> -> memref<4x4096xf32, #tpu.memory_space<vmem>>
          tpu.vector_store_idx %parallel_loop3A_510[%parallel_loop3A_505, %parallel_loop3A_502], %parallel_loop3A_506 : memref<4x4096xf32, #tpu.memory_space<vmem>>[vector<16xi32>, vector<16xi32>], vector<16xf32>,
          %parallel_loop3A_511 = arith.constant 11 : i32
          %parallel_loop3A_512 = vector.broadcast %parallel_loop3A_511 : i32 to vector<16xi32>
          %parallel_loop3A_513 = arith.addi %iota3A, %parallel_loop3A_512 : vector<16xi32>
          %parallel_loop3A_514 = arith.constant 15 : i32
          %parallel_loop3A_515 = vector.broadcast %parallel_loop3A_514 : i32 to vector<16xi32>
          %parallel_loop3A_516 = arith.andi %parallel_loop3A_513, %parallel_loop3A_515 : vector<16xi32>
          %parallel_loop3A_517 = arith.constant 0 : i32
          %parallel_loop3A_518 = vector.broadcast %parallel_loop3A_517 : i32 to vector<16xi32>
          %parallel_loop3A_519 = arith.addi %parallel_loop3A_516, %parallel_loop3A_518 : vector<16xi32>
          %parallel_loop3A_520 = arith.constant 0 : i32
          %parallel_loop3A_521 = arith.constant 0 : i32
          %parallel_loop3A_522 = tpu.memref_slice %arg8[%rem3A_50, %parallel_loop3A_520, %parallel_loop3A_521] : memref<3x512x32xf32, #tpu.memory_space<vmem>> -> memref<1x512x32xf32, #tpu.memory_space<vmem>>
          %parallel_loop3A_523 = tpu.memref_squeeze %parallel_loop3A_522 : memref<1x512x32xf32, #tpu.memory_space<vmem>> -> memref<512x32xf32, #tpu.memory_space<vmem>>
          %parallel_loop3A_524 = tpu.vector_load_idx %parallel_loop3A_523[%parallel_loop3A_143, %parallel_loop3A_519] : memref<512x32xf32, #tpu.memory_space<vmem>>[vector<16xi32>, vector<16xi32>], vector<16xf32>,
          %parallel_loop3A_525 = arith.constant 7 : i32
          %parallel_loop3A_526 = vector.broadcast %parallel_loop3A_525 : i32 to vector<16xi32>
          %parallel_loop3A_527 = arith.andi %parallel_loop3A_519, %parallel_loop3A_526 : vector<16xi32>
          %parallel_loop3A_528 = arith.constant 7 : i32
          %parallel_loop3A_529 = vector.broadcast %parallel_loop3A_528 : i32 to vector<16xi32>
          %parallel_loop3A_530 = arith.shli %parallel_loop3A_527, %parallel_loop3A_529 : vector<16xi32>
          %parallel_loop3A_531 = arith.addi %parallel_loop3A_530, %parallel_loop3A_191 : vector<16xi32>
          %parallel_loop3A_532 = arith.constant 3 : i32
          %parallel_loop3A_533 = vector.broadcast %parallel_loop3A_532 : i32 to vector<16xi32>
          %parallel_loop3A_534 = arith.shrsi %parallel_loop3A_519, %parallel_loop3A_533 : vector<16xi32>
          %parallel_loop3A_535 = arith.mulf %parallel_loop3A_524, %parallel_loop3A_139 : vector<16xf32>
          %parallel_loop3A_536 = arith.constant 0 : i32
          %parallel_loop3A_537 = arith.constant 0 : i32
          %parallel_loop3A_538 = tpu.memref_slice %arg9[%rem3A_50, %parallel_loop3A_536, %parallel_loop3A_537] : memref<3x4x4096xf32, #tpu.memory_space<vmem>> -> memref<1x4x4096xf32, #tpu.memory_space<vmem>>
          %parallel_loop3A_539 = tpu.memref_squeeze %parallel_loop3A_538 : memref<1x4x4096xf32, #tpu.memory_space<vmem>> -> memref<4x4096xf32, #tpu.memory_space<vmem>>
          tpu.vector_store_idx %parallel_loop3A_539[%parallel_loop3A_534, %parallel_loop3A_531], %parallel_loop3A_535 : memref<4x4096xf32, #tpu.memory_space<vmem>>[vector<16xi32>, vector<16xi32>], vector<16xf32>,
          %parallel_loop3A_540 = arith.constant 12 : i32
          %parallel_loop3A_541 = vector.broadcast %parallel_loop3A_540 : i32 to vector<16xi32>
          %parallel_loop3A_542 = arith.addi %iota3A, %parallel_loop3A_541 : vector<16xi32>
          %parallel_loop3A_543 = arith.constant 15 : i32
          %parallel_loop3A_544 = vector.broadcast %parallel_loop3A_543 : i32 to vector<16xi32>
          %parallel_loop3A_545 = arith.andi %parallel_loop3A_542, %parallel_loop3A_544 : vector<16xi32>
          %parallel_loop3A_546 = arith.constant 0 : i32
          %parallel_loop3A_547 = vector.broadcast %parallel_loop3A_546 : i32 to vector<16xi32>
          %parallel_loop3A_548 = arith.addi %parallel_loop3A_545, %parallel_loop3A_547 : vector<16xi32>
          %parallel_loop3A_549 = arith.constant 0 : i32
          %parallel_loop3A_550 = arith.constant 0 : i32
          %parallel_loop3A_551 = tpu.memref_slice %arg8[%rem3A_50, %parallel_loop3A_549, %parallel_loop3A_550] : memref<3x512x32xf32, #tpu.memory_space<vmem>> -> memref<1x512x32xf32, #tpu.memory_space<vmem>>
          %parallel_loop3A_552 = tpu.memref_squeeze %parallel_loop3A_551 : memref<1x512x32xf32, #tpu.memory_space<vmem>> -> memref<512x32xf32, #tpu.memory_space<vmem>>
          %parallel_loop3A_553 = tpu.vector_load_idx %parallel_loop3A_552[%parallel_loop3A_143, %parallel_loop3A_548] : memref<512x32xf32, #tpu.memory_space<vmem>>[vector<16xi32>, vector<16xi32>], vector<16xf32>,
          %parallel_loop3A_554 = arith.constant 7 : i32
          %parallel_loop3A_555 = vector.broadcast %parallel_loop3A_554 : i32 to vector<16xi32>
          %parallel_loop3A_556 = arith.andi %parallel_loop3A_548, %parallel_loop3A_555 : vector<16xi32>
          %parallel_loop3A_557 = arith.constant 7 : i32
          %parallel_loop3A_558 = vector.broadcast %parallel_loop3A_557 : i32 to vector<16xi32>
          %parallel_loop3A_559 = arith.shli %parallel_loop3A_556, %parallel_loop3A_558 : vector<16xi32>
          %parallel_loop3A_560 = arith.addi %parallel_loop3A_559, %parallel_loop3A_191 : vector<16xi32>
          %parallel_loop3A_561 = arith.constant 3 : i32
          %parallel_loop3A_562 = vector.broadcast %parallel_loop3A_561 : i32 to vector<16xi32>
          %parallel_loop3A_563 = arith.shrsi %parallel_loop3A_548, %parallel_loop3A_562 : vector<16xi32>
          %parallel_loop3A_564 = arith.mulf %parallel_loop3A_553, %parallel_loop3A_139 : vector<16xf32>
          %parallel_loop3A_565 = arith.constant 0 : i32
          %parallel_loop3A_566 = arith.constant 0 : i32
          %parallel_loop3A_567 = tpu.memref_slice %arg9[%rem3A_50, %parallel_loop3A_565, %parallel_loop3A_566] : memref<3x4x4096xf32, #tpu.memory_space<vmem>> -> memref<1x4x4096xf32, #tpu.memory_space<vmem>>
          %parallel_loop3A_568 = tpu.memref_squeeze %parallel_loop3A_567 : memref<1x4x4096xf32, #tpu.memory_space<vmem>> -> memref<4x4096xf32, #tpu.memory_space<vmem>>
          tpu.vector_store_idx %parallel_loop3A_568[%parallel_loop3A_563, %parallel_loop3A_560], %parallel_loop3A_564 : memref<4x4096xf32, #tpu.memory_space<vmem>>[vector<16xi32>, vector<16xi32>], vector<16xf32>,
          %parallel_loop3A_569 = arith.constant 13 : i32
          %parallel_loop3A_570 = vector.broadcast %parallel_loop3A_569 : i32 to vector<16xi32>
          %parallel_loop3A_571 = arith.addi %iota3A, %parallel_loop3A_570 : vector<16xi32>
          %parallel_loop3A_572 = arith.constant 15 : i32
          %parallel_loop3A_573 = vector.broadcast %parallel_loop3A_572 : i32 to vector<16xi32>
          %parallel_loop3A_574 = arith.andi %parallel_loop3A_571, %parallel_loop3A_573 : vector<16xi32>
          %parallel_loop3A_575 = arith.constant 0 : i32
          %parallel_loop3A_576 = vector.broadcast %parallel_loop3A_575 : i32 to vector<16xi32>
          %parallel_loop3A_577 = arith.addi %parallel_loop3A_574, %parallel_loop3A_576 : vector<16xi32>
          %parallel_loop3A_578 = arith.constant 0 : i32
          %parallel_loop3A_579 = arith.constant 0 : i32
          %parallel_loop3A_580 = tpu.memref_slice %arg8[%rem3A_50, %parallel_loop3A_578, %parallel_loop3A_579] : memref<3x512x32xf32, #tpu.memory_space<vmem>> -> memref<1x512x32xf32, #tpu.memory_space<vmem>>
          %parallel_loop3A_581 = tpu.memref_squeeze %parallel_loop3A_580 : memref<1x512x32xf32, #tpu.memory_space<vmem>> -> memref<512x32xf32, #tpu.memory_space<vmem>>
          %parallel_loop3A_582 = tpu.vector_load_idx %parallel_loop3A_581[%parallel_loop3A_143, %parallel_loop3A_577] : memref<512x32xf32, #tpu.memory_space<vmem>>[vector<16xi32>, vector<16xi32>], vector<16xf32>,
          %parallel_loop3A_583 = arith.constant 7 : i32
          %parallel_loop3A_584 = vector.broadcast %parallel_loop3A_583 : i32 to vector<16xi32>
          %parallel_loop3A_585 = arith.andi %parallel_loop3A_577, %parallel_loop3A_584 : vector<16xi32>
          %parallel_loop3A_586 = arith.constant 7 : i32
          %parallel_loop3A_587 = vector.broadcast %parallel_loop3A_586 : i32 to vector<16xi32>
          %parallel_loop3A_588 = arith.shli %parallel_loop3A_585, %parallel_loop3A_587 : vector<16xi32>
          %parallel_loop3A_589 = arith.addi %parallel_loop3A_588, %parallel_loop3A_191 : vector<16xi32>
          %parallel_loop3A_590 = arith.constant 3 : i32
          %parallel_loop3A_591 = vector.broadcast %parallel_loop3A_590 : i32 to vector<16xi32>
          %parallel_loop3A_592 = arith.shrsi %parallel_loop3A_577, %parallel_loop3A_591 : vector<16xi32>
          %parallel_loop3A_593 = arith.mulf %parallel_loop3A_582, %parallel_loop3A_139 : vector<16xf32>
          %parallel_loop3A_594 = arith.constant 0 : i32
          %parallel_loop3A_595 = arith.constant 0 : i32
          %parallel_loop3A_596 = tpu.memref_slice %arg9[%rem3A_50, %parallel_loop3A_594, %parallel_loop3A_595] : memref<3x4x4096xf32, #tpu.memory_space<vmem>> -> memref<1x4x4096xf32, #tpu.memory_space<vmem>>
          %parallel_loop3A_597 = tpu.memref_squeeze %parallel_loop3A_596 : memref<1x4x4096xf32, #tpu.memory_space<vmem>> -> memref<4x4096xf32, #tpu.memory_space<vmem>>
          tpu.vector_store_idx %parallel_loop3A_597[%parallel_loop3A_592, %parallel_loop3A_589], %parallel_loop3A_593 : memref<4x4096xf32, #tpu.memory_space<vmem>>[vector<16xi32>, vector<16xi32>], vector<16xf32>,
          %parallel_loop3A_598 = arith.constant 14 : i32
          %parallel_loop3A_599 = vector.broadcast %parallel_loop3A_598 : i32 to vector<16xi32>
          %parallel_loop3A_600 = arith.addi %iota3A, %parallel_loop3A_599 : vector<16xi32>
          %parallel_loop3A_601 = arith.constant 15 : i32
          %parallel_loop3A_602 = vector.broadcast %parallel_loop3A_601 : i32 to vector<16xi32>
          %parallel_loop3A_603 = arith.andi %parallel_loop3A_600, %parallel_loop3A_602 : vector<16xi32>
          %parallel_loop3A_604 = arith.constant 0 : i32
          %parallel_loop3A_605 = vector.broadcast %parallel_loop3A_604 : i32 to vector<16xi32>
          %parallel_loop3A_606 = arith.addi %parallel_loop3A_603, %parallel_loop3A_605 : vector<16xi32>
          %parallel_loop3A_607 = arith.constant 0 : i32
          %parallel_loop3A_608 = arith.constant 0 : i32
          %parallel_loop3A_609 = tpu.memref_slice %arg8[%rem3A_50, %parallel_loop3A_607, %parallel_loop3A_608] : memref<3x512x32xf32, #tpu.memory_space<vmem>> -> memref<1x512x32xf32, #tpu.memory_space<vmem>>
          %parallel_loop3A_610 = tpu.memref_squeeze %parallel_loop3A_609 : memref<1x512x32xf32, #tpu.memory_space<vmem>> -> memref<512x32xf32, #tpu.memory_space<vmem>>
          %parallel_loop3A_611 = tpu.vector_load_idx %parallel_loop3A_610[%parallel_loop3A_143, %parallel_loop3A_606] : memref<512x32xf32, #tpu.memory_space<vmem>>[vector<16xi32>, vector<16xi32>], vector<16xf32>,
          %parallel_loop3A_612 = arith.constant 7 : i32
          %parallel_loop3A_613 = vector.broadcast %parallel_loop3A_612 : i32 to vector<16xi32>
          %parallel_loop3A_614 = arith.andi %parallel_loop3A_606, %parallel_loop3A_613 : vector<16xi32>
          %parallel_loop3A_615 = arith.constant 7 : i32
          %parallel_loop3A_616 = vector.broadcast %parallel_loop3A_615 : i32 to vector<16xi32>
          %parallel_loop3A_617 = arith.shli %parallel_loop3A_614, %parallel_loop3A_616 : vector<16xi32>
          %parallel_loop3A_618 = arith.addi %parallel_loop3A_617, %parallel_loop3A_191 : vector<16xi32>
          %parallel_loop3A_619 = arith.constant 3 : i32
          %parallel_loop3A_620 = vector.broadcast %parallel_loop3A_619 : i32 to vector<16xi32>
          %parallel_loop3A_621 = arith.shrsi %parallel_loop3A_606, %parallel_loop3A_620 : vector<16xi32>
          %parallel_loop3A_622 = arith.mulf %parallel_loop3A_611, %parallel_loop3A_139 : vector<16xf32>
          %parallel_loop3A_623 = arith.constant 0 : i32
          %parallel_loop3A_624 = arith.constant 0 : i32
          %parallel_loop3A_625 = tpu.memref_slice %arg9[%rem3A_50, %parallel_loop3A_623, %parallel_loop3A_624] : memref<3x4x4096xf32, #tpu.memory_space<vmem>> -> memref<1x4x4096xf32, #tpu.memory_space<vmem>>
          %parallel_loop3A_626 = tpu.memref_squeeze %parallel_loop3A_625 : memref<1x4x4096xf32, #tpu.memory_space<vmem>> -> memref<4x4096xf32, #tpu.memory_space<vmem>>
          tpu.vector_store_idx %parallel_loop3A_626[%parallel_loop3A_621, %parallel_loop3A_618], %parallel_loop3A_622 : memref<4x4096xf32, #tpu.memory_space<vmem>>[vector<16xi32>, vector<16xi32>], vector<16xf32>,
          %parallel_loop3A_627 = arith.constant 15 : i32
          %parallel_loop3A_628 = vector.broadcast %parallel_loop3A_627 : i32 to vector<16xi32>
          %parallel_loop3A_629 = arith.addi %iota3A, %parallel_loop3A_628 : vector<16xi32>
          %parallel_loop3A_630 = arith.constant 15 : i32
          %parallel_loop3A_631 = vector.broadcast %parallel_loop3A_630 : i32 to vector<16xi32>
          %parallel_loop3A_632 = arith.andi %parallel_loop3A_629, %parallel_loop3A_631 : vector<16xi32>
          %parallel_loop3A_633 = arith.constant 0 : i32
          %parallel_loop3A_634 = vector.broadcast %parallel_loop3A_633 : i32 to vector<16xi32>
          %parallel_loop3A_635 = arith.addi %parallel_loop3A_632, %parallel_loop3A_634 : vector<16xi32>
          %parallel_loop3A_636 = arith.constant 0 : i32
          %parallel_loop3A_637 = arith.constant 0 : i32
          %parallel_loop3A_638 = tpu.memref_slice %arg8[%rem3A_50, %parallel_loop3A_636, %parallel_loop3A_637] : memref<3x512x32xf32, #tpu.memory_space<vmem>> -> memref<1x512x32xf32, #tpu.memory_space<vmem>>
          %parallel_loop3A_639 = tpu.memref_squeeze %parallel_loop3A_638 : memref<1x512x32xf32, #tpu.memory_space<vmem>> -> memref<512x32xf32, #tpu.memory_space<vmem>>
          %parallel_loop3A_640 = tpu.vector_load_idx %parallel_loop3A_639[%parallel_loop3A_143, %parallel_loop3A_635] : memref<512x32xf32, #tpu.memory_space<vmem>>[vector<16xi32>, vector<16xi32>], vector<16xf32>,
          %parallel_loop3A_641 = arith.constant 7 : i32
          %parallel_loop3A_642 = vector.broadcast %parallel_loop3A_641 : i32 to vector<16xi32>
          %parallel_loop3A_643 = arith.andi %parallel_loop3A_635, %parallel_loop3A_642 : vector<16xi32>
          %parallel_loop3A_644 = arith.constant 7 : i32
          %parallel_loop3A_645 = vector.broadcast %parallel_loop3A_644 : i32 to vector<16xi32>
          %parallel_loop3A_646 = arith.shli %parallel_loop3A_643, %parallel_loop3A_645 : vector<16xi32>
          %parallel_loop3A_647 = arith.addi %parallel_loop3A_646, %parallel_loop3A_191 : vector<16xi32>
          %parallel_loop3A_648 = arith.constant 3 : i32
          %parallel_loop3A_649 = vector.broadcast %parallel_loop3A_648 : i32 to vector<16xi32>
          %parallel_loop3A_650 = arith.shrsi %parallel_loop3A_635, %parallel_loop3A_649 : vector<16xi32>
          %parallel_loop3A_651 = arith.mulf %parallel_loop3A_640, %parallel_loop3A_139 : vector<16xf32>
          %parallel_loop3A_652 = arith.constant 0 : i32
          %parallel_loop3A_653 = arith.constant 0 : i32
          %parallel_loop3A_654 = tpu.memref_slice %arg9[%rem3A_50, %parallel_loop3A_652, %parallel_loop3A_653] : memref<3x4x4096xf32, #tpu.memory_space<vmem>> -> memref<1x4x4096xf32, #tpu.memory_space<vmem>>
          %parallel_loop3A_655 = tpu.memref_squeeze %parallel_loop3A_654 : memref<1x4x4096xf32, #tpu.memory_space<vmem>> -> memref<4x4096xf32, #tpu.memory_space<vmem>>
          tpu.vector_store_idx %parallel_loop3A_655[%parallel_loop3A_650, %parallel_loop3A_647], %parallel_loop3A_651 : memref<4x4096xf32, #tpu.memory_space<vmem>>[vector<16xi32>, vector<16xi32>], vector<16xf32>,
          %parallel_loop3A_656 = arith.constant 0 : i32
          %parallel_loop3A_657 = vector.broadcast %parallel_loop3A_656 : i32 to vector<16xi32>
          %parallel_loop3A_658 = arith.addi %iota3A, %parallel_loop3A_657 : vector<16xi32>
          %parallel_loop3A_659 = arith.constant 15 : i32
          %parallel_loop3A_660 = vector.broadcast %parallel_loop3A_659 : i32 to vector<16xi32>
          %parallel_loop3A_661 = arith.andi %parallel_loop3A_658, %parallel_loop3A_660 : vector<16xi32>
          %parallel_loop3A_662 = arith.constant 16 : i32
          %parallel_loop3A_663 = vector.broadcast %parallel_loop3A_662 : i32 to vector<16xi32>
          %parallel_loop3A_664 = arith.addi %parallel_loop3A_661, %parallel_loop3A_663 : vector<16xi32>
          %parallel_loop3A_665 = arith.constant 0 : i32
          %parallel_loop3A_666 = arith.constant 0 : i32
          %parallel_loop3A_667 = tpu.memref_slice %arg8[%rem3A_50, %parallel_loop3A_665, %parallel_loop3A_666] : memref<3x512x32xf32, #tpu.memory_space<vmem>> -> memref<1x512x32xf32, #tpu.memory_space<vmem>>
          %parallel_loop3A_668 = tpu.memref_squeeze %parallel_loop3A_667 : memref<1x512x32xf32, #tpu.memory_space<vmem>> -> memref<512x32xf32, #tpu.memory_space<vmem>>
          %parallel_loop3A_669 = tpu.vector_load_idx %parallel_loop3A_668[%parallel_loop3A_143, %parallel_loop3A_664] : memref<512x32xf32, #tpu.memory_space<vmem>>[vector<16xi32>, vector<16xi32>], vector<16xf32>,
          %parallel_loop3A_670 = arith.constant 7 : i32
          %parallel_loop3A_671 = vector.broadcast %parallel_loop3A_670 : i32 to vector<16xi32>
          %parallel_loop3A_672 = arith.andi %parallel_loop3A_664, %parallel_loop3A_671 : vector<16xi32>
          %parallel_loop3A_673 = arith.constant 7 : i32
          %parallel_loop3A_674 = vector.broadcast %parallel_loop3A_673 : i32 to vector<16xi32>
          %parallel_loop3A_675 = arith.shli %parallel_loop3A_672, %parallel_loop3A_674 : vector<16xi32>
          %parallel_loop3A_676 = arith.addi %parallel_loop3A_675, %parallel_loop3A_191 : vector<16xi32>
          %parallel_loop3A_677 = arith.constant 3 : i32
          %parallel_loop3A_678 = vector.broadcast %parallel_loop3A_677 : i32 to vector<16xi32>
          %parallel_loop3A_679 = arith.shrsi %parallel_loop3A_664, %parallel_loop3A_678 : vector<16xi32>
          %parallel_loop3A_680 = arith.mulf %parallel_loop3A_669, %parallel_loop3A_139 : vector<16xf32>
          %parallel_loop3A_681 = arith.constant 0 : i32
          %parallel_loop3A_682 = arith.constant 0 : i32
          %parallel_loop3A_683 = tpu.memref_slice %arg9[%rem3A_50, %parallel_loop3A_681, %parallel_loop3A_682] : memref<3x4x4096xf32, #tpu.memory_space<vmem>> -> memref<1x4x4096xf32, #tpu.memory_space<vmem>>
          %parallel_loop3A_684 = tpu.memref_squeeze %parallel_loop3A_683 : memref<1x4x4096xf32, #tpu.memory_space<vmem>> -> memref<4x4096xf32, #tpu.memory_space<vmem>>
          tpu.vector_store_idx %parallel_loop3A_684[%parallel_loop3A_679, %parallel_loop3A_676], %parallel_loop3A_680 : memref<4x4096xf32, #tpu.memory_space<vmem>>[vector<16xi32>, vector<16xi32>], vector<16xf32>,
          %parallel_loop3A_685 = arith.constant 1 : i32
          %parallel_loop3A_686 = vector.broadcast %parallel_loop3A_685 : i32 to vector<16xi32>
          %parallel_loop3A_687 = arith.addi %iota3A, %parallel_loop3A_686 : vector<16xi32>
          %parallel_loop3A_688 = arith.constant 15 : i32
          %parallel_loop3A_689 = vector.broadcast %parallel_loop3A_688 : i32 to vector<16xi32>
          %parallel_loop3A_690 = arith.andi %parallel_loop3A_687, %parallel_loop3A_689 : vector<16xi32>
          %parallel_loop3A_691 = arith.constant 16 : i32
          %parallel_loop3A_692 = vector.broadcast %parallel_loop3A_691 : i32 to vector<16xi32>
          %parallel_loop3A_693 = arith.addi %parallel_loop3A_690, %parallel_loop3A_692 : vector<16xi32>
          %parallel_loop3A_694 = arith.constant 0 : i32
          %parallel_loop3A_695 = arith.constant 0 : i32
          %parallel_loop3A_696 = tpu.memref_slice %arg8[%rem3A_50, %parallel_loop3A_694, %parallel_loop3A_695] : memref<3x512x32xf32, #tpu.memory_space<vmem>> -> memref<1x512x32xf32, #tpu.memory_space<vmem>>
          %parallel_loop3A_697 = tpu.memref_squeeze %parallel_loop3A_696 : memref<1x512x32xf32, #tpu.memory_space<vmem>> -> memref<512x32xf32, #tpu.memory_space<vmem>>
          %parallel_loop3A_698 = tpu.vector_load_idx %parallel_loop3A_697[%parallel_loop3A_143, %parallel_loop3A_693] : memref<512x32xf32, #tpu.memory_space<vmem>>[vector<16xi32>, vector<16xi32>], vector<16xf32>,
          %parallel_loop3A_699 = arith.constant 7 : i32
          %parallel_loop3A_700 = vector.broadcast %parallel_loop3A_699 : i32 to vector<16xi32>
          %parallel_loop3A_701 = arith.andi %parallel_loop3A_693, %parallel_loop3A_700 : vector<16xi32>
          %parallel_loop3A_702 = arith.constant 7 : i32
          %parallel_loop3A_703 = vector.broadcast %parallel_loop3A_702 : i32 to vector<16xi32>
          %parallel_loop3A_704 = arith.shli %parallel_loop3A_701, %parallel_loop3A_703 : vector<16xi32>
          %parallel_loop3A_705 = arith.addi %parallel_loop3A_704, %parallel_loop3A_191 : vector<16xi32>
          %parallel_loop3A_706 = arith.constant 3 : i32
          %parallel_loop3A_707 = vector.broadcast %parallel_loop3A_706 : i32 to vector<16xi32>
          %parallel_loop3A_708 = arith.shrsi %parallel_loop3A_693, %parallel_loop3A_707 : vector<16xi32>
          %parallel_loop3A_709 = arith.mulf %parallel_loop3A_698, %parallel_loop3A_139 : vector<16xf32>
          %parallel_loop3A_710 = arith.constant 0 : i32
          %parallel_loop3A_711 = arith.constant 0 : i32
          %parallel_loop3A_712 = tpu.memref_slice %arg9[%rem3A_50, %parallel_loop3A_710, %parallel_loop3A_711] : memref<3x4x4096xf32, #tpu.memory_space<vmem>> -> memref<1x4x4096xf32, #tpu.memory_space<vmem>>
          %parallel_loop3A_713 = tpu.memref_squeeze %parallel_loop3A_712 : memref<1x4x4096xf32, #tpu.memory_space<vmem>> -> memref<4x4096xf32, #tpu.memory_space<vmem>>
          tpu.vector_store_idx %parallel_loop3A_713[%parallel_loop3A_708, %parallel_loop3A_705], %parallel_loop3A_709 : memref<4x4096xf32, #tpu.memory_space<vmem>>[vector<16xi32>, vector<16xi32>], vector<16xf32>,
          %parallel_loop3A_714 = arith.constant 2 : i32
          %parallel_loop3A_715 = vector.broadcast %parallel_loop3A_714 : i32 to vector<16xi32>
          %parallel_loop3A_716 = arith.addi %iota3A, %parallel_loop3A_715 : vector<16xi32>
          %parallel_loop3A_717 = arith.constant 15 : i32
          %parallel_loop3A_718 = vector.broadcast %parallel_loop3A_717 : i32 to vector<16xi32>
          %parallel_loop3A_719 = arith.andi %parallel_loop3A_716, %parallel_loop3A_718 : vector<16xi32>
          %parallel_loop3A_720 = arith.constant 16 : i32
          %parallel_loop3A_721 = vector.broadcast %parallel_loop3A_720 : i32 to vector<16xi32>
          %parallel_loop3A_722 = arith.addi %parallel_loop3A_719, %parallel_loop3A_721 : vector<16xi32>
          %parallel_loop3A_723 = arith.constant 0 : i32
          %parallel_loop3A_724 = arith.constant 0 : i32
          %parallel_loop3A_725 = tpu.memref_slice %arg8[%rem3A_50, %parallel_loop3A_723, %parallel_loop3A_724] : memref<3x512x32xf32, #tpu.memory_space<vmem>> -> memref<1x512x32xf32, #tpu.memory_space<vmem>>
          %parallel_loop3A_726 = tpu.memref_squeeze %parallel_loop3A_725 : memref<1x512x32xf32, #tpu.memory_space<vmem>> -> memref<512x32xf32, #tpu.memory_space<vmem>>
          %parallel_loop3A_727 = tpu.vector_load_idx %parallel_loop3A_726[%parallel_loop3A_143, %parallel_loop3A_722] : memref<512x32xf32, #tpu.memory_space<vmem>>[vector<16xi32>, vector<16xi32>], vector<16xf32>,
          %parallel_loop3A_728 = arith.constant 7 : i32
          %parallel_loop3A_729 = vector.broadcast %parallel_loop3A_728 : i32 to vector<16xi32>
          %parallel_loop3A_730 = arith.andi %parallel_loop3A_722, %parallel_loop3A_729 : vector<16xi32>
          %parallel_loop3A_731 = arith.constant 7 : i32
          %parallel_loop3A_732 = vector.broadcast %parallel_loop3A_731 : i32 to vector<16xi32>
          %parallel_loop3A_733 = arith.shli %parallel_loop3A_730, %parallel_loop3A_732 : vector<16xi32>
          %parallel_loop3A_734 = arith.addi %parallel_loop3A_733, %parallel_loop3A_191 : vector<16xi32>
          %parallel_loop3A_735 = arith.constant 3 : i32
          %parallel_loop3A_736 = vector.broadcast %parallel_loop3A_735 : i32 to vector<16xi32>
          %parallel_loop3A_737 = arith.shrsi %parallel_loop3A_722, %parallel_loop3A_736 : vector<16xi32>
          %parallel_loop3A_738 = arith.mulf %parallel_loop3A_727, %parallel_loop3A_139 : vector<16xf32>
          %parallel_loop3A_739 = arith.constant 0 : i32
          %parallel_loop3A_740 = arith.constant 0 : i32
          %parallel_loop3A_741 = tpu.memref_slice %arg9[%rem3A_50, %parallel_loop3A_739, %parallel_loop3A_740] : memref<3x4x4096xf32, #tpu.memory_space<vmem>> -> memref<1x4x4096xf32, #tpu.memory_space<vmem>>
          %parallel_loop3A_742 = tpu.memref_squeeze %parallel_loop3A_741 : memref<1x4x4096xf32, #tpu.memory_space<vmem>> -> memref<4x4096xf32, #tpu.memory_space<vmem>>
          tpu.vector_store_idx %parallel_loop3A_742[%parallel_loop3A_737, %parallel_loop3A_734], %parallel_loop3A_738 : memref<4x4096xf32, #tpu.memory_space<vmem>>[vector<16xi32>, vector<16xi32>], vector<16xf32>,
          %parallel_loop3A_743 = arith.constant 3 : i32
          %parallel_loop3A_744 = vector.broadcast %parallel_loop3A_743 : i32 to vector<16xi32>
          %parallel_loop3A_745 = arith.addi %iota3A, %parallel_loop3A_744 : vector<16xi32>
          %parallel_loop3A_746 = arith.constant 15 : i32
          %parallel_loop3A_747 = vector.broadcast %parallel_loop3A_746 : i32 to vector<16xi32>
          %parallel_loop3A_748 = arith.andi %parallel_loop3A_745, %parallel_loop3A_747 : vector<16xi32>
          %parallel_loop3A_749 = arith.constant 16 : i32
          %parallel_loop3A_750 = vector.broadcast %parallel_loop3A_749 : i32 to vector<16xi32>
          %parallel_loop3A_751 = arith.addi %parallel_loop3A_748, %parallel_loop3A_750 : vector<16xi32>
          %parallel_loop3A_752 = arith.constant 0 : i32
          %parallel_loop3A_753 = arith.constant 0 : i32
          %parallel_loop3A_754 = tpu.memref_slice %arg8[%rem3A_50, %parallel_loop3A_752, %parallel_loop3A_753] : memref<3x512x32xf32, #tpu.memory_space<vmem>> -> memref<1x512x32xf32, #tpu.memory_space<vmem>>
          %parallel_loop3A_755 = tpu.memref_squeeze %parallel_loop3A_754 : memref<1x512x32xf32, #tpu.memory_space<vmem>> -> memref<512x32xf32, #tpu.memory_space<vmem>>
          %parallel_loop3A_756 = tpu.vector_load_idx %parallel_loop3A_755[%parallel_loop3A_143, %parallel_loop3A_751] : memref<512x32xf32, #tpu.memory_space<vmem>>[vector<16xi32>, vector<16xi32>], vector<16xf32>,
          %parallel_loop3A_757 = arith.constant 7 : i32
          %parallel_loop3A_758 = vector.broadcast %parallel_loop3A_757 : i32 to vector<16xi32>
          %parallel_loop3A_759 = arith.andi %parallel_loop3A_751, %parallel_loop3A_758 : vector<16xi32>
          %parallel_loop3A_760 = arith.constant 7 : i32
          %parallel_loop3A_761 = vector.broadcast %parallel_loop3A_760 : i32 to vector<16xi32>
          %parallel_loop3A_762 = arith.shli %parallel_loop3A_759, %parallel_loop3A_761 : vector<16xi32>
          %parallel_loop3A_763 = arith.addi %parallel_loop3A_762, %parallel_loop3A_191 : vector<16xi32>
          %parallel_loop3A_764 = arith.constant 3 : i32
          %parallel_loop3A_765 = vector.broadcast %parallel_loop3A_764 : i32 to vector<16xi32>
          %parallel_loop3A_766 = arith.shrsi %parallel_loop3A_751, %parallel_loop3A_765 : vector<16xi32>
          %parallel_loop3A_767 = arith.mulf %parallel_loop3A_756, %parallel_loop3A_139 : vector<16xf32>
          %parallel_loop3A_768 = arith.constant 0 : i32
          %parallel_loop3A_769 = arith.constant 0 : i32
          %parallel_loop3A_770 = tpu.memref_slice %arg9[%rem3A_50, %parallel_loop3A_768, %parallel_loop3A_769] : memref<3x4x4096xf32, #tpu.memory_space<vmem>> -> memref<1x4x4096xf32, #tpu.memory_space<vmem>>
          %parallel_loop3A_771 = tpu.memref_squeeze %parallel_loop3A_770 : memref<1x4x4096xf32, #tpu.memory_space<vmem>> -> memref<4x4096xf32, #tpu.memory_space<vmem>>
          tpu.vector_store_idx %parallel_loop3A_771[%parallel_loop3A_766, %parallel_loop3A_763], %parallel_loop3A_767 : memref<4x4096xf32, #tpu.memory_space<vmem>>[vector<16xi32>, vector<16xi32>], vector<16xf32>,
          %parallel_loop3A_772 = arith.constant 4 : i32
          %parallel_loop3A_773 = vector.broadcast %parallel_loop3A_772 : i32 to vector<16xi32>
          %parallel_loop3A_774 = arith.addi %iota3A, %parallel_loop3A_773 : vector<16xi32>
          %parallel_loop3A_775 = arith.constant 15 : i32
          %parallel_loop3A_776 = vector.broadcast %parallel_loop3A_775 : i32 to vector<16xi32>
          %parallel_loop3A_777 = arith.andi %parallel_loop3A_774, %parallel_loop3A_776 : vector<16xi32>
          %parallel_loop3A_778 = arith.constant 16 : i32
          %parallel_loop3A_779 = vector.broadcast %parallel_loop3A_778 : i32 to vector<16xi32>
          %parallel_loop3A_780 = arith.addi %parallel_loop3A_777, %parallel_loop3A_779 : vector<16xi32>
          %parallel_loop3A_781 = arith.constant 0 : i32
          %parallel_loop3A_782 = arith.constant 0 : i32
          %parallel_loop3A_783 = tpu.memref_slice %arg8[%rem3A_50, %parallel_loop3A_781, %parallel_loop3A_782] : memref<3x512x32xf32, #tpu.memory_space<vmem>> -> memref<1x512x32xf32, #tpu.memory_space<vmem>>
          %parallel_loop3A_784 = tpu.memref_squeeze %parallel_loop3A_783 : memref<1x512x32xf32, #tpu.memory_space<vmem>> -> memref<512x32xf32, #tpu.memory_space<vmem>>
          %parallel_loop3A_785 = tpu.vector_load_idx %parallel_loop3A_784[%parallel_loop3A_143, %parallel_loop3A_780] : memref<512x32xf32, #tpu.memory_space<vmem>>[vector<16xi32>, vector<16xi32>], vector<16xf32>,
          %parallel_loop3A_786 = arith.constant 7 : i32
          %parallel_loop3A_787 = vector.broadcast %parallel_loop3A_786 : i32 to vector<16xi32>
          %parallel_loop3A_788 = arith.andi %parallel_loop3A_780, %parallel_loop3A_787 : vector<16xi32>
          %parallel_loop3A_789 = arith.constant 7 : i32
          %parallel_loop3A_790 = vector.broadcast %parallel_loop3A_789 : i32 to vector<16xi32>
          %parallel_loop3A_791 = arith.shli %parallel_loop3A_788, %parallel_loop3A_790 : vector<16xi32>
          %parallel_loop3A_792 = arith.addi %parallel_loop3A_791, %parallel_loop3A_191 : vector<16xi32>
          %parallel_loop3A_793 = arith.constant 3 : i32
          %parallel_loop3A_794 = vector.broadcast %parallel_loop3A_793 : i32 to vector<16xi32>
          %parallel_loop3A_795 = arith.shrsi %parallel_loop3A_780, %parallel_loop3A_794 : vector<16xi32>
          %parallel_loop3A_796 = arith.mulf %parallel_loop3A_785, %parallel_loop3A_139 : vector<16xf32>
          %parallel_loop3A_797 = arith.constant 0 : i32
          %parallel_loop3A_798 = arith.constant 0 : i32
          %parallel_loop3A_799 = tpu.memref_slice %arg9[%rem3A_50, %parallel_loop3A_797, %parallel_loop3A_798] : memref<3x4x4096xf32, #tpu.memory_space<vmem>> -> memref<1x4x4096xf32, #tpu.memory_space<vmem>>
          %parallel_loop3A_800 = tpu.memref_squeeze %parallel_loop3A_799 : memref<1x4x4096xf32, #tpu.memory_space<vmem>> -> memref<4x4096xf32, #tpu.memory_space<vmem>>
          tpu.vector_store_idx %parallel_loop3A_800[%parallel_loop3A_795, %parallel_loop3A_792], %parallel_loop3A_796 : memref<4x4096xf32, #tpu.memory_space<vmem>>[vector<16xi32>, vector<16xi32>], vector<16xf32>,
          %parallel_loop3A_801 = arith.constant 5 : i32
          %parallel_loop3A_802 = vector.broadcast %parallel_loop3A_801 : i32 to vector<16xi32>
          %parallel_loop3A_803 = arith.addi %iota3A, %parallel_loop3A_802 : vector<16xi32>
          %parallel_loop3A_804 = arith.constant 15 : i32
          %parallel_loop3A_805 = vector.broadcast %parallel_loop3A_804 : i32 to vector<16xi32>
          %parallel_loop3A_806 = arith.andi %parallel_loop3A_803, %parallel_loop3A_805 : vector<16xi32>
          %parallel_loop3A_807 = arith.constant 16 : i32
          %parallel_loop3A_808 = vector.broadcast %parallel_loop3A_807 : i32 to vector<16xi32>
          %parallel_loop3A_809 = arith.addi %parallel_loop3A_806, %parallel_loop3A_808 : vector<16xi32>
          %parallel_loop3A_810 = arith.constant 0 : i32
          %parallel_loop3A_811 = arith.constant 0 : i32
          %parallel_loop3A_812 = tpu.memref_slice %arg8[%rem3A_50, %parallel_loop3A_810, %parallel_loop3A_811] : memref<3x512x32xf32, #tpu.memory_space<vmem>> -> memref<1x512x32xf32, #tpu.memory_space<vmem>>
          %parallel_loop3A_813 = tpu.memref_squeeze %parallel_loop3A_812 : memref<1x512x32xf32, #tpu.memory_space<vmem>> -> memref<512x32xf32, #tpu.memory_space<vmem>>
          %parallel_loop3A_814 = tpu.vector_load_idx %parallel_loop3A_813[%parallel_loop3A_143, %parallel_loop3A_809] : memref<512x32xf32, #tpu.memory_space<vmem>>[vector<16xi32>, vector<16xi32>], vector<16xf32>,
          %parallel_loop3A_815 = arith.constant 7 : i32
          %parallel_loop3A_816 = vector.broadcast %parallel_loop3A_815 : i32 to vector<16xi32>
          %parallel_loop3A_817 = arith.andi %parallel_loop3A_809, %parallel_loop3A_816 : vector<16xi32>
          %parallel_loop3A_818 = arith.constant 7 : i32
          %parallel_loop3A_819 = vector.broadcast %parallel_loop3A_818 : i32 to vector<16xi32>
          %parallel_loop3A_820 = arith.shli %parallel_loop3A_817, %parallel_loop3A_819 : vector<16xi32>
          %parallel_loop3A_821 = arith.addi %parallel_loop3A_820, %parallel_loop3A_191 : vector<16xi32>
          %parallel_loop3A_822 = arith.constant 3 : i32
          %parallel_loop3A_823 = vector.broadcast %parallel_loop3A_822 : i32 to vector<16xi32>
          %parallel_loop3A_824 = arith.shrsi %parallel_loop3A_809, %parallel_loop3A_823 : vector<16xi32>
          %parallel_loop3A_825 = arith.mulf %parallel_loop3A_814, %parallel_loop3A_139 : vector<16xf32>
          %parallel_loop3A_826 = arith.constant 0 : i32
          %parallel_loop3A_827 = arith.constant 0 : i32
          %parallel_loop3A_828 = tpu.memref_slice %arg9[%rem3A_50, %parallel_loop3A_826, %parallel_loop3A_827] : memref<3x4x4096xf32, #tpu.memory_space<vmem>> -> memref<1x4x4096xf32, #tpu.memory_space<vmem>>
          %parallel_loop3A_829 = tpu.memref_squeeze %parallel_loop3A_828 : memref<1x4x4096xf32, #tpu.memory_space<vmem>> -> memref<4x4096xf32, #tpu.memory_space<vmem>>
          tpu.vector_store_idx %parallel_loop3A_829[%parallel_loop3A_824, %parallel_loop3A_821], %parallel_loop3A_825 : memref<4x4096xf32, #tpu.memory_space<vmem>>[vector<16xi32>, vector<16xi32>], vector<16xf32>,
          %parallel_loop3A_830 = arith.constant 6 : i32
          %parallel_loop3A_831 = vector.broadcast %parallel_loop3A_830 : i32 to vector<16xi32>
          %parallel_loop3A_832 = arith.addi %iota3A, %parallel_loop3A_831 : vector<16xi32>
          %parallel_loop3A_833 = arith.constant 15 : i32
          %parallel_loop3A_834 = vector.broadcast %parallel_loop3A_833 : i32 to vector<16xi32>
          %parallel_loop3A_835 = arith.andi %parallel_loop3A_832, %parallel_loop3A_834 : vector<16xi32>
          %parallel_loop3A_836 = arith.constant 16 : i32
          %parallel_loop3A_837 = vector.broadcast %parallel_loop3A_836 : i32 to vector<16xi32>
          %parallel_loop3A_838 = arith.addi %parallel_loop3A_835, %parallel_loop3A_837 : vector<16xi32>
          %parallel_loop3A_839 = arith.constant 0 : i32
          %parallel_loop3A_840 = arith.constant 0 : i32
          %parallel_loop3A_841 = tpu.memref_slice %arg8[%rem3A_50, %parallel_loop3A_839, %parallel_loop3A_840] : memref<3x512x32xf32, #tpu.memory_space<vmem>> -> memref<1x512x32xf32, #tpu.memory_space<vmem>>
          %parallel_loop3A_842 = tpu.memref_squeeze %parallel_loop3A_841 : memref<1x512x32xf32, #tpu.memory_space<vmem>> -> memref<512x32xf32, #tpu.memory_space<vmem>>
          %parallel_loop3A_843 = tpu.vector_load_idx %parallel_loop3A_842[%parallel_loop3A_143, %parallel_loop3A_838] : memref<512x32xf32, #tpu.memory_space<vmem>>[vector<16xi32>, vector<16xi32>], vector<16xf32>,
          %parallel_loop3A_844 = arith.constant 7 : i32
          %parallel_loop3A_845 = vector.broadcast %parallel_loop3A_844 : i32 to vector<16xi32>
          %parallel_loop3A_846 = arith.andi %parallel_loop3A_838, %parallel_loop3A_845 : vector<16xi32>
          %parallel_loop3A_847 = arith.constant 7 : i32
          %parallel_loop3A_848 = vector.broadcast %parallel_loop3A_847 : i32 to vector<16xi32>
          %parallel_loop3A_849 = arith.shli %parallel_loop3A_846, %parallel_loop3A_848 : vector<16xi32>
          %parallel_loop3A_850 = arith.addi %parallel_loop3A_849, %parallel_loop3A_191 : vector<16xi32>
          %parallel_loop3A_851 = arith.constant 3 : i32
          %parallel_loop3A_852 = vector.broadcast %parallel_loop3A_851 : i32 to vector<16xi32>
          %parallel_loop3A_853 = arith.shrsi %parallel_loop3A_838, %parallel_loop3A_852 : vector<16xi32>
          %parallel_loop3A_854 = arith.mulf %parallel_loop3A_843, %parallel_loop3A_139 : vector<16xf32>
          %parallel_loop3A_855 = arith.constant 0 : i32
          %parallel_loop3A_856 = arith.constant 0 : i32
          %parallel_loop3A_857 = tpu.memref_slice %arg9[%rem3A_50, %parallel_loop3A_855, %parallel_loop3A_856] : memref<3x4x4096xf32, #tpu.memory_space<vmem>> -> memref<1x4x4096xf32, #tpu.memory_space<vmem>>
          %parallel_loop3A_858 = tpu.memref_squeeze %parallel_loop3A_857 : memref<1x4x4096xf32, #tpu.memory_space<vmem>> -> memref<4x4096xf32, #tpu.memory_space<vmem>>
          tpu.vector_store_idx %parallel_loop3A_858[%parallel_loop3A_853, %parallel_loop3A_850], %parallel_loop3A_854 : memref<4x4096xf32, #tpu.memory_space<vmem>>[vector<16xi32>, vector<16xi32>], vector<16xf32>,
          %parallel_loop3A_859 = arith.constant 7 : i32
          %parallel_loop3A_860 = vector.broadcast %parallel_loop3A_859 : i32 to vector<16xi32>
          %parallel_loop3A_861 = arith.addi %iota3A, %parallel_loop3A_860 : vector<16xi32>
          %parallel_loop3A_862 = arith.constant 15 : i32
          %parallel_loop3A_863 = vector.broadcast %parallel_loop3A_862 : i32 to vector<16xi32>
          %parallel_loop3A_864 = arith.andi %parallel_loop3A_861, %parallel_loop3A_863 : vector<16xi32>
          %parallel_loop3A_865 = arith.constant 16 : i32
          %parallel_loop3A_866 = vector.broadcast %parallel_loop3A_865 : i32 to vector<16xi32>
          %parallel_loop3A_867 = arith.addi %parallel_loop3A_864, %parallel_loop3A_866 : vector<16xi32>
          %parallel_loop3A_868 = arith.constant 0 : i32
          %parallel_loop3A_869 = arith.constant 0 : i32
          %parallel_loop3A_870 = tpu.memref_slice %arg8[%rem3A_50, %parallel_loop3A_868, %parallel_loop3A_869] : memref<3x512x32xf32, #tpu.memory_space<vmem>> -> memref<1x512x32xf32, #tpu.memory_space<vmem>>
          %parallel_loop3A_871 = tpu.memref_squeeze %parallel_loop3A_870 : memref<1x512x32xf32, #tpu.memory_space<vmem>> -> memref<512x32xf32, #tpu.memory_space<vmem>>
          %parallel_loop3A_872 = tpu.vector_load_idx %parallel_loop3A_871[%parallel_loop3A_143, %parallel_loop3A_867] : memref<512x32xf32, #tpu.memory_space<vmem>>[vector<16xi32>, vector<16xi32>], vector<16xf32>,
          %parallel_loop3A_873 = arith.constant 7 : i32
          %parallel_loop3A_874 = vector.broadcast %parallel_loop3A_873 : i32 to vector<16xi32>
          %parallel_loop3A_875 = arith.andi %parallel_loop3A_867, %parallel_loop3A_874 : vector<16xi32>
          %parallel_loop3A_876 = arith.constant 7 : i32
          %parallel_loop3A_877 = vector.broadcast %parallel_loop3A_876 : i32 to vector<16xi32>
          %parallel_loop3A_878 = arith.shli %parallel_loop3A_875, %parallel_loop3A_877 : vector<16xi32>
          %parallel_loop3A_879 = arith.addi %parallel_loop3A_878, %parallel_loop3A_191 : vector<16xi32>
          %parallel_loop3A_880 = arith.constant 3 : i32
          %parallel_loop3A_881 = vector.broadcast %parallel_loop3A_880 : i32 to vector<16xi32>
          %parallel_loop3A_882 = arith.shrsi %parallel_loop3A_867, %parallel_loop3A_881 : vector<16xi32>
          %parallel_loop3A_883 = arith.mulf %parallel_loop3A_872, %parallel_loop3A_139 : vector<16xf32>
          %parallel_loop3A_884 = arith.constant 0 : i32
          %parallel_loop3A_885 = arith.constant 0 : i32
          %parallel_loop3A_886 = tpu.memref_slice %arg9[%rem3A_50, %parallel_loop3A_884, %parallel_loop3A_885] : memref<3x4x4096xf32, #tpu.memory_space<vmem>> -> memref<1x4x4096xf32, #tpu.memory_space<vmem>>
          %parallel_loop3A_887 = tpu.memref_squeeze %parallel_loop3A_886 : memref<1x4x4096xf32, #tpu.memory_space<vmem>> -> memref<4x4096xf32, #tpu.memory_space<vmem>>
          tpu.vector_store_idx %parallel_loop3A_887[%parallel_loop3A_882, %parallel_loop3A_879], %parallel_loop3A_883 : memref<4x4096xf32, #tpu.memory_space<vmem>>[vector<16xi32>, vector<16xi32>], vector<16xf32>,
          %parallel_loop3A_888 = arith.constant 8 : i32
          %parallel_loop3A_889 = vector.broadcast %parallel_loop3A_888 : i32 to vector<16xi32>
          %parallel_loop3A_890 = arith.addi %iota3A, %parallel_loop3A_889 : vector<16xi32>
          %parallel_loop3A_891 = arith.constant 15 : i32
          %parallel_loop3A_892 = vector.broadcast %parallel_loop3A_891 : i32 to vector<16xi32>
          %parallel_loop3A_893 = arith.andi %parallel_loop3A_890, %parallel_loop3A_892 : vector<16xi32>
          %parallel_loop3A_894 = arith.constant 16 : i32
          %parallel_loop3A_895 = vector.broadcast %parallel_loop3A_894 : i32 to vector<16xi32>
          %parallel_loop3A_896 = arith.addi %parallel_loop3A_893, %parallel_loop3A_895 : vector<16xi32>
          %parallel_loop3A_897 = arith.constant 0 : i32
          %parallel_loop3A_898 = arith.constant 0 : i32
          %parallel_loop3A_899 = tpu.memref_slice %arg8[%rem3A_50, %parallel_loop3A_897, %parallel_loop3A_898] : memref<3x512x32xf32, #tpu.memory_space<vmem>> -> memref<1x512x32xf32, #tpu.memory_space<vmem>>
          %parallel_loop3A_900 = tpu.memref_squeeze %parallel_loop3A_899 : memref<1x512x32xf32, #tpu.memory_space<vmem>> -> memref<512x32xf32, #tpu.memory_space<vmem>>
          %parallel_loop3A_901 = tpu.vector_load_idx %parallel_loop3A_900[%parallel_loop3A_143, %parallel_loop3A_896] : memref<512x32xf32, #tpu.memory_space<vmem>>[vector<16xi32>, vector<16xi32>], vector<16xf32>,
          %parallel_loop3A_902 = arith.constant 7 : i32
          %parallel_loop3A_903 = vector.broadcast %parallel_loop3A_902 : i32 to vector<16xi32>
          %parallel_loop3A_904 = arith.andi %parallel_loop3A_896, %parallel_loop3A_903 : vector<16xi32>
          %parallel_loop3A_905 = arith.constant 7 : i32
          %parallel_loop3A_906 = vector.broadcast %parallel_loop3A_905 : i32 to vector<16xi32>
          %parallel_loop3A_907 = arith.shli %parallel_loop3A_904, %parallel_loop3A_906 : vector<16xi32>
          %parallel_loop3A_908 = arith.addi %parallel_loop3A_907, %parallel_loop3A_191 : vector<16xi32>
          %parallel_loop3A_909 = arith.constant 3 : i32
          %parallel_loop3A_910 = vector.broadcast %parallel_loop3A_909 : i32 to vector<16xi32>
          %parallel_loop3A_911 = arith.shrsi %parallel_loop3A_896, %parallel_loop3A_910 : vector<16xi32>
          %parallel_loop3A_912 = arith.mulf %parallel_loop3A_901, %parallel_loop3A_139 : vector<16xf32>
          %parallel_loop3A_913 = arith.constant 0 : i32
          %parallel_loop3A_914 = arith.constant 0 : i32
          %parallel_loop3A_915 = tpu.memref_slice %arg9[%rem3A_50, %parallel_loop3A_913, %parallel_loop3A_914] : memref<3x4x4096xf32, #tpu.memory_space<vmem>> -> memref<1x4x4096xf32, #tpu.memory_space<vmem>>
          %parallel_loop3A_916 = tpu.memref_squeeze %parallel_loop3A_915 : memref<1x4x4096xf32, #tpu.memory_space<vmem>> -> memref<4x4096xf32, #tpu.memory_space<vmem>>
          tpu.vector_store_idx %parallel_loop3A_916[%parallel_loop3A_911, %parallel_loop3A_908], %parallel_loop3A_912 : memref<4x4096xf32, #tpu.memory_space<vmem>>[vector<16xi32>, vector<16xi32>], vector<16xf32>,
          %parallel_loop3A_917 = arith.constant 9 : i32
          %parallel_loop3A_918 = vector.broadcast %parallel_loop3A_917 : i32 to vector<16xi32>
          %parallel_loop3A_919 = arith.addi %iota3A, %parallel_loop3A_918 : vector<16xi32>
          %parallel_loop3A_920 = arith.constant 15 : i32
          %parallel_loop3A_921 = vector.broadcast %parallel_loop3A_920 : i32 to vector<16xi32>
          %parallel_loop3A_922 = arith.andi %parallel_loop3A_919, %parallel_loop3A_921 : vector<16xi32>
          %parallel_loop3A_923 = arith.constant 16 : i32
          %parallel_loop3A_924 = vector.broadcast %parallel_loop3A_923 : i32 to vector<16xi32>
          %parallel_loop3A_925 = arith.addi %parallel_loop3A_922, %parallel_loop3A_924 : vector<16xi32>
          %parallel_loop3A_926 = arith.constant 0 : i32
          %parallel_loop3A_927 = arith.constant 0 : i32
          %parallel_loop3A_928 = tpu.memref_slice %arg8[%rem3A_50, %parallel_loop3A_926, %parallel_loop3A_927] : memref<3x512x32xf32, #tpu.memory_space<vmem>> -> memref<1x512x32xf32, #tpu.memory_space<vmem>>
          %parallel_loop3A_929 = tpu.memref_squeeze %parallel_loop3A_928 : memref<1x512x32xf32, #tpu.memory_space<vmem>> -> memref<512x32xf32, #tpu.memory_space<vmem>>
          %parallel_loop3A_930 = tpu.vector_load_idx %parallel_loop3A_929[%parallel_loop3A_143, %parallel_loop3A_925] : memref<512x32xf32, #tpu.memory_space<vmem>>[vector<16xi32>, vector<16xi32>], vector<16xf32>,
          %parallel_loop3A_931 = arith.constant 7 : i32
          %parallel_loop3A_932 = vector.broadcast %parallel_loop3A_931 : i32 to vector<16xi32>
          %parallel_loop3A_933 = arith.andi %parallel_loop3A_925, %parallel_loop3A_932 : vector<16xi32>
          %parallel_loop3A_934 = arith.constant 7 : i32
          %parallel_loop3A_935 = vector.broadcast %parallel_loop3A_934 : i32 to vector<16xi32>
          %parallel_loop3A_936 = arith.shli %parallel_loop3A_933, %parallel_loop3A_935 : vector<16xi32>
          %parallel_loop3A_937 = arith.addi %parallel_loop3A_936, %parallel_loop3A_191 : vector<16xi32>
          %parallel_loop3A_938 = arith.constant 3 : i32
          %parallel_loop3A_939 = vector.broadcast %parallel_loop3A_938 : i32 to vector<16xi32>
          %parallel_loop3A_940 = arith.shrsi %parallel_loop3A_925, %parallel_loop3A_939 : vector<16xi32>
          %parallel_loop3A_941 = arith.mulf %parallel_loop3A_930, %parallel_loop3A_139 : vector<16xf32>
          %parallel_loop3A_942 = arith.constant 0 : i32
          %parallel_loop3A_943 = arith.constant 0 : i32
          %parallel_loop3A_944 = tpu.memref_slice %arg9[%rem3A_50, %parallel_loop3A_942, %parallel_loop3A_943] : memref<3x4x4096xf32, #tpu.memory_space<vmem>> -> memref<1x4x4096xf32, #tpu.memory_space<vmem>>
          %parallel_loop3A_945 = tpu.memref_squeeze %parallel_loop3A_944 : memref<1x4x4096xf32, #tpu.memory_space<vmem>> -> memref<4x4096xf32, #tpu.memory_space<vmem>>
          tpu.vector_store_idx %parallel_loop3A_945[%parallel_loop3A_940, %parallel_loop3A_937], %parallel_loop3A_941 : memref<4x4096xf32, #tpu.memory_space<vmem>>[vector<16xi32>, vector<16xi32>], vector<16xf32>,
          %parallel_loop3A_946 = arith.constant 10 : i32
          %parallel_loop3A_947 = vector.broadcast %parallel_loop3A_946 : i32 to vector<16xi32>
          %parallel_loop3A_948 = arith.addi %iota3A, %parallel_loop3A_947 : vector<16xi32>
          %parallel_loop3A_949 = arith.constant 15 : i32
          %parallel_loop3A_950 = vector.broadcast %parallel_loop3A_949 : i32 to vector<16xi32>
          %parallel_loop3A_951 = arith.andi %parallel_loop3A_948, %parallel_loop3A_950 : vector<16xi32>
          %parallel_loop3A_952 = arith.constant 16 : i32
          %parallel_loop3A_953 = vector.broadcast %parallel_loop3A_952 : i32 to vector<16xi32>
          %parallel_loop3A_954 = arith.addi %parallel_loop3A_951, %parallel_loop3A_953 : vector<16xi32>
          %parallel_loop3A_955 = arith.constant 0 : i32
          %parallel_loop3A_956 = arith.constant 0 : i32
          %parallel_loop3A_957 = tpu.memref_slice %arg8[%rem3A_50, %parallel_loop3A_955, %parallel_loop3A_956] : memref<3x512x32xf32, #tpu.memory_space<vmem>> -> memref<1x512x32xf32, #tpu.memory_space<vmem>>
          %parallel_loop3A_958 = tpu.memref_squeeze %parallel_loop3A_957 : memref<1x512x32xf32, #tpu.memory_space<vmem>> -> memref<512x32xf32, #tpu.memory_space<vmem>>
          %parallel_loop3A_959 = tpu.vector_load_idx %parallel_loop3A_958[%parallel_loop3A_143, %parallel_loop3A_954] : memref<512x32xf32, #tpu.memory_space<vmem>>[vector<16xi32>, vector<16xi32>], vector<16xf32>,
          %parallel_loop3A_960 = arith.constant 7 : i32
          %parallel_loop3A_961 = vector.broadcast %parallel_loop3A_960 : i32 to vector<16xi32>
          %parallel_loop3A_962 = arith.andi %parallel_loop3A_954, %parallel_loop3A_961 : vector<16xi32>
          %parallel_loop3A_963 = arith.constant 7 : i32
          %parallel_loop3A_964 = vector.broadcast %parallel_loop3A_963 : i32 to vector<16xi32>
          %parallel_loop3A_965 = arith.shli %parallel_loop3A_962, %parallel_loop3A_964 : vector<16xi32>
          %parallel_loop3A_966 = arith.addi %parallel_loop3A_965, %parallel_loop3A_191 : vector<16xi32>
          %parallel_loop3A_967 = arith.constant 3 : i32
          %parallel_loop3A_968 = vector.broadcast %parallel_loop3A_967 : i32 to vector<16xi32>
          %parallel_loop3A_969 = arith.shrsi %parallel_loop3A_954, %parallel_loop3A_968 : vector<16xi32>
          %parallel_loop3A_970 = arith.mulf %parallel_loop3A_959, %parallel_loop3A_139 : vector<16xf32>
          %parallel_loop3A_971 = arith.constant 0 : i32
          %parallel_loop3A_972 = arith.constant 0 : i32
          %parallel_loop3A_973 = tpu.memref_slice %arg9[%rem3A_50, %parallel_loop3A_971, %parallel_loop3A_972] : memref<3x4x4096xf32, #tpu.memory_space<vmem>> -> memref<1x4x4096xf32, #tpu.memory_space<vmem>>
          %parallel_loop3A_974 = tpu.memref_squeeze %parallel_loop3A_973 : memref<1x4x4096xf32, #tpu.memory_space<vmem>> -> memref<4x4096xf32, #tpu.memory_space<vmem>>
          tpu.vector_store_idx %parallel_loop3A_974[%parallel_loop3A_969, %parallel_loop3A_966], %parallel_loop3A_970 : memref<4x4096xf32, #tpu.memory_space<vmem>>[vector<16xi32>, vector<16xi32>], vector<16xf32>,
          %parallel_loop3A_975 = arith.constant 11 : i32
          %parallel_loop3A_976 = vector.broadcast %parallel_loop3A_975 : i32 to vector<16xi32>
          %parallel_loop3A_977 = arith.addi %iota3A, %parallel_loop3A_976 : vector<16xi32>
          %parallel_loop3A_978 = arith.constant 15 : i32
          %parallel_loop3A_979 = vector.broadcast %parallel_loop3A_978 : i32 to vector<16xi32>
          %parallel_loop3A_980 = arith.andi %parallel_loop3A_977, %parallel_loop3A_979 : vector<16xi32>
          %parallel_loop3A_981 = arith.constant 16 : i32
          %parallel_loop3A_982 = vector.broadcast %parallel_loop3A_981 : i32 to vector<16xi32>
          %parallel_loop3A_983 = arith.addi %parallel_loop3A_980, %parallel_loop3A_982 : vector<16xi32>
          %parallel_loop3A_984 = arith.constant 0 : i32
          %parallel_loop3A_985 = arith.constant 0 : i32
          %parallel_loop3A_986 = tpu.memref_slice %arg8[%rem3A_50, %parallel_loop3A_984, %parallel_loop3A_985] : memref<3x512x32xf32, #tpu.memory_space<vmem>> -> memref<1x512x32xf32, #tpu.memory_space<vmem>>
          %parallel_loop3A_987 = tpu.memref_squeeze %parallel_loop3A_986 : memref<1x512x32xf32, #tpu.memory_space<vmem>> -> memref<512x32xf32, #tpu.memory_space<vmem>>
          %parallel_loop3A_988 = tpu.vector_load_idx %parallel_loop3A_987[%parallel_loop3A_143, %parallel_loop3A_983] : memref<512x32xf32, #tpu.memory_space<vmem>>[vector<16xi32>, vector<16xi32>], vector<16xf32>,
          %parallel_loop3A_989 = arith.constant 7 : i32
          %parallel_loop3A_990 = vector.broadcast %parallel_loop3A_989 : i32 to vector<16xi32>
          %parallel_loop3A_991 = arith.andi %parallel_loop3A_983, %parallel_loop3A_990 : vector<16xi32>
          %parallel_loop3A_992 = arith.constant 7 : i32
          %parallel_loop3A_993 = vector.broadcast %parallel_loop3A_992 : i32 to vector<16xi32>
          %parallel_loop3A_994 = arith.shli %parallel_loop3A_991, %parallel_loop3A_993 : vector<16xi32>
          %parallel_loop3A_995 = arith.addi %parallel_loop3A_994, %parallel_loop3A_191 : vector<16xi32>
          %parallel_loop3A_996 = arith.constant 3 : i32
          %parallel_loop3A_997 = vector.broadcast %parallel_loop3A_996 : i32 to vector<16xi32>
          %parallel_loop3A_998 = arith.shrsi %parallel_loop3A_983, %parallel_loop3A_997 : vector<16xi32>
          %parallel_loop3A_999 = arith.mulf %parallel_loop3A_988, %parallel_loop3A_139 : vector<16xf32>
          %parallel_loop3A_1000 = arith.constant 0 : i32
          %parallel_loop3A_1001 = arith.constant 0 : i32
          %parallel_loop3A_1002 = tpu.memref_slice %arg9[%rem3A_50, %parallel_loop3A_1000, %parallel_loop3A_1001] : memref<3x4x4096xf32, #tpu.memory_space<vmem>> -> memref<1x4x4096xf32, #tpu.memory_space<vmem>>
          %parallel_loop3A_1003 = tpu.memref_squeeze %parallel_loop3A_1002 : memref<1x4x4096xf32, #tpu.memory_space<vmem>> -> memref<4x4096xf32, #tpu.memory_space<vmem>>
          tpu.vector_store_idx %parallel_loop3A_1003[%parallel_loop3A_998, %parallel_loop3A_995], %parallel_loop3A_999 : memref<4x4096xf32, #tpu.memory_space<vmem>>[vector<16xi32>, vector<16xi32>], vector<16xf32>,
          %parallel_loop3A_1004 = arith.constant 12 : i32
          %parallel_loop3A_1005 = vector.broadcast %parallel_loop3A_1004 : i32 to vector<16xi32>
          %parallel_loop3A_1006 = arith.addi %iota3A, %parallel_loop3A_1005 : vector<16xi32>
          %parallel_loop3A_1007 = arith.constant 15 : i32
          %parallel_loop3A_1008 = vector.broadcast %parallel_loop3A_1007 : i32 to vector<16xi32>
          %parallel_loop3A_1009 = arith.andi %parallel_loop3A_1006, %parallel_loop3A_1008 : vector<16xi32>
          %parallel_loop3A_1010 = arith.constant 16 : i32
          %parallel_loop3A_1011 = vector.broadcast %parallel_loop3A_1010 : i32 to vector<16xi32>
          %parallel_loop3A_1012 = arith.addi %parallel_loop3A_1009, %parallel_loop3A_1011 : vector<16xi32>
          %parallel_loop3A_1013 = arith.constant 0 : i32
          %parallel_loop3A_1014 = arith.constant 0 : i32
          %parallel_loop3A_1015 = tpu.memref_slice %arg8[%rem3A_50, %parallel_loop3A_1013, %parallel_loop3A_1014] : memref<3x512x32xf32, #tpu.memory_space<vmem>> -> memref<1x512x32xf32, #tpu.memory_space<vmem>>
          %parallel_loop3A_1016 = tpu.memref_squeeze %parallel_loop3A_1015 : memref<1x512x32xf32, #tpu.memory_space<vmem>> -> memref<512x32xf32, #tpu.memory_space<vmem>>
          %parallel_loop3A_1017 = tpu.vector_load_idx %parallel_loop3A_1016[%parallel_loop3A_143, %parallel_loop3A_1012] : memref<512x32xf32, #tpu.memory_space<vmem>>[vector<16xi32>, vector<16xi32>], vector<16xf32>,
          %parallel_loop3A_1018 = arith.constant 7 : i32
          %parallel_loop3A_1019 = vector.broadcast %parallel_loop3A_1018 : i32 to vector<16xi32>
          %parallel_loop3A_1020 = arith.andi %parallel_loop3A_1012, %parallel_loop3A_1019 : vector<16xi32>
          %parallel_loop3A_1021 = arith.constant 7 : i32
          %parallel_loop3A_1022 = vector.broadcast %parallel_loop3A_1021 : i32 to vector<16xi32>
          %parallel_loop3A_1023 = arith.shli %parallel_loop3A_1020, %parallel_loop3A_1022 : vector<16xi32>
          %parallel_loop3A_1024 = arith.addi %parallel_loop3A_1023, %parallel_loop3A_191 : vector<16xi32>
          %parallel_loop3A_1025 = arith.constant 3 : i32
          %parallel_loop3A_1026 = vector.broadcast %parallel_loop3A_1025 : i32 to vector<16xi32>
          %parallel_loop3A_1027 = arith.shrsi %parallel_loop3A_1012, %parallel_loop3A_1026 : vector<16xi32>
          %parallel_loop3A_1028 = arith.mulf %parallel_loop3A_1017, %parallel_loop3A_139 : vector<16xf32>
          %parallel_loop3A_1029 = arith.constant 0 : i32
          %parallel_loop3A_1030 = arith.constant 0 : i32
          %parallel_loop3A_1031 = tpu.memref_slice %arg9[%rem3A_50, %parallel_loop3A_1029, %parallel_loop3A_1030] : memref<3x4x4096xf32, #tpu.memory_space<vmem>> -> memref<1x4x4096xf32, #tpu.memory_space<vmem>>
          %parallel_loop3A_1032 = tpu.memref_squeeze %parallel_loop3A_1031 : memref<1x4x4096xf32, #tpu.memory_space<vmem>> -> memref<4x4096xf32, #tpu.memory_space<vmem>>
          tpu.vector_store_idx %parallel_loop3A_1032[%parallel_loop3A_1027, %parallel_loop3A_1024], %parallel_loop3A_1028 : memref<4x4096xf32, #tpu.memory_space<vmem>>[vector<16xi32>, vector<16xi32>], vector<16xf32>,
          %parallel_loop3A_1033 = arith.constant 13 : i32
          %parallel_loop3A_1034 = vector.broadcast %parallel_loop3A_1033 : i32 to vector<16xi32>
          %parallel_loop3A_1035 = arith.addi %iota3A, %parallel_loop3A_1034 : vector<16xi32>
          %parallel_loop3A_1036 = arith.constant 15 : i32
          %parallel_loop3A_1037 = vector.broadcast %parallel_loop3A_1036 : i32 to vector<16xi32>
          %parallel_loop3A_1038 = arith.andi %parallel_loop3A_1035, %parallel_loop3A_1037 : vector<16xi32>
          %parallel_loop3A_1039 = arith.constant 16 : i32
          %parallel_loop3A_1040 = vector.broadcast %parallel_loop3A_1039 : i32 to vector<16xi32>
          %parallel_loop3A_1041 = arith.addi %parallel_loop3A_1038, %parallel_loop3A_1040 : vector<16xi32>
          %parallel_loop3A_1042 = arith.constant 0 : i32
          %parallel_loop3A_1043 = arith.constant 0 : i32
          %parallel_loop3A_1044 = tpu.memref_slice %arg8[%rem3A_50, %parallel_loop3A_1042, %parallel_loop3A_1043] : memref<3x512x32xf32, #tpu.memory_space<vmem>> -> memref<1x512x32xf32, #tpu.memory_space<vmem>>
          %parallel_loop3A_1045 = tpu.memref_squeeze %parallel_loop3A_1044 : memref<1x512x32xf32, #tpu.memory_space<vmem>> -> memref<512x32xf32, #tpu.memory_space<vmem>>
          %parallel_loop3A_1046 = tpu.vector_load_idx %parallel_loop3A_1045[%parallel_loop3A_143, %parallel_loop3A_1041] : memref<512x32xf32, #tpu.memory_space<vmem>>[vector<16xi32>, vector<16xi32>], vector<16xf32>,
          %parallel_loop3A_1047 = arith.constant 7 : i32
          %parallel_loop3A_1048 = vector.broadcast %parallel_loop3A_1047 : i32 to vector<16xi32>
          %parallel_loop3A_1049 = arith.andi %parallel_loop3A_1041, %parallel_loop3A_1048 : vector<16xi32>
          %parallel_loop3A_1050 = arith.constant 7 : i32
          %parallel_loop3A_1051 = vector.broadcast %parallel_loop3A_1050 : i32 to vector<16xi32>
          %parallel_loop3A_1052 = arith.shli %parallel_loop3A_1049, %parallel_loop3A_1051 : vector<16xi32>
          %parallel_loop3A_1053 = arith.addi %parallel_loop3A_1052, %parallel_loop3A_191 : vector<16xi32>
          %parallel_loop3A_1054 = arith.constant 3 : i32
          %parallel_loop3A_1055 = vector.broadcast %parallel_loop3A_1054 : i32 to vector<16xi32>
          %parallel_loop3A_1056 = arith.shrsi %parallel_loop3A_1041, %parallel_loop3A_1055 : vector<16xi32>
          %parallel_loop3A_1057 = arith.mulf %parallel_loop3A_1046, %parallel_loop3A_139 : vector<16xf32>
          %parallel_loop3A_1058 = arith.constant 0 : i32
          %parallel_loop3A_1059 = arith.constant 0 : i32
          %parallel_loop3A_1060 = tpu.memref_slice %arg9[%rem3A_50, %parallel_loop3A_1058, %parallel_loop3A_1059] : memref<3x4x4096xf32, #tpu.memory_space<vmem>> -> memref<1x4x4096xf32, #tpu.memory_space<vmem>>
          %parallel_loop3A_1061 = tpu.memref_squeeze %parallel_loop3A_1060 : memref<1x4x4096xf32, #tpu.memory_space<vmem>> -> memref<4x4096xf32, #tpu.memory_space<vmem>>
          tpu.vector_store_idx %parallel_loop3A_1061[%parallel_loop3A_1056, %parallel_loop3A_1053], %parallel_loop3A_1057 : memref<4x4096xf32, #tpu.memory_space<vmem>>[vector<16xi32>, vector<16xi32>], vector<16xf32>,
          %parallel_loop3A_1062 = arith.constant 14 : i32
          %parallel_loop3A_1063 = vector.broadcast %parallel_loop3A_1062 : i32 to vector<16xi32>
          %parallel_loop3A_1064 = arith.addi %iota3A, %parallel_loop3A_1063 : vector<16xi32>
          %parallel_loop3A_1065 = arith.constant 15 : i32
          %parallel_loop3A_1066 = vector.broadcast %parallel_loop3A_1065 : i32 to vector<16xi32>
          %parallel_loop3A_1067 = arith.andi %parallel_loop3A_1064, %parallel_loop3A_1066 : vector<16xi32>
          %parallel_loop3A_1068 = arith.constant 16 : i32
          %parallel_loop3A_1069 = vector.broadcast %parallel_loop3A_1068 : i32 to vector<16xi32>
          %parallel_loop3A_1070 = arith.addi %parallel_loop3A_1067, %parallel_loop3A_1069 : vector<16xi32>
          %parallel_loop3A_1071 = arith.constant 0 : i32
          %parallel_loop3A_1072 = arith.constant 0 : i32
          %parallel_loop3A_1073 = tpu.memref_slice %arg8[%rem3A_50, %parallel_loop3A_1071, %parallel_loop3A_1072] : memref<3x512x32xf32, #tpu.memory_space<vmem>> -> memref<1x512x32xf32, #tpu.memory_space<vmem>>
          %parallel_loop3A_1074 = tpu.memref_squeeze %parallel_loop3A_1073 : memref<1x512x32xf32, #tpu.memory_space<vmem>> -> memref<512x32xf32, #tpu.memory_space<vmem>>
          %parallel_loop3A_1075 = tpu.vector_load_idx %parallel_loop3A_1074[%parallel_loop3A_143, %parallel_loop3A_1070] : memref<512x32xf32, #tpu.memory_space<vmem>>[vector<16xi32>, vector<16xi32>], vector<16xf32>,
          %parallel_loop3A_1076 = arith.constant 7 : i32
          %parallel_loop3A_1077 = vector.broadcast %parallel_loop3A_1076 : i32 to vector<16xi32>
          %parallel_loop3A_1078 = arith.andi %parallel_loop3A_1070, %parallel_loop3A_1077 : vector<16xi32>
          %parallel_loop3A_1079 = arith.constant 7 : i32
          %parallel_loop3A_1080 = vector.broadcast %parallel_loop3A_1079 : i32 to vector<16xi32>
          %parallel_loop3A_1081 = arith.shli %parallel_loop3A_1078, %parallel_loop3A_1080 : vector<16xi32>
          %parallel_loop3A_1082 = arith.addi %parallel_loop3A_1081, %parallel_loop3A_191 : vector<16xi32>
          %parallel_loop3A_1083 = arith.constant 3 : i32
          %parallel_loop3A_1084 = vector.broadcast %parallel_loop3A_1083 : i32 to vector<16xi32>
          %parallel_loop3A_1085 = arith.shrsi %parallel_loop3A_1070, %parallel_loop3A_1084 : vector<16xi32>
          %parallel_loop3A_1086 = arith.mulf %parallel_loop3A_1075, %parallel_loop3A_139 : vector<16xf32>
          %parallel_loop3A_1087 = arith.constant 0 : i32
          %parallel_loop3A_1088 = arith.constant 0 : i32
          %parallel_loop3A_1089 = tpu.memref_slice %arg9[%rem3A_50, %parallel_loop3A_1087, %parallel_loop3A_1088] : memref<3x4x4096xf32, #tpu.memory_space<vmem>> -> memref<1x4x4096xf32, #tpu.memory_space<vmem>>
          %parallel_loop3A_1090 = tpu.memref_squeeze %parallel_loop3A_1089 : memref<1x4x4096xf32, #tpu.memory_space<vmem>> -> memref<4x4096xf32, #tpu.memory_space<vmem>>
          tpu.vector_store_idx %parallel_loop3A_1090[%parallel_loop3A_1085, %parallel_loop3A_1082], %parallel_loop3A_1086 : memref<4x4096xf32, #tpu.memory_space<vmem>>[vector<16xi32>, vector<16xi32>], vector<16xf32>,
          %parallel_loop3A_1091 = arith.constant 15 : i32
          %parallel_loop3A_1092 = vector.broadcast %parallel_loop3A_1091 : i32 to vector<16xi32>
          %parallel_loop3A_1093 = arith.addi %iota3A, %parallel_loop3A_1092 : vector<16xi32>
          %parallel_loop3A_1094 = arith.constant 15 : i32
          %parallel_loop3A_1095 = vector.broadcast %parallel_loop3A_1094 : i32 to vector<16xi32>
          %parallel_loop3A_1096 = arith.andi %parallel_loop3A_1093, %parallel_loop3A_1095 : vector<16xi32>
          %parallel_loop3A_1097 = arith.constant 16 : i32
          %parallel_loop3A_1098 = vector.broadcast %parallel_loop3A_1097 : i32 to vector<16xi32>
          %parallel_loop3A_1099 = arith.addi %parallel_loop3A_1096, %parallel_loop3A_1098 : vector<16xi32>
          %parallel_loop3A_1100 = arith.constant 0 : i32
          %parallel_loop3A_1101 = arith.constant 0 : i32
          %parallel_loop3A_1102 = tpu.memref_slice %arg8[%rem3A_50, %parallel_loop3A_1100, %parallel_loop3A_1101] : memref<3x512x32xf32, #tpu.memory_space<vmem>> -> memref<1x512x32xf32, #tpu.memory_space<vmem>>
          %parallel_loop3A_1103 = tpu.memref_squeeze %parallel_loop3A_1102 : memref<1x512x32xf32, #tpu.memory_space<vmem>> -> memref<512x32xf32, #tpu.memory_space<vmem>>
          %parallel_loop3A_1104 = tpu.vector_load_idx %parallel_loop3A_1103[%parallel_loop3A_143, %parallel_loop3A_1099] : memref<512x32xf32, #tpu.memory_space<vmem>>[vector<16xi32>, vector<16xi32>], vector<16xf32>,
          %parallel_loop3A_1105 = arith.constant 7 : i32
          %parallel_loop3A_1106 = vector.broadcast %parallel_loop3A_1105 : i32 to vector<16xi32>
          %parallel_loop3A_1107 = arith.andi %parallel_loop3A_1099, %parallel_loop3A_1106 : vector<16xi32>
          %parallel_loop3A_1108 = arith.constant 7 : i32
          %parallel_loop3A_1109 = vector.broadcast %parallel_loop3A_1108 : i32 to vector<16xi32>
          %parallel_loop3A_1110 = arith.shli %parallel_loop3A_1107, %parallel_loop3A_1109 : vector<16xi32>
          %parallel_loop3A_1111 = arith.addi %parallel_loop3A_1110, %parallel_loop3A_191 : vector<16xi32>
          %parallel_loop3A_1112 = arith.constant 3 : i32
          %parallel_loop3A_1113 = vector.broadcast %parallel_loop3A_1112 : i32 to vector<16xi32>
          %parallel_loop3A_1114 = arith.shrsi %parallel_loop3A_1099, %parallel_loop3A_1113 : vector<16xi32>
          %parallel_loop3A_1115 = arith.mulf %parallel_loop3A_1104, %parallel_loop3A_139 : vector<16xf32>
          %parallel_loop3A_1116 = arith.constant 0 : i32
          %parallel_loop3A_1117 = arith.constant 0 : i32
          %parallel_loop3A_1118 = tpu.memref_slice %arg9[%rem3A_50, %parallel_loop3A_1116, %parallel_loop3A_1117] : memref<3x4x4096xf32, #tpu.memory_space<vmem>> -> memref<1x4x4096xf32, #tpu.memory_space<vmem>>
          %parallel_loop3A_1119 = tpu.memref_squeeze %parallel_loop3A_1118 : memref<1x4x4096xf32, #tpu.memory_space<vmem>> -> memref<4x4096xf32, #tpu.memory_space<vmem>>
          tpu.vector_store_idx %parallel_loop3A_1119[%parallel_loop3A_1114, %parallel_loop3A_1111], %parallel_loop3A_1115 : memref<4x4096xf32, #tpu.memory_space<vmem>>[vector<16xi32>, vector<16xi32>], vector<16xf32>,
        } {sc.loop_unroll_factor = 2 : i64, sc.parallel_access}
        %mul3A_68 = arith.constant 4 : i32
        %mul3A_69 = arith.muli %add3A_38, %mul3A_68 : i32
        %min3A = arith.constant 7809 : i32
        %min3A_70 = arith.minsi %mul3A_69, %min3A : i32
        %mul3A_71 = arith.constant 1024 : i32
        %mul3A_72 = arith.muli %min3A_70, %mul3A_71 : i32
        %dma_start3A = arith.constant 0 : i32
        %dma_start3A_73 = arith.constant 0 : i32
        %dma_start3A_74 = arith.constant 0 : i32
        %dma_start3A_75 = tpu.memref_slice %arg9[%rem3A_50, %dma_start3A, %dma_start3A_74] : memref<3x4x4096xf32, #tpu.memory_space<vmem>> -> memref<1x1x4096xf32, #tpu.memory_space<vmem>>
        %dma_start3A_76 = tpu.memref_squeeze %dma_start3A_75 : memref<1x1x4096xf32, #tpu.memory_space<vmem>> -> memref<4096xf32, #tpu.memory_space<vmem>>
        %dma_start3A_77 = tpu.memref_slice %arg4[%dma_start3A_73, %mul3A_72] : memref<4x8000512xf32, #tpu.memory_space<hbm>> -> memref<1x4096xf32, #tpu.memory_space<hbm>>
        %dma_start3A_78 = tpu.memref_squeeze %dma_start3A_77 : memref<1x4096xf32, #tpu.memory_space<hbm>> -> memref<4096xf32, #tpu.memory_space<hbm>>
        %dma_start3A_79 = tpu.memref_slice %arg12[%rem3A_50] : memref<3x!tpu.dma_semaphore, #tpu.memory_space<semaphore_mem>> -> memref<1x!tpu.dma_semaphore, #tpu.memory_space<semaphore_mem>>
        %dma_start3A_80 = tpu.memref_squeeze %dma_start3A_79 : memref<1x!tpu.dma_semaphore, #tpu.memory_space<semaphore_mem>> -> memref<!tpu.dma_semaphore, #tpu.memory_space<semaphore_mem>>
        %dma_start3A_81 = tpu.memref_slice %arg4[%dma_start3A_73, %mul3A_72] : memref<4x8000512xf32, #tpu.memory_space<hbm>> -> memref<1x4096xf32, #tpu.memory_space<hbm>>
        %dma_start3A_82 = tpu.memref_squeeze %dma_start3A_81 : memref<1x4096xf32, #tpu.memory_space<hbm>> -> memref<4096xf32, #tpu.memory_space<hbm>>
        %dma_start3A_83 = arith.constant 0 : i32
        %dma_start3A_84 = tpu.memref_slice %arg9[%rem3A_50, %dma_start3A, %dma_start3A_83] : memref<3x4x4096xf32, #tpu.memory_space<vmem>> -> memref<1x1x4096xf32, #tpu.memory_space<vmem>>
        %dma_start3A_85 = tpu.memref_squeeze %dma_start3A_84 : memref<1x1x4096xf32, #tpu.memory_space<vmem>> -> memref<4096xf32, #tpu.memory_space<vmem>>
        tpu.enqueue_dma source(%dma_start3A_85 : memref<4096xf32, #tpu.memory_space<vmem>>) target(%dma_start3A_82 : memref<4096xf32, #tpu.memory_space<hbm>>) target_semaphore(%dma_start3A_80 : memref<!tpu.dma_semaphore, #tpu.memory_space<semaphore_mem>>)
        %mul3A_86 = arith.constant 1024 : i32
        %mul3A_87 = arith.muli %min3A_70, %mul3A_86 : i32
        %dma_start3A_88 = arith.constant 1 : i32
        %dma_start3A_89 = arith.constant 1 : i32
        %dma_start3A_90 = arith.constant 0 : i32
        %dma_start3A_91 = tpu.memref_slice %arg9[%rem3A_50, %dma_start3A_88, %dma_start3A_90] : memref<3x4x4096xf32, #tpu.memory_space<vmem>> -> memref<1x1x4096xf32, #tpu.memory_space<vmem>>
        %dma_start3A_92 = tpu.memref_squeeze %dma_start3A_91 : memref<1x1x4096xf32, #tpu.memory_space<vmem>> -> memref<4096xf32, #tpu.memory_space<vmem>>
        %dma_start3A_93 = tpu.memref_slice %arg4[%dma_start3A_89, %mul3A_87] : memref<4x8000512xf32, #tpu.memory_space<hbm>> -> memref<1x4096xf32, #tpu.memory_space<hbm>>
        %dma_start3A_94 = tpu.memref_squeeze %dma_start3A_93 : memref<1x4096xf32, #tpu.memory_space<hbm>> -> memref<4096xf32, #tpu.memory_space<hbm>>
        %dma_start3A_95 = tpu.memref_slice %arg12[%rem3A_50] : memref<3x!tpu.dma_semaphore, #tpu.memory_space<semaphore_mem>> -> memref<1x!tpu.dma_semaphore, #tpu.memory_space<semaphore_mem>>
        %dma_start3A_96 = tpu.memref_squeeze %dma_start3A_95 : memref<1x!tpu.dma_semaphore, #tpu.memory_space<semaphore_mem>> -> memref<!tpu.dma_semaphore, #tpu.memory_space<semaphore_mem>>
        %dma_start3A_97 = tpu.memref_slice %arg4[%dma_start3A_89, %mul3A_87] : memref<4x8000512xf32, #tpu.memory_space<hbm>> -> memref<1x4096xf32, #tpu.memory_space<hbm>>
        %dma_start3A_98 = tpu.memref_squeeze %dma_start3A_97 : memref<1x4096xf32, #tpu.memory_space<hbm>> -> memref<4096xf32, #tpu.memory_space<hbm>>
        %dma_start3A_99 = arith.constant 0 : i32
        %dma_start3A_100 = tpu.memref_slice %arg9[%rem3A_50, %dma_start3A_88, %dma_start3A_99] : memref<3x4x4096xf32, #tpu.memory_space<vmem>> -> memref<1x1x4096xf32, #tpu.memory_space<vmem>>
        %dma_start3A_101 = tpu.memref_squeeze %dma_start3A_100 : memref<1x1x4096xf32, #tpu.memory_space<vmem>> -> memref<4096xf32, #tpu.memory_space<vmem>>
        tpu.enqueue_dma source(%dma_start3A_101 : memref<4096xf32, #tpu.memory_space<vmem>>) target(%dma_start3A_98 : memref<4096xf32, #tpu.memory_space<hbm>>) target_semaphore(%dma_start3A_96 : memref<!tpu.dma_semaphore, #tpu.memory_space<semaphore_mem>>)
        %mul3A_102 = arith.constant 1024 : i32
        %mul3A_103 = arith.muli %min3A_70, %mul3A_102 : i32
        %dma_start3A_104 = arith.constant 2 : i32
        %dma_start3A_105 = arith.constant 2 : i32
        %dma_start3A_106 = arith.constant 0 : i32
        %dma_start3A_107 = tpu.memref_slice %arg9[%rem3A_50, %dma_start3A_104, %dma_start3A_106] : memref<3x4x4096xf32, #tpu.memory_space<vmem>> -> memref<1x1x4096xf32, #tpu.memory_space<vmem>>
        %dma_start3A_108 = tpu.memref_squeeze %dma_start3A_107 : memref<1x1x4096xf32, #tpu.memory_space<vmem>> -> memref<4096xf32, #tpu.memory_space<vmem>>
        %dma_start3A_109 = tpu.memref_slice %arg4[%dma_start3A_105, %mul3A_103] : memref<4x8000512xf32, #tpu.memory_space<hbm>> -> memref<1x4096xf32, #tpu.memory_space<hbm>>
        %dma_start3A_110 = tpu.memref_squeeze %dma_start3A_109 : memref<1x4096xf32, #tpu.memory_space<hbm>> -> memref<4096xf32, #tpu.memory_space<hbm>>
        %dma_start3A_111 = tpu.memref_slice %arg12[%rem3A_50] : memref<3x!tpu.dma_semaphore, #tpu.memory_space<semaphore_mem>> -> memref<1x!tpu.dma_semaphore, #tpu.memory_space<semaphore_mem>>
        %dma_start3A_112 = tpu.memref_squeeze %dma_start3A_111 : memref<1x!tpu.dma_semaphore, #tpu.memory_space<semaphore_mem>> -> memref<!tpu.dma_semaphore, #tpu.memory_space<semaphore_mem>>
        %dma_start3A_113 = tpu.memref_slice %arg4[%dma_start3A_105, %mul3A_103] : memref<4x8000512xf32, #tpu.memory_space<hbm>> -> memref<1x4096xf32, #tpu.memory_space<hbm>>
        %dma_start3A_114 = tpu.memref_squeeze %dma_start3A_113 : memref<1x4096xf32, #tpu.memory_space<hbm>> -> memref<4096xf32, #tpu.memory_space<hbm>>
        %dma_start3A_115 = arith.constant 0 : i32
        %dma_start3A_116 = tpu.memref_slice %arg9[%rem3A_50, %dma_start3A_104, %dma_start3A_115] : memref<3x4x4096xf32, #tpu.memory_space<vmem>> -> memref<1x1x4096xf32, #tpu.memory_space<vmem>>
        %dma_start3A_117 = tpu.memref_squeeze %dma_start3A_116 : memref<1x1x4096xf32, #tpu.memory_space<vmem>> -> memref<4096xf32, #tpu.memory_space<vmem>>
        tpu.enqueue_dma source(%dma_start3A_117 : memref<4096xf32, #tpu.memory_space<vmem>>) target(%dma_start3A_114 : memref<4096xf32, #tpu.memory_space<hbm>>) target_semaphore(%dma_start3A_112 : memref<!tpu.dma_semaphore, #tpu.memory_space<semaphore_mem>>)
        %mul3A_118 = arith.constant 1024 : i32
        %mul3A_119 = arith.muli %min3A_70, %mul3A_118 : i32
        %dma_start3A_120 = arith.constant 3 : i32
        %dma_start3A_121 = arith.constant 3 : i32
        %dma_start3A_122 = arith.constant 0 : i32
        %dma_start3A_123 = tpu.memref_slice %arg9[%rem3A_50, %dma_start3A_120, %dma_start3A_122] : memref<3x4x4096xf32, #tpu.memory_space<vmem>> -> memref<1x1x4096xf32, #tpu.memory_space<vmem>>
        %dma_start3A_124 = tpu.memref_squeeze %dma_start3A_123 : memref<1x1x4096xf32, #tpu.memory_space<vmem>> -> memref<4096xf32, #tpu.memory_space<vmem>>
        %dma_start3A_125 = tpu.memref_slice %arg4[%dma_start3A_121, %mul3A_119] : memref<4x8000512xf32, #tpu.memory_space<hbm>> -> memref<1x4096xf32, #tpu.memory_space<hbm>>
        %dma_start3A_126 = tpu.memref_squeeze %dma_start3A_125 : memref<1x4096xf32, #tpu.memory_space<hbm>> -> memref<4096xf32, #tpu.memory_space<hbm>>
        %dma_start3A_127 = tpu.memref_slice %arg12[%rem3A_50] : memref<3x!tpu.dma_semaphore, #tpu.memory_space<semaphore_mem>> -> memref<1x!tpu.dma_semaphore, #tpu.memory_space<semaphore_mem>>
        %dma_start3A_128 = tpu.memref_squeeze %dma_start3A_127 : memref<1x!tpu.dma_semaphore, #tpu.memory_space<semaphore_mem>> -> memref<!tpu.dma_semaphore, #tpu.memory_space<semaphore_mem>>
        %dma_start3A_129 = tpu.memref_slice %arg4[%dma_start3A_121, %mul3A_119] : memref<4x8000512xf32, #tpu.memory_space<hbm>> -> memref<1x4096xf32, #tpu.memory_space<hbm>>
        %dma_start3A_130 = tpu.memref_squeeze %dma_start3A_129 : memref<1x4096xf32, #tpu.memory_space<hbm>> -> memref<4096xf32, #tpu.memory_space<hbm>>
        %dma_start3A_131 = arith.constant 0 : i32
        %dma_start3A_132 = tpu.memref_slice %arg9[%rem3A_50, %dma_start3A_120, %dma_start3A_131] : memref<3x4x4096xf32, #tpu.memory_space<vmem>> -> memref<1x1x4096xf32, #tpu.memory_space<vmem>>
        %dma_start3A_133 = tpu.memref_squeeze %dma_start3A_132 : memref<1x1x4096xf32, #tpu.memory_space<vmem>> -> memref<4096xf32, #tpu.memory_space<vmem>>
        tpu.enqueue_dma source(%dma_start3A_133 : memref<4096xf32, #tpu.memory_space<vmem>>) target(%dma_start3A_130 : memref<4096xf32, #tpu.memory_space<hbm>>) target_semaphore(%dma_start3A_128 : memref<!tpu.dma_semaphore, #tpu.memory_space<semaphore_mem>>)
      } else {
      }
    }
    %scan3A_5 = arith.constant 64 : i32
    %scan3A_6 = arith.constant 0 : i32
    %scan3A_7 = arith.constant 0 : i32
    %scan3A_8 = arith.constant 4 : i32
    %scan3A_9 = arith.addi %scan3A_7, %scan3A_8 : i32
    %scan3A_10 = arith.constant 1 : i32
    scf.for %scan3A_12 = %scan3A_7 to %scan3A_9 step %scan3A_10  : i32 {
      %sub3A = arith.constant 61 : i32
      %sub3A_13 = arith.subi %sub3A, %scan3A_12 : i32
      %mul3A_14 = arith.constant 32 : i32
      %mul3A_15 = arith.muli %sub3A_13, %mul3A_14 : i32
      %add3A_16 = arith.addi %mul3A_15, %add3A : i32
      %ge3A = arith.constant 0 : i32
      %ge3A_17 = arith.cmpi sge, %sub3A_13, %ge3A : i32
      %lt3A = arith.constant 1954 : i32
      %lt3A_18 = arith.cmpi slt, %add3A_16, %lt3A : i32
      %and3A = arith.andi %ge3A_17, %lt3A_18 : i1
      %add3A_19 = arith.constant 3 : i32
      %add3A_20 = arith.addi %sub3A_13, %add3A_19 : i32
      %mul3A_21 = arith.constant 32 : i32
      %mul3A_22 = arith.muli %add3A_20, %mul3A_21 : i32
      %add3A_23 = arith.addi %mul3A_22, %add3A : i32
      %ge3A_24 = arith.constant 1954 : i32
      %ge3A_25 = arith.cmpi sge, %add3A_23, %ge3A_24 : i32
      %and3A_26 = arith.andi %and3A, %ge3A_25 : i1
      %convert_element_type3A = arith.extui %and3A_26 : i1 to i32
      %cond3A = arith.constant 0 : i32
      %cond3A_27 = arith.cmpi ne, %convert_element_type3A, %cond3A : i32
      scf.if %cond3A_27 {
        %rem3A = arith.constant 3 : i32
        %rem3A_28 = arith.remsi %sub3A_13, %rem3A : i32
        %dma_wait3A = arith.constant 0 : i32
        %dma_wait3A_29 = arith.constant 0 : i32
        %dma_wait3A_30 = tpu.memref_slice %arg9[%rem3A_28, %dma_wait3A, %dma_wait3A_29] : memref<3x4x4096xf32, #tpu.memory_space<vmem>> -> memref<1x4x4096xf32, #tpu.memory_space<vmem>>
        %dma_wait3A_31 = tpu.memref_squeeze %dma_wait3A_30 : memref<1x4x4096xf32, #tpu.memory_space<vmem>> -> memref<4x4096xf32, #tpu.memory_space<vmem>>
        %dma_wait3A_32 = arith.constant 0 : i32
        %dma_wait3A_33 = arith.constant 0 : i32
        %dma_wait3A_34 = tpu.memref_slice %arg4[%dma_wait3A_32, %dma_wait3A_33] : memref<4x8000512xf32, #tpu.memory_space<hbm>> -> memref<4x4096xf32, #tpu.memory_space<hbm>>
        %dma_wait3A_35 = tpu.memref_slice %arg12[%rem3A_28] : memref<3x!tpu.dma_semaphore, #tpu.memory_space<semaphore_mem>> -> memref<1x!tpu.dma_semaphore, #tpu.memory_space<semaphore_mem>>
        %dma_wait3A_36 = tpu.memref_squeeze %dma_wait3A_35 : memref<1x!tpu.dma_semaphore, #tpu.memory_space<semaphore_mem>> -> memref<!tpu.dma_semaphore, #tpu.memory_space<semaphore_mem>>
        %dma_wait3A_37 = arith.constant 0 : i32
        %dma_wait3A_38 = arith.constant 0 : i32
        %dma_wait3A_39 = tpu.memref_slice %arg4[%dma_wait3A_37, %dma_wait3A_38] : memref<4x8000512xf32, #tpu.memory_space<hbm>> -> memref<4x4096xf32, #tpu.memory_space<hbm>>
        %dma_wait3A_40 = arith.constant 0 : i32
        %dma_wait3A_41 = arith.constant 0 : i32
        %dma_wait3A_42 = tpu.memref_slice %arg9[%rem3A_28, %dma_wait3A_40, %dma_wait3A_41] : memref<3x4x4096xf32, #tpu.memory_space<vmem>> -> memref<1x4x4096xf32, #tpu.memory_space<vmem>>
        %dma_wait3A_43 = tpu.memref_squeeze %dma_wait3A_42 : memref<1x4x4096xf32, #tpu.memory_space<vmem>> -> memref<4x4096xf32, #tpu.memory_space<vmem>>
        tpu.wait_dma2 semaphore(%dma_wait3A_36 : memref<!tpu.dma_semaphore, #tpu.memory_space<semaphore_mem>>) src(%dma_wait3A_43 : memref<4x4096xf32, #tpu.memory_space<vmem>>) dst(%dma_wait3A_39 : memref<4x4096xf32, #tpu.memory_space<hbm>>)
      } else {
      }
    }
    %scan3A_11 = arith.constant 4 : i32
    return
  }
}

#map = affine_map<(d0, d1) -> (0, 0)>
module attributes {stable_mosaic.version = 14 : i64} {
  func.func @conv(%arg0: i32, %arg1: i32, %arg2: memref<32x500000xf32, #tpu.memory_space<hbm>>, %arg3: memref<8x128xf32, #tpu.memory_space<hbm>>, %arg4: memref<125000x128xf32, #tpu.memory_space<hbm>>, %arg5: memref<2x32x256xf32, #tpu.memory_space<vmem>>, %arg6: memref<2x64x128xf32, #tpu.memory_space<vmem>>, %arg7: memref<2x!tpu.dma_semaphore, #tpu.memory_space<semaphore_mem>>, %arg8: memref<2x!tpu.dma_semaphore, #tpu.memory_space<semaphore_mem>>) attributes {dimension_semantics = [#tpu.dimension_semantics<core_parallel>, #tpu.dimension_semantics<subcore_parallel>], iteration_bounds = array<i64: 2, 16>, scalar_prefetch = 0 : i64, scratch_operands = 4 : i64, tpu.core_type = #tpu.core_type<sc_vector_subcore>, window_params = [{transform_indices = #map}, {transform_indices = #map}, {transform_indices = #map}]} {
    %mul3A = arith.constant 2 : i32
    %mul3A_0 = arith.muli %arg1, %mul3A : i32
    %add3A = arith.addi %mul3A_0, %arg0 : i32
    %iota3A = tpu.iota {dimensions = array<i32: 0>} : vector<16xi32>
    %eq3A = arith.constant 0 : i32
    %eq3A_1 = arith.cmpi eq, %add3A, %eq3A : i32
    %convert_element_type3A = arith.extui %eq3A_1 : i1 to i32
    %cond3A = arith.constant 0 : i32
    %cond3A_2 = arith.cmpi ne, %convert_element_type3A, %cond3A : i32
    scf.if %cond3A_2 {
      "tpu.region"() ({
        %run_scoped3A = tpu.sem_alloc : memref<!tpu.dma_semaphore, #tpu.memory_space<semaphore_mem>>
        %dma_start3A = arith.constant 124992 : i32
        %dma_start3A_14 = arith.constant 0 : i32
        %dma_start3A_15 = tpu.memref_slice %arg4[%dma_start3A, %dma_start3A_14] : memref<125000x128xf32, #tpu.memory_space<hbm>> -> memref<8x128xf32, #tpu.memory_space<hbm>>
        tpu.enqueue_dma source(%arg3 : memref<8x128xf32, #tpu.memory_space<hbm>>) target(%dma_start3A_15 : memref<8x128xf32, #tpu.memory_space<hbm>>) target_semaphore(%run_scoped3A : memref<!tpu.dma_semaphore, #tpu.memory_space<semaphore_mem>>)
        %dma_wait3A = arith.constant 124992 : i32
        %dma_wait3A_16 = arith.constant 0 : i32
        %dma_wait3A_17 = tpu.memref_slice %arg4[%dma_wait3A, %dma_wait3A_16] : memref<125000x128xf32, #tpu.memory_space<hbm>> -> memref<8x128xf32, #tpu.memory_space<hbm>>
        tpu.wait_dma2 semaphore(%run_scoped3A : memref<!tpu.dma_semaphore, #tpu.memory_space<semaphore_mem>>) src(%arg3 : memref<8x128xf32, #tpu.memory_space<hbm>>) dst(%dma_wait3A_17 : memref<8x128xf32, #tpu.memory_space<hbm>>)
        tpu.yield
      }) : () -> ()
    } else {
    }
    %scan3A = arith.constant 0 : i32
    %scan3A_3 = arith.constant 0 : i32
    %scan3A_4 = arith.constant 63 : i32
    %scan3A_5 = arith.addi %scan3A_3, %scan3A_4 : i32
    %scan3A_6 = arith.constant 1 : i32
    scf.for %scan3A_14 = %scan3A_3 to %scan3A_5 step %scan3A_6  : i32 {
      %mul3A_15 = arith.constant 32 : i32
      %mul3A_16 = arith.muli %scan3A_14, %mul3A_15 : i32
      %add3A_17 = arith.addi %mul3A_16, %add3A : i32
      %lt3A = arith.constant 62 : i32
      %lt3A_18 = arith.cmpi slt, %scan3A_14, %lt3A : i32
      %lt3A_19 = arith.constant 1953 : i32
      %lt3A_20 = arith.cmpi slt, %add3A_17, %lt3A_19 : i32
      %and3A = arith.andi %lt3A_18, %lt3A_20 : i1
      %convert_element_type3A_21 = arith.extui %and3A : i1 to i32
      %cond3A_22 = arith.constant 0 : i32
      %cond3A_23 = arith.cmpi ne, %convert_element_type3A_21, %cond3A_22 : i32
      scf.if %cond3A_23 {
        %rem3A = arith.constant 2 : i32
        %rem3A_40 = arith.remsi %scan3A_14, %rem3A : i32
        %mul3A_41 = arith.constant 256 : i32
        %mul3A_42 = arith.muli %add3A_17, %mul3A_41 : i32
        %dma_start3A = arith.constant 0 : i32
        %dma_start3A_43 = arith.constant 0 : i32
        %dma_start3A_44 = tpu.memref_slice %arg5[%rem3A_40, %dma_start3A, %dma_start3A_43] : memref<2x32x256xf32, #tpu.memory_space<vmem>> -> memref<1x32x256xf32, #tpu.memory_space<vmem>>
        %dma_start3A_45 = tpu.memref_squeeze %dma_start3A_44 : memref<1x32x256xf32, #tpu.memory_space<vmem>> -> memref<32x256xf32, #tpu.memory_space<vmem>>
        %dma_start3A_46 = arith.constant 0 : i32
        %dma_start3A_47 = tpu.memref_slice %arg2[%dma_start3A_46, %mul3A_42] : memref<32x500000xf32, #tpu.memory_space<hbm>> -> memref<32x256xf32, #tpu.memory_space<hbm>>
        %dma_start3A_48 = tpu.memref_slice %arg7[%rem3A_40] : memref<2x!tpu.dma_semaphore, #tpu.memory_space<semaphore_mem>> -> memref<1x!tpu.dma_semaphore, #tpu.memory_space<semaphore_mem>>
        %dma_start3A_49 = tpu.memref_squeeze %dma_start3A_48 : memref<1x!tpu.dma_semaphore, #tpu.memory_space<semaphore_mem>> -> memref<!tpu.dma_semaphore, #tpu.memory_space<semaphore_mem>>
        %dma_start3A_50 = arith.constant 0 : i32
        %dma_start3A_51 = arith.constant 0 : i32
        %dma_start3A_52 = tpu.memref_slice %arg5[%rem3A_40, %dma_start3A_50, %dma_start3A_51] : memref<2x32x256xf32, #tpu.memory_space<vmem>> -> memref<1x32x256xf32, #tpu.memory_space<vmem>>
        %dma_start3A_53 = tpu.memref_squeeze %dma_start3A_52 : memref<1x32x256xf32, #tpu.memory_space<vmem>> -> memref<32x256xf32, #tpu.memory_space<vmem>>
        %dma_start3A_54 = arith.constant 0 : i32
        %dma_start3A_55 = tpu.memref_slice %arg2[%dma_start3A_54, %mul3A_42] : memref<32x500000xf32, #tpu.memory_space<hbm>> -> memref<32x256xf32, #tpu.memory_space<hbm>>
        tpu.enqueue_dma source(%dma_start3A_55 : memref<32x256xf32, #tpu.memory_space<hbm>>) target(%dma_start3A_53 : memref<32x256xf32, #tpu.memory_space<vmem>>) target_semaphore(%dma_start3A_49 : memref<!tpu.dma_semaphore, #tpu.memory_space<semaphore_mem>>)
      } else {
      }
      %sub3A = arith.constant 1 : i32
      %sub3A_24 = arith.subi %scan3A_14, %sub3A : i32
      %mul3A_25 = arith.constant 32 : i32
      %mul3A_26 = arith.muli %sub3A_24, %mul3A_25 : i32
      %add3A_27 = arith.addi %mul3A_26, %add3A : i32
      %ge3A = arith.constant 1 : i32
      %ge3A_28 = arith.cmpi sge, %scan3A_14, %ge3A : i32
      %sub3A_29 = arith.constant 1 : i32
      %sub3A_30 = arith.subi %scan3A_14, %sub3A_29 : i32
      %lt3A_31 = arith.constant 62 : i32
      %lt3A_32 = arith.cmpi slt, %sub3A_30, %lt3A_31 : i32
      %and3A_33 = arith.andi %ge3A_28, %lt3A_32 : i1
      %lt3A_34 = arith.constant 1953 : i32
      %lt3A_35 = arith.cmpi slt, %add3A_27, %lt3A_34 : i32
      %and3A_36 = arith.andi %and3A_33, %lt3A_35 : i1
      %convert_element_type3A_37 = arith.extui %and3A_36 : i1 to i32
      %cond3A_38 = arith.constant 0 : i32
      %cond3A_39 = arith.cmpi ne, %convert_element_type3A_37, %cond3A_38 : i32
      scf.if %cond3A_39 {
        %sub3A_40 = arith.constant 1 : i32
        %sub3A_41 = arith.subi %scan3A_14, %sub3A_40 : i32
        %rem3A = arith.constant 2 : i32
        %rem3A_42 = arith.remsi %sub3A_41, %rem3A : i32
        %dma_wait3A = arith.constant 0 : i32
        %dma_wait3A_43 = arith.constant 0 : i32
        %dma_wait3A_44 = tpu.memref_slice %arg5[%rem3A_42, %dma_wait3A, %dma_wait3A_43] : memref<2x32x256xf32, #tpu.memory_space<vmem>> -> memref<1x32x256xf32, #tpu.memory_space<vmem>>
        %dma_wait3A_45 = tpu.memref_squeeze %dma_wait3A_44 : memref<1x32x256xf32, #tpu.memory_space<vmem>> -> memref<32x256xf32, #tpu.memory_space<vmem>>
        %dma_wait3A_46 = arith.constant 0 : i32
        %dma_wait3A_47 = arith.constant 0 : i32
        %dma_wait3A_48 = tpu.memref_slice %arg2[%dma_wait3A_46, %dma_wait3A_47] : memref<32x500000xf32, #tpu.memory_space<hbm>> -> memref<32x256xf32, #tpu.memory_space<hbm>>
        %dma_wait3A_49 = tpu.memref_slice %arg7[%rem3A_42] : memref<2x!tpu.dma_semaphore, #tpu.memory_space<semaphore_mem>> -> memref<1x!tpu.dma_semaphore, #tpu.memory_space<semaphore_mem>>
        %dma_wait3A_50 = tpu.memref_squeeze %dma_wait3A_49 : memref<1x!tpu.dma_semaphore, #tpu.memory_space<semaphore_mem>> -> memref<!tpu.dma_semaphore, #tpu.memory_space<semaphore_mem>>
        %dma_wait3A_51 = arith.constant 0 : i32
        %dma_wait3A_52 = arith.constant 0 : i32
        %dma_wait3A_53 = tpu.memref_slice %arg5[%rem3A_42, %dma_wait3A_51, %dma_wait3A_52] : memref<2x32x256xf32, #tpu.memory_space<vmem>> -> memref<1x32x256xf32, #tpu.memory_space<vmem>>
        %dma_wait3A_54 = tpu.memref_squeeze %dma_wait3A_53 : memref<1x32x256xf32, #tpu.memory_space<vmem>> -> memref<32x256xf32, #tpu.memory_space<vmem>>
        %dma_wait3A_55 = arith.constant 0 : i32
        %dma_wait3A_56 = arith.constant 0 : i32
        %dma_wait3A_57 = tpu.memref_slice %arg2[%dma_wait3A_55, %dma_wait3A_56] : memref<32x500000xf32, #tpu.memory_space<hbm>> -> memref<32x256xf32, #tpu.memory_space<hbm>>
        tpu.wait_dma2 semaphore(%dma_wait3A_50 : memref<!tpu.dma_semaphore, #tpu.memory_space<semaphore_mem>>) src(%dma_wait3A_57 : memref<32x256xf32, #tpu.memory_space<hbm>>) dst(%dma_wait3A_54 : memref<32x256xf32, #tpu.memory_space<vmem>>)
        %sub3A_58 = arith.constant 3 : i32
        %sub3A_59 = arith.subi %scan3A_14, %sub3A_58 : i32
        %mul3A_60 = arith.constant 32 : i32
        %mul3A_61 = arith.muli %sub3A_59, %mul3A_60 : i32
        %add3A_62 = arith.addi %mul3A_61, %add3A : i32
        %ge3A_63 = arith.constant 3 : i32
        %ge3A_64 = arith.cmpi sge, %scan3A_14, %ge3A_63 : i32
        %lt3A_65 = arith.constant 1953 : i32
        %lt3A_66 = arith.cmpi slt, %add3A_62, %lt3A_65 : i32
        %and3A_67 = arith.andi %ge3A_64, %lt3A_66 : i1
        %convert_element_type3A_68 = arith.extui %and3A_67 : i1 to i32
        %cond3A_69 = arith.constant 0 : i32
        %cond3A_70 = arith.cmpi ne, %convert_element_type3A_68, %cond3A_69 : i32
        scf.if %cond3A_70 {
          %dma_wait3A_91 = arith.constant 0 : i32
          %dma_wait3A_92 = arith.constant 0 : i32
          %dma_wait3A_93 = tpu.memref_slice %arg6[%rem3A_42, %dma_wait3A_91, %dma_wait3A_92] : memref<2x64x128xf32, #tpu.memory_space<vmem>> -> memref<1x64x128xf32, #tpu.memory_space<vmem>>
          %dma_wait3A_94 = tpu.memref_squeeze %dma_wait3A_93 : memref<1x64x128xf32, #tpu.memory_space<vmem>> -> memref<64x128xf32, #tpu.memory_space<vmem>>
          %dma_wait3A_95 = arith.constant 0 : i32
          %dma_wait3A_96 = arith.constant 0 : i32
          %dma_wait3A_97 = tpu.memref_slice %arg4[%dma_wait3A_95, %dma_wait3A_96] : memref<125000x128xf32, #tpu.memory_space<hbm>> -> memref<64x128xf32, #tpu.memory_space<hbm>>
          %dma_wait3A_98 = tpu.memref_slice %arg8[%rem3A_42] : memref<2x!tpu.dma_semaphore, #tpu.memory_space<semaphore_mem>> -> memref<1x!tpu.dma_semaphore, #tpu.memory_space<semaphore_mem>>
          %dma_wait3A_99 = tpu.memref_squeeze %dma_wait3A_98 : memref<1x!tpu.dma_semaphore, #tpu.memory_space<semaphore_mem>> -> memref<!tpu.dma_semaphore, #tpu.memory_space<semaphore_mem>>
          %dma_wait3A_100 = arith.constant 0 : i32
          %dma_wait3A_101 = arith.constant 0 : i32
          %dma_wait3A_102 = tpu.memref_slice %arg4[%dma_wait3A_100, %dma_wait3A_101] : memref<125000x128xf32, #tpu.memory_space<hbm>> -> memref<64x128xf32, #tpu.memory_space<hbm>>
          %dma_wait3A_103 = arith.constant 0 : i32
          %dma_wait3A_104 = arith.constant 0 : i32
          %dma_wait3A_105 = tpu.memref_slice %arg6[%rem3A_42, %dma_wait3A_103, %dma_wait3A_104] : memref<2x64x128xf32, #tpu.memory_space<vmem>> -> memref<1x64x128xf32, #tpu.memory_space<vmem>>
          %dma_wait3A_106 = tpu.memref_squeeze %dma_wait3A_105 : memref<1x64x128xf32, #tpu.memory_space<vmem>> -> memref<64x128xf32, #tpu.memory_space<vmem>>
          tpu.wait_dma2 semaphore(%dma_wait3A_99 : memref<!tpu.dma_semaphore, #tpu.memory_space<semaphore_mem>>) src(%dma_wait3A_106 : memref<64x128xf32, #tpu.memory_space<vmem>>) dst(%dma_wait3A_102 : memref<64x128xf32, #tpu.memory_space<hbm>>)
        } else {
        }
        %mul3A_71 = arith.constant 32 : i32
        %mul3A_72 = vector.broadcast %mul3A_71 : i32 to vector<16xi32>
        %mul3A_73 = arith.muli %iota3A, %mul3A_72 : vector<16xi32>
        %parallel_loop3A = arith.constant 0 : i32
        %parallel_loop3A_74 = arith.constant 16 : i32
        %parallel_loop3A_75 = arith.constant 1 : i32
        scf.for %parallel_loop3A_91 = %parallel_loop3A to %parallel_loop3A_74 step %parallel_loop3A_75  : i32 {
          %parallel_loop3A_92 = arith.constant 16 : i32
          %parallel_loop3A_93 = arith.muli %parallel_loop3A_91, %parallel_loop3A_92 : i32
          %parallel_loop3A_94 = vector.broadcast %parallel_loop3A_93 : i32 to vector<16xi32>
          %parallel_loop3A_95 = arith.addi %iota3A, %parallel_loop3A_94 : vector<16xi32>
          %parallel_loop3A_96 = arith.constant 512 : i32
          %parallel_loop3A_97 = arith.muli %parallel_loop3A_91, %parallel_loop3A_96 : i32
          %parallel_loop3A_98 = vector.broadcast %parallel_loop3A_97 : i32 to vector<16xi32>
          %parallel_loop3A_99 = arith.addi %mul3A_73, %parallel_loop3A_98 : vector<16xi32>
          %parallel_loop3A_100 = arith.constant 0 : i32
          %parallel_loop3A_101 = vector.broadcast %parallel_loop3A_100 : i32 to vector<16xi32>
          %parallel_loop3A_102 = arith.addi %iota3A, %parallel_loop3A_101 : vector<16xi32>
          %parallel_loop3A_103 = arith.constant 31 : i32
          %parallel_loop3A_104 = vector.broadcast %parallel_loop3A_103 : i32 to vector<16xi32>
          %parallel_loop3A_105 = arith.andi %parallel_loop3A_102, %parallel_loop3A_104 : vector<16xi32>
          %parallel_loop3A_106 = arith.constant 0 : i32
          %parallel_loop3A_107 = arith.constant 0 : i32
          %parallel_loop3A_108 = tpu.memref_slice %arg5[%rem3A_42, %parallel_loop3A_106, %parallel_loop3A_107] : memref<2x32x256xf32, #tpu.memory_space<vmem>> -> memref<1x32x256xf32, #tpu.memory_space<vmem>>
          %parallel_loop3A_109 = tpu.memref_squeeze %parallel_loop3A_108 : memref<1x32x256xf32, #tpu.memory_space<vmem>> -> memref<32x256xf32, #tpu.memory_space<vmem>>
          %parallel_loop3A_110 = tpu.vector_load_idx %parallel_loop3A_109[%parallel_loop3A_105, %parallel_loop3A_95] : memref<32x256xf32, #tpu.memory_space<vmem>>[vector<16xi32>, vector<16xi32>], vector<16xf32>,
          %parallel_loop3A_111 = arith.addi %parallel_loop3A_99, %parallel_loop3A_105 : vector<16xi32>
          %parallel_loop3A_112 = arith.constant 7 : i32
          %parallel_loop3A_113 = vector.broadcast %parallel_loop3A_112 : i32 to vector<16xi32>
          %parallel_loop3A_114 = arith.shrsi %parallel_loop3A_111, %parallel_loop3A_113 : vector<16xi32>
          %parallel_loop3A_115 = arith.constant 127 : i32
          %parallel_loop3A_116 = vector.broadcast %parallel_loop3A_115 : i32 to vector<16xi32>
          %parallel_loop3A_117 = arith.andi %parallel_loop3A_111, %parallel_loop3A_116 : vector<16xi32>
          %parallel_loop3A_118 = arith.constant 0 : i32
          %parallel_loop3A_119 = arith.constant 0 : i32
          %parallel_loop3A_120 = tpu.memref_slice %arg6[%rem3A_42, %parallel_loop3A_118, %parallel_loop3A_119] : memref<2x64x128xf32, #tpu.memory_space<vmem>> -> memref<1x64x128xf32, #tpu.memory_space<vmem>>
          %parallel_loop3A_121 = tpu.memref_squeeze %parallel_loop3A_120 : memref<1x64x128xf32, #tpu.memory_space<vmem>> -> memref<64x128xf32, #tpu.memory_space<vmem>>
          tpu.vector_store_idx %parallel_loop3A_121[%parallel_loop3A_114, %parallel_loop3A_117], %parallel_loop3A_110 : memref<64x128xf32, #tpu.memory_space<vmem>>[vector<16xi32>, vector<16xi32>], vector<16xf32>,
          %parallel_loop3A_122 = arith.constant 1 : i32
          %parallel_loop3A_123 = vector.broadcast %parallel_loop3A_122 : i32 to vector<16xi32>
          %parallel_loop3A_124 = arith.addi %iota3A, %parallel_loop3A_123 : vector<16xi32>
          %parallel_loop3A_125 = arith.constant 31 : i32
          %parallel_loop3A_126 = vector.broadcast %parallel_loop3A_125 : i32 to vector<16xi32>
          %parallel_loop3A_127 = arith.andi %parallel_loop3A_124, %parallel_loop3A_126 : vector<16xi32>
          %parallel_loop3A_128 = arith.constant 0 : i32
          %parallel_loop3A_129 = arith.constant 0 : i32
          %parallel_loop3A_130 = tpu.memref_slice %arg5[%rem3A_42, %parallel_loop3A_128, %parallel_loop3A_129] : memref<2x32x256xf32, #tpu.memory_space<vmem>> -> memref<1x32x256xf32, #tpu.memory_space<vmem>>
          %parallel_loop3A_131 = tpu.memref_squeeze %parallel_loop3A_130 : memref<1x32x256xf32, #tpu.memory_space<vmem>> -> memref<32x256xf32, #tpu.memory_space<vmem>>
          %parallel_loop3A_132 = tpu.vector_load_idx %parallel_loop3A_131[%parallel_loop3A_127, %parallel_loop3A_95] : memref<32x256xf32, #tpu.memory_space<vmem>>[vector<16xi32>, vector<16xi32>], vector<16xf32>,
          %parallel_loop3A_133 = arith.addi %parallel_loop3A_99, %parallel_loop3A_127 : vector<16xi32>
          %parallel_loop3A_134 = arith.constant 7 : i32
          %parallel_loop3A_135 = vector.broadcast %parallel_loop3A_134 : i32 to vector<16xi32>
          %parallel_loop3A_136 = arith.shrsi %parallel_loop3A_133, %parallel_loop3A_135 : vector<16xi32>
          %parallel_loop3A_137 = arith.constant 127 : i32
          %parallel_loop3A_138 = vector.broadcast %parallel_loop3A_137 : i32 to vector<16xi32>
          %parallel_loop3A_139 = arith.andi %parallel_loop3A_133, %parallel_loop3A_138 : vector<16xi32>
          %parallel_loop3A_140 = arith.constant 0 : i32
          %parallel_loop3A_141 = arith.constant 0 : i32
          %parallel_loop3A_142 = tpu.memref_slice %arg6[%rem3A_42, %parallel_loop3A_140, %parallel_loop3A_141] : memref<2x64x128xf32, #tpu.memory_space<vmem>> -> memref<1x64x128xf32, #tpu.memory_space<vmem>>
          %parallel_loop3A_143 = tpu.memref_squeeze %parallel_loop3A_142 : memref<1x64x128xf32, #tpu.memory_space<vmem>> -> memref<64x128xf32, #tpu.memory_space<vmem>>
          tpu.vector_store_idx %parallel_loop3A_143[%parallel_loop3A_136, %parallel_loop3A_139], %parallel_loop3A_132 : memref<64x128xf32, #tpu.memory_space<vmem>>[vector<16xi32>, vector<16xi32>], vector<16xf32>,
          %parallel_loop3A_144 = arith.constant 2 : i32
          %parallel_loop3A_145 = vector.broadcast %parallel_loop3A_144 : i32 to vector<16xi32>
          %parallel_loop3A_146 = arith.addi %iota3A, %parallel_loop3A_145 : vector<16xi32>
          %parallel_loop3A_147 = arith.constant 31 : i32
          %parallel_loop3A_148 = vector.broadcast %parallel_loop3A_147 : i32 to vector<16xi32>
          %parallel_loop3A_149 = arith.andi %parallel_loop3A_146, %parallel_loop3A_148 : vector<16xi32>
          %parallel_loop3A_150 = arith.constant 0 : i32
          %parallel_loop3A_151 = arith.constant 0 : i32
          %parallel_loop3A_152 = tpu.memref_slice %arg5[%rem3A_42, %parallel_loop3A_150, %parallel_loop3A_151] : memref<2x32x256xf32, #tpu.memory_space<vmem>> -> memref<1x32x256xf32, #tpu.memory_space<vmem>>
          %parallel_loop3A_153 = tpu.memref_squeeze %parallel_loop3A_152 : memref<1x32x256xf32, #tpu.memory_space<vmem>> -> memref<32x256xf32, #tpu.memory_space<vmem>>
          %parallel_loop3A_154 = tpu.vector_load_idx %parallel_loop3A_153[%parallel_loop3A_149, %parallel_loop3A_95] : memref<32x256xf32, #tpu.memory_space<vmem>>[vector<16xi32>, vector<16xi32>], vector<16xf32>,
          %parallel_loop3A_155 = arith.addi %parallel_loop3A_99, %parallel_loop3A_149 : vector<16xi32>
          %parallel_loop3A_156 = arith.constant 7 : i32
          %parallel_loop3A_157 = vector.broadcast %parallel_loop3A_156 : i32 to vector<16xi32>
          %parallel_loop3A_158 = arith.shrsi %parallel_loop3A_155, %parallel_loop3A_157 : vector<16xi32>
          %parallel_loop3A_159 = arith.constant 127 : i32
          %parallel_loop3A_160 = vector.broadcast %parallel_loop3A_159 : i32 to vector<16xi32>
          %parallel_loop3A_161 = arith.andi %parallel_loop3A_155, %parallel_loop3A_160 : vector<16xi32>
          %parallel_loop3A_162 = arith.constant 0 : i32
          %parallel_loop3A_163 = arith.constant 0 : i32
          %parallel_loop3A_164 = tpu.memref_slice %arg6[%rem3A_42, %parallel_loop3A_162, %parallel_loop3A_163] : memref<2x64x128xf32, #tpu.memory_space<vmem>> -> memref<1x64x128xf32, #tpu.memory_space<vmem>>
          %parallel_loop3A_165 = tpu.memref_squeeze %parallel_loop3A_164 : memref<1x64x128xf32, #tpu.memory_space<vmem>> -> memref<64x128xf32, #tpu.memory_space<vmem>>
          tpu.vector_store_idx %parallel_loop3A_165[%parallel_loop3A_158, %parallel_loop3A_161], %parallel_loop3A_154 : memref<64x128xf32, #tpu.memory_space<vmem>>[vector<16xi32>, vector<16xi32>], vector<16xf32>,
          %parallel_loop3A_166 = arith.constant 3 : i32
          %parallel_loop3A_167 = vector.broadcast %parallel_loop3A_166 : i32 to vector<16xi32>
          %parallel_loop3A_168 = arith.addi %iota3A, %parallel_loop3A_167 : vector<16xi32>
          %parallel_loop3A_169 = arith.constant 31 : i32
          %parallel_loop3A_170 = vector.broadcast %parallel_loop3A_169 : i32 to vector<16xi32>
          %parallel_loop3A_171 = arith.andi %parallel_loop3A_168, %parallel_loop3A_170 : vector<16xi32>
          %parallel_loop3A_172 = arith.constant 0 : i32
          %parallel_loop3A_173 = arith.constant 0 : i32
          %parallel_loop3A_174 = tpu.memref_slice %arg5[%rem3A_42, %parallel_loop3A_172, %parallel_loop3A_173] : memref<2x32x256xf32, #tpu.memory_space<vmem>> -> memref<1x32x256xf32, #tpu.memory_space<vmem>>
          %parallel_loop3A_175 = tpu.memref_squeeze %parallel_loop3A_174 : memref<1x32x256xf32, #tpu.memory_space<vmem>> -> memref<32x256xf32, #tpu.memory_space<vmem>>
          %parallel_loop3A_176 = tpu.vector_load_idx %parallel_loop3A_175[%parallel_loop3A_171, %parallel_loop3A_95] : memref<32x256xf32, #tpu.memory_space<vmem>>[vector<16xi32>, vector<16xi32>], vector<16xf32>,
          %parallel_loop3A_177 = arith.addi %parallel_loop3A_99, %parallel_loop3A_171 : vector<16xi32>
          %parallel_loop3A_178 = arith.constant 7 : i32
          %parallel_loop3A_179 = vector.broadcast %parallel_loop3A_178 : i32 to vector<16xi32>
          %parallel_loop3A_180 = arith.shrsi %parallel_loop3A_177, %parallel_loop3A_179 : vector<16xi32>
          %parallel_loop3A_181 = arith.constant 127 : i32
          %parallel_loop3A_182 = vector.broadcast %parallel_loop3A_181 : i32 to vector<16xi32>
          %parallel_loop3A_183 = arith.andi %parallel_loop3A_177, %parallel_loop3A_182 : vector<16xi32>
          %parallel_loop3A_184 = arith.constant 0 : i32
          %parallel_loop3A_185 = arith.constant 0 : i32
          %parallel_loop3A_186 = tpu.memref_slice %arg6[%rem3A_42, %parallel_loop3A_184, %parallel_loop3A_185] : memref<2x64x128xf32, #tpu.memory_space<vmem>> -> memref<1x64x128xf32, #tpu.memory_space<vmem>>
          %parallel_loop3A_187 = tpu.memref_squeeze %parallel_loop3A_186 : memref<1x64x128xf32, #tpu.memory_space<vmem>> -> memref<64x128xf32, #tpu.memory_space<vmem>>
          tpu.vector_store_idx %parallel_loop3A_187[%parallel_loop3A_180, %parallel_loop3A_183], %parallel_loop3A_176 : memref<64x128xf32, #tpu.memory_space<vmem>>[vector<16xi32>, vector<16xi32>], vector<16xf32>,
          %parallel_loop3A_188 = arith.constant 4 : i32
          %parallel_loop3A_189 = vector.broadcast %parallel_loop3A_188 : i32 to vector<16xi32>
          %parallel_loop3A_190 = arith.addi %iota3A, %parallel_loop3A_189 : vector<16xi32>
          %parallel_loop3A_191 = arith.constant 31 : i32
          %parallel_loop3A_192 = vector.broadcast %parallel_loop3A_191 : i32 to vector<16xi32>
          %parallel_loop3A_193 = arith.andi %parallel_loop3A_190, %parallel_loop3A_192 : vector<16xi32>
          %parallel_loop3A_194 = arith.constant 0 : i32
          %parallel_loop3A_195 = arith.constant 0 : i32
          %parallel_loop3A_196 = tpu.memref_slice %arg5[%rem3A_42, %parallel_loop3A_194, %parallel_loop3A_195] : memref<2x32x256xf32, #tpu.memory_space<vmem>> -> memref<1x32x256xf32, #tpu.memory_space<vmem>>
          %parallel_loop3A_197 = tpu.memref_squeeze %parallel_loop3A_196 : memref<1x32x256xf32, #tpu.memory_space<vmem>> -> memref<32x256xf32, #tpu.memory_space<vmem>>
          %parallel_loop3A_198 = tpu.vector_load_idx %parallel_loop3A_197[%parallel_loop3A_193, %parallel_loop3A_95] : memref<32x256xf32, #tpu.memory_space<vmem>>[vector<16xi32>, vector<16xi32>], vector<16xf32>,
          %parallel_loop3A_199 = arith.addi %parallel_loop3A_99, %parallel_loop3A_193 : vector<16xi32>
          %parallel_loop3A_200 = arith.constant 7 : i32
          %parallel_loop3A_201 = vector.broadcast %parallel_loop3A_200 : i32 to vector<16xi32>
          %parallel_loop3A_202 = arith.shrsi %parallel_loop3A_199, %parallel_loop3A_201 : vector<16xi32>
          %parallel_loop3A_203 = arith.constant 127 : i32
          %parallel_loop3A_204 = vector.broadcast %parallel_loop3A_203 : i32 to vector<16xi32>
          %parallel_loop3A_205 = arith.andi %parallel_loop3A_199, %parallel_loop3A_204 : vector<16xi32>
          %parallel_loop3A_206 = arith.constant 0 : i32
          %parallel_loop3A_207 = arith.constant 0 : i32
          %parallel_loop3A_208 = tpu.memref_slice %arg6[%rem3A_42, %parallel_loop3A_206, %parallel_loop3A_207] : memref<2x64x128xf32, #tpu.memory_space<vmem>> -> memref<1x64x128xf32, #tpu.memory_space<vmem>>
          %parallel_loop3A_209 = tpu.memref_squeeze %parallel_loop3A_208 : memref<1x64x128xf32, #tpu.memory_space<vmem>> -> memref<64x128xf32, #tpu.memory_space<vmem>>
          tpu.vector_store_idx %parallel_loop3A_209[%parallel_loop3A_202, %parallel_loop3A_205], %parallel_loop3A_198 : memref<64x128xf32, #tpu.memory_space<vmem>>[vector<16xi32>, vector<16xi32>], vector<16xf32>,
          %parallel_loop3A_210 = arith.constant 5 : i32
          %parallel_loop3A_211 = vector.broadcast %parallel_loop3A_210 : i32 to vector<16xi32>
          %parallel_loop3A_212 = arith.addi %iota3A, %parallel_loop3A_211 : vector<16xi32>
          %parallel_loop3A_213 = arith.constant 31 : i32
          %parallel_loop3A_214 = vector.broadcast %parallel_loop3A_213 : i32 to vector<16xi32>
          %parallel_loop3A_215 = arith.andi %parallel_loop3A_212, %parallel_loop3A_214 : vector<16xi32>
          %parallel_loop3A_216 = arith.constant 0 : i32
          %parallel_loop3A_217 = arith.constant 0 : i32
          %parallel_loop3A_218 = tpu.memref_slice %arg5[%rem3A_42, %parallel_loop3A_216, %parallel_loop3A_217] : memref<2x32x256xf32, #tpu.memory_space<vmem>> -> memref<1x32x256xf32, #tpu.memory_space<vmem>>
          %parallel_loop3A_219 = tpu.memref_squeeze %parallel_loop3A_218 : memref<1x32x256xf32, #tpu.memory_space<vmem>> -> memref<32x256xf32, #tpu.memory_space<vmem>>
          %parallel_loop3A_220 = tpu.vector_load_idx %parallel_loop3A_219[%parallel_loop3A_215, %parallel_loop3A_95] : memref<32x256xf32, #tpu.memory_space<vmem>>[vector<16xi32>, vector<16xi32>], vector<16xf32>,
          %parallel_loop3A_221 = arith.addi %parallel_loop3A_99, %parallel_loop3A_215 : vector<16xi32>
          %parallel_loop3A_222 = arith.constant 7 : i32
          %parallel_loop3A_223 = vector.broadcast %parallel_loop3A_222 : i32 to vector<16xi32>
          %parallel_loop3A_224 = arith.shrsi %parallel_loop3A_221, %parallel_loop3A_223 : vector<16xi32>
          %parallel_loop3A_225 = arith.constant 127 : i32
          %parallel_loop3A_226 = vector.broadcast %parallel_loop3A_225 : i32 to vector<16xi32>
          %parallel_loop3A_227 = arith.andi %parallel_loop3A_221, %parallel_loop3A_226 : vector<16xi32>
          %parallel_loop3A_228 = arith.constant 0 : i32
          %parallel_loop3A_229 = arith.constant 0 : i32
          %parallel_loop3A_230 = tpu.memref_slice %arg6[%rem3A_42, %parallel_loop3A_228, %parallel_loop3A_229] : memref<2x64x128xf32, #tpu.memory_space<vmem>> -> memref<1x64x128xf32, #tpu.memory_space<vmem>>
          %parallel_loop3A_231 = tpu.memref_squeeze %parallel_loop3A_230 : memref<1x64x128xf32, #tpu.memory_space<vmem>> -> memref<64x128xf32, #tpu.memory_space<vmem>>
          tpu.vector_store_idx %parallel_loop3A_231[%parallel_loop3A_224, %parallel_loop3A_227], %parallel_loop3A_220 : memref<64x128xf32, #tpu.memory_space<vmem>>[vector<16xi32>, vector<16xi32>], vector<16xf32>,
          %parallel_loop3A_232 = arith.constant 6 : i32
          %parallel_loop3A_233 = vector.broadcast %parallel_loop3A_232 : i32 to vector<16xi32>
          %parallel_loop3A_234 = arith.addi %iota3A, %parallel_loop3A_233 : vector<16xi32>
          %parallel_loop3A_235 = arith.constant 31 : i32
          %parallel_loop3A_236 = vector.broadcast %parallel_loop3A_235 : i32 to vector<16xi32>
          %parallel_loop3A_237 = arith.andi %parallel_loop3A_234, %parallel_loop3A_236 : vector<16xi32>
          %parallel_loop3A_238 = arith.constant 0 : i32
          %parallel_loop3A_239 = arith.constant 0 : i32
          %parallel_loop3A_240 = tpu.memref_slice %arg5[%rem3A_42, %parallel_loop3A_238, %parallel_loop3A_239] : memref<2x32x256xf32, #tpu.memory_space<vmem>> -> memref<1x32x256xf32, #tpu.memory_space<vmem>>
          %parallel_loop3A_241 = tpu.memref_squeeze %parallel_loop3A_240 : memref<1x32x256xf32, #tpu.memory_space<vmem>> -> memref<32x256xf32, #tpu.memory_space<vmem>>
          %parallel_loop3A_242 = tpu.vector_load_idx %parallel_loop3A_241[%parallel_loop3A_237, %parallel_loop3A_95] : memref<32x256xf32, #tpu.memory_space<vmem>>[vector<16xi32>, vector<16xi32>], vector<16xf32>,
          %parallel_loop3A_243 = arith.addi %parallel_loop3A_99, %parallel_loop3A_237 : vector<16xi32>
          %parallel_loop3A_244 = arith.constant 7 : i32
          %parallel_loop3A_245 = vector.broadcast %parallel_loop3A_244 : i32 to vector<16xi32>
          %parallel_loop3A_246 = arith.shrsi %parallel_loop3A_243, %parallel_loop3A_245 : vector<16xi32>
          %parallel_loop3A_247 = arith.constant 127 : i32
          %parallel_loop3A_248 = vector.broadcast %parallel_loop3A_247 : i32 to vector<16xi32>
          %parallel_loop3A_249 = arith.andi %parallel_loop3A_243, %parallel_loop3A_248 : vector<16xi32>
          %parallel_loop3A_250 = arith.constant 0 : i32
          %parallel_loop3A_251 = arith.constant 0 : i32
          %parallel_loop3A_252 = tpu.memref_slice %arg6[%rem3A_42, %parallel_loop3A_250, %parallel_loop3A_251] : memref<2x64x128xf32, #tpu.memory_space<vmem>> -> memref<1x64x128xf32, #tpu.memory_space<vmem>>
          %parallel_loop3A_253 = tpu.memref_squeeze %parallel_loop3A_252 : memref<1x64x128xf32, #tpu.memory_space<vmem>> -> memref<64x128xf32, #tpu.memory_space<vmem>>
          tpu.vector_store_idx %parallel_loop3A_253[%parallel_loop3A_246, %parallel_loop3A_249], %parallel_loop3A_242 : memref<64x128xf32, #tpu.memory_space<vmem>>[vector<16xi32>, vector<16xi32>], vector<16xf32>,
          %parallel_loop3A_254 = arith.constant 7 : i32
          %parallel_loop3A_255 = vector.broadcast %parallel_loop3A_254 : i32 to vector<16xi32>
          %parallel_loop3A_256 = arith.addi %iota3A, %parallel_loop3A_255 : vector<16xi32>
          %parallel_loop3A_257 = arith.constant 31 : i32
          %parallel_loop3A_258 = vector.broadcast %parallel_loop3A_257 : i32 to vector<16xi32>
          %parallel_loop3A_259 = arith.andi %parallel_loop3A_256, %parallel_loop3A_258 : vector<16xi32>
          %parallel_loop3A_260 = arith.constant 0 : i32
          %parallel_loop3A_261 = arith.constant 0 : i32
          %parallel_loop3A_262 = tpu.memref_slice %arg5[%rem3A_42, %parallel_loop3A_260, %parallel_loop3A_261] : memref<2x32x256xf32, #tpu.memory_space<vmem>> -> memref<1x32x256xf32, #tpu.memory_space<vmem>>
          %parallel_loop3A_263 = tpu.memref_squeeze %parallel_loop3A_262 : memref<1x32x256xf32, #tpu.memory_space<vmem>> -> memref<32x256xf32, #tpu.memory_space<vmem>>
          %parallel_loop3A_264 = tpu.vector_load_idx %parallel_loop3A_263[%parallel_loop3A_259, %parallel_loop3A_95] : memref<32x256xf32, #tpu.memory_space<vmem>>[vector<16xi32>, vector<16xi32>], vector<16xf32>,
          %parallel_loop3A_265 = arith.addi %parallel_loop3A_99, %parallel_loop3A_259 : vector<16xi32>
          %parallel_loop3A_266 = arith.constant 7 : i32
          %parallel_loop3A_267 = vector.broadcast %parallel_loop3A_266 : i32 to vector<16xi32>
          %parallel_loop3A_268 = arith.shrsi %parallel_loop3A_265, %parallel_loop3A_267 : vector<16xi32>
          %parallel_loop3A_269 = arith.constant 127 : i32
          %parallel_loop3A_270 = vector.broadcast %parallel_loop3A_269 : i32 to vector<16xi32>
          %parallel_loop3A_271 = arith.andi %parallel_loop3A_265, %parallel_loop3A_270 : vector<16xi32>
          %parallel_loop3A_272 = arith.constant 0 : i32
          %parallel_loop3A_273 = arith.constant 0 : i32
          %parallel_loop3A_274 = tpu.memref_slice %arg6[%rem3A_42, %parallel_loop3A_272, %parallel_loop3A_273] : memref<2x64x128xf32, #tpu.memory_space<vmem>> -> memref<1x64x128xf32, #tpu.memory_space<vmem>>
          %parallel_loop3A_275 = tpu.memref_squeeze %parallel_loop3A_274 : memref<1x64x128xf32, #tpu.memory_space<vmem>> -> memref<64x128xf32, #tpu.memory_space<vmem>>
          tpu.vector_store_idx %parallel_loop3A_275[%parallel_loop3A_268, %parallel_loop3A_271], %parallel_loop3A_264 : memref<64x128xf32, #tpu.memory_space<vmem>>[vector<16xi32>, vector<16xi32>], vector<16xf32>,
          %parallel_loop3A_276 = arith.constant 8 : i32
          %parallel_loop3A_277 = vector.broadcast %parallel_loop3A_276 : i32 to vector<16xi32>
          %parallel_loop3A_278 = arith.addi %iota3A, %parallel_loop3A_277 : vector<16xi32>
          %parallel_loop3A_279 = arith.constant 31 : i32
          %parallel_loop3A_280 = vector.broadcast %parallel_loop3A_279 : i32 to vector<16xi32>
          %parallel_loop3A_281 = arith.andi %parallel_loop3A_278, %parallel_loop3A_280 : vector<16xi32>
          %parallel_loop3A_282 = arith.constant 0 : i32
          %parallel_loop3A_283 = arith.constant 0 : i32
          %parallel_loop3A_284 = tpu.memref_slice %arg5[%rem3A_42, %parallel_loop3A_282, %parallel_loop3A_283] : memref<2x32x256xf32, #tpu.memory_space<vmem>> -> memref<1x32x256xf32, #tpu.memory_space<vmem>>
          %parallel_loop3A_285 = tpu.memref_squeeze %parallel_loop3A_284 : memref<1x32x256xf32, #tpu.memory_space<vmem>> -> memref<32x256xf32, #tpu.memory_space<vmem>>
          %parallel_loop3A_286 = tpu.vector_load_idx %parallel_loop3A_285[%parallel_loop3A_281, %parallel_loop3A_95] : memref<32x256xf32, #tpu.memory_space<vmem>>[vector<16xi32>, vector<16xi32>], vector<16xf32>,
          %parallel_loop3A_287 = arith.addi %parallel_loop3A_99, %parallel_loop3A_281 : vector<16xi32>
          %parallel_loop3A_288 = arith.constant 7 : i32
          %parallel_loop3A_289 = vector.broadcast %parallel_loop3A_288 : i32 to vector<16xi32>
          %parallel_loop3A_290 = arith.shrsi %parallel_loop3A_287, %parallel_loop3A_289 : vector<16xi32>
          %parallel_loop3A_291 = arith.constant 127 : i32
          %parallel_loop3A_292 = vector.broadcast %parallel_loop3A_291 : i32 to vector<16xi32>
          %parallel_loop3A_293 = arith.andi %parallel_loop3A_287, %parallel_loop3A_292 : vector<16xi32>
          %parallel_loop3A_294 = arith.constant 0 : i32
          %parallel_loop3A_295 = arith.constant 0 : i32
          %parallel_loop3A_296 = tpu.memref_slice %arg6[%rem3A_42, %parallel_loop3A_294, %parallel_loop3A_295] : memref<2x64x128xf32, #tpu.memory_space<vmem>> -> memref<1x64x128xf32, #tpu.memory_space<vmem>>
          %parallel_loop3A_297 = tpu.memref_squeeze %parallel_loop3A_296 : memref<1x64x128xf32, #tpu.memory_space<vmem>> -> memref<64x128xf32, #tpu.memory_space<vmem>>
          tpu.vector_store_idx %parallel_loop3A_297[%parallel_loop3A_290, %parallel_loop3A_293], %parallel_loop3A_286 : memref<64x128xf32, #tpu.memory_space<vmem>>[vector<16xi32>, vector<16xi32>], vector<16xf32>,
          %parallel_loop3A_298 = arith.constant 9 : i32
          %parallel_loop3A_299 = vector.broadcast %parallel_loop3A_298 : i32 to vector<16xi32>
          %parallel_loop3A_300 = arith.addi %iota3A, %parallel_loop3A_299 : vector<16xi32>
          %parallel_loop3A_301 = arith.constant 31 : i32
          %parallel_loop3A_302 = vector.broadcast %parallel_loop3A_301 : i32 to vector<16xi32>
          %parallel_loop3A_303 = arith.andi %parallel_loop3A_300, %parallel_loop3A_302 : vector<16xi32>
          %parallel_loop3A_304 = arith.constant 0 : i32
          %parallel_loop3A_305 = arith.constant 0 : i32
          %parallel_loop3A_306 = tpu.memref_slice %arg5[%rem3A_42, %parallel_loop3A_304, %parallel_loop3A_305] : memref<2x32x256xf32, #tpu.memory_space<vmem>> -> memref<1x32x256xf32, #tpu.memory_space<vmem>>
          %parallel_loop3A_307 = tpu.memref_squeeze %parallel_loop3A_306 : memref<1x32x256xf32, #tpu.memory_space<vmem>> -> memref<32x256xf32, #tpu.memory_space<vmem>>
          %parallel_loop3A_308 = tpu.vector_load_idx %parallel_loop3A_307[%parallel_loop3A_303, %parallel_loop3A_95] : memref<32x256xf32, #tpu.memory_space<vmem>>[vector<16xi32>, vector<16xi32>], vector<16xf32>,
          %parallel_loop3A_309 = arith.addi %parallel_loop3A_99, %parallel_loop3A_303 : vector<16xi32>
          %parallel_loop3A_310 = arith.constant 7 : i32
          %parallel_loop3A_311 = vector.broadcast %parallel_loop3A_310 : i32 to vector<16xi32>
          %parallel_loop3A_312 = arith.shrsi %parallel_loop3A_309, %parallel_loop3A_311 : vector<16xi32>
          %parallel_loop3A_313 = arith.constant 127 : i32
          %parallel_loop3A_314 = vector.broadcast %parallel_loop3A_313 : i32 to vector<16xi32>
          %parallel_loop3A_315 = arith.andi %parallel_loop3A_309, %parallel_loop3A_314 : vector<16xi32>
          %parallel_loop3A_316 = arith.constant 0 : i32
          %parallel_loop3A_317 = arith.constant 0 : i32
          %parallel_loop3A_318 = tpu.memref_slice %arg6[%rem3A_42, %parallel_loop3A_316, %parallel_loop3A_317] : memref<2x64x128xf32, #tpu.memory_space<vmem>> -> memref<1x64x128xf32, #tpu.memory_space<vmem>>
          %parallel_loop3A_319 = tpu.memref_squeeze %parallel_loop3A_318 : memref<1x64x128xf32, #tpu.memory_space<vmem>> -> memref<64x128xf32, #tpu.memory_space<vmem>>
          tpu.vector_store_idx %parallel_loop3A_319[%parallel_loop3A_312, %parallel_loop3A_315], %parallel_loop3A_308 : memref<64x128xf32, #tpu.memory_space<vmem>>[vector<16xi32>, vector<16xi32>], vector<16xf32>,
          %parallel_loop3A_320 = arith.constant 10 : i32
          %parallel_loop3A_321 = vector.broadcast %parallel_loop3A_320 : i32 to vector<16xi32>
          %parallel_loop3A_322 = arith.addi %iota3A, %parallel_loop3A_321 : vector<16xi32>
          %parallel_loop3A_323 = arith.constant 31 : i32
          %parallel_loop3A_324 = vector.broadcast %parallel_loop3A_323 : i32 to vector<16xi32>
          %parallel_loop3A_325 = arith.andi %parallel_loop3A_322, %parallel_loop3A_324 : vector<16xi32>
          %parallel_loop3A_326 = arith.constant 0 : i32
          %parallel_loop3A_327 = arith.constant 0 : i32
          %parallel_loop3A_328 = tpu.memref_slice %arg5[%rem3A_42, %parallel_loop3A_326, %parallel_loop3A_327] : memref<2x32x256xf32, #tpu.memory_space<vmem>> -> memref<1x32x256xf32, #tpu.memory_space<vmem>>
          %parallel_loop3A_329 = tpu.memref_squeeze %parallel_loop3A_328 : memref<1x32x256xf32, #tpu.memory_space<vmem>> -> memref<32x256xf32, #tpu.memory_space<vmem>>
          %parallel_loop3A_330 = tpu.vector_load_idx %parallel_loop3A_329[%parallel_loop3A_325, %parallel_loop3A_95] : memref<32x256xf32, #tpu.memory_space<vmem>>[vector<16xi32>, vector<16xi32>], vector<16xf32>,
          %parallel_loop3A_331 = arith.addi %parallel_loop3A_99, %parallel_loop3A_325 : vector<16xi32>
          %parallel_loop3A_332 = arith.constant 7 : i32
          %parallel_loop3A_333 = vector.broadcast %parallel_loop3A_332 : i32 to vector<16xi32>
          %parallel_loop3A_334 = arith.shrsi %parallel_loop3A_331, %parallel_loop3A_333 : vector<16xi32>
          %parallel_loop3A_335 = arith.constant 127 : i32
          %parallel_loop3A_336 = vector.broadcast %parallel_loop3A_335 : i32 to vector<16xi32>
          %parallel_loop3A_337 = arith.andi %parallel_loop3A_331, %parallel_loop3A_336 : vector<16xi32>
          %parallel_loop3A_338 = arith.constant 0 : i32
          %parallel_loop3A_339 = arith.constant 0 : i32
          %parallel_loop3A_340 = tpu.memref_slice %arg6[%rem3A_42, %parallel_loop3A_338, %parallel_loop3A_339] : memref<2x64x128xf32, #tpu.memory_space<vmem>> -> memref<1x64x128xf32, #tpu.memory_space<vmem>>
          %parallel_loop3A_341 = tpu.memref_squeeze %parallel_loop3A_340 : memref<1x64x128xf32, #tpu.memory_space<vmem>> -> memref<64x128xf32, #tpu.memory_space<vmem>>
          tpu.vector_store_idx %parallel_loop3A_341[%parallel_loop3A_334, %parallel_loop3A_337], %parallel_loop3A_330 : memref<64x128xf32, #tpu.memory_space<vmem>>[vector<16xi32>, vector<16xi32>], vector<16xf32>,
          %parallel_loop3A_342 = arith.constant 11 : i32
          %parallel_loop3A_343 = vector.broadcast %parallel_loop3A_342 : i32 to vector<16xi32>
          %parallel_loop3A_344 = arith.addi %iota3A, %parallel_loop3A_343 : vector<16xi32>
          %parallel_loop3A_345 = arith.constant 31 : i32
          %parallel_loop3A_346 = vector.broadcast %parallel_loop3A_345 : i32 to vector<16xi32>
          %parallel_loop3A_347 = arith.andi %parallel_loop3A_344, %parallel_loop3A_346 : vector<16xi32>
          %parallel_loop3A_348 = arith.constant 0 : i32
          %parallel_loop3A_349 = arith.constant 0 : i32
          %parallel_loop3A_350 = tpu.memref_slice %arg5[%rem3A_42, %parallel_loop3A_348, %parallel_loop3A_349] : memref<2x32x256xf32, #tpu.memory_space<vmem>> -> memref<1x32x256xf32, #tpu.memory_space<vmem>>
          %parallel_loop3A_351 = tpu.memref_squeeze %parallel_loop3A_350 : memref<1x32x256xf32, #tpu.memory_space<vmem>> -> memref<32x256xf32, #tpu.memory_space<vmem>>
          %parallel_loop3A_352 = tpu.vector_load_idx %parallel_loop3A_351[%parallel_loop3A_347, %parallel_loop3A_95] : memref<32x256xf32, #tpu.memory_space<vmem>>[vector<16xi32>, vector<16xi32>], vector<16xf32>,
          %parallel_loop3A_353 = arith.addi %parallel_loop3A_99, %parallel_loop3A_347 : vector<16xi32>
          %parallel_loop3A_354 = arith.constant 7 : i32
          %parallel_loop3A_355 = vector.broadcast %parallel_loop3A_354 : i32 to vector<16xi32>
          %parallel_loop3A_356 = arith.shrsi %parallel_loop3A_353, %parallel_loop3A_355 : vector<16xi32>
          %parallel_loop3A_357 = arith.constant 127 : i32
          %parallel_loop3A_358 = vector.broadcast %parallel_loop3A_357 : i32 to vector<16xi32>
          %parallel_loop3A_359 = arith.andi %parallel_loop3A_353, %parallel_loop3A_358 : vector<16xi32>
          %parallel_loop3A_360 = arith.constant 0 : i32
          %parallel_loop3A_361 = arith.constant 0 : i32
          %parallel_loop3A_362 = tpu.memref_slice %arg6[%rem3A_42, %parallel_loop3A_360, %parallel_loop3A_361] : memref<2x64x128xf32, #tpu.memory_space<vmem>> -> memref<1x64x128xf32, #tpu.memory_space<vmem>>
          %parallel_loop3A_363 = tpu.memref_squeeze %parallel_loop3A_362 : memref<1x64x128xf32, #tpu.memory_space<vmem>> -> memref<64x128xf32, #tpu.memory_space<vmem>>
          tpu.vector_store_idx %parallel_loop3A_363[%parallel_loop3A_356, %parallel_loop3A_359], %parallel_loop3A_352 : memref<64x128xf32, #tpu.memory_space<vmem>>[vector<16xi32>, vector<16xi32>], vector<16xf32>,
          %parallel_loop3A_364 = arith.constant 12 : i32
          %parallel_loop3A_365 = vector.broadcast %parallel_loop3A_364 : i32 to vector<16xi32>
          %parallel_loop3A_366 = arith.addi %iota3A, %parallel_loop3A_365 : vector<16xi32>
          %parallel_loop3A_367 = arith.constant 31 : i32
          %parallel_loop3A_368 = vector.broadcast %parallel_loop3A_367 : i32 to vector<16xi32>
          %parallel_loop3A_369 = arith.andi %parallel_loop3A_366, %parallel_loop3A_368 : vector<16xi32>
          %parallel_loop3A_370 = arith.constant 0 : i32
          %parallel_loop3A_371 = arith.constant 0 : i32
          %parallel_loop3A_372 = tpu.memref_slice %arg5[%rem3A_42, %parallel_loop3A_370, %parallel_loop3A_371] : memref<2x32x256xf32, #tpu.memory_space<vmem>> -> memref<1x32x256xf32, #tpu.memory_space<vmem>>
          %parallel_loop3A_373 = tpu.memref_squeeze %parallel_loop3A_372 : memref<1x32x256xf32, #tpu.memory_space<vmem>> -> memref<32x256xf32, #tpu.memory_space<vmem>>
          %parallel_loop3A_374 = tpu.vector_load_idx %parallel_loop3A_373[%parallel_loop3A_369, %parallel_loop3A_95] : memref<32x256xf32, #tpu.memory_space<vmem>>[vector<16xi32>, vector<16xi32>], vector<16xf32>,
          %parallel_loop3A_375 = arith.addi %parallel_loop3A_99, %parallel_loop3A_369 : vector<16xi32>
          %parallel_loop3A_376 = arith.constant 7 : i32
          %parallel_loop3A_377 = vector.broadcast %parallel_loop3A_376 : i32 to vector<16xi32>
          %parallel_loop3A_378 = arith.shrsi %parallel_loop3A_375, %parallel_loop3A_377 : vector<16xi32>
          %parallel_loop3A_379 = arith.constant 127 : i32
          %parallel_loop3A_380 = vector.broadcast %parallel_loop3A_379 : i32 to vector<16xi32>
          %parallel_loop3A_381 = arith.andi %parallel_loop3A_375, %parallel_loop3A_380 : vector<16xi32>
          %parallel_loop3A_382 = arith.constant 0 : i32
          %parallel_loop3A_383 = arith.constant 0 : i32
          %parallel_loop3A_384 = tpu.memref_slice %arg6[%rem3A_42, %parallel_loop3A_382, %parallel_loop3A_383] : memref<2x64x128xf32, #tpu.memory_space<vmem>> -> memref<1x64x128xf32, #tpu.memory_space<vmem>>
          %parallel_loop3A_385 = tpu.memref_squeeze %parallel_loop3A_384 : memref<1x64x128xf32, #tpu.memory_space<vmem>> -> memref<64x128xf32, #tpu.memory_space<vmem>>
          tpu.vector_store_idx %parallel_loop3A_385[%parallel_loop3A_378, %parallel_loop3A_381], %parallel_loop3A_374 : memref<64x128xf32, #tpu.memory_space<vmem>>[vector<16xi32>, vector<16xi32>], vector<16xf32>,
          %parallel_loop3A_386 = arith.constant 13 : i32
          %parallel_loop3A_387 = vector.broadcast %parallel_loop3A_386 : i32 to vector<16xi32>
          %parallel_loop3A_388 = arith.addi %iota3A, %parallel_loop3A_387 : vector<16xi32>
          %parallel_loop3A_389 = arith.constant 31 : i32
          %parallel_loop3A_390 = vector.broadcast %parallel_loop3A_389 : i32 to vector<16xi32>
          %parallel_loop3A_391 = arith.andi %parallel_loop3A_388, %parallel_loop3A_390 : vector<16xi32>
          %parallel_loop3A_392 = arith.constant 0 : i32
          %parallel_loop3A_393 = arith.constant 0 : i32
          %parallel_loop3A_394 = tpu.memref_slice %arg5[%rem3A_42, %parallel_loop3A_392, %parallel_loop3A_393] : memref<2x32x256xf32, #tpu.memory_space<vmem>> -> memref<1x32x256xf32, #tpu.memory_space<vmem>>
          %parallel_loop3A_395 = tpu.memref_squeeze %parallel_loop3A_394 : memref<1x32x256xf32, #tpu.memory_space<vmem>> -> memref<32x256xf32, #tpu.memory_space<vmem>>
          %parallel_loop3A_396 = tpu.vector_load_idx %parallel_loop3A_395[%parallel_loop3A_391, %parallel_loop3A_95] : memref<32x256xf32, #tpu.memory_space<vmem>>[vector<16xi32>, vector<16xi32>], vector<16xf32>,
          %parallel_loop3A_397 = arith.addi %parallel_loop3A_99, %parallel_loop3A_391 : vector<16xi32>
          %parallel_loop3A_398 = arith.constant 7 : i32
          %parallel_loop3A_399 = vector.broadcast %parallel_loop3A_398 : i32 to vector<16xi32>
          %parallel_loop3A_400 = arith.shrsi %parallel_loop3A_397, %parallel_loop3A_399 : vector<16xi32>
          %parallel_loop3A_401 = arith.constant 127 : i32
          %parallel_loop3A_402 = vector.broadcast %parallel_loop3A_401 : i32 to vector<16xi32>
          %parallel_loop3A_403 = arith.andi %parallel_loop3A_397, %parallel_loop3A_402 : vector<16xi32>
          %parallel_loop3A_404 = arith.constant 0 : i32
          %parallel_loop3A_405 = arith.constant 0 : i32
          %parallel_loop3A_406 = tpu.memref_slice %arg6[%rem3A_42, %parallel_loop3A_404, %parallel_loop3A_405] : memref<2x64x128xf32, #tpu.memory_space<vmem>> -> memref<1x64x128xf32, #tpu.memory_space<vmem>>
          %parallel_loop3A_407 = tpu.memref_squeeze %parallel_loop3A_406 : memref<1x64x128xf32, #tpu.memory_space<vmem>> -> memref<64x128xf32, #tpu.memory_space<vmem>>
          tpu.vector_store_idx %parallel_loop3A_407[%parallel_loop3A_400, %parallel_loop3A_403], %parallel_loop3A_396 : memref<64x128xf32, #tpu.memory_space<vmem>>[vector<16xi32>, vector<16xi32>], vector<16xf32>,
          %parallel_loop3A_408 = arith.constant 14 : i32
          %parallel_loop3A_409 = vector.broadcast %parallel_loop3A_408 : i32 to vector<16xi32>
          %parallel_loop3A_410 = arith.addi %iota3A, %parallel_loop3A_409 : vector<16xi32>
          %parallel_loop3A_411 = arith.constant 31 : i32
          %parallel_loop3A_412 = vector.broadcast %parallel_loop3A_411 : i32 to vector<16xi32>
          %parallel_loop3A_413 = arith.andi %parallel_loop3A_410, %parallel_loop3A_412 : vector<16xi32>
          %parallel_loop3A_414 = arith.constant 0 : i32
          %parallel_loop3A_415 = arith.constant 0 : i32
          %parallel_loop3A_416 = tpu.memref_slice %arg5[%rem3A_42, %parallel_loop3A_414, %parallel_loop3A_415] : memref<2x32x256xf32, #tpu.memory_space<vmem>> -> memref<1x32x256xf32, #tpu.memory_space<vmem>>
          %parallel_loop3A_417 = tpu.memref_squeeze %parallel_loop3A_416 : memref<1x32x256xf32, #tpu.memory_space<vmem>> -> memref<32x256xf32, #tpu.memory_space<vmem>>
          %parallel_loop3A_418 = tpu.vector_load_idx %parallel_loop3A_417[%parallel_loop3A_413, %parallel_loop3A_95] : memref<32x256xf32, #tpu.memory_space<vmem>>[vector<16xi32>, vector<16xi32>], vector<16xf32>,
          %parallel_loop3A_419 = arith.addi %parallel_loop3A_99, %parallel_loop3A_413 : vector<16xi32>
          %parallel_loop3A_420 = arith.constant 7 : i32
          %parallel_loop3A_421 = vector.broadcast %parallel_loop3A_420 : i32 to vector<16xi32>
          %parallel_loop3A_422 = arith.shrsi %parallel_loop3A_419, %parallel_loop3A_421 : vector<16xi32>
          %parallel_loop3A_423 = arith.constant 127 : i32
          %parallel_loop3A_424 = vector.broadcast %parallel_loop3A_423 : i32 to vector<16xi32>
          %parallel_loop3A_425 = arith.andi %parallel_loop3A_419, %parallel_loop3A_424 : vector<16xi32>
          %parallel_loop3A_426 = arith.constant 0 : i32
          %parallel_loop3A_427 = arith.constant 0 : i32
          %parallel_loop3A_428 = tpu.memref_slice %arg6[%rem3A_42, %parallel_loop3A_426, %parallel_loop3A_427] : memref<2x64x128xf32, #tpu.memory_space<vmem>> -> memref<1x64x128xf32, #tpu.memory_space<vmem>>
          %parallel_loop3A_429 = tpu.memref_squeeze %parallel_loop3A_428 : memref<1x64x128xf32, #tpu.memory_space<vmem>> -> memref<64x128xf32, #tpu.memory_space<vmem>>
          tpu.vector_store_idx %parallel_loop3A_429[%parallel_loop3A_422, %parallel_loop3A_425], %parallel_loop3A_418 : memref<64x128xf32, #tpu.memory_space<vmem>>[vector<16xi32>, vector<16xi32>], vector<16xf32>,
          %parallel_loop3A_430 = arith.constant 15 : i32
          %parallel_loop3A_431 = vector.broadcast %parallel_loop3A_430 : i32 to vector<16xi32>
          %parallel_loop3A_432 = arith.addi %iota3A, %parallel_loop3A_431 : vector<16xi32>
          %parallel_loop3A_433 = arith.constant 31 : i32
          %parallel_loop3A_434 = vector.broadcast %parallel_loop3A_433 : i32 to vector<16xi32>
          %parallel_loop3A_435 = arith.andi %parallel_loop3A_432, %parallel_loop3A_434 : vector<16xi32>
          %parallel_loop3A_436 = arith.constant 0 : i32
          %parallel_loop3A_437 = arith.constant 0 : i32
          %parallel_loop3A_438 = tpu.memref_slice %arg5[%rem3A_42, %parallel_loop3A_436, %parallel_loop3A_437] : memref<2x32x256xf32, #tpu.memory_space<vmem>> -> memref<1x32x256xf32, #tpu.memory_space<vmem>>
          %parallel_loop3A_439 = tpu.memref_squeeze %parallel_loop3A_438 : memref<1x32x256xf32, #tpu.memory_space<vmem>> -> memref<32x256xf32, #tpu.memory_space<vmem>>
          %parallel_loop3A_440 = tpu.vector_load_idx %parallel_loop3A_439[%parallel_loop3A_435, %parallel_loop3A_95] : memref<32x256xf32, #tpu.memory_space<vmem>>[vector<16xi32>, vector<16xi32>], vector<16xf32>,
          %parallel_loop3A_441 = arith.addi %parallel_loop3A_99, %parallel_loop3A_435 : vector<16xi32>
          %parallel_loop3A_442 = arith.constant 7 : i32
          %parallel_loop3A_443 = vector.broadcast %parallel_loop3A_442 : i32 to vector<16xi32>
          %parallel_loop3A_444 = arith.shrsi %parallel_loop3A_441, %parallel_loop3A_443 : vector<16xi32>
          %parallel_loop3A_445 = arith.constant 127 : i32
          %parallel_loop3A_446 = vector.broadcast %parallel_loop3A_445 : i32 to vector<16xi32>
          %parallel_loop3A_447 = arith.andi %parallel_loop3A_441, %parallel_loop3A_446 : vector<16xi32>
          %parallel_loop3A_448 = arith.constant 0 : i32
          %parallel_loop3A_449 = arith.constant 0 : i32
          %parallel_loop3A_450 = tpu.memref_slice %arg6[%rem3A_42, %parallel_loop3A_448, %parallel_loop3A_449] : memref<2x64x128xf32, #tpu.memory_space<vmem>> -> memref<1x64x128xf32, #tpu.memory_space<vmem>>
          %parallel_loop3A_451 = tpu.memref_squeeze %parallel_loop3A_450 : memref<1x64x128xf32, #tpu.memory_space<vmem>> -> memref<64x128xf32, #tpu.memory_space<vmem>>
          tpu.vector_store_idx %parallel_loop3A_451[%parallel_loop3A_444, %parallel_loop3A_447], %parallel_loop3A_440 : memref<64x128xf32, #tpu.memory_space<vmem>>[vector<16xi32>, vector<16xi32>], vector<16xf32>,
          %parallel_loop3A_452 = arith.constant 16 : i32
          %parallel_loop3A_453 = vector.broadcast %parallel_loop3A_452 : i32 to vector<16xi32>
          %parallel_loop3A_454 = arith.addi %iota3A, %parallel_loop3A_453 : vector<16xi32>
          %parallel_loop3A_455 = arith.constant 31 : i32
          %parallel_loop3A_456 = vector.broadcast %parallel_loop3A_455 : i32 to vector<16xi32>
          %parallel_loop3A_457 = arith.andi %parallel_loop3A_454, %parallel_loop3A_456 : vector<16xi32>
          %parallel_loop3A_458 = arith.constant 0 : i32
          %parallel_loop3A_459 = arith.constant 0 : i32
          %parallel_loop3A_460 = tpu.memref_slice %arg5[%rem3A_42, %parallel_loop3A_458, %parallel_loop3A_459] : memref<2x32x256xf32, #tpu.memory_space<vmem>> -> memref<1x32x256xf32, #tpu.memory_space<vmem>>
          %parallel_loop3A_461 = tpu.memref_squeeze %parallel_loop3A_460 : memref<1x32x256xf32, #tpu.memory_space<vmem>> -> memref<32x256xf32, #tpu.memory_space<vmem>>
          %parallel_loop3A_462 = tpu.vector_load_idx %parallel_loop3A_461[%parallel_loop3A_457, %parallel_loop3A_95] : memref<32x256xf32, #tpu.memory_space<vmem>>[vector<16xi32>, vector<16xi32>], vector<16xf32>,
          %parallel_loop3A_463 = arith.addi %parallel_loop3A_99, %parallel_loop3A_457 : vector<16xi32>
          %parallel_loop3A_464 = arith.constant 7 : i32
          %parallel_loop3A_465 = vector.broadcast %parallel_loop3A_464 : i32 to vector<16xi32>
          %parallel_loop3A_466 = arith.shrsi %parallel_loop3A_463, %parallel_loop3A_465 : vector<16xi32>
          %parallel_loop3A_467 = arith.constant 127 : i32
          %parallel_loop3A_468 = vector.broadcast %parallel_loop3A_467 : i32 to vector<16xi32>
          %parallel_loop3A_469 = arith.andi %parallel_loop3A_463, %parallel_loop3A_468 : vector<16xi32>
          %parallel_loop3A_470 = arith.constant 0 : i32
          %parallel_loop3A_471 = arith.constant 0 : i32
          %parallel_loop3A_472 = tpu.memref_slice %arg6[%rem3A_42, %parallel_loop3A_470, %parallel_loop3A_471] : memref<2x64x128xf32, #tpu.memory_space<vmem>> -> memref<1x64x128xf32, #tpu.memory_space<vmem>>
          %parallel_loop3A_473 = tpu.memref_squeeze %parallel_loop3A_472 : memref<1x64x128xf32, #tpu.memory_space<vmem>> -> memref<64x128xf32, #tpu.memory_space<vmem>>
          tpu.vector_store_idx %parallel_loop3A_473[%parallel_loop3A_466, %parallel_loop3A_469], %parallel_loop3A_462 : memref<64x128xf32, #tpu.memory_space<vmem>>[vector<16xi32>, vector<16xi32>], vector<16xf32>,
          %parallel_loop3A_474 = arith.constant 17 : i32
          %parallel_loop3A_475 = vector.broadcast %parallel_loop3A_474 : i32 to vector<16xi32>
          %parallel_loop3A_476 = arith.addi %iota3A, %parallel_loop3A_475 : vector<16xi32>
          %parallel_loop3A_477 = arith.constant 31 : i32
          %parallel_loop3A_478 = vector.broadcast %parallel_loop3A_477 : i32 to vector<16xi32>
          %parallel_loop3A_479 = arith.andi %parallel_loop3A_476, %parallel_loop3A_478 : vector<16xi32>
          %parallel_loop3A_480 = arith.constant 0 : i32
          %parallel_loop3A_481 = arith.constant 0 : i32
          %parallel_loop3A_482 = tpu.memref_slice %arg5[%rem3A_42, %parallel_loop3A_480, %parallel_loop3A_481] : memref<2x32x256xf32, #tpu.memory_space<vmem>> -> memref<1x32x256xf32, #tpu.memory_space<vmem>>
          %parallel_loop3A_483 = tpu.memref_squeeze %parallel_loop3A_482 : memref<1x32x256xf32, #tpu.memory_space<vmem>> -> memref<32x256xf32, #tpu.memory_space<vmem>>
          %parallel_loop3A_484 = tpu.vector_load_idx %parallel_loop3A_483[%parallel_loop3A_479, %parallel_loop3A_95] : memref<32x256xf32, #tpu.memory_space<vmem>>[vector<16xi32>, vector<16xi32>], vector<16xf32>,
          %parallel_loop3A_485 = arith.addi %parallel_loop3A_99, %parallel_loop3A_479 : vector<16xi32>
          %parallel_loop3A_486 = arith.constant 7 : i32
          %parallel_loop3A_487 = vector.broadcast %parallel_loop3A_486 : i32 to vector<16xi32>
          %parallel_loop3A_488 = arith.shrsi %parallel_loop3A_485, %parallel_loop3A_487 : vector<16xi32>
          %parallel_loop3A_489 = arith.constant 127 : i32
          %parallel_loop3A_490 = vector.broadcast %parallel_loop3A_489 : i32 to vector<16xi32>
          %parallel_loop3A_491 = arith.andi %parallel_loop3A_485, %parallel_loop3A_490 : vector<16xi32>
          %parallel_loop3A_492 = arith.constant 0 : i32
          %parallel_loop3A_493 = arith.constant 0 : i32
          %parallel_loop3A_494 = tpu.memref_slice %arg6[%rem3A_42, %parallel_loop3A_492, %parallel_loop3A_493] : memref<2x64x128xf32, #tpu.memory_space<vmem>> -> memref<1x64x128xf32, #tpu.memory_space<vmem>>
          %parallel_loop3A_495 = tpu.memref_squeeze %parallel_loop3A_494 : memref<1x64x128xf32, #tpu.memory_space<vmem>> -> memref<64x128xf32, #tpu.memory_space<vmem>>
          tpu.vector_store_idx %parallel_loop3A_495[%parallel_loop3A_488, %parallel_loop3A_491], %parallel_loop3A_484 : memref<64x128xf32, #tpu.memory_space<vmem>>[vector<16xi32>, vector<16xi32>], vector<16xf32>,
          %parallel_loop3A_496 = arith.constant 18 : i32
          %parallel_loop3A_497 = vector.broadcast %parallel_loop3A_496 : i32 to vector<16xi32>
          %parallel_loop3A_498 = arith.addi %iota3A, %parallel_loop3A_497 : vector<16xi32>
          %parallel_loop3A_499 = arith.constant 31 : i32
          %parallel_loop3A_500 = vector.broadcast %parallel_loop3A_499 : i32 to vector<16xi32>
          %parallel_loop3A_501 = arith.andi %parallel_loop3A_498, %parallel_loop3A_500 : vector<16xi32>
          %parallel_loop3A_502 = arith.constant 0 : i32
          %parallel_loop3A_503 = arith.constant 0 : i32
          %parallel_loop3A_504 = tpu.memref_slice %arg5[%rem3A_42, %parallel_loop3A_502, %parallel_loop3A_503] : memref<2x32x256xf32, #tpu.memory_space<vmem>> -> memref<1x32x256xf32, #tpu.memory_space<vmem>>
          %parallel_loop3A_505 = tpu.memref_squeeze %parallel_loop3A_504 : memref<1x32x256xf32, #tpu.memory_space<vmem>> -> memref<32x256xf32, #tpu.memory_space<vmem>>
          %parallel_loop3A_506 = tpu.vector_load_idx %parallel_loop3A_505[%parallel_loop3A_501, %parallel_loop3A_95] : memref<32x256xf32, #tpu.memory_space<vmem>>[vector<16xi32>, vector<16xi32>], vector<16xf32>,
          %parallel_loop3A_507 = arith.addi %parallel_loop3A_99, %parallel_loop3A_501 : vector<16xi32>
          %parallel_loop3A_508 = arith.constant 7 : i32
          %parallel_loop3A_509 = vector.broadcast %parallel_loop3A_508 : i32 to vector<16xi32>
          %parallel_loop3A_510 = arith.shrsi %parallel_loop3A_507, %parallel_loop3A_509 : vector<16xi32>
          %parallel_loop3A_511 = arith.constant 127 : i32
          %parallel_loop3A_512 = vector.broadcast %parallel_loop3A_511 : i32 to vector<16xi32>
          %parallel_loop3A_513 = arith.andi %parallel_loop3A_507, %parallel_loop3A_512 : vector<16xi32>
          %parallel_loop3A_514 = arith.constant 0 : i32
          %parallel_loop3A_515 = arith.constant 0 : i32
          %parallel_loop3A_516 = tpu.memref_slice %arg6[%rem3A_42, %parallel_loop3A_514, %parallel_loop3A_515] : memref<2x64x128xf32, #tpu.memory_space<vmem>> -> memref<1x64x128xf32, #tpu.memory_space<vmem>>
          %parallel_loop3A_517 = tpu.memref_squeeze %parallel_loop3A_516 : memref<1x64x128xf32, #tpu.memory_space<vmem>> -> memref<64x128xf32, #tpu.memory_space<vmem>>
          tpu.vector_store_idx %parallel_loop3A_517[%parallel_loop3A_510, %parallel_loop3A_513], %parallel_loop3A_506 : memref<64x128xf32, #tpu.memory_space<vmem>>[vector<16xi32>, vector<16xi32>], vector<16xf32>,
          %parallel_loop3A_518 = arith.constant 19 : i32
          %parallel_loop3A_519 = vector.broadcast %parallel_loop3A_518 : i32 to vector<16xi32>
          %parallel_loop3A_520 = arith.addi %iota3A, %parallel_loop3A_519 : vector<16xi32>
          %parallel_loop3A_521 = arith.constant 31 : i32
          %parallel_loop3A_522 = vector.broadcast %parallel_loop3A_521 : i32 to vector<16xi32>
          %parallel_loop3A_523 = arith.andi %parallel_loop3A_520, %parallel_loop3A_522 : vector<16xi32>
          %parallel_loop3A_524 = arith.constant 0 : i32
          %parallel_loop3A_525 = arith.constant 0 : i32
          %parallel_loop3A_526 = tpu.memref_slice %arg5[%rem3A_42, %parallel_loop3A_524, %parallel_loop3A_525] : memref<2x32x256xf32, #tpu.memory_space<vmem>> -> memref<1x32x256xf32, #tpu.memory_space<vmem>>
          %parallel_loop3A_527 = tpu.memref_squeeze %parallel_loop3A_526 : memref<1x32x256xf32, #tpu.memory_space<vmem>> -> memref<32x256xf32, #tpu.memory_space<vmem>>
          %parallel_loop3A_528 = tpu.vector_load_idx %parallel_loop3A_527[%parallel_loop3A_523, %parallel_loop3A_95] : memref<32x256xf32, #tpu.memory_space<vmem>>[vector<16xi32>, vector<16xi32>], vector<16xf32>,
          %parallel_loop3A_529 = arith.addi %parallel_loop3A_99, %parallel_loop3A_523 : vector<16xi32>
          %parallel_loop3A_530 = arith.constant 7 : i32
          %parallel_loop3A_531 = vector.broadcast %parallel_loop3A_530 : i32 to vector<16xi32>
          %parallel_loop3A_532 = arith.shrsi %parallel_loop3A_529, %parallel_loop3A_531 : vector<16xi32>
          %parallel_loop3A_533 = arith.constant 127 : i32
          %parallel_loop3A_534 = vector.broadcast %parallel_loop3A_533 : i32 to vector<16xi32>
          %parallel_loop3A_535 = arith.andi %parallel_loop3A_529, %parallel_loop3A_534 : vector<16xi32>
          %parallel_loop3A_536 = arith.constant 0 : i32
          %parallel_loop3A_537 = arith.constant 0 : i32
          %parallel_loop3A_538 = tpu.memref_slice %arg6[%rem3A_42, %parallel_loop3A_536, %parallel_loop3A_537] : memref<2x64x128xf32, #tpu.memory_space<vmem>> -> memref<1x64x128xf32, #tpu.memory_space<vmem>>
          %parallel_loop3A_539 = tpu.memref_squeeze %parallel_loop3A_538 : memref<1x64x128xf32, #tpu.memory_space<vmem>> -> memref<64x128xf32, #tpu.memory_space<vmem>>
          tpu.vector_store_idx %parallel_loop3A_539[%parallel_loop3A_532, %parallel_loop3A_535], %parallel_loop3A_528 : memref<64x128xf32, #tpu.memory_space<vmem>>[vector<16xi32>, vector<16xi32>], vector<16xf32>,
          %parallel_loop3A_540 = arith.constant 20 : i32
          %parallel_loop3A_541 = vector.broadcast %parallel_loop3A_540 : i32 to vector<16xi32>
          %parallel_loop3A_542 = arith.addi %iota3A, %parallel_loop3A_541 : vector<16xi32>
          %parallel_loop3A_543 = arith.constant 31 : i32
          %parallel_loop3A_544 = vector.broadcast %parallel_loop3A_543 : i32 to vector<16xi32>
          %parallel_loop3A_545 = arith.andi %parallel_loop3A_542, %parallel_loop3A_544 : vector<16xi32>
          %parallel_loop3A_546 = arith.constant 0 : i32
          %parallel_loop3A_547 = arith.constant 0 : i32
          %parallel_loop3A_548 = tpu.memref_slice %arg5[%rem3A_42, %parallel_loop3A_546, %parallel_loop3A_547] : memref<2x32x256xf32, #tpu.memory_space<vmem>> -> memref<1x32x256xf32, #tpu.memory_space<vmem>>
          %parallel_loop3A_549 = tpu.memref_squeeze %parallel_loop3A_548 : memref<1x32x256xf32, #tpu.memory_space<vmem>> -> memref<32x256xf32, #tpu.memory_space<vmem>>
          %parallel_loop3A_550 = tpu.vector_load_idx %parallel_loop3A_549[%parallel_loop3A_545, %parallel_loop3A_95] : memref<32x256xf32, #tpu.memory_space<vmem>>[vector<16xi32>, vector<16xi32>], vector<16xf32>,
          %parallel_loop3A_551 = arith.addi %parallel_loop3A_99, %parallel_loop3A_545 : vector<16xi32>
          %parallel_loop3A_552 = arith.constant 7 : i32
          %parallel_loop3A_553 = vector.broadcast %parallel_loop3A_552 : i32 to vector<16xi32>
          %parallel_loop3A_554 = arith.shrsi %parallel_loop3A_551, %parallel_loop3A_553 : vector<16xi32>
          %parallel_loop3A_555 = arith.constant 127 : i32
          %parallel_loop3A_556 = vector.broadcast %parallel_loop3A_555 : i32 to vector<16xi32>
          %parallel_loop3A_557 = arith.andi %parallel_loop3A_551, %parallel_loop3A_556 : vector<16xi32>
          %parallel_loop3A_558 = arith.constant 0 : i32
          %parallel_loop3A_559 = arith.constant 0 : i32
          %parallel_loop3A_560 = tpu.memref_slice %arg6[%rem3A_42, %parallel_loop3A_558, %parallel_loop3A_559] : memref<2x64x128xf32, #tpu.memory_space<vmem>> -> memref<1x64x128xf32, #tpu.memory_space<vmem>>
          %parallel_loop3A_561 = tpu.memref_squeeze %parallel_loop3A_560 : memref<1x64x128xf32, #tpu.memory_space<vmem>> -> memref<64x128xf32, #tpu.memory_space<vmem>>
          tpu.vector_store_idx %parallel_loop3A_561[%parallel_loop3A_554, %parallel_loop3A_557], %parallel_loop3A_550 : memref<64x128xf32, #tpu.memory_space<vmem>>[vector<16xi32>, vector<16xi32>], vector<16xf32>,
          %parallel_loop3A_562 = arith.constant 21 : i32
          %parallel_loop3A_563 = vector.broadcast %parallel_loop3A_562 : i32 to vector<16xi32>
          %parallel_loop3A_564 = arith.addi %iota3A, %parallel_loop3A_563 : vector<16xi32>
          %parallel_loop3A_565 = arith.constant 31 : i32
          %parallel_loop3A_566 = vector.broadcast %parallel_loop3A_565 : i32 to vector<16xi32>
          %parallel_loop3A_567 = arith.andi %parallel_loop3A_564, %parallel_loop3A_566 : vector<16xi32>
          %parallel_loop3A_568 = arith.constant 0 : i32
          %parallel_loop3A_569 = arith.constant 0 : i32
          %parallel_loop3A_570 = tpu.memref_slice %arg5[%rem3A_42, %parallel_loop3A_568, %parallel_loop3A_569] : memref<2x32x256xf32, #tpu.memory_space<vmem>> -> memref<1x32x256xf32, #tpu.memory_space<vmem>>
          %parallel_loop3A_571 = tpu.memref_squeeze %parallel_loop3A_570 : memref<1x32x256xf32, #tpu.memory_space<vmem>> -> memref<32x256xf32, #tpu.memory_space<vmem>>
          %parallel_loop3A_572 = tpu.vector_load_idx %parallel_loop3A_571[%parallel_loop3A_567, %parallel_loop3A_95] : memref<32x256xf32, #tpu.memory_space<vmem>>[vector<16xi32>, vector<16xi32>], vector<16xf32>,
          %parallel_loop3A_573 = arith.addi %parallel_loop3A_99, %parallel_loop3A_567 : vector<16xi32>
          %parallel_loop3A_574 = arith.constant 7 : i32
          %parallel_loop3A_575 = vector.broadcast %parallel_loop3A_574 : i32 to vector<16xi32>
          %parallel_loop3A_576 = arith.shrsi %parallel_loop3A_573, %parallel_loop3A_575 : vector<16xi32>
          %parallel_loop3A_577 = arith.constant 127 : i32
          %parallel_loop3A_578 = vector.broadcast %parallel_loop3A_577 : i32 to vector<16xi32>
          %parallel_loop3A_579 = arith.andi %parallel_loop3A_573, %parallel_loop3A_578 : vector<16xi32>
          %parallel_loop3A_580 = arith.constant 0 : i32
          %parallel_loop3A_581 = arith.constant 0 : i32
          %parallel_loop3A_582 = tpu.memref_slice %arg6[%rem3A_42, %parallel_loop3A_580, %parallel_loop3A_581] : memref<2x64x128xf32, #tpu.memory_space<vmem>> -> memref<1x64x128xf32, #tpu.memory_space<vmem>>
          %parallel_loop3A_583 = tpu.memref_squeeze %parallel_loop3A_582 : memref<1x64x128xf32, #tpu.memory_space<vmem>> -> memref<64x128xf32, #tpu.memory_space<vmem>>
          tpu.vector_store_idx %parallel_loop3A_583[%parallel_loop3A_576, %parallel_loop3A_579], %parallel_loop3A_572 : memref<64x128xf32, #tpu.memory_space<vmem>>[vector<16xi32>, vector<16xi32>], vector<16xf32>,
          %parallel_loop3A_584 = arith.constant 22 : i32
          %parallel_loop3A_585 = vector.broadcast %parallel_loop3A_584 : i32 to vector<16xi32>
          %parallel_loop3A_586 = arith.addi %iota3A, %parallel_loop3A_585 : vector<16xi32>
          %parallel_loop3A_587 = arith.constant 31 : i32
          %parallel_loop3A_588 = vector.broadcast %parallel_loop3A_587 : i32 to vector<16xi32>
          %parallel_loop3A_589 = arith.andi %parallel_loop3A_586, %parallel_loop3A_588 : vector<16xi32>
          %parallel_loop3A_590 = arith.constant 0 : i32
          %parallel_loop3A_591 = arith.constant 0 : i32
          %parallel_loop3A_592 = tpu.memref_slice %arg5[%rem3A_42, %parallel_loop3A_590, %parallel_loop3A_591] : memref<2x32x256xf32, #tpu.memory_space<vmem>> -> memref<1x32x256xf32, #tpu.memory_space<vmem>>
          %parallel_loop3A_593 = tpu.memref_squeeze %parallel_loop3A_592 : memref<1x32x256xf32, #tpu.memory_space<vmem>> -> memref<32x256xf32, #tpu.memory_space<vmem>>
          %parallel_loop3A_594 = tpu.vector_load_idx %parallel_loop3A_593[%parallel_loop3A_589, %parallel_loop3A_95] : memref<32x256xf32, #tpu.memory_space<vmem>>[vector<16xi32>, vector<16xi32>], vector<16xf32>,
          %parallel_loop3A_595 = arith.addi %parallel_loop3A_99, %parallel_loop3A_589 : vector<16xi32>
          %parallel_loop3A_596 = arith.constant 7 : i32
          %parallel_loop3A_597 = vector.broadcast %parallel_loop3A_596 : i32 to vector<16xi32>
          %parallel_loop3A_598 = arith.shrsi %parallel_loop3A_595, %parallel_loop3A_597 : vector<16xi32>
          %parallel_loop3A_599 = arith.constant 127 : i32
          %parallel_loop3A_600 = vector.broadcast %parallel_loop3A_599 : i32 to vector<16xi32>
          %parallel_loop3A_601 = arith.andi %parallel_loop3A_595, %parallel_loop3A_600 : vector<16xi32>
          %parallel_loop3A_602 = arith.constant 0 : i32
          %parallel_loop3A_603 = arith.constant 0 : i32
          %parallel_loop3A_604 = tpu.memref_slice %arg6[%rem3A_42, %parallel_loop3A_602, %parallel_loop3A_603] : memref<2x64x128xf32, #tpu.memory_space<vmem>> -> memref<1x64x128xf32, #tpu.memory_space<vmem>>
          %parallel_loop3A_605 = tpu.memref_squeeze %parallel_loop3A_604 : memref<1x64x128xf32, #tpu.memory_space<vmem>> -> memref<64x128xf32, #tpu.memory_space<vmem>>
          tpu.vector_store_idx %parallel_loop3A_605[%parallel_loop3A_598, %parallel_loop3A_601], %parallel_loop3A_594 : memref<64x128xf32, #tpu.memory_space<vmem>>[vector<16xi32>, vector<16xi32>], vector<16xf32>,
          %parallel_loop3A_606 = arith.constant 23 : i32
          %parallel_loop3A_607 = vector.broadcast %parallel_loop3A_606 : i32 to vector<16xi32>
          %parallel_loop3A_608 = arith.addi %iota3A, %parallel_loop3A_607 : vector<16xi32>
          %parallel_loop3A_609 = arith.constant 31 : i32
          %parallel_loop3A_610 = vector.broadcast %parallel_loop3A_609 : i32 to vector<16xi32>
          %parallel_loop3A_611 = arith.andi %parallel_loop3A_608, %parallel_loop3A_610 : vector<16xi32>
          %parallel_loop3A_612 = arith.constant 0 : i32
          %parallel_loop3A_613 = arith.constant 0 : i32
          %parallel_loop3A_614 = tpu.memref_slice %arg5[%rem3A_42, %parallel_loop3A_612, %parallel_loop3A_613] : memref<2x32x256xf32, #tpu.memory_space<vmem>> -> memref<1x32x256xf32, #tpu.memory_space<vmem>>
          %parallel_loop3A_615 = tpu.memref_squeeze %parallel_loop3A_614 : memref<1x32x256xf32, #tpu.memory_space<vmem>> -> memref<32x256xf32, #tpu.memory_space<vmem>>
          %parallel_loop3A_616 = tpu.vector_load_idx %parallel_loop3A_615[%parallel_loop3A_611, %parallel_loop3A_95] : memref<32x256xf32, #tpu.memory_space<vmem>>[vector<16xi32>, vector<16xi32>], vector<16xf32>,
          %parallel_loop3A_617 = arith.addi %parallel_loop3A_99, %parallel_loop3A_611 : vector<16xi32>
          %parallel_loop3A_618 = arith.constant 7 : i32
          %parallel_loop3A_619 = vector.broadcast %parallel_loop3A_618 : i32 to vector<16xi32>
          %parallel_loop3A_620 = arith.shrsi %parallel_loop3A_617, %parallel_loop3A_619 : vector<16xi32>
          %parallel_loop3A_621 = arith.constant 127 : i32
          %parallel_loop3A_622 = vector.broadcast %parallel_loop3A_621 : i32 to vector<16xi32>
          %parallel_loop3A_623 = arith.andi %parallel_loop3A_617, %parallel_loop3A_622 : vector<16xi32>
          %parallel_loop3A_624 = arith.constant 0 : i32
          %parallel_loop3A_625 = arith.constant 0 : i32
          %parallel_loop3A_626 = tpu.memref_slice %arg6[%rem3A_42, %parallel_loop3A_624, %parallel_loop3A_625] : memref<2x64x128xf32, #tpu.memory_space<vmem>> -> memref<1x64x128xf32, #tpu.memory_space<vmem>>
          %parallel_loop3A_627 = tpu.memref_squeeze %parallel_loop3A_626 : memref<1x64x128xf32, #tpu.memory_space<vmem>> -> memref<64x128xf32, #tpu.memory_space<vmem>>
          tpu.vector_store_idx %parallel_loop3A_627[%parallel_loop3A_620, %parallel_loop3A_623], %parallel_loop3A_616 : memref<64x128xf32, #tpu.memory_space<vmem>>[vector<16xi32>, vector<16xi32>], vector<16xf32>,
          %parallel_loop3A_628 = arith.constant 24 : i32
          %parallel_loop3A_629 = vector.broadcast %parallel_loop3A_628 : i32 to vector<16xi32>
          %parallel_loop3A_630 = arith.addi %iota3A, %parallel_loop3A_629 : vector<16xi32>
          %parallel_loop3A_631 = arith.constant 31 : i32
          %parallel_loop3A_632 = vector.broadcast %parallel_loop3A_631 : i32 to vector<16xi32>
          %parallel_loop3A_633 = arith.andi %parallel_loop3A_630, %parallel_loop3A_632 : vector<16xi32>
          %parallel_loop3A_634 = arith.constant 0 : i32
          %parallel_loop3A_635 = arith.constant 0 : i32
          %parallel_loop3A_636 = tpu.memref_slice %arg5[%rem3A_42, %parallel_loop3A_634, %parallel_loop3A_635] : memref<2x32x256xf32, #tpu.memory_space<vmem>> -> memref<1x32x256xf32, #tpu.memory_space<vmem>>
          %parallel_loop3A_637 = tpu.memref_squeeze %parallel_loop3A_636 : memref<1x32x256xf32, #tpu.memory_space<vmem>> -> memref<32x256xf32, #tpu.memory_space<vmem>>
          %parallel_loop3A_638 = tpu.vector_load_idx %parallel_loop3A_637[%parallel_loop3A_633, %parallel_loop3A_95] : memref<32x256xf32, #tpu.memory_space<vmem>>[vector<16xi32>, vector<16xi32>], vector<16xf32>,
          %parallel_loop3A_639 = arith.addi %parallel_loop3A_99, %parallel_loop3A_633 : vector<16xi32>
          %parallel_loop3A_640 = arith.constant 7 : i32
          %parallel_loop3A_641 = vector.broadcast %parallel_loop3A_640 : i32 to vector<16xi32>
          %parallel_loop3A_642 = arith.shrsi %parallel_loop3A_639, %parallel_loop3A_641 : vector<16xi32>
          %parallel_loop3A_643 = arith.constant 127 : i32
          %parallel_loop3A_644 = vector.broadcast %parallel_loop3A_643 : i32 to vector<16xi32>
          %parallel_loop3A_645 = arith.andi %parallel_loop3A_639, %parallel_loop3A_644 : vector<16xi32>
          %parallel_loop3A_646 = arith.constant 0 : i32
          %parallel_loop3A_647 = arith.constant 0 : i32
          %parallel_loop3A_648 = tpu.memref_slice %arg6[%rem3A_42, %parallel_loop3A_646, %parallel_loop3A_647] : memref<2x64x128xf32, #tpu.memory_space<vmem>> -> memref<1x64x128xf32, #tpu.memory_space<vmem>>
          %parallel_loop3A_649 = tpu.memref_squeeze %parallel_loop3A_648 : memref<1x64x128xf32, #tpu.memory_space<vmem>> -> memref<64x128xf32, #tpu.memory_space<vmem>>
          tpu.vector_store_idx %parallel_loop3A_649[%parallel_loop3A_642, %parallel_loop3A_645], %parallel_loop3A_638 : memref<64x128xf32, #tpu.memory_space<vmem>>[vector<16xi32>, vector<16xi32>], vector<16xf32>,
          %parallel_loop3A_650 = arith.constant 25 : i32
          %parallel_loop3A_651 = vector.broadcast %parallel_loop3A_650 : i32 to vector<16xi32>
          %parallel_loop3A_652 = arith.addi %iota3A, %parallel_loop3A_651 : vector<16xi32>
          %parallel_loop3A_653 = arith.constant 31 : i32
          %parallel_loop3A_654 = vector.broadcast %parallel_loop3A_653 : i32 to vector<16xi32>
          %parallel_loop3A_655 = arith.andi %parallel_loop3A_652, %parallel_loop3A_654 : vector<16xi32>
          %parallel_loop3A_656 = arith.constant 0 : i32
          %parallel_loop3A_657 = arith.constant 0 : i32
          %parallel_loop3A_658 = tpu.memref_slice %arg5[%rem3A_42, %parallel_loop3A_656, %parallel_loop3A_657] : memref<2x32x256xf32, #tpu.memory_space<vmem>> -> memref<1x32x256xf32, #tpu.memory_space<vmem>>
          %parallel_loop3A_659 = tpu.memref_squeeze %parallel_loop3A_658 : memref<1x32x256xf32, #tpu.memory_space<vmem>> -> memref<32x256xf32, #tpu.memory_space<vmem>>
          %parallel_loop3A_660 = tpu.vector_load_idx %parallel_loop3A_659[%parallel_loop3A_655, %parallel_loop3A_95] : memref<32x256xf32, #tpu.memory_space<vmem>>[vector<16xi32>, vector<16xi32>], vector<16xf32>,
          %parallel_loop3A_661 = arith.addi %parallel_loop3A_99, %parallel_loop3A_655 : vector<16xi32>
          %parallel_loop3A_662 = arith.constant 7 : i32
          %parallel_loop3A_663 = vector.broadcast %parallel_loop3A_662 : i32 to vector<16xi32>
          %parallel_loop3A_664 = arith.shrsi %parallel_loop3A_661, %parallel_loop3A_663 : vector<16xi32>
          %parallel_loop3A_665 = arith.constant 127 : i32
          %parallel_loop3A_666 = vector.broadcast %parallel_loop3A_665 : i32 to vector<16xi32>
          %parallel_loop3A_667 = arith.andi %parallel_loop3A_661, %parallel_loop3A_666 : vector<16xi32>
          %parallel_loop3A_668 = arith.constant 0 : i32
          %parallel_loop3A_669 = arith.constant 0 : i32
          %parallel_loop3A_670 = tpu.memref_slice %arg6[%rem3A_42, %parallel_loop3A_668, %parallel_loop3A_669] : memref<2x64x128xf32, #tpu.memory_space<vmem>> -> memref<1x64x128xf32, #tpu.memory_space<vmem>>
          %parallel_loop3A_671 = tpu.memref_squeeze %parallel_loop3A_670 : memref<1x64x128xf32, #tpu.memory_space<vmem>> -> memref<64x128xf32, #tpu.memory_space<vmem>>
          tpu.vector_store_idx %parallel_loop3A_671[%parallel_loop3A_664, %parallel_loop3A_667], %parallel_loop3A_660 : memref<64x128xf32, #tpu.memory_space<vmem>>[vector<16xi32>, vector<16xi32>], vector<16xf32>,
          %parallel_loop3A_672 = arith.constant 26 : i32
          %parallel_loop3A_673 = vector.broadcast %parallel_loop3A_672 : i32 to vector<16xi32>
          %parallel_loop3A_674 = arith.addi %iota3A, %parallel_loop3A_673 : vector<16xi32>
          %parallel_loop3A_675 = arith.constant 31 : i32
          %parallel_loop3A_676 = vector.broadcast %parallel_loop3A_675 : i32 to vector<16xi32>
          %parallel_loop3A_677 = arith.andi %parallel_loop3A_674, %parallel_loop3A_676 : vector<16xi32>
          %parallel_loop3A_678 = arith.constant 0 : i32
          %parallel_loop3A_679 = arith.constant 0 : i32
          %parallel_loop3A_680 = tpu.memref_slice %arg5[%rem3A_42, %parallel_loop3A_678, %parallel_loop3A_679] : memref<2x32x256xf32, #tpu.memory_space<vmem>> -> memref<1x32x256xf32, #tpu.memory_space<vmem>>
          %parallel_loop3A_681 = tpu.memref_squeeze %parallel_loop3A_680 : memref<1x32x256xf32, #tpu.memory_space<vmem>> -> memref<32x256xf32, #tpu.memory_space<vmem>>
          %parallel_loop3A_682 = tpu.vector_load_idx %parallel_loop3A_681[%parallel_loop3A_677, %parallel_loop3A_95] : memref<32x256xf32, #tpu.memory_space<vmem>>[vector<16xi32>, vector<16xi32>], vector<16xf32>,
          %parallel_loop3A_683 = arith.addi %parallel_loop3A_99, %parallel_loop3A_677 : vector<16xi32>
          %parallel_loop3A_684 = arith.constant 7 : i32
          %parallel_loop3A_685 = vector.broadcast %parallel_loop3A_684 : i32 to vector<16xi32>
          %parallel_loop3A_686 = arith.shrsi %parallel_loop3A_683, %parallel_loop3A_685 : vector<16xi32>
          %parallel_loop3A_687 = arith.constant 127 : i32
          %parallel_loop3A_688 = vector.broadcast %parallel_loop3A_687 : i32 to vector<16xi32>
          %parallel_loop3A_689 = arith.andi %parallel_loop3A_683, %parallel_loop3A_688 : vector<16xi32>
          %parallel_loop3A_690 = arith.constant 0 : i32
          %parallel_loop3A_691 = arith.constant 0 : i32
          %parallel_loop3A_692 = tpu.memref_slice %arg6[%rem3A_42, %parallel_loop3A_690, %parallel_loop3A_691] : memref<2x64x128xf32, #tpu.memory_space<vmem>> -> memref<1x64x128xf32, #tpu.memory_space<vmem>>
          %parallel_loop3A_693 = tpu.memref_squeeze %parallel_loop3A_692 : memref<1x64x128xf32, #tpu.memory_space<vmem>> -> memref<64x128xf32, #tpu.memory_space<vmem>>
          tpu.vector_store_idx %parallel_loop3A_693[%parallel_loop3A_686, %parallel_loop3A_689], %parallel_loop3A_682 : memref<64x128xf32, #tpu.memory_space<vmem>>[vector<16xi32>, vector<16xi32>], vector<16xf32>,
          %parallel_loop3A_694 = arith.constant 27 : i32
          %parallel_loop3A_695 = vector.broadcast %parallel_loop3A_694 : i32 to vector<16xi32>
          %parallel_loop3A_696 = arith.addi %iota3A, %parallel_loop3A_695 : vector<16xi32>
          %parallel_loop3A_697 = arith.constant 31 : i32
          %parallel_loop3A_698 = vector.broadcast %parallel_loop3A_697 : i32 to vector<16xi32>
          %parallel_loop3A_699 = arith.andi %parallel_loop3A_696, %parallel_loop3A_698 : vector<16xi32>
          %parallel_loop3A_700 = arith.constant 0 : i32
          %parallel_loop3A_701 = arith.constant 0 : i32
          %parallel_loop3A_702 = tpu.memref_slice %arg5[%rem3A_42, %parallel_loop3A_700, %parallel_loop3A_701] : memref<2x32x256xf32, #tpu.memory_space<vmem>> -> memref<1x32x256xf32, #tpu.memory_space<vmem>>
          %parallel_loop3A_703 = tpu.memref_squeeze %parallel_loop3A_702 : memref<1x32x256xf32, #tpu.memory_space<vmem>> -> memref<32x256xf32, #tpu.memory_space<vmem>>
          %parallel_loop3A_704 = tpu.vector_load_idx %parallel_loop3A_703[%parallel_loop3A_699, %parallel_loop3A_95] : memref<32x256xf32, #tpu.memory_space<vmem>>[vector<16xi32>, vector<16xi32>], vector<16xf32>,
          %parallel_loop3A_705 = arith.addi %parallel_loop3A_99, %parallel_loop3A_699 : vector<16xi32>
          %parallel_loop3A_706 = arith.constant 7 : i32
          %parallel_loop3A_707 = vector.broadcast %parallel_loop3A_706 : i32 to vector<16xi32>
          %parallel_loop3A_708 = arith.shrsi %parallel_loop3A_705, %parallel_loop3A_707 : vector<16xi32>
          %parallel_loop3A_709 = arith.constant 127 : i32
          %parallel_loop3A_710 = vector.broadcast %parallel_loop3A_709 : i32 to vector<16xi32>
          %parallel_loop3A_711 = arith.andi %parallel_loop3A_705, %parallel_loop3A_710 : vector<16xi32>
          %parallel_loop3A_712 = arith.constant 0 : i32
          %parallel_loop3A_713 = arith.constant 0 : i32
          %parallel_loop3A_714 = tpu.memref_slice %arg6[%rem3A_42, %parallel_loop3A_712, %parallel_loop3A_713] : memref<2x64x128xf32, #tpu.memory_space<vmem>> -> memref<1x64x128xf32, #tpu.memory_space<vmem>>
          %parallel_loop3A_715 = tpu.memref_squeeze %parallel_loop3A_714 : memref<1x64x128xf32, #tpu.memory_space<vmem>> -> memref<64x128xf32, #tpu.memory_space<vmem>>
          tpu.vector_store_idx %parallel_loop3A_715[%parallel_loop3A_708, %parallel_loop3A_711], %parallel_loop3A_704 : memref<64x128xf32, #tpu.memory_space<vmem>>[vector<16xi32>, vector<16xi32>], vector<16xf32>,
          %parallel_loop3A_716 = arith.constant 28 : i32
          %parallel_loop3A_717 = vector.broadcast %parallel_loop3A_716 : i32 to vector<16xi32>
          %parallel_loop3A_718 = arith.addi %iota3A, %parallel_loop3A_717 : vector<16xi32>
          %parallel_loop3A_719 = arith.constant 31 : i32
          %parallel_loop3A_720 = vector.broadcast %parallel_loop3A_719 : i32 to vector<16xi32>
          %parallel_loop3A_721 = arith.andi %parallel_loop3A_718, %parallel_loop3A_720 : vector<16xi32>
          %parallel_loop3A_722 = arith.constant 0 : i32
          %parallel_loop3A_723 = arith.constant 0 : i32
          %parallel_loop3A_724 = tpu.memref_slice %arg5[%rem3A_42, %parallel_loop3A_722, %parallel_loop3A_723] : memref<2x32x256xf32, #tpu.memory_space<vmem>> -> memref<1x32x256xf32, #tpu.memory_space<vmem>>
          %parallel_loop3A_725 = tpu.memref_squeeze %parallel_loop3A_724 : memref<1x32x256xf32, #tpu.memory_space<vmem>> -> memref<32x256xf32, #tpu.memory_space<vmem>>
          %parallel_loop3A_726 = tpu.vector_load_idx %parallel_loop3A_725[%parallel_loop3A_721, %parallel_loop3A_95] : memref<32x256xf32, #tpu.memory_space<vmem>>[vector<16xi32>, vector<16xi32>], vector<16xf32>,
          %parallel_loop3A_727 = arith.addi %parallel_loop3A_99, %parallel_loop3A_721 : vector<16xi32>
          %parallel_loop3A_728 = arith.constant 7 : i32
          %parallel_loop3A_729 = vector.broadcast %parallel_loop3A_728 : i32 to vector<16xi32>
          %parallel_loop3A_730 = arith.shrsi %parallel_loop3A_727, %parallel_loop3A_729 : vector<16xi32>
          %parallel_loop3A_731 = arith.constant 127 : i32
          %parallel_loop3A_732 = vector.broadcast %parallel_loop3A_731 : i32 to vector<16xi32>
          %parallel_loop3A_733 = arith.andi %parallel_loop3A_727, %parallel_loop3A_732 : vector<16xi32>
          %parallel_loop3A_734 = arith.constant 0 : i32
          %parallel_loop3A_735 = arith.constant 0 : i32
          %parallel_loop3A_736 = tpu.memref_slice %arg6[%rem3A_42, %parallel_loop3A_734, %parallel_loop3A_735] : memref<2x64x128xf32, #tpu.memory_space<vmem>> -> memref<1x64x128xf32, #tpu.memory_space<vmem>>
          %parallel_loop3A_737 = tpu.memref_squeeze %parallel_loop3A_736 : memref<1x64x128xf32, #tpu.memory_space<vmem>> -> memref<64x128xf32, #tpu.memory_space<vmem>>
          tpu.vector_store_idx %parallel_loop3A_737[%parallel_loop3A_730, %parallel_loop3A_733], %parallel_loop3A_726 : memref<64x128xf32, #tpu.memory_space<vmem>>[vector<16xi32>, vector<16xi32>], vector<16xf32>,
          %parallel_loop3A_738 = arith.constant 29 : i32
          %parallel_loop3A_739 = vector.broadcast %parallel_loop3A_738 : i32 to vector<16xi32>
          %parallel_loop3A_740 = arith.addi %iota3A, %parallel_loop3A_739 : vector<16xi32>
          %parallel_loop3A_741 = arith.constant 31 : i32
          %parallel_loop3A_742 = vector.broadcast %parallel_loop3A_741 : i32 to vector<16xi32>
          %parallel_loop3A_743 = arith.andi %parallel_loop3A_740, %parallel_loop3A_742 : vector<16xi32>
          %parallel_loop3A_744 = arith.constant 0 : i32
          %parallel_loop3A_745 = arith.constant 0 : i32
          %parallel_loop3A_746 = tpu.memref_slice %arg5[%rem3A_42, %parallel_loop3A_744, %parallel_loop3A_745] : memref<2x32x256xf32, #tpu.memory_space<vmem>> -> memref<1x32x256xf32, #tpu.memory_space<vmem>>
          %parallel_loop3A_747 = tpu.memref_squeeze %parallel_loop3A_746 : memref<1x32x256xf32, #tpu.memory_space<vmem>> -> memref<32x256xf32, #tpu.memory_space<vmem>>
          %parallel_loop3A_748 = tpu.vector_load_idx %parallel_loop3A_747[%parallel_loop3A_743, %parallel_loop3A_95] : memref<32x256xf32, #tpu.memory_space<vmem>>[vector<16xi32>, vector<16xi32>], vector<16xf32>,
          %parallel_loop3A_749 = arith.addi %parallel_loop3A_99, %parallel_loop3A_743 : vector<16xi32>
          %parallel_loop3A_750 = arith.constant 7 : i32
          %parallel_loop3A_751 = vector.broadcast %parallel_loop3A_750 : i32 to vector<16xi32>
          %parallel_loop3A_752 = arith.shrsi %parallel_loop3A_749, %parallel_loop3A_751 : vector<16xi32>
          %parallel_loop3A_753 = arith.constant 127 : i32
          %parallel_loop3A_754 = vector.broadcast %parallel_loop3A_753 : i32 to vector<16xi32>
          %parallel_loop3A_755 = arith.andi %parallel_loop3A_749, %parallel_loop3A_754 : vector<16xi32>
          %parallel_loop3A_756 = arith.constant 0 : i32
          %parallel_loop3A_757 = arith.constant 0 : i32
          %parallel_loop3A_758 = tpu.memref_slice %arg6[%rem3A_42, %parallel_loop3A_756, %parallel_loop3A_757] : memref<2x64x128xf32, #tpu.memory_space<vmem>> -> memref<1x64x128xf32, #tpu.memory_space<vmem>>
          %parallel_loop3A_759 = tpu.memref_squeeze %parallel_loop3A_758 : memref<1x64x128xf32, #tpu.memory_space<vmem>> -> memref<64x128xf32, #tpu.memory_space<vmem>>
          tpu.vector_store_idx %parallel_loop3A_759[%parallel_loop3A_752, %parallel_loop3A_755], %parallel_loop3A_748 : memref<64x128xf32, #tpu.memory_space<vmem>>[vector<16xi32>, vector<16xi32>], vector<16xf32>,
          %parallel_loop3A_760 = arith.constant 30 : i32
          %parallel_loop3A_761 = vector.broadcast %parallel_loop3A_760 : i32 to vector<16xi32>
          %parallel_loop3A_762 = arith.addi %iota3A, %parallel_loop3A_761 : vector<16xi32>
          %parallel_loop3A_763 = arith.constant 31 : i32
          %parallel_loop3A_764 = vector.broadcast %parallel_loop3A_763 : i32 to vector<16xi32>
          %parallel_loop3A_765 = arith.andi %parallel_loop3A_762, %parallel_loop3A_764 : vector<16xi32>
          %parallel_loop3A_766 = arith.constant 0 : i32
          %parallel_loop3A_767 = arith.constant 0 : i32
          %parallel_loop3A_768 = tpu.memref_slice %arg5[%rem3A_42, %parallel_loop3A_766, %parallel_loop3A_767] : memref<2x32x256xf32, #tpu.memory_space<vmem>> -> memref<1x32x256xf32, #tpu.memory_space<vmem>>
          %parallel_loop3A_769 = tpu.memref_squeeze %parallel_loop3A_768 : memref<1x32x256xf32, #tpu.memory_space<vmem>> -> memref<32x256xf32, #tpu.memory_space<vmem>>
          %parallel_loop3A_770 = tpu.vector_load_idx %parallel_loop3A_769[%parallel_loop3A_765, %parallel_loop3A_95] : memref<32x256xf32, #tpu.memory_space<vmem>>[vector<16xi32>, vector<16xi32>], vector<16xf32>,
          %parallel_loop3A_771 = arith.addi %parallel_loop3A_99, %parallel_loop3A_765 : vector<16xi32>
          %parallel_loop3A_772 = arith.constant 7 : i32
          %parallel_loop3A_773 = vector.broadcast %parallel_loop3A_772 : i32 to vector<16xi32>
          %parallel_loop3A_774 = arith.shrsi %parallel_loop3A_771, %parallel_loop3A_773 : vector<16xi32>
          %parallel_loop3A_775 = arith.constant 127 : i32
          %parallel_loop3A_776 = vector.broadcast %parallel_loop3A_775 : i32 to vector<16xi32>
          %parallel_loop3A_777 = arith.andi %parallel_loop3A_771, %parallel_loop3A_776 : vector<16xi32>
          %parallel_loop3A_778 = arith.constant 0 : i32
          %parallel_loop3A_779 = arith.constant 0 : i32
          %parallel_loop3A_780 = tpu.memref_slice %arg6[%rem3A_42, %parallel_loop3A_778, %parallel_loop3A_779] : memref<2x64x128xf32, #tpu.memory_space<vmem>> -> memref<1x64x128xf32, #tpu.memory_space<vmem>>
          %parallel_loop3A_781 = tpu.memref_squeeze %parallel_loop3A_780 : memref<1x64x128xf32, #tpu.memory_space<vmem>> -> memref<64x128xf32, #tpu.memory_space<vmem>>
          tpu.vector_store_idx %parallel_loop3A_781[%parallel_loop3A_774, %parallel_loop3A_777], %parallel_loop3A_770 : memref<64x128xf32, #tpu.memory_space<vmem>>[vector<16xi32>, vector<16xi32>], vector<16xf32>,
          %parallel_loop3A_782 = arith.constant 31 : i32
          %parallel_loop3A_783 = vector.broadcast %parallel_loop3A_782 : i32 to vector<16xi32>
          %parallel_loop3A_784 = arith.addi %iota3A, %parallel_loop3A_783 : vector<16xi32>
          %parallel_loop3A_785 = arith.constant 31 : i32
          %parallel_loop3A_786 = vector.broadcast %parallel_loop3A_785 : i32 to vector<16xi32>
          %parallel_loop3A_787 = arith.andi %parallel_loop3A_784, %parallel_loop3A_786 : vector<16xi32>
          %parallel_loop3A_788 = arith.constant 0 : i32
          %parallel_loop3A_789 = arith.constant 0 : i32
          %parallel_loop3A_790 = tpu.memref_slice %arg5[%rem3A_42, %parallel_loop3A_788, %parallel_loop3A_789] : memref<2x32x256xf32, #tpu.memory_space<vmem>> -> memref<1x32x256xf32, #tpu.memory_space<vmem>>
          %parallel_loop3A_791 = tpu.memref_squeeze %parallel_loop3A_790 : memref<1x32x256xf32, #tpu.memory_space<vmem>> -> memref<32x256xf32, #tpu.memory_space<vmem>>
          %parallel_loop3A_792 = tpu.vector_load_idx %parallel_loop3A_791[%parallel_loop3A_787, %parallel_loop3A_95] : memref<32x256xf32, #tpu.memory_space<vmem>>[vector<16xi32>, vector<16xi32>], vector<16xf32>,
          %parallel_loop3A_793 = arith.addi %parallel_loop3A_99, %parallel_loop3A_787 : vector<16xi32>
          %parallel_loop3A_794 = arith.constant 7 : i32
          %parallel_loop3A_795 = vector.broadcast %parallel_loop3A_794 : i32 to vector<16xi32>
          %parallel_loop3A_796 = arith.shrsi %parallel_loop3A_793, %parallel_loop3A_795 : vector<16xi32>
          %parallel_loop3A_797 = arith.constant 127 : i32
          %parallel_loop3A_798 = vector.broadcast %parallel_loop3A_797 : i32 to vector<16xi32>
          %parallel_loop3A_799 = arith.andi %parallel_loop3A_793, %parallel_loop3A_798 : vector<16xi32>
          %parallel_loop3A_800 = arith.constant 0 : i32
          %parallel_loop3A_801 = arith.constant 0 : i32
          %parallel_loop3A_802 = tpu.memref_slice %arg6[%rem3A_42, %parallel_loop3A_800, %parallel_loop3A_801] : memref<2x64x128xf32, #tpu.memory_space<vmem>> -> memref<1x64x128xf32, #tpu.memory_space<vmem>>
          %parallel_loop3A_803 = tpu.memref_squeeze %parallel_loop3A_802 : memref<1x64x128xf32, #tpu.memory_space<vmem>> -> memref<64x128xf32, #tpu.memory_space<vmem>>
          tpu.vector_store_idx %parallel_loop3A_803[%parallel_loop3A_796, %parallel_loop3A_799], %parallel_loop3A_792 : memref<64x128xf32, #tpu.memory_space<vmem>>[vector<16xi32>, vector<16xi32>], vector<16xf32>,
        } {sc.loop_unroll_factor = 2 : i64, sc.parallel_access}
        %mul3A_76 = arith.constant 64 : i32
        %mul3A_77 = arith.muli %add3A_27, %mul3A_76 : i32
        %dma_start3A = arith.constant 0 : i32
        %dma_start3A_78 = arith.constant 0 : i32
        %dma_start3A_79 = tpu.memref_slice %arg6[%rem3A_42, %dma_start3A, %dma_start3A_78] : memref<2x64x128xf32, #tpu.memory_space<vmem>> -> memref<1x64x128xf32, #tpu.memory_space<vmem>>
        %dma_start3A_80 = tpu.memref_squeeze %dma_start3A_79 : memref<1x64x128xf32, #tpu.memory_space<vmem>> -> memref<64x128xf32, #tpu.memory_space<vmem>>
        %dma_start3A_81 = arith.constant 0 : i32
        %dma_start3A_82 = tpu.memref_slice %arg4[%mul3A_77, %dma_start3A_81] : memref<125000x128xf32, #tpu.memory_space<hbm>> -> memref<64x128xf32, #tpu.memory_space<hbm>>
        %dma_start3A_83 = tpu.memref_slice %arg8[%rem3A_42] : memref<2x!tpu.dma_semaphore, #tpu.memory_space<semaphore_mem>> -> memref<1x!tpu.dma_semaphore, #tpu.memory_space<semaphore_mem>>
        %dma_start3A_84 = tpu.memref_squeeze %dma_start3A_83 : memref<1x!tpu.dma_semaphore, #tpu.memory_space<semaphore_mem>> -> memref<!tpu.dma_semaphore, #tpu.memory_space<semaphore_mem>>
        %dma_start3A_85 = arith.constant 0 : i32
        %dma_start3A_86 = tpu.memref_slice %arg4[%mul3A_77, %dma_start3A_85] : memref<125000x128xf32, #tpu.memory_space<hbm>> -> memref<64x128xf32, #tpu.memory_space<hbm>>
        %dma_start3A_87 = arith.constant 0 : i32
        %dma_start3A_88 = arith.constant 0 : i32
        %dma_start3A_89 = tpu.memref_slice %arg6[%rem3A_42, %dma_start3A_87, %dma_start3A_88] : memref<2x64x128xf32, #tpu.memory_space<vmem>> -> memref<1x64x128xf32, #tpu.memory_space<vmem>>
        %dma_start3A_90 = tpu.memref_squeeze %dma_start3A_89 : memref<1x64x128xf32, #tpu.memory_space<vmem>> -> memref<64x128xf32, #tpu.memory_space<vmem>>
        tpu.enqueue_dma source(%dma_start3A_90 : memref<64x128xf32, #tpu.memory_space<vmem>>) target(%dma_start3A_86 : memref<64x128xf32, #tpu.memory_space<hbm>>) target_semaphore(%dma_start3A_84 : memref<!tpu.dma_semaphore, #tpu.memory_space<semaphore_mem>>)
      } else {
      }
    }
    %scan3A_7 = arith.constant 63 : i32
    %scan3A_8 = arith.constant 0 : i32
    %scan3A_9 = arith.constant 0 : i32
    %scan3A_10 = arith.constant 3 : i32
    %scan3A_11 = arith.addi %scan3A_9, %scan3A_10 : i32
    %scan3A_12 = arith.constant 1 : i32
    scf.for %scan3A_14 = %scan3A_9 to %scan3A_11 step %scan3A_12  : i32 {
      %sub3A = arith.constant 61 : i32
      %sub3A_15 = arith.subi %sub3A, %scan3A_14 : i32
      %mul3A_16 = arith.constant 32 : i32
      %mul3A_17 = arith.muli %sub3A_15, %mul3A_16 : i32
      %add3A_18 = arith.addi %mul3A_17, %add3A : i32
      %ge3A = arith.constant 0 : i32
      %ge3A_19 = arith.cmpi sge, %sub3A_15, %ge3A : i32
      %lt3A = arith.constant 1953 : i32
      %lt3A_20 = arith.cmpi slt, %add3A_18, %lt3A : i32
      %and3A = arith.andi %ge3A_19, %lt3A_20 : i1
      %add3A_21 = arith.constant 2 : i32
      %add3A_22 = arith.addi %sub3A_15, %add3A_21 : i32
      %mul3A_23 = arith.constant 32 : i32
      %mul3A_24 = arith.muli %add3A_22, %mul3A_23 : i32
      %add3A_25 = arith.addi %mul3A_24, %add3A : i32
      %ge3A_26 = arith.constant 1953 : i32
      %ge3A_27 = arith.cmpi sge, %add3A_25, %ge3A_26 : i32
      %and3A_28 = arith.andi %and3A, %ge3A_27 : i1
      %convert_element_type3A_29 = arith.extui %and3A_28 : i1 to i32
      %cond3A_30 = arith.constant 0 : i32
      %cond3A_31 = arith.cmpi ne, %convert_element_type3A_29, %cond3A_30 : i32
      scf.if %cond3A_31 {
        %rem3A = arith.constant 2 : i32
        %rem3A_32 = arith.remsi %sub3A_15, %rem3A : i32
        %dma_wait3A = arith.constant 0 : i32
        %dma_wait3A_33 = arith.constant 0 : i32
        %dma_wait3A_34 = tpu.memref_slice %arg6[%rem3A_32, %dma_wait3A, %dma_wait3A_33] : memref<2x64x128xf32, #tpu.memory_space<vmem>> -> memref<1x64x128xf32, #tpu.memory_space<vmem>>
        %dma_wait3A_35 = tpu.memref_squeeze %dma_wait3A_34 : memref<1x64x128xf32, #tpu.memory_space<vmem>> -> memref<64x128xf32, #tpu.memory_space<vmem>>
        %dma_wait3A_36 = arith.constant 0 : i32
        %dma_wait3A_37 = arith.constant 0 : i32
        %dma_wait3A_38 = tpu.memref_slice %arg4[%dma_wait3A_36, %dma_wait3A_37] : memref<125000x128xf32, #tpu.memory_space<hbm>> -> memref<64x128xf32, #tpu.memory_space<hbm>>
        %dma_wait3A_39 = tpu.memref_slice %arg8[%rem3A_32] : memref<2x!tpu.dma_semaphore, #tpu.memory_space<semaphore_mem>> -> memref<1x!tpu.dma_semaphore, #tpu.memory_space<semaphore_mem>>
        %dma_wait3A_40 = tpu.memref_squeeze %dma_wait3A_39 : memref<1x!tpu.dma_semaphore, #tpu.memory_space<semaphore_mem>> -> memref<!tpu.dma_semaphore, #tpu.memory_space<semaphore_mem>>
        %dma_wait3A_41 = arith.constant 0 : i32
        %dma_wait3A_42 = arith.constant 0 : i32
        %dma_wait3A_43 = tpu.memref_slice %arg4[%dma_wait3A_41, %dma_wait3A_42] : memref<125000x128xf32, #tpu.memory_space<hbm>> -> memref<64x128xf32, #tpu.memory_space<hbm>>
        %dma_wait3A_44 = arith.constant 0 : i32
        %dma_wait3A_45 = arith.constant 0 : i32
        %dma_wait3A_46 = tpu.memref_slice %arg6[%rem3A_32, %dma_wait3A_44, %dma_wait3A_45] : memref<2x64x128xf32, #tpu.memory_space<vmem>> -> memref<1x64x128xf32, #tpu.memory_space<vmem>>
        %dma_wait3A_47 = tpu.memref_squeeze %dma_wait3A_46 : memref<1x64x128xf32, #tpu.memory_space<vmem>> -> memref<64x128xf32, #tpu.memory_space<vmem>>
        tpu.wait_dma2 semaphore(%dma_wait3A_40 : memref<!tpu.dma_semaphore, #tpu.memory_space<semaphore_mem>>) src(%dma_wait3A_47 : memref<64x128xf32, #tpu.memory_space<vmem>>) dst(%dma_wait3A_43 : memref<64x128xf32, #tpu.memory_space<hbm>>)
      } else {
      }
    }
    %scan3A_13 = arith.constant 3 : i32
    return
  }
}

</mosaic_0001>

<sc_bundles>
// kernel: kernel.4.cloned.1.call-start
scs
__scs_entry_jumppad:
0x0: {  	(pc) =	sbr.rel $0x88, $3  }
0x1: {  	(tag) =	ssettag $0x0;
	lr =	simm.s32 $0x1  }
0x2: {  	[smem:$0x3F9F] =	sst lr;
	_ =	strace $0xD0000000  }
0x3: {  	_ = 	snop  }
0x4: {  	_ = 	snop  }
0x5: {  	_ = 	snop  }
0x6: {  	_ = 	snop  }
0x7: {  	_ = 	snop  }
__scs_overlays_trampoline_lowered:
0x8: {  	[smem:$0x3FAE] =	sst s0  }
0x9: {  	[smem:$0x3FAF] =	sst s1  }
0xa: {  	[smem:$0x3FB0] =	sst s2  }
0xb: {  	[smem:$0x3FB1] =	sst s3  }
0xc: {  	[smem:$0x3FB2] =	sst s4  }
0xd: {  	[smem:$0x3FB3] =	sst s5  }
0xe: {  	[smem:$0x3FB4] =	sst s6  }
0xf: {  	[smem:$0x3FB5] =	sst s7  }
0x10: {  	[smem:$0x3FB6] =	sst s8  }
0x11: {  	[smem:$0x3FB7] =	sst s9;
	s0 =	simm.s32 @!p0 $0x0  }
0x12: {  	s1 =	sld [smem:$0x3F9D];
	s0 =	simm.s32 @p0 $0x1  }
0x13: {  	[smem:$0x3FB8] =	sst s0;
	s0 =	simm.s32 @!p1 $0x0  }
0x14: {  	s2 =	sld [smem:$0x3F9C];
	s0 =	simm.s32 @p1 $0x1  }
0x15: {  	[smem:$0x3FB9] =	sst s0;
	s0 =	simm.s32 @!p2 $0x0  }
0x16: {  	s3 =	sld [smem:$0x3FDB];
	s0 =	simm.s32 @p2 $0x1  }
0x17: {  	s4 =	simm.s32 $0x1BF5;
	[smem:$0x3FBB] =	sst s0  }
0x18: {  	s0 =	sld [smem:$0x3F9E];
	_ =	swait.ge [sflag:s4], $0x0  }
0x19: {  	s7 =	sld [smem:$0x3F9F]  }
0x1a: {  	s8 =	sadd.s32 $0xFFFFE003, lr  }
0x1b: {  	s9 =	sadd.s32 $0xFFFFFEF7, lr;
	s5 =	simm.s32 $0xFFFFFFFF;
	p2 =	slt.u32 s8, $0xFFFFF086  }
0x1c: {  	p1 =	slt.u32 s9, $0xF7A;
	s5 =	simm.s32 @!p2 $0x0  }
0x1d: {  	s5 =	simm.s32 @p1 $0x1;
	p0 =	seq.s32 s7, s2  }
0x1e: {  	s7 =	smul.u32 @!p0 $0xF7A, s2;
	p2 =	seq.s32 @!p0 s5, $0x0  }
0x1f: {  	s9 =	smul.u32 $0xF7A, s1;
	s8 =	simm.s32 @!p0 $0x1BF5;
	p2 =	por !p2, p0  }
0x20: {  	[sflag:s8] =	ssyncset.s32 @!p0 $0xFFFFF086;
	s6 =	sadd.s32 @!p0 s3, s7;
	s7 =	simm.s32 @!p0 $0x108  }
0x21: {  	s3 =	sadd.s32 s3, s9;
	s6 =	sadd.s32 @!p0 $0x88, s6;
	s7 =	simm.s32 @p2 $0x1082  }
0x22: {  	[simem:s7], [sflag:s8] =	dma.local @!p0 [hbm:s6], $0xF7A  }
0x23: {  	s9 =	sor.u32 $0xD0000000, s2;
	s6 =	simm.s32 $0x108;
	_ =	swait.ge @!p0 [sflag:s8], $0x0  }
0x24: {  	s3 =	sadd.s32 $0x88, s3;
	s6 =	simm.s32 @!p1 $0x1082;
	[sflag:s4] =	ssyncset.s32 $0xFFFFF086  }
0x25: {  	[simem:s6], [sflag:s4] =	dma.local [hbm:s3], $0xF7A  }
0x26: {  	[smem:$0x3F9F] =	sst s1;
	(tag) =	ssettag s2;
	_ =	strace s9  }
0x27: {  	s1 =	sld [smem:$0x3FAF]  }
0x28: {  	s2 =	sld [smem:$0x3FB0]  }
0x29: {  	s4 =	sld [smem:$0x3FB2]  }
0x2a: {  	p0 =	seq.s32 s5, $0x0;
	s5 =	sld [smem:$0x3FB3]  }
0x2b: {  	s6 =	sld [smem:$0x3FB4]  }
0x2c: {  	s7 =	sld [smem:$0x3FB5]  }
0x2d: {  	s3 =	simm.s32 $0x108;
	s8 =	sld [smem:$0x3FB6]  }
0x2e: {  	s3 =	simm.s32 @!p0 $0x1082;
	s9 =	sld [smem:$0x3FB7]  }
0x2f: {  	lr =	sadd.s32 s0, s3;
	s0 =	sld [smem:$0x3FAE]  }
0x30: {  	s3 =	sld [smem:$0x3FB1]  }
0x31: {  	[smem:$0x3FBA] =	sst s10  }
0x32: {  	s10 =	sld [smem:$0x3FB8];
	_ =	sdelay $0x3  }
0x33: {  	p0 =	seq.s32 s10, $0x1;
	s10 =	sld [smem:$0x3FBA];
	_ =	sdelay $0x3  }
0x34: {  	[smem:$0x3FBA] =	sst s10  }
0x35: {  	s10 =	sld [smem:$0x3FB9];
	_ =	sdelay $0x3  }
0x36: {  	p1 =	seq.s32 s10, $0x1;
	s10 =	sld [smem:$0x3FBA];
	_ =	sdelay $0x3  }
0x37: {  	[smem:$0x3FBA] =	sst s10  }
0x38: {  	s10 =	sld [smem:$0x3FBB]  }
0x39: {  	_ = 	snop;
	(pc) =	sbr.ind lr, $3  }
0x3a: {  	_ = 	snop  }
0x3b: {  	_ = 	snop  }
0x3c: {  	p2 =	seq.s32 s10, $0x1;
	s10 =	sld [smem:$0x3FBA]  }
0x3d: {  	_ =	shalt  }
0x3e: {  	_ =	shalt  }
0x3f: {  	_ =	shalt  }
0x40: {  	_ =	shalt  }
0x41: {  	_ =	shalt  }
0x42: {  	_ =	shalt  }
0x43: {  	_ =	shalt  }
0x44: {  	_ =	shalt  }
0x45: {  	_ =	shalt  }
0x46: {  	_ =	shalt  }
0x47: {  	_ =	shalt  }
0x48: {  	_ =	shalt  }
0x49: {  	_ =	shalt  }
0x4a: {  	_ =	shalt  }
0x4b: {  	_ =	shalt  }
0x4c: {  	_ =	shalt  }
0x4d: {  	_ =	shalt  }
0x4e: {  	_ =	shalt  }
0x4f: {  	_ =	shalt  }
0x50: {  	_ =	shalt  }
0x51: {  	_ =	shalt  }
0x52: {  	_ =	shalt  }
0x53: {  	_ =	shalt  }
0x54: {  	_ =	shalt  }
0x55: {  	_ =	shalt  }
0x56: {  	_ =	shalt  }
0x57: {  	_ =	shalt  }
0x58: {  	_ =	shalt  }
0x59: {  	_ =	shalt  }
0x5a: {  	_ =	shalt  }
0x5b: {  	_ =	shalt  }
0x5c: {  	_ =	shalt  }
0x5d: {  	_ =	shalt  }
0x5e: {  	_ =	shalt  }
0x5f: {  	_ =	shalt  }
0x60: {  	_ =	shalt  }
0x61: {  	_ =	shalt  }
0x62: {  	_ =	shalt  }
0x63: {  	_ =	shalt  }
0x64: {  	_ =	shalt  }
0x65: {  	_ =	shalt  }
0x66: {  	_ =	shalt  }
0x67: {  	_ =	shalt  }
0x68: {  	_ =	shalt  }
0x69: {  	_ =	shalt  }
0x6a: {  	_ =	shalt  }
0x6b: {  	_ =	shalt  }
0x6c: {  	_ =	shalt  }
0x6d: {  	_ =	shalt  }
0x6e: {  	_ =	shalt  }
0x6f: {  	_ =	shalt  }
0x70: {  	_ =	shalt  }
0x71: {  	_ =	shalt  }
0x72: {  	_ =	shalt  }
0x73: {  	_ =	shalt  }
0x74: {  	_ =	shalt  }
0x75: {  	_ =	shalt  }
0x76: {  	_ =	shalt  }
0x77: {  	_ =	shalt  }
0x78: {  	_ =	shalt  }
0x79: {  	_ =	shalt  }
0x7a: {  	_ =	shalt  }
0x7b: {  	_ =	shalt  }
0x7c: {  	_ =	shalt  }
0x7d: {  	_ =	shalt  }
0x7e: {  	_ =	shalt  }
0x7f: {  	_ =	shalt  }
0x80: {  	_ =	shalt  }
0x81: {  	_ =	shalt  }
0x82: {  	_ =	shalt  }
0x83: {  	_ =	shalt  }
0x84: {  	_ =	shalt  }
0x85: {  	_ =	shalt  }
0x86: {  	_ =	shalt  }
0x87: {  	_ =	shalt  }
.Lfunc_end0:
.L_simem_size_0:
called_computation_lowered:
.L_overlay_start_0:
0x88: {  	s2 =	sld [smem:$0x3FD9]  }
0x89: {  	s3 =	sld [smem:$0x3FFE];
	_ =	sdelay $0x1  }
0x8a: {  	s1 =	srdreg.scid  }
0x8b: {  	s0 =	sand.u32 $0x1, s1  }
0x8c: {  	s17 =	sshll.u32 s0, $0xA;
	s2 =	sadd.s32 s3, s2  }
0x8d: {  	s2 =	sadd.s32 s2, s17  }
0x8e: {  	[smem:$0x3FC6] =	sst s2  }
0x8f: {  	_ = 	snop  }
0x90: {  	s2 =	sld [smem:$0x3FC9]  }
0x91: {  	s18 =	sld [smem:$0x3FD0];
	(tm) =	ssettm $0x1  }
0x92: {  	s4 =	sld [smem:$0x3FFB];
	_ =	sdelay $0x3  }
0x93: {  	_ =	strace s4  }
0x94: {  	s4 =	sld [smem:$0x3FFC];
	_ =	sdelay $0x3  }
0x95: {  	_ =	strace s4  }
0x96: {  	s4 =	sld [smem:$0x3FFD];
	_ =	sdelay $0x3  }
0x97: {  	_ =	strace s4  }
0x98: {  	_ =	strace $0x8FFFFFFF  }
0x99: {  	s19 =	sld [smem:$0x3FDB];
	_ =	sdelay $0x1  }
0x9a: {  	s5 =	simm.s32 $_scs_section_size  }
0x9b: {  	s6 =	simm.s32 $_size__tile_overlayer_lowered;
	s7 =	simm.s32 $_tile_overlayer_lowered  }
0x9c: {  	s22 =	simm.s32 $0x1BFF;
	s21 =	sshll.u32 s7, $0x1;
	s4 =	sadd.s32 s5, s19  }
0x9d: {  	s8 =	simm.s32 $0x0;
	s20 =	sshll.u32 s6, $0x1;
	s6 =	sadd.s32 s21, s4  }
0x9e: {  	[timem:s8], [sflag:s22] =	dma.local [hbm:s6], s20  }
0x9f: {  	_ =	swait.ge [sflag:s22], s20  }
0xa0: {  	s5 =	ssub.s32 $0x0, s20;
	[sflag:s22] =	ssyncset.done $0x0  }
0xa1: {  	[sflag:s22] =	ssyncadd.s32 s5;
	_ =	sdelay $0x1  }
0xa2: {  	s23 =	simm.s32 $0x1B8B  }
0xa3: {  	_ =	swait.ge [sflag:s23], $0x1  }
0xa4: {  	[sflag:s23] =	ssyncset.done $0x0  }
0xa5: {  	s25 =	simm.s32 $0x1B8E;
	s24 =	sld [smem:$0x3FFE];
	[sflag:s23] =	ssyncadd.s32 $0xFFFFFFFF  }
0xa6: {  	s26 =	simm.s32 $execute0_lowered;
	[smem:$0x3FD2] =	sst s25  }
0xa7: {  	s6 =	sshll.u32 s26, $0x1;
	_ =	strace $0x80000046;
	[dreg:$0x1] =	wrdreg $0xFFFFFFFF  }
0xa8: {  	s28 =	simm.s32 $_size_execute0_lowered;
	s4 =	sadd.s32 s4, s6;
	[dreg:$0x0] =	wrdreg $0x0  }
0xa9: {  	s6 =	sshll.u32 s28, $0x1;
	[dreg:$0x2] =	wrdreg s4  }
0xaa: {  	[dreg:$0x3] =	wrdreg s6  }
0xab: {  	[dreg:$0x4] =	wrdreg $0xC0  }
0xac: {  	_ =	task [dreg:s8], $0x5FFFF  }
0xad: {  	[dreg:$0x1] =	wrdreg $0xFFFFFFFF  }
0xae: {  	[dreg:$0x0] =	wrdreg $0x60  }
0xaf: {  	[dreg:$0x2] =	wrdreg s2  }
0xb0: {  	[dreg:$0x3] =	wrdreg s18  }
0xb1: {  	[dreg:$0x4] =	wrdreg s24  }
0xb2: {  	[dreg:$0x5] =	wrdreg $0x9  }
0xb3: {  	_ =	task.clear_ibuf [dreg:s8], $0x6FFFF;
	_ =	strace $0x90000046  }
0xb4: {  	s29 =	simm.s32 $0x9;
	_ =	strace $0x80000048  }
0xb5: {  	_ =	swait.ge [sflag:s29], $0x1  }
0xb6: {  	[sflag:s29] =	ssyncadd.s32 $0xFFFFFFFF  }
0xb7: {  	_ =	strace $0x90000048  }
0xb8: {  	_ =	sfence  }
0xb9: {  	s30 =	sld [smem:$0x0];
	_ =	sdelay $0x2  }
0xba: {  	s31 =	sshll.u32 s1, $0xD;
	s1 =	sshrl.u32 s1, $0x2  }
0xbb: {  	s3 =	sand.u32 $0x4000, s31;
	s1 =	sadd.s32 s1, s30  }
0xbc: {  	s0 =	sor.u32 s3, s0;
	s1 =	sshll.u32 s1, $0x11  }
0xbd: {  	s0 =	sor.u32 s1, s0  }
0xbe: {  	s0 =	sadd.s32 $0x8F2B, s0  }
0xbf: {  	[sflag:s0] =	ssyncadd.remote.s32 $0x1  }
0xc0: {  	_ =	sfence.sel $0xFFFF  }
0xc1: {  	[dreg:$0x0] =	wrdreg $0xFFFFFFFF;
	(pc) =	sbr.abs _section_cstart, $3  }
0xc2: {  	[dreg:$0x1] =	wrdreg $0xFFFFFFFF  }
0xc3: {  	_ =	task.clear_ibuf [dreg:s8], $0x2FFFF;
	_ =	strace $0x9FFFFFFF  }
0xc4: {  	(tm) =	ssettm $0x7FFFFFFF  }
0xc5: {  	_ =	shalt  }
tec
execute0_lowered:
.L_overlay_start_1:
0x0: {  	(tag) =	ssettag $0x1  }
0x1: {  	vm2 =	vcmask $0x300;
	v0 =	vimm.s32 $0xB80;
	vm1 =	vcmask $0x704  }
0x2: {  	vm0 =	vcmask $0xB08;
	v1 =	vimm.s32 $0x1000;
	v2 =	vimm.s32 $0x1080  }
0x3: {  	v3 =	vimm.s32 $0x1100;
	v4 =	vimm.s32 $0x1180;
	v5 =	vimm.s32 $0x1200  }
0x4: {  	v6 =	vimm.s32 $0x1280;
	v7 =	vimm.s32 $0x1300;
	v8 =	vimm.s32 $0x1380  }
0x5: {  	v9 =	vimm.s32 $0x1800;
	v10 =	vimm.s32 $0x1880;
	v11 =	vimm.s32 $0x1900  }
0x6: {  	v12 =	vimm.s32 $0x1980;
	v13 =	vimm.s32 $0x1A00;
	v14 =	vimm.s32 $0x1A80  }
0x7: {  	v15 =	vimm.s32 $0x1B00;
	v16 =	vimm.s32 $0x1B80;
	v17 =	vimm.s32 $0x0  }
0x8: {  	v18 =	vimm.s32 $0x80;
	v19 =	vimm.s32 $0x100;
	v20 =	vimm.s32 $0x180  }
0x9: {  	v21 =	vimm.s32 $0x200;
	v22 =	vimm.s32 $0x280;
	v23 =	vimm.s32 $0x300  }
0xa: {  	v24 =	vimm.s32 $0x380;
	v25 =	vimm.s32 $0x800;
	v26 =	vimm.s32 $0x880  }
0xb: {  	v27 =	vimm.s32 $0x900;
	v28 =	vimm.s32 $0x980;
	v29 =	vimm.s32 $0xA00  }
0xc: {  	v30 =	vimm.s32 $0xA80;
	v31 =	vimm.s32 $0xB00;
	vm14 =	vcmask $0xF0C  }
0xd: {  	vm15 =	vcmask $0x1310;
	vm3 =	vcmask $0x1714;
	vm5 =	vcmask $0x1B18  }
0xe: {  	vm6 =	vcmask $0x1F1C;
	vm7 =	vcmask $0xF00;
	vm8 =	vcmask $0x2320  }
0xf: {  	v62 =	vimm.s32 $0x76553413;
	v63 =	vimm.s32 $0xF9D8B796;
	v47 =	vimm.s32 $0x77563514  }
0x10: {  	v48 =	vimm.s32 $0x78573615;
	v49 =	vimm.s32 $0x79583716;
	v50 =	vimm.s32 $0x7A593817  }
0x11: {  	v51 =	vimm.s32 $0x7B5A3918;
	v42 =	vimm.s32 $0x7C5B3A19;
	v43 =	vimm.s32 $0x7D5C3B1A  }
0x12: {  	v44 =	vimm.s32 $0x7E5D3C1B;
	v45 =	vimm.s32 $0x7F5E3D1C;
	v46 =	vimm.s32 $0x605F3E1D  }
0x13: {  	vm9 =	vcmask $0x1F10;
	v52 =	vimm.s32 $0xFAD9B897;
	v54 =	vimm.s32 $0xFCDBBA99  }
0x14: {  	vm10 =	vcmask $0x2724;
	vm11 =	vcmask $0x2B28;
	vm12 =	vcmask $0x2F2C  }
0x15: {  	vm13 =	vcmask $0x3330;
	v0 =	vsel vm2, $0x0, v0;
	v1 =	vsel vm2, $0x80, v1  }
0x16: {  	v2 =	vsel vm2, $0x100, v2;
	v3 =	vsel vm2, $0x180, v3;
	v4 =	vsel vm2, $0x200, v4  }
0x17: {  	v5 =	vsel vm2, $0x280, v5;
	v6 =	vsel vm2, $0x300, v6;
	v7 =	vsel vm2, $0x380, v7  }
0x18: {  	v8 =	vsel vm2, $0x800, v8;
	v9 =	vsel vm2, $0x880, v9;
	v10 =	vsel vm2, $0x900, v10  }
0x19: {  	v11 =	vsel vm2, $0x980, v11;
	v12 =	vsel vm2, $0xA00, v12;
	v13 =	vsel vm2, $0xA80, v13  }
0x1a: {  	v14 =	vsel vm2, $0xB00, v14;
	v15 =	vsel vm2, $0xB80, v15;
	v16 =	vsel vm2, $0x1000, v16  }
0x1b: {  	v17 =	vsel vm2, $0x1080, v17;
	v18 =	vsel vm2, $0x1100, v18;
	v19 =	vsel vm2, $0x1180, v19  }
0x1c: {  	v20 =	vsel vm2, $0x1200, v20;
	v21 =	vsel vm2, $0x1280, v21;
	v22 =	vsel vm2, $0x1300, v22  }
0x1d: {  	v23 =	vsel vm2, $0x1380, v23;
	v24 =	vsel vm2, $0x1800, v24;
	v25 =	vsel vm2, $0x1880, v25  }
0x1e: {  	v26 =	vsel vm2, $0x1900, v26;
	v27 =	vsel vm2, $0x1980, v27;
	v28 =	vsel vm2, $0x1A00, v28  }
0x1f: {  	v29 =	vsel vm2, $0x1A80, v29;
	v30 =	vsel vm2, $0x1B00, v30;
	v31 =	vsel vm2, $0x1B80, v31  }
0x20: {  	v42 =	vunpack.c.0.s8.s32 v42;
	v43 =	vunpack.c.0.s8.s32 v43;
	v44 =	vunpack.c.0.s8.s32 v44  }
0x21: {  	v45 =	vunpack.c.0.s8.s32 v45;
	v46 =	vunpack.c.0.s8.s32 v46;
	v0 =	vsel vm1, $0x80, v0  }
0x22: {  	v1 =	vsel vm1, $0x100, v1;
	v2 =	vsel vm1, $0x180, v2;
	v3 =	vsel vm1, $0x200, v3  }
0x23: {  	v4 =	vsel vm1, $0x280, v4;
	v5 =	vsel vm1, $0x300, v5;
	v6 =	vsel vm1, $0x380, v6  }
0x24: {  	v7 =	vsel vm1, $0x800, v7;
	v8 =	vsel vm1, $0x880, v8;
	v9 =	vsel vm1, $0x900, v9  }
0x25: {  	v10 =	vsel vm1, $0x980, v10;
	v11 =	vsel vm1, $0xA00, v11;
	v12 =	vsel vm1, $0xA80, v12  }
0x26: {  	v13 =	vsel vm1, $0xB00, v13;
	v14 =	vsel vm1, $0xB80, v14;
	v15 =	vsel vm1, $0x1000, v15  }
0x27: {  	v16 =	vsel vm1, $0x1080, v16;
	v17 =	vsel vm1, $0x1100, v17;
	v18 =	vsel vm1, $0x1180, v18  }
0x28: {  	v19 =	vsel vm1, $0x1200, v19;
	v20 =	vsel vm1, $0x1280, v20;
	v21 =	vsel vm1, $0x1300, v21  }
0x29: {  	v22 =	vsel vm1, $0x1380, v22;
	v23 =	vsel vm1, $0x1800, v23;
	v24 =	vsel vm1, $0x1880, v24  }
0x2a: {  	v25 =	vsel vm1, $0x1900, v25;
	v26 =	vsel vm1, $0x1980, v26;
	v27 =	vsel vm1, $0x1A00, v27  }
0x2b: {  	v28 =	vsel vm1, $0x1A80, v28;
	v29 =	vsel vm1, $0x1B00, v29;
	v30 =	vsel vm1, $0x1B80, v30  }
0x2c: {  	v31 =	vsel vm1, $0x0, v31;
	v0 =	vsel vm0, $0x100, v0;
	v1 =	vsel vm0, $0x180, v1  }
0x2d: {  	v2 =	vsel vm0, $0x200, v2;
	v3 =	vsel vm0, $0x280, v3;
	v4 =	vsel vm0, $0x300, v4  }
0x2e: {  	v5 =	vsel vm0, $0x380, v5;
	v6 =	vsel vm0, $0x800, v6;
	v7 =	vsel vm0, $0x880, v7  }
0x2f: {  	v8 =	vsel vm0, $0x900, v8;
	v9 =	vsel vm0, $0x980, v9;
	v10 =	vsel vm0, $0xA00, v10  }
0x30: {  	v11 =	vsel vm0, $0xA80, v11;
	v12 =	vsel vm0, $0xB00, v12;
	v13 =	vsel vm0, $0xB80, v13  }
0x31: {  	v14 =	vsel vm0, $0x1000, v14;
	v15 =	vsel vm0, $0x1080, v15;
	v16 =	vsel vm0, $0x1100, v16  }
0x32: {  	v17 =	vsel vm0, $0x1180, v17;
	v18 =	vsel vm0, $0x1200, v18;
	v19 =	vsel vm0, $0x1280, v19  }
0x33: {  	v20 =	vsel vm0, $0x1300, v20;
	v21 =	vsel vm0, $0x1380, v21;
	v22 =	vsel vm0, $0x1800, v22  }
0x34: {  	v23 =	vsel vm0, $0x1880, v23;
	v24 =	vsel vm0, $0x1900, v24;
	v25 =	vsel vm0, $0x1980, v25  }
0x35: {  	v26 =	vsel vm0, $0x1A00, v26;
	v27 =	vsel vm0, $0x1A80, v27;
	v28 =	vsel vm0, $0x1B00, v28  }
0x36: {  	v29 =	vsel vm0, $0x1B80, v29;
	v30 =	vsel vm0, $0x0, v30;
	v31 =	vsel vm0, $0x80, v31  }
0x37: {  	v42 =	vand.u32 $0xFF, v42;
	v43 =	vand.u32 $0xFF, v43;
	v44 =	vand.u32 $0xFF, v44  }
0x38: {  	v45 =	vand.u32 $0xFF, v45;
	v46 =	vand.u32 $0xFF, v46;
	v0 =	vsel vm14, $0x180, v0  }
0x39: {  	v1 =	vsel vm14, $0x200, v1;
	v2 =	vsel vm14, $0x280, v2;
	v3 =	vsel vm14, $0x300, v3  }
0x3a: {  	v4 =	vsel vm14, $0x380, v4;
	v5 =	vsel vm14, $0x800, v5;
	v6 =	vsel vm14, $0x880, v6  }
0x3b: {  	v7 =	vsel vm14, $0x900, v7;
	v8 =	vsel vm14, $0x980, v8;
	v9 =	vsel vm14, $0xA00, v9  }
0x3c: {  	v10 =	vsel vm14, $0xA80, v10;
	v11 =	vsel vm14, $0xB00, v11;
	v12 =	vsel vm14, $0xB80, v12  }
0x3d: {  	v13 =	vsel vm14, $0x1000, v13;
	v14 =	vsel vm14, $0x1080, v14;
	v15 =	vsel vm14, $0x1100, v15  }
0x3e: {  	v16 =	vsel vm14, $0x1180, v16;
	v17 =	vsel vm14, $0x1200, v17;
	v18 =	vsel vm14, $0x1280, v18  }
0x3f: {  	v19 =	vsel vm14, $0x1300, v19;
	v20 =	vsel vm14, $0x1380, v20;
	v21 =	vsel vm14, $0x1800, v21  }
0x40: {  	v22 =	vsel vm14, $0x1880, v22;
	v23 =	vsel vm14, $0x1900, v23;
	v24 =	vsel vm14, $0x1980, v24  }
0x41: {  	v25 =	vsel vm14, $0x1A00, v25;
	v26 =	vsel vm14, $0x1A80, v26;
	v27 =	vsel vm14, $0x1B00, v27  }
0x42: {  	v28 =	vsel vm14, $0x1B80, v28;
	v29 =	vsel vm14, $0x0, v29;
	v30 =	vsel vm14, $0x80, v30  }
0x43: {  	v31 =	vsel vm14, $0x100, v31;
	v42 =	vnsel vm7, $0x1E8, v42;
	v43 =	vnsel vm7, $0x1E9, v43  }
0x44: {  	v44 =	vnsel vm7, $0x1EA, v44;
	v45 =	vnsel vm7, $0x1EB, v45;
	v46 =	vnsel vm7, $0x1EC, v46  }
0x45: {  	vm14 =	vcmask $0x3734;
	v0 =	vsel vm15, $0x200, v0;
	v1 =	vsel vm15, $0x280, v1  }
0x46: {  	v2 =	vsel vm15, $0x300, v2;
	v3 =	vsel vm15, $0x380, v3;
	v4 =	vsel vm15, $0x800, v4  }
0x47: {  	v5 =	vsel vm15, $0x880, v5;
	v6 =	vsel vm15, $0x900, v6;
	v7 =	vsel vm15, $0x980, v7  }
0x48: {  	v8 =	vsel vm15, $0xA00, v8;
	v9 =	vsel vm15, $0xA80, v9;
	v10 =	vsel vm15, $0xB00, v10  }
0x49: {  	v11 =	vsel vm15, $0xB80, v11;
	v12 =	vsel vm15, $0x1000, v12;
	v13 =	vsel vm15, $0x1080, v13  }
0x4a: {  	v14 =	vsel vm15, $0x1100, v14;
	v15 =	vsel vm15, $0x1180, v15;
	v16 =	vsel vm15, $0x1200, v16  }
0x4b: {  	v17 =	vsel vm15, $0x1280, v17;
	v18 =	vsel vm15, $0x1300, v18;
	v19 =	vsel vm15, $0x1380, v19  }
0x4c: {  	v20 =	vsel vm15, $0x1800, v20;
	v21 =	vsel vm15, $0x1880, v21;
	v22 =	vsel vm15, $0x1900, v22  }
0x4d: {  	v23 =	vsel vm15, $0x1980, v23;
	v24 =	vsel vm15, $0x1A00, v24;
	v25 =	vsel vm15, $0x1A80, v25  }
0x4e: {  	v26 =	vsel vm15, $0x1B00, v26;
	v27 =	vsel vm15, $0x1B80, v27;
	v28 =	vsel vm15, $0x0, v28  }
0x4f: {  	v29 =	vsel vm15, $0x80, v29;
	v30 =	vsel vm15, $0x100, v30;
	v31 =	vsel vm15, $0x180, v31  }
0x50: {  	vm15 =	vcmask $0x3B38;
	v0 =	vsel vm3, $0x280, v0;
	v1 =	vsel vm3, $0x300, v1  }
0x51: {  	v2 =	vsel vm3, $0x380, v2;
	v3 =	vsel vm3, $0x800, v3;
	v4 =	vsel vm3, $0x880, v4  }
0x52: {  	v5 =	vsel vm3, $0x900, v5;
	v6 =	vsel vm3, $0x980, v6;
	v7 =	vsel vm3, $0xA00, v7  }
0x53: {  	v8 =	vsel vm3, $0xA80, v8;
	v9 =	vsel vm3, $0xB00, v9;
	v10 =	vsel vm3, $0xB80, v10  }
0x54: {  	v11 =	vsel vm3, $0x1000, v11;
	v12 =	vsel vm3, $0x1080, v12;
	v13 =	vsel vm3, $0x1100, v13  }
0x55: {  	v14 =	vsel vm3, $0x1180, v14;
	v15 =	vsel vm3, $0x1200, v15;
	v16 =	vsel vm3, $0x1280, v16  }
0x56: {  	v17 =	vsel vm3, $0x1300, v17;
	v18 =	vsel vm3, $0x1380, v18;
	v19 =	vsel vm3, $0x1800, v19  }
0x57: {  	v20 =	vsel vm3, $0x1880, v20;
	v21 =	vsel vm3, $0x1900, v21;
	v22 =	vsel vm3, $0x1980, v22  }
0x58: {  	v23 =	vsel vm3, $0x1A00, v23;
	v25 =	vsel vm3, $0x1B00, v25;
	v26 =	vsel vm3, $0x1B80, v26  }
0x59: {  	v27 =	vsel vm3, $0x0, v27;
	v28 =	vsel vm3, $0x80, v28;
	v29 =	vsel vm3, $0x100, v29  }
0x5a: {  	v30 =	vsel vm3, $0x180, v30;
	v32 =	vsel vm3, $0x200, v31;
	v0 =	vsel vm5, $0x300, v0  }
0x5b: {  	v55 =	vsel vm5, $0x380, v1;
	v56 =	vsel vm5, $0x800, v2;
	v57 =	vsel vm5, $0x880, v3  }
0x5c: {  	v58 =	vsel vm5, $0x900, v4;
	v4 =	vsel vm5, $0x980, v5;
	v5 =	vsel vm5, $0xA00, v6  }
0x5d: {  	v6 =	vsel vm5, $0xA80, v7;
	v7 =	vsel vm5, $0xB00, v8;
	v8 =	vsel vm5, $0xB80, v9  }
0x5e: {  	v9 =	vsel vm5, $0x1000, v10;
	v10 =	vsel vm5, $0x1080, v11;
	v11 =	vsel vm5, $0x1100, v12  }
0x5f: {  	v12 =	vsel vm5, $0x1180, v13;
	v13 =	vsel vm5, $0x1200, v14;
	v14 =	vimm.s32 $0x74533211  }
0x60: {  	v15 =	vsel vm5, $0x1280, v15;
	v18 =	vsel vm5, $0x1800, v18;
	v19 =	vsel vm5, $0x1880, v19  }
0x61: {  	v20 =	vsel vm5, $0x1900, v20;
	v21 =	vsel vm5, $0x1980, v21;
	v22 =	vsel vm5, $0x1A00, v22  }
0x62: {  	v23 =	vsel vm5, $0x1A80, v23;
	v34 =	vsel vm5, $0x1B80, v25;
	v35 =	vsel vm5, $0x0, v26  }
0x63: {  	v36 =	vsel vm5, $0x80, v27;
	v37 =	vsel vm5, $0x100, v28;
	v38 =	vsel vm5, $0x180, v29  }
0x64: {  	v39 =	vsel vm5, $0x200, v30;
	v32 =	vsel vm5, $0x280, v32;
	v31 =	vsel vm6, $0x380, v0  }
0x65: {  	v0 =	vsel vm6, $0x800, v55;
	v1 =	vsel vm6, $0x880, v56;
	v2 =	vsel vm6, $0x900, v57  }
0x66: {  	v3 =	vsel vm6, $0x980, v58;
	v4 =	vsel vm6, $0xA00, v4;
	v5 =	vsel vm6, $0xA80, v5  }
0x67: {  	v6 =	vsel vm6, $0xB00, v6;
	v7 =	vsel vm6, $0xB80, v7;
	v9 =	vsel vm6, $0x1080, v9  }
0x68: {  	v10 =	vsel vm6, $0x1100, v10;
	v11 =	vsel vm6, $0x1180, v11;
	v13 =	vsel vm6, $0x1280, v13  }
0x69: {  	v33 =	vunpack.c.0.s8.s32 v14;
	v14 =	vsel vm6, $0x1300, v15;
	v15 =	vsel vm5, $0x1300, v16  }
0x6a: {  	v16 =	vsel vm5, $0x1380, v17;
	v17 =	vimm.s32 $0xF8D7B695;
	v29 =	vsel vm6, $0x1880, v18  }
0x6b: {  	v30 =	vsel vm6, $0x1900, v19;
	v28 =	vsel vm6, $0x1980, v20;
	v27 =	vsel vm6, $0x1A00, v21  }
0x6c: {  	v26 =	vsel vm6, $0x1A80, v22;
	v25 =	vsel vm6, $0x1B00, v23;
	v23 =	vsel vm6, $0x0, v34  }
0x6d: {  	v22 =	vsel vm6, $0x80, v35;
	v21 =	vsel vm6, $0x100, v36;
	v20 =	vsel vm6, $0x180, v37  }
0x6e: {  	v19 =	vsel vm6, $0x200, v38;
	v18 =	vsel vm6, $0x280, v39;
	v35 =	vunpack.c.0.s8.s32 v62  }
0x6f: {  	v37 =	vunpack.c.0.s8.s32 v47;
	v38 =	vunpack.c.0.s8.s32 v48;
	v39 =	vunpack.c.0.s8.s32 v49  }
0x70: {  	v47 =	vimm.s32 $0x61403F1E;
	v48 =	vimm.s32 $0x6241201F;
	v36 =	vunpack.c.0.s8.s32 v63  }
0x71: {  	v34 =	vunpack.c.0.s8.s32 v52;
	v49 =	vimm.s32 $0xFBDAB998;
	v58 =	vimm.s32 $0xFEDDBC9B  }
0x72: {  	v62 =	vimm.s32 $0xE0DFBE9D;
	v63 =	vimm.s32 $0xE1C0BF9E;
	v52 =	vimm.s32 $0xE2C1A09F  }
0x73: {  	v15 =	vsel vm6, $0x1380, v15;
	v16 =	vsel vm6, $0x1800, v16;
	v40 =	vunpack.c.0.s8.s32 v17  }
0x74: {  	v17 =	vimm.s32 $0x75543312;
	v47 =	vunpack.c.0.s8.s32 v47;
	v48 =	vunpack.c.0.s8.s32 v48  }
0x75: {  	v31 =	vsel vm8, $0x800, v31;
	v53 =	vunpack.c.0.s8.s32 v49;
	v49 =	vunpack.c.0.s8.s32 v54  }
0x76: {  	v0 =	vsel vm8, $0x880, v0;
	v1 =	vsel vm8, $0x900, v1;
	v2 =	vsel vm8, $0x980, v2  }
0x77: {  	v3 =	vsel vm8, $0xA00, v3;
	v4 =	vsel vm8, $0xA80, v4;
	v5 =	vsel vm8, $0xB00, v5  }
0x78: {  	v6 =	vsel vm8, $0xB80, v6;
	v7 =	vsel vm8, $0x1000, v7;
	v9 =	vsel vm8, $0x1100, v9  }
0x79: {  	v10 =	vsel vm8, $0x1180, v10;
	v11 =	vsel vm8, $0x1200, v11;
	v13 =	vsel vm8, $0x1300, v13  }
0x7a: {  	v14 =	vsel vm8, $0x1380, v14;
	v29 =	vsel vm8, $0x1900, v29;
	v30 =	vsel vm8, $0x1980, v30  }
0x7b: {  	v28 =	vsel vm8, $0x1A00, v28;
	v27 =	vsel vm8, $0x1A80, v27;
	v26 =	vsel vm8, $0x1B00, v26  }
0x7c: {  	v25 =	vsel vm8, $0x1B80, v25;
	v23 =	vsel vm8, $0x80, v23;
	v22 =	vsel vm8, $0x100, v22  }
0x7d: {  	v21 =	vsel vm8, $0x180, v21;
	v19 =	vsel vm8, $0x280, v19;
	v18 =	vsel vm8, $0x300, v18  }
0x7e: {  	v33 =	vand.u32 $0xFF, v33;
	v41 =	vunpack.c.0.s8.s32 v17;
	v17 =	vsel vm6, $0x300, v32  }
0x7f: {  	v35 =	vand.u32 $0xFF, v35;
	v37 =	vand.u32 $0xFF, v37;
	v38 =	vand.u32 $0xFF, v38  }
0x80: {  	v39 =	vand.u32 $0xFF, v39;
	v36 =	vand.u32 $0xFF, v36;
	v34 =	vand.u32 $0xFF, v34  }
0x81: {  	v31 =	vsel vm10, $0x880, v31;
	v15 =	vsel vm8, $0x1800, v15;
	v16 =	vsel vm8, $0x1880, v16  }
0x82: {  	v0 =	vsel vm10, $0x900, v0;
	v1 =	vsel vm10, $0x980, v1;
	v3 =	vsel vm10, $0xA80, v3  }
0x83: {  	v4 =	vsel vm10, $0xB00, v4;
	v5 =	vsel vm10, $0xB80, v5;
	v6 =	vsel vm10, $0x1000, v6  }
0x84: {  	v7 =	vsel vm10, $0x1080, v7;
	v9 =	vsel vm10, $0x1180, v9;
	v10 =	vsel vm10, $0x1200, v10  }
0x85: {  	v11 =	vsel vm10, $0x1280, v11;
	v13 =	vsel vm10, $0x1380, v13;
	v14 =	vsel vm10, $0x1800, v14  }
0x86: {  	v29 =	vsel vm10, $0x1980, v29;
	v28 =	vsel vm10, $0x1A80, v28;
	v27 =	vsel vm10, $0x1B00, v27  }
0x87: {  	v26 =	vsel vm10, $0x1B80, v26;
	v25 =	vsel vm10, $0x0, v25;
	v23 =	vsel vm10, $0x100, v23  }
0x88: {  	v22 =	vsel vm10, $0x180, v22;
	v21 =	vsel vm10, $0x200, v21;
	v19 =	vsel vm10, $0x300, v19  }
0x89: {  	v18 =	vsel vm10, $0x380, v18;
	v59 =	vnsel vm7, $0x1E0, v33;
	v61 =	vand.u32 $0xFF, v40  }
0x8a: {  	v35 =	vnsel vm7, $0x1E2, v35;
	v40 =	vunpack.c.0.s8.s32 v50;
	v37 =	vnsel vm7, $0x1E3, v37  }
0x8b: {  	v38 =	vnsel vm7, $0x1E4, v38;
	v39 =	vnsel vm7, $0x1E5, v39;
	v47 =	vand.u32 $0xFF, v47  }
0x8c: {  	v48 =	vand.u32 $0xFF, v48;
	v50 =	vimm.s32 $0xFDDCBB9A;
	v55 =	vand.u32 $0xFF, v53  }
0x8d: {  	v57 =	vand.u32 $0xFF, v49;
	v49 =	vunpack.c.0.s8.s32 v58;
	v58 =	vimm.s32 $0xE5C4A382  }
0x8e: {  	v17 =	vsel vm8, $0x380, v17;
	v15 =	vsel vm10, $0x1880, v15;
	v16 =	vsel vm10, $0x1900, v16  }
0x8f: {  	v0 =	vsel vm11, $0x980, v0;
	v1 =	vsel vm11, $0xA00, v1;
	v4 =	vsel vm11, $0xB80, v4  }
0x90: {  	v5 =	vsel vm11, $0x1000, v5;
	v6 =	vsel vm11, $0x1080, v6;
	v7 =	vsel vm11, $0x1100, v7  }
0x91: {  	v9 =	vsel vm11, $0x1200, v9;
	v10 =	vsel vm11, $0x1280, v10;
	v11 =	vsel vm11, $0x1300, v11  }
0x92: {  	v13 =	vsel vm11, $0x1800, v13;
	v14 =	vsel vm11, $0x1880, v14;
	v29 =	vsel vm11, $0x1A00, v29  }
0x93: {  	v28 =	vsel vm11, $0x1B00, v28;
	v27 =	vsel vm11, $0x1B80, v27;
	v26 =	vsel vm11, $0x0, v26  }
0x94: {  	v25 =	vsel vm11, $0x80, v25;
	v23 =	vsel vm11, $0x180, v23;
	v22 =	vsel vm11, $0x200, v22  }
0x95: {  	v21 =	vsel vm11, $0x280, v21;
	v19 =	vsel vm11, $0x380, v19;
	v18 =	vsel vm11, $0x800, v18  }
0x96: {  	v60 =	vand.u32 $0xFF, v41;
	v41 =	vunpack.c.0.s8.s32 v51;
	v47 =	vnsel vm7, $0x1ED, v47  }
0x97: {  	v48 =	vnsel vm7, $0x1EE, v48;
	v32 =	vsel vm9, v61, v59;
	v34 =	vsel vm9, v34, v35  }
0x98: {  	v56 =	vunpack.c.0.s8.s32 v50;
	v35 =	vsel vm9, v55, v37;
	v59 =	vimm.s32 $0xFFDEBD9C  }
0x99: {  	v37 =	vsel vm9, v57, v38;
	v50 =	vunpack.c.0.s8.s32 v63;
	v57 =	vimm.s32 $0xE4C3A281  }
0x9a: {  	v51 =	vimm.s32 $0xE6C5A483;
	v17 =	vsel vm10, $0x800, v17;
	v15 =	vsel vm11, $0x1900, v15  }
0x9b: {  	v16 =	vsel vm11, $0x1980, v16;
	v0 =	vsel vm12, $0xA00, v0;
	v1 =	vsel vm12, $0xA80, v1  }
0x9c: {  	v4 =	vsel vm12, $0x1000, v4;
	v5 =	vsel vm12, $0x1080, v5;
	v6 =	vsel vm12, $0x1100, v6  }
0x9d: {  	v7 =	vsel vm12, $0x1180, v7;
	v9 =	vsel vm12, $0x1280, v9;
	v10 =	vsel vm12, $0x1300, v10  }
0x9e: {  	v11 =	vsel vm12, $0x1380, v11;
	v13 =	vsel vm12, $0x1880, v13;
	v14 =	vsel vm12, $0x1900, v14  }
0x9f: {  	v29 =	vsel vm12, $0x1A80, v29;
	v28 =	vsel vm12, $0x1B80, v28;
	v27 =	vsel vm12, $0x0, v27  }
0xa0: {  	v26 =	vsel vm12, $0x80, v26;
	v25 =	vsel vm12, $0x100, v25;
	v23 =	vsel vm12, $0x200, v23  }
0xa1: {  	v22 =	vsel vm12, $0x280, v22;
	v21 =	vsel vm12, $0x300, v21;
	v19 =	vsel vm12, $0x800, v19  }
0xa2: {  	v18 =	vsel vm12, $0x880, v18;
	v33 =	vnsel vm7, $0x1E1, v60;
	v40 =	vand.u32 $0xFF, v40  }
0xa3: {  	v60 =	vunpack.c.0.s8.s32 v59;
	v61 =	vand.u32 $0xFF, v49;
	v49 =	vunpack.c.0.s8.s32 v62  }
0xa4: {  	v51 =	vunpack.c.0.s8.s32 v51;
	v32 =	vsel vm8, $0x119, v32;
	v34 =	vsel vm8, $0x11B, v34  }
0xa5: {  	v35 =	vsel vm8, $0x11C, v35;
	v37 =	vsel vm8, $0x11D, v37;
	v17 =	vsel vm11, $0x880, v17  }
0xa6: {  	v15 =	vsel vm12, $0x1980, v15;
	v16 =	vsel vm12, $0x1A00, v16;
	v1 =	vsel vm13, $0xB00, v1  }
0xa7: {  	v4 =	vsel vm13, $0x1080, v4;
	v5 =	vsel vm13, $0x1100, v5;
	v6 =	vsel vm13, $0x1180, v6  }
0xa8: {  	v7 =	vsel vm13, $0x1200, v7;
	v9 =	vsel vm13, $0x1300, v9;
	v10 =	vsel vm13, $0x1380, v10  }
0xa9: {  	v11 =	vsel vm13, $0x1800, v11;
	v13 =	vsel vm13, $0x1900, v13;
	v14 =	vsel vm13, $0x1980, v14  }
0xaa: {  	v29 =	vsel vm13, $0x1B00, v29;
	v28 =	vsel vm13, $0x0, v28;
	v27 =	vsel vm13, $0x80, v27  }
0xab: {  	v26 =	vsel vm13, $0x100, v26;
	v25 =	vsel vm13, $0x180, v25;
	v23 =	vsel vm13, $0x280, v23  }
0xac: {  	v22 =	vsel vm13, $0x300, v22;
	v21 =	vsel vm13, $0x380, v21;
	v19 =	vsel vm13, $0x880, v19  }
0xad: {  	v18 =	vsel vm13, $0x900, v18;
	v62 =	vlaneseq.u32;
	v40 =	vnsel vm7, $0x1E6, v40  }
0xae: {  	v41 =	vand.u32 $0xFF, v41;
	v33 =	vsel vm9, v36, v33;
	v36 =	vand.u32 $0xFF, v56  }
0xaf: {  	v54 =	vand.u32 $0xFF, v50;
	v56 =	vimm.s32 $0xE3C2A180;
	v50 =	vunpack.c.0.s8.s32 v58  }
0xb0: {  	v32 =	vsel vm10, $0x13A, v32;
	v34 =	vsel vm10, $0x13C, v34;
	v35 =	vsel vm10, $0x13D, v35  }
0xb1: {  	v37 =	vsel vm10, $0x13E, v37;
	v17 =	vsel vm12, $0x900, v17;
	v15 =	vsel vm13, $0x1A00, v15  }
0xb2: {  	v16 =	vsel vm13, $0x1A80, v16;
	v1 =	vsel vm14, $0xB80, v1;
	v4 =	vsel vm14, $0x1100, v4  }
0xb3: {  	v5 =	vsel vm14, $0x1180, v5;
	v6 =	vsel vm14, $0x1200, v6;
	v7 =	vsel vm14, $0x1280, v7  }
0xb4: {  	v9 =	vsel vm14, $0x1380, v9;
	v10 =	vsel vm14, $0x1800, v10;
	v11 =	vsel vm14, $0x1880, v11  }
0xb5: {  	v13 =	vsel vm14, $0x1980, v13;
	v14 =	vsel vm14, $0x1A00, v14;
	v29 =	vsel vm14, $0x1B80, v29  }
0xb6: {  	v28 =	vsel vm14, $0x80, v28;
	v27 =	vsel vm14, $0x100, v27;
	v26 =	vsel vm14, $0x180, v26  }
0xb7: {  	v23 =	vsel vm14, $0x300, v23;
	v19 =	vsel vm14, $0x900, v19;
	v41 =	vnsel vm7, $0x1E7, v41  }
0xb8: {  	v36 =	vsel vm9, v36, v39;
	v38 =	vand.u32 $0xFF, v60;
	v39 =	vsel vm9, v61, v40  }
0xb9: {  	v53 =	vand.u32 $0xFF, v49;
	v40 =	vunpack.c.0.s8.s32 v52;
	v55 =	vsel vm9, v54, v43  }
0xba: {  	v43 =	vunpack.c.0.s8.s32 v56;
	v49 =	vunpack.c.0.s8.s32 v57;
	v61 =	vand.u32 $0xFF, v51  }
0xbb: {  	v33 =	vsel vm8, $0x11A, v33;
	v32 =	vsel vm11, $0x15B, v32;
	v34 =	vsel vm11, $0x15D, v34  }
0xbc: {  	v35 =	vsel vm11, $0x15E, v35;
	v37 =	vsel vm11, $0x15F, v37;
	v17 =	vsel vm13, $0x980, v17  }
0xbd: {  	v15 =	vsel vm14, $0x1A80, v15;
	v16 =	vsel vm14, $0x1B00, v16;
	v63 =	vsel vm15, $0x100, v28  }
0xbe: {  	v38 =	vsel vm9, v38, v41;
	v41 =	vsel vm9, v53, v42;
	v60 =	vand.u32 $0xFF, v50  }
0xbf: {  	v36 =	vsel vm8, $0x11E, v36;
	v39 =	vsel vm8, $0x11F, v39;
	v42 =	vsel vm8, $0x102, v55  }
0xc0: {  	v33 =	vsel vm10, $0x13B, v33;
	v32 =	vsel vm12, $0x17C, v32;
	v34 =	vsel vm12, $0x17E, v34  }
0xc1: {  	v35 =	vsel vm12, $0x17F, v35;
	v37 =	vsel vm12, $0x160, v37;
	v40 =	vand.u32 $0xFF, v40  }
0xc2: {  	v43 =	vand.u32 $0xFF, v43;
	v59 =	vand.u32 $0xFF, v49;
	v38 =	vsel vm8, $0x100, v38  }
0xc3: {  	v41 =	vsel vm8, $0x101, v41;
	v36 =	vsel vm10, $0x13F, v36;
	v42 =	vsel vm10, $0x123, v42  }
0xc4: {  	v33 =	vsel vm11, $0x15C, v33;
	v32 =	vsel vm13, $0x19D, v32;
	v34 =	vsel vm13, $0x19F, v34  }
0xc5: {  	v35 =	vsel vm13, $0x180, v35;
	v37 =	vsel vm13, $0x181, v37;
	v40 =	vsel vm9, v40, v44  }
0xc6: {  	v43 =	vsel vm9, v43, v45;
	v44 =	vsel vm9, v59, v46;
	v45 =	vsel vm9, v60, v47  }
0xc7: {  	v46 =	vsel vm9, v61, v48;
	v38 =	vsel vm10, $0x121, v38;
	v41 =	vsel vm10, $0x122, v41  }
0xc8: {  	v36 =	vsel vm11, $0x140, v36;
	v42 =	vsel vm11, $0x144, v42;
	v33 =	vsel vm12, $0x17D, v33  }
0xc9: {  	v32 =	vsel vm14, $0x1BE, v32;
	v34 =	vsel vm14, $0x1A0, v34;
	v35 =	vsel vm14, $0x1A1, v35  }
0xca: {  	v50 =	vsel vm14, $0x1A2, v37;
	v47 =	vsel vm14, $0x380, v22;
	v40 =	vsel vm8, $0x103, v40  }
0xcb: {  	v43 =	vsel vm8, $0x104, v43;
	v44 =	vsel vm8, $0x105, v44;
	v45 =	vsel vm8, $0x106, v45  }
0xcc: {  	v46 =	vsel vm8, $0x107, v46;
	v38 =	vsel vm11, $0x142, v38;
	v41 =	vsel vm11, $0x143, v41  }
0xcd: {  	v36 =	vsel vm12, $0x161, v36;
	v42 =	vsel vm12, $0x165, v42;
	v33 =	vsel vm13, $0x19E, v33  }
0xce: {  	v55 =	vsel vm15, $0x1C1, v34;
	v34 =	vsel vm15, $0x1C3, v50;
	v40 =	vsel vm10, $0x124, v40  }
0xcf: {  	v43 =	vsel vm10, $0x125, v43;
	v44 =	vsel vm10, $0x126, v44;
	v46 =	vsel vm10, $0x128, v46  }
0xd0: {  	v38 =	vsel vm12, $0x163, v38;
	v41 =	vsel vm12, $0x164, v41;
	v36 =	vsel vm13, $0x182, v36  }
0xd1: {  	v42 =	vsel vm13, $0x186, v42;
	v33 =	vsel vm14, $0x1BF, v33;
	[tilespmem:$0x1FC80] =	vst v34;
	v34 =	vsel vm15, $0x800, v47  }
0xd2: {  	v40 =	vsel vm11, $0x145, v40;
	v43 =	vsel vm11, $0x146, v43;
	v41 =	vsel vm13, $0x185, v41  }
0xd3: {  	[tilespmem:$0x1FC50] =	vst v63;
	v37 =	vsel vm14, $0x1A7, v42;
	v42 =	vsel vm14, $0x800, v21;
	v21 =	vsel vm15, $0x1280, v6  }
0xd4: {  	v6 =	vsel vm15, $0x1300, v7;
	v7 =	vsel vm15, $0x1800, v9;
	v9 =	vsel vm15, $0x1900, v11;
	[tilespmem:$0x1FCD0] =	vst v34  }
0xd5: {  	v44 =	vsel vm11, $0x147, v44;
	v48 =	vsel vm14, $0x1A6, v41;
	[tilespmem:$0x1FC10] =	vst v9;
	v9 =	vsel vm15, $0x1A00, v13  }
0xd6: {  	v41 =	vsel vm15, $0x1B00, v15;
	v15 =	vsel vm15, $0x1DF, v32;
	v32 =	vsel vm15, $0x1C2, v35;
	[tilespmem:$0x1FC20] =	vst v9  }
0xd7: {  	v46 =	vsel vm11, $0x149, v46;
	v38 =	vsel vm13, $0x184, v38;
	v35 =	vsel vm15, $0x200, v26;
	[tilespmem:$0x1FC60] =	vst v32  }
0xd8: {  	v36 =	vsel vm14, $0x1A3, v36;
	v52 =	vsel vm14, $0x1A5, v38;
	v9 =	vsel vm15, $0x1A80, v14;
	[tilespmem:$0x1FC90] =	vst v35  }
0xd9: {  	v40 =	vsel vm12, $0x166, v40;
	v43 =	vsel vm12, $0x167, v43;
	v63 =	vsel vm15, $0x1C6, v52;
	[tilespmem:$0x1FC30] =	vst v9  }
0xda: {  	v44 =	vsel vm12, $0x168, v44;
	v46 =	vsel vm12, $0x16A, v46;
	v35 =	vsel vm15, $0x1C8, v37;
	[tilespmem:$0x1FCB0] =	vst v63  }
0xdb: {  	v38 =	vsel vm14, $0x980, v18;
	v40 =	vsel vm13, $0x187, v40;
	v37 =	vsel vm15, $0x980, v19;
	[tilespmem:$0x1FCE0] =	vst v35  }
0xdc: {  	v46 =	vsel vm13, $0x18B, v46;
	v47 =	vsel vm15, $0xA00, v38;
	v61 =	vsel vm14, $0x1A8, v40;
	[tilespmem:$0x1FD00] =	vst v37  }
0xdd: {  	v40 =	vsel vm14, $0x1AC, v46;
	v46 =	vsel vm15, $0x1180, v4;
	v4 =	vsel vm15, $0x1200, v5;
	[tilespmem:$0x1FD20] =	vst v47  }
0xde: {  	v43 =	vsel vm13, $0x188, v43;
	v44 =	vsel vm13, $0x189, v44;
	v9 =	vsel vm15, $0x1B80, v16;
	[tilespmem:$0x1FC00] =	vst v4  }
0xdf: {  	v53 =	vsel vm14, $0x1AA, v44;
	v44 =	vsel vm15, $0x1C0, v33;
	v33 =	vsel vm15, $0x180, v27;
	[tilespmem:$0x1FC40] =	vst v9  }
0xe0: {  	v45 =	vsel vm10, $0x127, v45;
	v58 =	vsel vm14, $0x1A9, v43;
	v43 =	vsel vm15, $0x1C4, v36;
	[tilespmem:$0x1FC70] =	vst v33  }
0xe1: {  	s0 =	rddreg [dreg:$0x0];
	v39 =	vsel vm10, $0x120, v39;
	v45 =	vsel vm11, $0x148, v45;
	[tilespmem:$0x1FCA0] =	vst v43;
	v33 =	vsel vm15, $0x1C7, v48  }
0xe2: {  	s1 =	rddreg [dreg:$0x1];
	v39 =	vsel vm11, $0x141, v39;
	v45 =	vsel vm12, $0x169, v45;
	v36 =	vsel vm15, $0x1C9, v61;
	[tilespmem:$0x1FCC0] =	vst v33  }
0xe3: {  	s7 =	rddreg [dreg:$0x2];
	s4 =	simm.s32 $0x0;
	v45 =	vsel vm13, $0x18A, v45;
	v43 =	vsel vm15, $0x880, v42;
	v42 =	vsel vm15, $0x1CB, v53;
	[tilespmem:$0x1FCF0] =	vst v36  }
0xe4: {  	[smem:$0x7FF] =	sst s4;
	v57 =	vsel vm14, $0x1AB, v45;
	v45 =	vmul.u32 $0x21, v62;
	v62 =	vsel vm15, $0x380, v23;
	[tilespmem:$0x1FD10] =	vst v42  }
0xe5: {  	s2 =	rddreg [dreg:$0x3];
	v22 =	vsel vm15, $0x1880, v10;
	v39 =	vsel vm12, $0x162, v39;
	v10 =	vsel vm15, $0x1CD, v40;
	_ =	strace $0x80000047;
	[tilespmem:$0x1FD40] =	vst v62  }
0xe6: {  	v17 =	vsel vm14, $0xA00, v17;
	v39 =	vsel vm13, $0x183, v39;
	v13 =	vsel vm15, $0x1CC, v57;
	[tilespmem:$0x1FDC0] =	vst v10  }
0xe7: {  	v1 =	vsel vm15, $0x1000, v1;
	v39 =	vsel vm14, $0x1A4, v39;
	v48 =	vsel vm15, $0xA80, v17;
	[tilespmem:$0x1FDE0] =	vst v13  }
0xe8: {  	v25 =	vsel vm14, $0x200, v25;
	v60 =	vsel vm15, $0x0, v29;
	v29 =	vmovc v1;
	v1 =	vsel vm15, $0x1C5, v39;
	[tilespmem:$0x1FE10] =	vst v48  }
0xe9: {  	v31 =	vsel vm11, $0x900, v31;
	v0 =	vsel vm13, $0xA80, v0;
	v32 =	vsel vm15, $0x280, v25;
	[tilespmem:$0x1FE60] =	vst v1  }
0xea: {  	v3 =	vsel vm11, $0xB00, v3;
	v31 =	vsel vm12, $0x980, v31;
	v0 =	vsel vm14, $0xB00, v0;
	v27 =	vmovc v45;
	[tilespmem:$0x1FE70] =	vst v32  }
0xeb: {  	v3 =	vsel vm12, $0xB80, v3;
	v31 =	vsel vm13, $0xA00, v31;
	v54 =	vsel vm15, $0xB80, v0;
	[tilespmem:$0x1FE80] =	vst v27  }
0xec: {  	v2 =	vsel vm10, $0xA00, v2;
	v3 =	vsel vm13, $0x1000, v3;
	v31 =	vsel vm14, $0xA80, v31;
	[tilespmem:$0x1FE90] =	vst v54  }
0xed: {  	v2 =	vsel vm11, $0xA80, v2;
	v3 =	vsel vm14, $0x1080, v3;
	v31 =	vsel vm15, $0xB00, v31;
	[tilespmem:$0x1FEA0] =	vst v29  }
0xee: {  	v30 =	vsel vm10, $0x1A00, v30;
	v2 =	vsel vm12, $0xB00, v2;
	v18 =	vsel vm15, $0x1100, v3;
	[tilespmem:$0x1FEB0] =	vst v31  }
0xef: {  	v30 =	vsel vm11, $0x1A80, v30;
	v2 =	vsel vm13, $0xB80, v2;
	[tilespmem:$0x1FEC0] =	vst v18  }
0xf0: {  	v30 =	vsel vm12, $0x1B00, v30;
	v2 =	vsel vm14, $0x1000, v2;
	[tilespmem:$0x1FED0] =	vst v46  }
0xf1: {  	v30 =	vsel vm13, $0x1B80, v30;
	v56 =	vsel vm15, $0x1080, v2;
	[tilespmem:$0x1FEE0] =	vst v21  }
0xf2: {  	v30 =	vsel vm14, $0x0, v30;
	v34 =	vsel vm15, $0x1CA, v58;
	[tilespmem:$0x1FEF0] =	vst v56  }
0xf3: {  	v24 =	vsel vm3, $0x1A80, v24;
	v12 =	vsel vm6, $0x1200, v12;
	v51 =	vsel vm15, $0x80, v30;
	[tilespmem:$0x1FF00] =	vst v34  }
0xf4: {  	v24 =	vsel vm5, $0x1B00, v24;
	v12 =	vsel vm8, $0x1280, v12;
	[tilespmem:$0x1FF40] =	vst v51  }
0xf5: {  	v8 =	vsel vm6, $0x1000, v8;
	v24 =	vsel vm6, $0x1B80, v24;
	v12 =	vsel vm10, $0x1300, v12;
	[tilespmem:$0x1FF50] =	vst v15  }
0xf6: {  	v8 =	vsel vm8, $0x1080, v8;
	v24 =	vsel vm8, $0x0, v24;
	v12 =	vsel vm11, $0x1380, v12;
	[tilespmem:$0x1FF60] =	vst v55  }
0xf7: {  	v20 =	vsel vm8, $0x200, v20;
	v8 =	vsel vm10, $0x1100, v8;
	v12 =	vsel vm12, $0x1800, v12;
	[tilespmem:$0x1FF70] =	vst v43  }
0xf8: {  	v24 =	vsel vm10, $0x80, v24;
	v8 =	vsel vm11, $0x1180, v8;
	v12 =	vsel vm13, $0x1880, v12;
	v50 =	vmovc v6;
	[tilespmem:$0x1FF80] =	vst v60  }
0xf9: {  	v20 =	vsel vm10, $0x280, v20;
	v8 =	vsel vm12, $0x1200, v8;
	v12 =	vsel vm14, $0x1900, v12;
	[tilespmem:$0x1FF90] =	vst v50  }
0xfa: {  	v24 =	vsel vm11, $0x100, v24;
	v8 =	vsel vm13, $0x1280, v8;
	v59 =	vsel vm15, $0x1980, v12;
	[tilespmem:$0x1FFA0] =	vst v41  }
0xfb: {  	v20 =	vsel vm11, $0x300, v20;
	v24 =	vsel vm12, $0x180, v24;
	v8 =	vsel vm14, $0x1300, v8;
	[tilespmem:$0x1FFB0] =	vst v59  }
0xfc: {  	v20 =	vsel vm12, $0x380, v20;
	v24 =	vsel vm13, $0x200, v24;
	v49 =	vsel vm15, $0x1380, v8;
	[tilespmem:$0x1FFC0] =	vst v7  }
0xfd: {  	v20 =	vsel vm13, $0x800, v20;
	v24 =	vsel vm14, $0x280, v24;
	[tilespmem:$0x1FFD0] =	vst v49  }
0xfe: {  	v20 =	vsel vm14, $0x880, v20;
	v45 =	vsel vm15, $0x300, v24;
	[tilespmem:$0x1FFE0] =	vst v22  }
0xff: {  	v23 =	vmov v45;
	v45 =	vsel vm15, $0x900, v20;
	[tilespmem:$0x1FFF0] =	vst v44  }
0x100: {  	v35 =	vadd.s32 $0xE, v27;
	[tilespmem:$0x1FD30] =	vst v45  }
0x101: {  	v61 =	vadd.s32 $0xF, v27;
	[tilespmem:$0x1FD50] =	vst v35  }
0x102: {  	v26 =	vadd.s32 $0x10, v27;
	[tilespmem:$0x1FD60] =	vst v61  }
0x103: {  	v6 =	vadd.s32 $0x4, v27;
	[tilespmem:$0x1FD70] =	vst v26  }
0x104: {  	v8 =	vadd.s32 $0x5, v27;
	[tilespmem:$0x1FD80] =	vst v6  }
0x105: {  	v9 =	vadd.s32 $0x6, v27;
	[tilespmem:$0x1FD90] =	vst v8  }
0x106: {  	v11 =	vadd.s32 $0x7, v27;
	[tilespmem:$0x1FDA0] =	vst v9  }
0x107: {  	v38 =	vadd.s32 $0x8, v27;
	[tilespmem:$0x1FDB0] =	vst v11  }
0x108: {  	v16 =	vadd.s32 $0x9, v27;
	[tilespmem:$0x1FDD0] =	vst v38  }
0x109: {  	v17 =	vadd.s32 $0xA, v27;
	[tilespmem:$0x1FDF0] =	vst v16  }
0x10a: {  	v19 =	vadd.s32 $0xB, v27;
	[tilespmem:$0x1FE00] =	vst v17  }
0x10b: {  	v20 =	vadd.s32 $0xC, v27;
	[tilespmem:$0x1FE20] =	vst v19  }
0x10c: {  	s5 =	srdreg.scid;
	s3 =	stileid.u32;
	s10 =	simm.s32 $0x3;
	v42 =	vadd.s32 $0xD, v27;
	[tilespmem:$0x1FE30] =	vst v20  }
.Ltmp0:
0x10d: {  	s5 =	sand.u32 $0x1, s5;
	s6 =	sshll.u32 s3, $0x1;
	[tilespmem:$0x1FE40] =	vst v42;
	(pc) =	sbr.rel .LBB2_1-.Ltmp0, $4  }
0x10e: {  	s11 =	simm.s32 $0x0;
	s8 =	ssub.s32 $0x2, s5;
	s5 =	sor.u32 s5, s6;
	v37 =	vadd.s32 $0x3, v27;
	[tilespmem:$0x1FE50] =	vst v23  }
0x10f: {  	s6 =	sadd.s32 $0xA00, s7;
	s9 =	sshrl.u32 s8, $0x1;
	p0 =	sne.s32 s5, $0x0;
	v30 =	vadd.s32 $0x2, v27;
	[tilespmem:$0x1FF10] =	vst v37  }
0x110: {  	s7 =	sadd.s32 $0x1E8E00, s7;
	s8 =	ssub.s32 s8, s9;
	s9 =	sshll.u32 @!p0 s3, $0x6;
	v57 =	vadd.s32 $0x1, v27;
	[tilespmem:$0x1FF20] =	vst v30  }
0x111: {  	p1 =	seq.s32 s5, $0x0;
	s8 =	smax.u32 s8, $0x1;
	s9 =	sor.u32 @!p0 $0x1C05, s9;
	v39 =	vlaneseq.u32;
	v12 =	vmov v46;
	[tilespmem:$0x1FF30] =	vst v57  }
.LBB2_7:
0x112: {  	s12 =	simm.s32 @!p0 $0x4  }
0x113: {  	_ =	swait.ge @!p0 [sflag:s12], $0x2000  }
0x114: {  	[sflag:s12] =	ssyncset.done @!p0 $0x0  }
0x115: {  	s11 =	sadd.s32 $0x1, s11;
	[sflag:s12] =	ssyncadd.s32 @!p0 $0xFFFFE000  }
0x116: {  	p2 =	sne.s32 s11, s8;
	_ =	swait.ge [sflag:s10], $0x2000  }
.Ltmp1:
0x117: {  	[sflag:s10] =	ssyncset.done $0x0;
	(pc) =	sbr.rel @!p2 .LBB2_8-.Ltmp1, $4  }
0x118: {  	s12 =	simm.s32 @!p1 $0x4;
	[sflag:s10] =	ssyncadd.s32 $0xFFFFE000  }
0x119: {  	_ =	swait.ge @!p1 [sflag:s12], $0x2000  }
0x11a: {  	[sflag:s12] =	ssyncset.done @!p1 $0x0  }
0x11b: {  	[sflag:s12] =	ssyncadd.s32 @!p1 $0xFFFFE000  }
.LBB2_1:
0x11c: {  	[hbm:s7], [sflag:s9] =	dma.local @!p0 [hbm:s1], $0x80  }
.Ltmp2:
0x11d: {  	_ = 	snop;
	(pc) =	sbr.rel .LBB2_2-.Ltmp2, $4  }
0x11e: {  	s12 =	simm.s32 @!p0 $0x5  }
0x11f: {  	_ =	swait.ge @!p0 [sflag:s12], $0x80  }
0x120: {  	[sflag:s12] =	ssyncset.done @!p0 $0x0  }
0x121: {  	[sflag:s12] =	ssyncadd.s32 @!p0 $0xFFFFFF80;
	s12 =	simm.s32 $0x0  }
.LBB2_6:
0x122: {  	s12 =	sadd.s32 $0x1, s12  }
0x123: {  	p2 =	sne.s32 s12, $0x3F  }
.Ltmp3:
0x124: {  	_ = 	snop;
	(pc) =	sbr.rel @!p2 .LBB2_7-.Ltmp3, $1  }
0x125: {  	_ =	sdelay $0x3  }
.LBB2_2:
0x126: {  	s13 =	sshll.u32 s12, $0x5  }
0x127: {  	s13 =	sor.u32 s5, s13  }
0x128: {  	p2 =	sgt.u32 s13, $0x7A0  }
0x129: {  	s14 =	sand.u32 @!p2 $0x1, s12  }
0x12a: {  	s13 =	sshll.u32 @!p2 s13, $0x8;
	s16 =	simm.s32 @!p2 $0x800;
	s17 =	simm.s32 @!p2 $0x3D0C00  }
0x12b: {  	s15 =	sshll.u32 @!p2 s14, $0xD;
	s14 =	sadd.s32 @!p2 $0x1, s14;
	s13 =	sadd.s32 @!p2 s0, s13  }
0x12c: {  	[tilespmem:s15], [sflag:s14] =	stream.strided.gather @!p2 [hbm4b:s13+s16], $0x2000, s17, s16, $0x38;
	[tilespmem:$0x8000] =	vst v63  }
0x12d: {  	s14 =	sadd.s32 $0xFFFFFFFF, s12  }
0x12e: {  	s31 =	sshll.u32 s14, $0x5  }
0x12f: {  	p2 =	sne.s32 s12, $0x0;
	s13 =	sor.u32 s5, s31  }
0x130: {  	p3 =	sgt.s32 @p2 s13, $0x7A0  }
0x131: {  	p2 =	por !p2, p3  }
.Ltmp4:
0x132: {  	_ = 	snop;
	(pc) =	sbr.rel @p2 .LBB2_6-.Ltmp4, $1  }
0x133: {  	_ =	sdelay $0x3  }
0x134: {  	s15 =	simm.s32 $0x10  }
0x135: {  	v1 =	vmov s15  }
0x136: {  	s14 =	sand.u32 $0x1, s14;
	v2 =	vor.u32 s15, v39;
	v1 =	vshll.u32 v1, $0x3  }
0x137: {  	s26 =	sadd.s32 $0x1, s14;
	v2 =	vand.u32 $0x7F, v2;
	v1 =	vand.u32 $0x400, v1  }
0x138: {  	_ =	swait.ge [sflag:s26], $0x2000;
	v0 =	vor.u32 v1, v2  }
0x139: {  	p2 =	slt.u32 s12, $0x3;
	[sflag:s26] =	ssyncset.done $0x0;
	v1 =	vor.u32 v31, v0  }
0x13a: {  	s15 =	sadd.s32 @!p2 $0x3, s14;
	[sflag:s26] =	ssyncadd.s32 $0xFFFFE000  }
0x13b: {  	_ =	swait.ge @!p2 [sflag:s15], $0x2000  }
0x13c: {  	[sflag:s15] =	ssyncset.done @!p2 $0x0  }
0x13d: {  	s19 =	simm.s32 $0x200;
	s16 =	sshll.u32 s14, $0xD;
	[sflag:s15] =	ssyncadd.s32 @!p2 $0xFFFFE000  }
0x13e: {  	v2 =	vor.u32 s19, v27;
	v1 =	vld.idx.msk [tilespmem:v1+s16+$0x0], $0xffff  }
0x13f: {  	v3 =	vor.u32 v54, v0;
	_ =	sdelay $0x2  }
0x140: {  	s15 =	sor.u32 $0x4000, s16  }
0x141: {  	[tilespmem:v2+s15+$0x0] =	vst.idx.msk $0xffff, v1  }
0x142: {  	v2 =	vor.u32 s19, v57;
	v1 =	vld.idx.msk [tilespmem:v3+s16+$0x0], $0xffff  }
0x143: {  	v3 =	vor.u32 v29, v0;
	_ =	sdelay $0x3  }
0x144: {  	[tilespmem:v2+s15+$0x0] =	vst.idx.msk $0xffff, v1  }
0x145: {  	v2 =	vor.u32 s19, v30;
	v1 =	vld.idx.msk [tilespmem:v3+s16+$0x0], $0xffff  }
0x146: {  	v3 =	vor.u32 v56, v0;
	_ =	sdelay $0x3  }
0x147: {  	[tilespmem:v2+s15+$0x0] =	vst.idx.msk $0xffff, v1  }
0x148: {  	v2 =	vor.u32 s19, v37;
	v1 =	vld.idx.msk [tilespmem:v3+s16+$0x0], $0xffff  }
0x149: {  	v4 =	vor.u32 v18, v0;
	_ =	sdelay $0x2  }
0x14a: {  	s17 =	simm.s32 $0x0  }
0x14b: {  	v3 =	vmov s17;
	[tilespmem:v2+s15+$0x0] =	vst.idx.msk $0xffff, v1  }
0x14c: {  	v5 =	vor.u32 s17, v39;
	v3 =	vshll.u32 v3, $0x3;
	v2 =	vor.u32 s19, v6;
	v1 =	vld.idx.msk [tilespmem:v4+s16+$0x0], $0xffff  }
0x14d: {  	v5 =	vand.u32 $0x6F, v5;
	v3 =	vand.u32 $0x400, v3  }
0x14e: {  	v3 =	vor.u32 v3, v5  }
0x14f: {  	v5 =	vor.u32 v31, v3;
	_ =	sdelay $0x1  }
0x150: {  	v4 =	vor.u32 v12, v0;
	[tilespmem:v2+s15+$0x0] =	vst.idx.msk $0xffff, v1  }
0x151: {  	v34 =	vld [tilespmem:$0x1FC00]  }
0x152: {  	s20 =	simm.s32 $0x0  }
0x153: {  	v40 =	vmov v6;
	v6 =	vor.u32 s20, v27;
	v5 =	vld.idx.msk [tilespmem:v5+s16+$0x0], $0xffff  }
0x154: {  	v46 =	vmov v7;
	v7 =	vor.u32 v54, v3  }
0x155: {  	v2 =	vor.u32 s19, v8;
	v1 =	vld.idx.msk [tilespmem:v4+s16+$0x0], $0xffff  }
0x156: {  	v4 =	vor.u32 v34, v0;
	_ =	sdelay $0x1  }
0x157: {  	[tilespmem:v6+s15+$0x0] =	vst.idx.msk $0xffff, v5  }
0x158: {  	v6 =	vor.u32 s20, v57;
	v5 =	vld.idx.msk [tilespmem:v7+s16+$0x0], $0xffff  }
0x159: {  	v7 =	vor.u32 v29, v3;
	[tilespmem:v2+s15+$0x0] =	vst.idx.msk $0xffff, v1  }
0x15a: {  	s18 =	simm.s32 $0x20;
	v2 =	vor.u32 s19, v9;
	v1 =	vld.idx.msk [tilespmem:v4+s16+$0x0], $0xffff  }
0x15b: {  	v10 =	vmov s18;
	v4 =	vor.u32 v21, v0  }
0x15c: {  	v10 =	vshll.u32 v10, $0x3  }
0x15d: {  	v28 =	vmov v18;
	s29 =	simm.s32 $0x30;
	v10 =	vand.u32 $0x400, v10;
	[tilespmem:v6+s15+$0x0] =	vst.idx.msk $0xffff, v5  }
0x15e: {  	v23 =	vmovc v11;
	v18 =	vmovc v9;
	v9 =	vor.u32 s19, v11;
	v11 =	vmov s29;
	v5 =	vor.u32 s20, v30;
	v7 =	vld.idx.msk [tilespmem:v7+s16+$0x0], $0xffff  }
0x15f: {  	v11 =	vshll.u32 v11, $0x3;
	v6 =	vor.u32 v56, v3;
	[tilespmem:v2+s15+$0x0] =	vst.idx.msk $0xffff, v1;
	v2 =	vor.u32 s29, v39  }
0x160: {  	v36 =	vmovc v12;
	v11 =	vand.u32 $0x400, v11;
	v1 =	vor.u32 s18, v39;
	v4 =	vld.idx.msk [tilespmem:v4+s16+$0x0], $0xffff;
	v2 =	vand.u32 $0x7F, v2  }
0x161: {  	v48 =	vmovc v27;
	v27 =	vmovc v8;
	v8 =	vor.u32 v50, v0;
	v12 =	vand.u32 $0x6F, v1;
	v1 =	vor.u32 v11, v2  }
0x162: {  	v2 =	vor.u32 v10, v12;
	v10 =	vor.u32 v31, v1  }
0x163: {  	[tilespmem:v5+s15+$0x0] =	vst.idx.msk $0xffff, v7;
	v5 =	vor.u32 v31, v2  }
0x164: {  	v7 =	vor.u32 s20, v37;
	v6 =	vld.idx.msk [tilespmem:v6+s16+$0x0], $0xffff  }
0x165: {  	[tilespmem:v9+s15+$0x0] =	vst.idx.msk $0xffff, v4  }
0x166: {  	s18 =	simm.s32 $0x600;
	v11 =	vor.u32 v28, v3;
	v4 =	vor.u32 s19, v38;
	v8 =	vld.idx.msk [tilespmem:v8+s16+$0x0], $0xffff  }
0x167: {  	s17 =	simm.s32 $0x400;
	v12 =	vor.u32 s18, v48;
	v9 =	vor.u32 v49, v0;
	v10 =	vld.idx.msk [tilespmem:v10+s16+$0x0], $0xffff  }
0x168: {  	v13 =	vor.u32 s17, v48;
	v14 =	vor.u32 v54, v1;
	v5 =	vld.idx.msk [tilespmem:v5+s16+$0x0], $0xffff  }
0x169: {  	[tilespmem:v7+s15+$0x0] =	vst.idx.msk $0xffff, v6;
	v6 =	vor.u32 v54, v2;
	_ =	sdelay $0x1  }
0x16a: {  	v7 =	vld.idx.msk [tilespmem:v11+s16+$0x0], $0xffff;
	v11 =	vor.u32 s20, v40;
	[tilespmem:v4+s15+$0x0] =	vst.idx.msk $0xffff, v8  }
0x16b: {  	v53 =	vmov v15;
	v15 =	vor.u32 v36, v3;
	v8 =	vor.u32 s19, v16;
	v4 =	vld.idx.msk [tilespmem:v9+s16+$0x0], $0xffff;
	[tilespmem:v12+s15+$0x0] =	vst.idx.msk $0xffff, v10  }
0x16c: {  	v58 =	vmov v29;
	v9 =	vor.u32 v46, v0;
	[tilespmem:v13+s15+$0x0] =	vst.idx.msk $0xffff, v5;
	v10 =	vor.u32 s18, v57;
	v5 =	vld.idx.msk [tilespmem:v14+s16+$0x0], $0xffff  }
0x16d: {  	v12 =	vor.u32 s17, v57;
	v13 =	vor.u32 v58, v1;
	v6 =	vld.idx.msk [tilespmem:v6+s16+$0x0], $0xffff;
	_ =	sdelay $0x1  }
0x16e: {  	[tilespmem:v11+s15+$0x0] =	vst.idx.msk $0xffff, v7  }
0x16f: {  	v11 =	vld.idx.msk [tilespmem:v15+s16+$0x0], $0xffff;
	v14 =	vor.u32 s20, v27;
	[tilespmem:v8+s15+$0x0] =	vst.idx.msk $0xffff, v4  }
0x170: {  	v7 =	vor.u32 v58, v2;
	v8 =	vor.u32 s19, v17;
	v4 =	vld.idx.msk [tilespmem:v9+s16+$0x0], $0xffff;
	[tilespmem:v10+s15+$0x0] =	vst.idx.msk $0xffff, v5  }
0x171: {  	[tilespmem:v12+s15+$0x0] =	vst.idx.msk $0xffff, v6;
	v9 =	vor.u32 s18, v30;
	v6 =	vld.idx.msk [tilespmem:v13+s16+$0x0], $0xffff;
	_ =	sdelay $0x1  }
0x172: {  	v15 =	vor.u32 v34, v3  }
0x173: {  	v5 =	vor.u32 v22, v0;
	[tilespmem:v14+s15+$0x0] =	vst.idx.msk $0xffff, v11  }
0x174: {  	v10 =	vor.u32 s17, v30;
	v12 =	vor.u32 v56, v1;
	v7 =	vld.idx.msk [tilespmem:v7+s16+$0x0], $0xffff;
	[tilespmem:v8+s15+$0x0] =	vst.idx.msk $0xffff, v4  }
0x175: {  	v11 =	vor.u32 v56, v2;
	[tilespmem:v9+s15+$0x0] =	vst.idx.msk $0xffff, v6  }
0x176: {  	v63 =	vld [tilespmem:$0x1FC10]  }
0x177: {  	v13 =	vld.idx.msk [tilespmem:v15+s16+$0x0], $0xffff  }
0x178: {  	v14 =	vor.u32 s20, v18;
	v4 =	vld.idx.msk [tilespmem:v5+s16+$0x0], $0xffff  }
0x179: {  	v15 =	vor.u32 v21, v3;
	v8 =	vor.u32 s18, v37;
	[tilespmem:v10+s15+$0x0] =	vst.idx.msk $0xffff, v7;
	v7 =	vld.idx.msk [tilespmem:v12+s16+$0x0], $0xffff  }
0x17a: {  	v5 =	vor.u32 s19, v19;
	v9 =	vld.idx.msk [tilespmem:v11+s16+$0x0], $0xffff;
	v11 =	vor.u32 v28, v1  }
0x17b: {  	v6 =	vor.u32 v63, v0;
	_ =	sdelay $0x1  }
0x17c: {  	v10 =	vor.u32 s17, v37;
	[tilespmem:v14+s15+$0x0] =	vst.idx.msk $0xffff, v13  }
0x17d: {  	v12 =	vor.u32 v28, v2;
	v14 =	vor.u32 s20, v23;
	v13 =	vld.idx.msk [tilespmem:v15+s16+$0x0], $0xffff;
	[tilespmem:v8+s15+$0x0] =	vst.idx.msk $0xffff, v7  }
0x17e: {  	v15 =	vor.u32 v50, v3;
	[tilespmem:v5+s15+$0x0] =	vst.idx.msk $0xffff, v4;
	v8 =	vor.u32 s18, v40;
	v7 =	vld.idx.msk [tilespmem:v11+s16+$0x0], $0xffff  }
0x17f: {  	v5 =	vor.u32 s19, v20;
	v11 =	vor.u32 v36, v1;
	v4 =	vld.idx.msk [tilespmem:v6+s16+$0x0], $0xffff  }
0x180: {  	v6 =	vor.u32 v59, v0  }
0x181: {  	[tilespmem:v10+s15+$0x0] =	vst.idx.msk $0xffff, v9  }
0x182: {  	[tilespmem:v14+s15+$0x0] =	vst.idx.msk $0xffff, v13;
	v9 =	vld.idx.msk [tilespmem:v12+s16+$0x0], $0xffff  }
0x183: {  	v10 =	vor.u32 s17, v40;
	v14 =	vld.idx.msk [tilespmem:v15+s16+$0x0], $0xffff;
	[tilespmem:v8+s15+$0x0] =	vst.idx.msk $0xffff, v7  }
0x184: {  	v13 =	vor.u32 s20, v38;
	v7 =	vld.idx.msk [tilespmem:v11+s16+$0x0], $0xffff;
	[tilespmem:v5+s15+$0x0] =	vst.idx.msk $0xffff, v4  }
0x185: {  	v8 =	vor.u32 s18, v27;
	v4 =	vld.idx.msk [tilespmem:v6+s16+$0x0], $0xffff  }
0x186: {  	v45 =	vmov v59;
	v5 =	vor.u32 s19, v42;
	v59 =	vld [tilespmem:$0x1FC20];
	_ =	sdelay $0x1  }
0x187: {  	v12 =	vor.u32 v36, v2;
	[tilespmem:v10+s15+$0x0] =	vst.idx.msk $0xffff, v9  }
0x188: {  	[tilespmem:v13+s15+$0x0] =	vst.idx.msk $0xffff, v14  }
0x189: {  	v15 =	vor.u32 v49, v3;
	[tilespmem:v8+s15+$0x0] =	vst.idx.msk $0xffff, v7  }
0x18a: {  	v6 =	vor.u32 v59, v0;
	[tilespmem:v5+s15+$0x0] =	vst.idx.msk $0xffff, v4  }
0x18b: {  	v62 =	vld [tilespmem:$0x1FC30]  }
0x18c: {  	v11 =	vor.u32 v34, v1;
	v10 =	vor.u32 s17, v27;
	v9 =	vld.idx.msk [tilespmem:v12+s16+$0x0], $0xffff  }
0x18d: {  	v12 =	vor.u32 v34, v2  }
0x18e: {  	v14 =	vor.u32 s20, v16;
	v13 =	vld.idx.msk [tilespmem:v15+s16+$0x0], $0xffff  }
0x18f: {  	v15 =	vor.u32 v46, v3;
	v5 =	vor.u32 s19, v35;
	v4 =	vld.idx.msk [tilespmem:v6+s16+$0x0], $0xffff  }
0x190: {  	v6 =	vor.u32 v62, v0  }
0x191: {  	v8 =	vor.u32 s18, v18;
	v7 =	vld.idx.msk [tilespmem:v11+s16+$0x0], $0xffff;
	[tilespmem:v10+s15+$0x0] =	vst.idx.msk $0xffff, v9  }
0x192: {  	v11 =	vor.u32 v21, v1;
	v10 =	vor.u32 s17, v18;
	v9 =	vld.idx.msk [tilespmem:v12+s16+$0x0], $0xffff  }
0x193: {  	[tilespmem:v14+s15+$0x0] =	vst.idx.msk $0xffff, v13;
	v12 =	vor.u32 v21, v2  }
0x194: {  	v14 =	vor.u32 s20, v17;
	v13 =	vld.idx.msk [tilespmem:v15+s16+$0x0], $0xffff;
	[tilespmem:v5+s15+$0x0] =	vst.idx.msk $0xffff, v4  }
0x195: {  	v15 =	vor.u32 v22, v3;
	v4 =	vld.idx.msk [tilespmem:v6+s16+$0x0], $0xffff;
	v6 =	vor.u32 s19, v61  }
0x196: {  	[tilespmem:v8+s15+$0x0] =	vst.idx.msk $0xffff, v7  }
0x197: {  	s21 =	simm.s32 $0x40;
	v43 =	vmov v16;
	v7 =	vor.u32 v41, v0;
	v8 =	vld.idx.msk [tilespmem:v11+s16+$0x0], $0xffff;
	[tilespmem:v10+s15+$0x0] =	vst.idx.msk $0xffff, v9;
	v9 =	vor.u32 s18, v23  }
0x198: {  	v55 =	vmovc v36;
	v29 =	vmovc v31;
	v16 =	vmov s21;
	v11 =	vld.idx.msk [tilespmem:v12+s16+$0x0], $0xffff;
	v12 =	vor.u32 s17, v23;
	v5 =	vor.u32 v50, v1  }
0x199: {  	v31 =	vmovc v30;
	v16 =	vshll.u32 v16, $0x3;
	[tilespmem:v14+s15+$0x0] =	vst.idx.msk $0xffff, v13;
	v13 =	vor.u32 v50, v2;
	v14 =	vor.u32 s21, v39  }
0x19a: {  	v30 =	vmovc v34;
	v16 =	vand.u32 $0x400, v16;
	v10 =	vor.u32 s20, v19;
	v15 =	vld.idx.msk [tilespmem:v15+s16+$0x0], $0xffff;
	v14 =	vand.u32 $0x6F, v14;
	[tilespmem:v6+s15+$0x0] =	vst.idx.msk $0xffff, v4  }
0x19b: {  	s30 =	simm.s32 $0x50;
	v34 =	vmovc v54;
	v54 =	vmovc v17;
	v17 =	vor.u32 v63, v3;
	v6 =	vor.u32 s19, v26;
	v4 =	vor.u32 v16, v14;
	v36 =	vld [tilespmem:$0x1FC40]  }
0x19c: {  	v14 =	vor.u32 s18, v38;
	v16 =	vmov s30;
	v7 =	vld.idx.msk [tilespmem:v7+s16+$0x0], $0xffff;
	[tilespmem:v9+s15+$0x0] =	vst.idx.msk $0xffff, v8;
	v8 =	vor.u32 v29, v4  }
0x19d: {  	[tilespmem:v12+s15+$0x0] =	vst.idx.msk $0xffff, v11;
	v9 =	vor.u32 s17, v38;
	v11 =	vor.u32 s30, v39;
	v12 =	vshll.u32 v16, $0x3;
	v16 =	vld.idx.msk [tilespmem:v5+s16+$0x0], $0xffff  }
0x19e: {  	v13 =	vld.idx.msk [tilespmem:v13+s16+$0x0], $0xffff;
	v5 =	vand.u32 $0x7F, v11;
	v11 =	vand.u32 $0x400, v12;
	v12 =	vor.u32 v49, v1  }
0x19f: {  	[tilespmem:v10+s15+$0x0] =	vst.idx.msk $0xffff, v15;
	v10 =	vor.u32 v49, v2;
	_ =	sdelay $0x1  }
0x1a0: {  	v5 =	vor.u32 v11, v5;
	v11 =	vld.idx.msk [tilespmem:v17+s16+$0x0], $0xffff;
	v18 =	vor.u32 v36, v0;
	[tilespmem:v6+s15+$0x0] =	vst.idx.msk $0xffff, v7  }
0x1a1: {  	v15 =	vor.u32 s20, v20;
	v17 =	vor.u32 v29, v5;
	v6 =	vld.idx.msk [tilespmem:v8+s16+$0x0], $0xffff;
	[tilespmem:v14+s15+$0x0] =	vst.idx.msk $0xffff, v16  }
0x1a2: {  	v33 =	vmov v51;
	v51 =	vmov v19;
	v19 =	vor.u32 v45, v3;
	[tilespmem:v9+s15+$0x0] =	vst.idx.msk $0xffff, v13;
	v9 =	vld.idx.msk [tilespmem:v12+s16+$0x0], $0xffff  }
0x1a3: {  	s21 =	simm.s32 $0x800;
	v10 =	vld.idx.msk [tilespmem:v10+s16+$0x0], $0xffff  }
0x1a4: {  	v7 =	vor.u32 s21, v48;
	v52 =	vld [tilespmem:$0x1FC70]  }
0x1a5: {  	v8 =	vor.u32 s19, v53;
	v14 =	vor.u32 v34, v4;
	v18 =	vld.idx.msk [tilespmem:v18+s16+$0x0], $0xffff  }
0x1a6: {  	v16 =	vor.u32 v60, v0;
	v12 =	vor.u32 s18, v43;
	[tilespmem:v15+s15+$0x0] =	vst.idx.msk $0xffff, v11;
	v15 =	vld.idx.msk [tilespmem:v17+s16+$0x0], $0xffff  }
0x1a7: {  	s22 =	simm.s32 $0xA00;
	v13 =	vor.u32 s17, v43;
	v19 =	vld.idx.msk [tilespmem:v19+s16+$0x0], $0xffff  }
0x1a8: {  	v25 =	vmov v60;
	v17 =	vor.u32 s22, v48;
	v60 =	vld [tilespmem:$0x1FC60]  }
0x1a9: {  	v47 =	vmov v21;
	v21 =	vor.u32 s20, v42;
	v49 =	vld [tilespmem:$0x1FC50];
	[tilespmem:v7+s15+$0x0] =	vst.idx.msk $0xffff, v6  }
0x1aa: {  	v32 =	vmovc v44;
	v24 =	vmov v56;
	v56 =	vmov v53;
	v7 =	vld.idx.msk [tilespmem:v14+s16+$0x0], $0xffff;
	[tilespmem:v8+s15+$0x0] =	vst.idx.msk $0xffff, v18;
	v8 =	vor.u32 s21, v57  }
0x1ab: {  	v53 =	vmov v20;
	v20 =	vor.u32 v46, v1;
	[tilespmem:v12+s15+$0x0] =	vst.idx.msk $0xffff, v9;
	v14 =	vld.idx.msk [tilespmem:v16+s16+$0x0], $0xffff;
	v16 =	vor.u32 s19, v32  }
0x1ac: {  	[tilespmem:v13+s15+$0x0] =	vst.idx.msk $0xffff, v10  }
0x1ad: {  	v11 =	vor.u32 v46, v2;
	[tilespmem:v17+s15+$0x0] =	vst.idx.msk $0xffff, v15  }
0x1ae: {  	v29 =	vmov v22;
	v22 =	vor.u32 v34, v5;
	[tilespmem:v21+s15+$0x0] =	vst.idx.msk $0xffff, v19  }
0x1af: {  	v6 =	vor.u32 v59, v3;
	[tilespmem:v8+s15+$0x0] =	vst.idx.msk $0xffff, v7  }
0x1b0: {  	v9 =	vor.u32 v58, v4;
	v10 =	vld.idx.msk [tilespmem:v20+s16+$0x0], $0xffff;
	[tilespmem:v16+s15+$0x0] =	vst.idx.msk $0xffff, v14  }
0x1b1: {  	v44 =	vmovc v28;
	v28 =	vmov v40;
	v12 =	vor.u32 v33, v0;
	v13 =	vor.u32 s18, v54;
	v40 =	vld [tilespmem:$0x1FF60]  }
0x1b2: {  	v11 =	vld.idx.msk [tilespmem:v11+s16+$0x0], $0xffff;
	v15 =	vor.u32 v29, v1;
	v18 =	vor.u32 s17, v54  }
0x1b3: {  	v17 =	vor.u32 v29, v2;
	v20 =	vor.u32 s22, v57;
	v19 =	vld.idx.msk [tilespmem:v22+s16+$0x0], $0xffff  }
0x1b4: {  	v21 =	vor.u32 s20, v35;
	v22 =	vor.u32 v58, v5;
	v6 =	vld.idx.msk [tilespmem:v6+s16+$0x0], $0xffff  }
0x1b5: {  	v7 =	vor.u32 v62, v3;
	v8 =	vld.idx.msk [tilespmem:v9+s16+$0x0], $0xffff;
	v9 =	vor.u32 s21, v31  }
0x1b6: {  	v12 =	vld.idx.msk [tilespmem:v12+s16+$0x0], $0xffff;
	[tilespmem:v13+s15+$0x0] =	vst.idx.msk $0xffff, v10;
	v10 =	vor.u32 v24, v4;
	v14 =	vor.u32 s19, v40  }
0x1b7: {  	v13 =	vor.u32 v49, v0;
	[tilespmem:v18+s15+$0x0] =	vst.idx.msk $0xffff, v11;
	v11 =	vld.idx.msk [tilespmem:v15+s16+$0x0], $0xffff;
	v15 =	vor.u32 s18, v51  }
0x1b8: {  	[tilespmem:v20+s15+$0x0] =	vst.idx.msk $0xffff, v19;
	v16 =	vld.idx.msk [tilespmem:v17+s16+$0x0], $0xffff;
	v17 =	vor.u32 s17, v51  }
0x1b9: {  	[tilespmem:v21+s15+$0x0] =	vst.idx.msk $0xffff, v6;
	v20 =	vor.u32 s22, v31;
	v19 =	vld.idx.msk [tilespmem:v22+s16+$0x0], $0xffff  }
0x1ba: {  	v21 =	vor.u32 s20, v61;
	v7 =	vld.idx.msk [tilespmem:v7+s16+$0x0], $0xffff;
	[tilespmem:v9+s15+$0x0] =	vst.idx.msk $0xffff, v8  }
0x1bb: {  	v18 =	vor.u32 v63, v1;
	v9 =	vld.idx.msk [tilespmem:v10+s16+$0x0], $0xffff;
	v10 =	vor.u32 s21, v37;
	[tilespmem:v14+s15+$0x0] =	vst.idx.msk $0xffff, v12  }
0x1bc: {  	v6 =	vor.u32 v63, v2;
	[tilespmem:v15+s15+$0x0] =	vst.idx.msk $0xffff, v11;
	v12 =	vld.idx.msk [tilespmem:v13+s16+$0x0], $0xffff;
	v13 =	vor.u32 s19, v60  }
0x1bd: {  	[tilespmem:v17+s15+$0x0] =	vst.idx.msk $0xffff, v16  }
0x1be: {  	v23 =	vmov v41;
	v22 =	vor.u32 v24, v5;
	[tilespmem:v20+s15+$0x0] =	vst.idx.msk $0xffff, v19  }
0x1bf: {  	v8 =	vor.u32 v23, v3;
	[tilespmem:v21+s15+$0x0] =	vst.idx.msk $0xffff, v7  }
0x1c0: {  	v11 =	vor.u32 v44, v4;
	v16 =	vor.u32 s18, v53;
	v15 =	vld.idx.msk [tilespmem:v18+s16+$0x0], $0xffff;
	[tilespmem:v10+s15+$0x0] =	vst.idx.msk $0xffff, v9  }
0x1c1: {  	v17 =	vor.u32 s17, v53;
	v6 =	vld.idx.msk [tilespmem:v6+s16+$0x0], $0xffff;
	v14 =	vor.u32 v52, v0;
	[tilespmem:v13+s15+$0x0] =	vst.idx.msk $0xffff, v12  }
0x1c2: {  	v63 =	vmov v52;
	v52 =	vld [tilespmem:$0x1FC80]  }
0x1c3: {  	v19 =	vld.idx.msk [tilespmem:v22+s16+$0x0], $0xffff  }
0x1c4: {  	v20 =	vor.u32 s22, v37;
	v8 =	vld.idx.msk [tilespmem:v8+s16+$0x0], $0xffff  }
0x1c5: {  	v21 =	vor.u32 s20, v26;
	v10 =	vld.idx.msk [tilespmem:v11+s16+$0x0], $0xffff;
	[tilespmem:v16+s15+$0x0] =	vst.idx.msk $0xffff, v15  }
0x1c6: {  	v18 =	vor.u32 v45, v1;
	v11 =	vor.u32 s21, v28;
	v12 =	vld.idx.msk [tilespmem:v14+s16+$0x0], $0xffff;
	[tilespmem:v17+s15+$0x0] =	vst.idx.msk $0xffff, v6  }
0x1c7: {  	v41 =	vmovc v42;
	v42 =	vmov v32;
	v7 =	vor.u32 v45, v2;
	v32 =	vld [tilespmem:$0x1FC90];
	v13 =	vor.u32 s19, v52;
	_ =	sdelay $0x1  }
0x1c8: {  	v22 =	vor.u32 v44, v5;
	[tilespmem:v20+s15+$0x0] =	vst.idx.msk $0xffff, v19  }
0x1c9: {  	v9 =	vor.u32 v36, v3;
	[tilespmem:v21+s15+$0x0] =	vst.idx.msk $0xffff, v8  }
0x1ca: {  	v14 =	vor.u32 v55, v4;
	v16 =	vor.u32 s18, v41;
	v15 =	vld.idx.msk [tilespmem:v18+s16+$0x0], $0xffff;
	[tilespmem:v11+s15+$0x0] =	vst.idx.msk $0xffff, v10  }
0x1cb: {  	v17 =	vor.u32 s17, v41;
	v7 =	vld.idx.msk [tilespmem:v7+s16+$0x0], $0xffff;
	v6 =	vor.u32 v32, v0;
	[tilespmem:v13+s15+$0x0] =	vst.idx.msk $0xffff, v12  }
0x1cc: {  	v45 =	vld [tilespmem:$0x1FCA0]  }
0x1cd: {  	v18 =	vor.u32 v59, v1;
	v19 =	vld.idx.msk [tilespmem:v22+s16+$0x0], $0xffff  }
0x1ce: {  	v8 =	vor.u32 v59, v2;
	v20 =	vor.u32 s22, v28;
	v9 =	vld.idx.msk [tilespmem:v9+s16+$0x0], $0xffff  }
0x1cf: {  	v21 =	vor.u32 s20, v56;
	v22 =	vor.u32 v55, v5;
	v11 =	vld.idx.msk [tilespmem:v14+s16+$0x0], $0xffff;
	[tilespmem:v16+s15+$0x0] =	vst.idx.msk $0xffff, v15  }
0x1d0: {  	v12 =	vor.u32 s21, v27;
	v6 =	vld.idx.msk [tilespmem:v6+s16+$0x0], $0xffff;
	[tilespmem:v17+s15+$0x0] =	vst.idx.msk $0xffff, v7  }
0x1d1: {  	v24 =	vmovc v26;
	v26 =	vmov v25;
	v10 =	vor.u32 v25, v3;
	v25 =	vld [tilespmem:$0x1FE70];
	v13 =	vor.u32 s19, v45  }
0x1d2: {  	v16 =	vor.u32 s18, v35;
	v15 =	vld.idx.msk [tilespmem:v18+s16+$0x0], $0xffff  }
0x1d3: {  	v17 =	vor.u32 s17, v35;
	v8 =	vld.idx.msk [tilespmem:v8+s16+$0x0], $0xffff;
	[tilespmem:v20+s15+$0x0] =	vst.idx.msk $0xffff, v19  }
0x1d4: {  	[tilespmem:v21+s15+$0x0] =	vst.idx.msk $0xffff, v9;
	v19 =	vor.u32 s22, v27;
	v9 =	vld.idx.msk [tilespmem:v22+s16+$0x0], $0xffff  }
0x1d5: {  	[tilespmem:v12+s15+$0x0] =	vst.idx.msk $0xffff, v11  }
0x1d6: {  	[tilespmem:v13+s15+$0x0] =	vst.idx.msk $0xffff, v6  }
0x1d7: {  	v14 =	vor.u32 v30, v4;
	v22 =	vld [tilespmem:$0x1FDA0];
	[tilespmem:v16+s15+$0x0] =	vst.idx.msk $0xffff, v15  }
0x1d8: {  	v46 =	vmov v35;
	v7 =	vor.u32 v25, v0;
	v35 =	vld [tilespmem:$0x1FE60];
	[tilespmem:v17+s15+$0x0] =	vst.idx.msk $0xffff, v8  }
0x1d9: {  	v18 =	vor.u32 v62, v1;
	v10 =	vld.idx.msk [tilespmem:v10+s16+$0x0], $0xffff;
	[tilespmem:v19+s15+$0x0] =	vst.idx.msk $0xffff, v9  }
0x1da: {  	v20 =	vor.u32 v30, v5;
	v21 =	vor.u32 s20, v42;
	v59 =	vld [tilespmem:$0x1FE50]  }
0x1db: {  	v6 =	vor.u32 v33, v3  }
0x1dc: {  	v11 =	vld.idx.msk [tilespmem:v14+s16+$0x0], $0xffff;
	v13 =	vor.u32 v62, v2;
	v12 =	vor.u32 s21, v22  }
0x1dd: {  	v7 =	vld.idx.msk [tilespmem:v7+s16+$0x0], $0xffff;
	v8 =	vor.u32 v47, v4;
	v14 =	vor.u32 s19, v35  }
0x1de: {  	v15 =	vld.idx.msk [tilespmem:v18+s16+$0x0], $0xffff  }
0x1df: {  	v16 =	vor.u32 s18, v61;
	v18 =	vld.idx.msk [tilespmem:v20+s16+$0x0], $0xffff;
	[tilespmem:v21+s15+$0x0] =	vst.idx.msk $0xffff, v10;
	v9 =	vor.u32 v59, v0  }
0x1e0: {  	v6 =	vld.idx.msk [tilespmem:v6+s16+$0x0], $0xffff;
	v10 =	vor.u32 s22, v22  }
0x1e1: {  	[tilespmem:v12+s15+$0x0] =	vst.idx.msk $0xffff, v11;
	v11 =	vld.idx.msk [tilespmem:v13+s16+$0x0], $0xffff  }
0x1e2: {  	v19 =	vor.u32 v23, v1;
	[tilespmem:v14+s15+$0x0] =	vst.idx.msk $0xffff, v7;
	v7 =	vld.idx.msk [tilespmem:v8+s16+$0x0], $0xffff  }
0x1e3: {  	v28 =	vmov v56;
	v20 =	vor.u32 v47, v5;
	v21 =	vor.u32 s20, v40;
	v56 =	vld [tilespmem:$0x1FDB0]  }
0x1e4: {  	[tilespmem:v16+s15+$0x0] =	vst.idx.msk $0xffff, v15;
	v9 =	vld.idx.msk [tilespmem:v9+s16+$0x0], $0xffff  }
0x1e5: {  	v55 =	vmov v49;
	v12 =	vor.u32 s17, v61;
	v13 =	vor.u32 v49, v3;
	v49 =	vld [tilespmem:$0x1FCB0];
	[tilespmem:v10+s15+$0x0] =	vst.idx.msk $0xffff, v18  }
0x1e6: {  	v44 =	vld [tilespmem:$0x1FD40]  }
0x1e7: {  	v10 =	vld.idx.msk [tilespmem:v19+s16+$0x0], $0xffff  }
0x1e8: {  	v20 =	vld.idx.msk [tilespmem:v20+s16+$0x0], $0xffff;
	[tilespmem:v21+s15+$0x0] =	vst.idx.msk $0xffff, v6  }
0x1e9: {  	v29 =	vmov v33;
	v33 =	vmov v50;
	v14 =	vld [tilespmem:$0x1FD20];
	v8 =	vor.u32 s21, v56  }
0x1ea: {  	v22 =	vor.u32 v33, v4;
	v61 =	vmovc v32;
	v32 =	vmov v52;
	v52 =	vld [tilespmem:$0x1FCF0];
	[tilespmem:v12+s15+$0x0] =	vst.idx.msk $0xffff, v11;
	v16 =	vor.u32 s19, v49  }
0x1eb: {  	v19 =	vor.u32 s18, v24;
	v21 =	vor.u32 s22, v56;
	v56 =	vld [tilespmem:$0x1FCC0];
	v18 =	vor.u32 v44, v0  }
0x1ec: {  	v30 =	vmov v42;
	v42 =	vmov v57;
	v24 =	vor.u32 v36, v1;
	v57 =	vld [tilespmem:$0x1FFD0]  }
0x1ed: {  	v12 =	vld.idx.msk [tilespmem:v13+s16+$0x0], $0xffff  }
0x1ee: {  	v27 =	vor.u32 v23, v2;
	v23 =	vor.u32 s20, v60;
	v31 =	vld [tilespmem:$0x1FCE0];
	[tilespmem:v8+s15+$0x0] =	vst.idx.msk $0xffff, v7  }
0x1ef: {  	s31 =	simm.s32 $0x70;
	v8 =	vor.u32 s21, v38;
	v22 =	vld.idx.msk [tilespmem:v22+s16+$0x0], $0xffff;
	[tilespmem:v16+s15+$0x0] =	vst.idx.msk $0xffff, v9  }
0x1f0: {  	v17 =	vor.u32 v50, v5;
	v36 =	vmovc v25;
	[tilespmem:v19+s15+$0x0] =	vst.idx.msk $0xffff, v10;
	v13 =	vor.u32 s19, v56;
	v16 =	vmov s31;
	v18 =	vld.idx.msk [tilespmem:v18+s16+$0x0], $0xffff  }
0x1f1: {  	v25 =	vor.u32 v57, v4;
	[tilespmem:v21+s15+$0x0] =	vst.idx.msk $0xffff, v20;
	v9 =	vor.u32 s18, v28;
	v10 =	vshll.u32 v16, $0x3;
	v16 =	vld.idx.msk [tilespmem:v24+s16+$0x0], $0xffff  }
0x1f2: {  	s23 =	simm.s32 $0x60;
	v24 =	vld [tilespmem:$0x1FEB0]  }
0x1f3: {  	v15 =	vor.u32 v63, v3;
	v6 =	vmov s23;
	[tilespmem:v23+s15+$0x0] =	vst.idx.msk $0xffff, v12  }
0x1f4: {  	v11 =	vor.u32 v26, v1;
	v26 =	vor.u32 s23, v39;
	v6 =	vshll.u32 v6, $0x3;
	[tilespmem:v8+s15+$0x0] =	vst.idx.msk $0xffff, v22  }
0x1f5: {  	v6 =	vand.u32 $0x400, v6;
	v7 =	vand.u32 $0x6F, v26;
	v17 =	vld.idx.msk [tilespmem:v17+s16+$0x0], $0xffff;
	[tilespmem:v13+s15+$0x0] =	vst.idx.msk $0xffff, v18  }
0x1f6: {  	v20 =	vor.u32 s22, v38;
	v6 =	vor.u32 v6, v7;
	v8 =	vld.idx.msk [tilespmem:v25+s16+$0x0], $0xffff;
	[tilespmem:v9+s15+$0x0] =	vst.idx.msk $0xffff, v16  }
0x1f7: {  	v21 =	vor.u32 s20, v32;
	v7 =	vor.u32 s31, v39;
	v19 =	vor.u32 v24, v6;
	v25 =	vld [tilespmem:$0x1FFC0]  }
0x1f8: {  	v7 =	vand.u32 $0x7F, v7;
	v10 =	vand.u32 $0x400, v10;
	v12 =	vld.idx.msk [tilespmem:v15+s16+$0x0], $0xffff;
	v15 =	vor.u32 v57, v5  }
0x1f9: {  	v7 =	vor.u32 v10, v7;
	v22 =	vor.u32 v61, v3  }
0x1fa: {  	v23 =	vor.u32 v24, v7;
	v13 =	vor.u32 s21, v43  }
0x1fb: {  	s23 =	simm.s32 $0xC00;
	v11 =	vld.idx.msk [tilespmem:v11+s16+$0x0], $0xffff  }
0x1fc: {  	v9 =	vor.u32 s23, v48;
	[tilespmem:v20+s15+$0x0] =	vst.idx.msk $0xffff, v17;
	v18 =	vld.idx.msk [tilespmem:v19+s16+$0x0], $0xffff;
	v16 =	vor.u32 v25, v4  }
0x1fd: {  	v17 =	vor.u32 v34, v6;
	[tilespmem:v21+s15+$0x0] =	vst.idx.msk $0xffff, v12;
	v15 =	vld.idx.msk [tilespmem:v15+s16+$0x0], $0xffff;
	v19 =	vor.u32 s18, v30  }
0x1fe: {  	v22 =	vld.idx.msk [tilespmem:v22+s16+$0x0], $0xffff  }
0x1ff: {  	s25 =	simm.s32 $0xE00;
	v12 =	vor.u32 s22, v43;
	v21 =	vld.idx.msk [tilespmem:v23+s16+$0x0], $0xffff;
	[tilespmem:v13+s15+$0x0] =	vst.idx.msk $0xffff, v8  }
0x200: {  	v20 =	vor.u32 v29, v1;
	v23 =	vor.u32 s25, v48;
	v8 =	vld [tilespmem:$0x1FE10]  }
0x201: {  	[tilespmem:v9+s15+$0x0] =	vst.idx.msk $0xffff, v18;
	v16 =	vld.idx.msk [tilespmem:v16+s16+$0x0], $0xffff  }
0x202: {  	v13 =	vor.u32 s20, v45;
	[tilespmem:v19+s15+$0x0] =	vst.idx.msk $0xffff, v11;
	v17 =	vld.idx.msk [tilespmem:v17+s16+$0x0], $0xffff  }
0x203: {  	v26 =	vor.u32 s21, v54;
	v25 =	vor.u32 v25, v5;
	v57 =	vld [tilespmem:$0x1FCD0]  }
0x204: {  	v24 =	vor.u32 v34, v7;
	v19 =	vor.u32 s23, v42;
	v29 =	vld [tilespmem:$0x1FFE0];
	[tilespmem:v12+s15+$0x0] =	vst.idx.msk $0xffff, v15  }
0x205: {  	v18 =	vor.u32 v36, v3;
	v12 =	vld.idx.msk [tilespmem:v20+s16+$0x0], $0xffff;
	[tilespmem:v23+s15+$0x0] =	vst.idx.msk $0xffff, v21;
	v21 =	vor.u32 s18, v40;
	_ =	sdelay $0x1  }
0x206: {  	v38 =	vld.idx.msk [tilespmem:v27+s16+$0x0], $0xffff;
	[tilespmem:v13+s15+$0x0] =	vst.idx.msk $0xffff, v22  }
0x207: {  	v20 =	vld.idx.msk [tilespmem:v25+s16+$0x0], $0xffff;
	[tilespmem:v26+s15+$0x0] =	vst.idx.msk $0xffff, v16  }
0x208: {  	v23 =	vld.idx.msk [tilespmem:v24+s16+$0x0], $0xffff;
	v24 =	vor.u32 s22, v54;
	v25 =	vor.u32 v55, v1;
	[tilespmem:v19+s15+$0x0] =	vst.idx.msk $0xffff, v17  }
0x209: {  	v18 =	vld.idx.msk [tilespmem:v18+s16+$0x0], $0xffff;
	[tilespmem:v21+s15+$0x0] =	vst.idx.msk $0xffff, v12  }
0x20a: {  	v13 =	vor.u32 s25, v42;
	v11 =	vor.u32 v57, v0;
	v47 =	vld [tilespmem:$0x1FF70]  }
0x20b: {  	v50 =	vmov v63;
	v63 =	vmov v37;
	v27 =	vor.u32 v29, v4;
	v37 =	vld [tilespmem:$0x1FF20]  }
0x20c: {  	v48 =	vld [tilespmem:$0x1FC10]  }
0x20d: {  	v15 =	vor.u32 v58, v6;
	[tilespmem:v24+s15+$0x0] =	vst.idx.msk $0xffff, v20;
	v20 =	vld.idx.msk [tilespmem:v25+s16+$0x0], $0xffff  }
0x20e: {  	v22 =	vor.u32 v58, v7;
	v16 =	vor.u32 s20, v35;
	v58 =	vld [tilespmem:$0x1FEF0]  }
0x20f: {  	v28 =	vor.u32 v29, v5;
	[tilespmem:v13+s15+$0x0] =	vst.idx.msk $0xffff, v23;
	v23 =	vor.u32 s18, v60;
	v26 =	vld.idx.msk [tilespmem:v11+s16+$0x0], $0xffff  }
0x210: {  	v17 =	vld.idx.msk [tilespmem:v27+s16+$0x0], $0xffff;
	v27 =	vor.u32 s19, v31  }
0x211: {  	v54 =	vmov v29;
	v29 =	vor.u32 s21, v51  }
0x212: {  	v15 =	vld.idx.msk [tilespmem:v15+s16+$0x0], $0xffff;
	v21 =	vor.u32 s23, v37  }
0x213: {  	[tilespmem:v16+s15+$0x0] =	vst.idx.msk $0xffff, v18  }
0x214: {  	v25 =	vor.u32 s22, v51;
	v13 =	vld.idx.msk [tilespmem:v28+s16+$0x0], $0xffff;
	[tilespmem:v23+s15+$0x0] =	vst.idx.msk $0xffff, v20  }
0x215: {  	v22 =	vld.idx.msk [tilespmem:v22+s16+$0x0], $0xffff;
	v16 =	vor.u32 s25, v37;
	[tilespmem:v27+s15+$0x0] =	vst.idx.msk $0xffff, v26  }
0x216: {  	[tilespmem:v29+s15+$0x0] =	vst.idx.msk $0xffff, v17  }
0x217: {  	v19 =	vor.u32 v59, v3;
	[tilespmem:v21+s15+$0x0] =	vst.idx.msk $0xffff, v15  }
0x218: {  	v12 =	vor.u32 v47, v0;
	v43 =	vld [tilespmem:$0x1FD30]  }
0x219: {  	v30 =	vor.u32 v48, v4;
	v40 =	vld [tilespmem:$0x1FFB0];
	[tilespmem:v25+s15+$0x0] =	vst.idx.msk $0xffff, v13  }
0x21a: {  	v24 =	vor.u32 v58, v6;
	v26 =	vor.u32 v58, v7;
	v58 =	vld [tilespmem:$0x1FEC0];
	[tilespmem:v16+s15+$0x0] =	vst.idx.msk $0xffff, v22  }
0x21b: {  	v42 =	vmov v50;
	v28 =	vor.u32 v50, v1;
	v18 =	vor.u32 v48, v5;
	v50 =	vld [tilespmem:$0x1FD70]  }
0x21c: {  	v19 =	vld.idx.msk [tilespmem:v19+s16+$0x0], $0xffff;
	v17 =	vor.u32 s20, v49  }
0x21d: {  	v27 =	vor.u32 s19, v52;
	v12 =	vld.idx.msk [tilespmem:v12+s16+$0x0], $0xffff  }
0x21e: {  	v29 =	vor.u32 s21, v53;
	v15 =	vld.idx.msk [tilespmem:v30+s16+$0x0], $0xffff  }
0x21f: {  	v23 =	vor.u32 s23, v63;
	v24 =	vld.idx.msk [tilespmem:v24+s16+$0x0], $0xffff  }
0x220: {  	v16 =	vld.idx.msk [tilespmem:v18+s16+$0x0], $0xffff;
	v18 =	vor.u32 s17, v50  }
0x221: {  	v51 =	vmov v49;
	v49 =	vld [tilespmem:$0x1FC40];
	[tilespmem:v17+s15+$0x0] =	vst.idx.msk $0xffff, v19  }
0x222: {  	v22 =	vld.idx.msk [tilespmem:v26+s16+$0x0], $0xffff;
	v26 =	vor.u32 s22, v53;
	[tilespmem:v27+s15+$0x0] =	vst.idx.msk $0xffff, v12  }
0x223: {  	[tilespmem:v29+s15+$0x0] =	vst.idx.msk $0xffff, v15  }
0x224: {  	v17 =	vor.u32 s25, v63;
	v19 =	vor.u32 v40, v5;
	[tilespmem:v23+s15+$0x0] =	vst.idx.msk $0xffff, v24  }
0x225: {  	v9 =	vor.u32 v14, v3;
	v13 =	vld.idx.msk [tilespmem:v28+s16+$0x0], $0xffff;
	[tilespmem:v18+s15+$0x0] =	vst.idx.msk $0xffff, v38  }
0x226: {  	v11 =	vor.u32 v14, v0;
	v14 =	vor.u32 v61, v1;
	v21 =	vor.u32 v44, v3;
	v61 =	vld [tilespmem:$0x1FD80]  }
0x227: {  	v63 =	vld [tilespmem:$0x1FC20];
	[tilespmem:v26+s15+$0x0] =	vst.idx.msk $0xffff, v16  }
0x228: {  	v30 =	vor.u32 v40, v4;
	v40 =	vld [tilespmem:$0x1FED0]  }
0x229: {  	v25 =	vor.u32 v58, v6;
	[tilespmem:v17+s15+$0x0] =	vst.idx.msk $0xffff, v22;
	v17 =	vld.idx.msk [tilespmem:v19+s16+$0x0], $0xffff  }
0x22a: {  	v28 =	vor.u32 v49, v2;
	v19 =	vld [tilespmem:$0x1FF50]  }
0x22b: {  	v21 =	vld.idx.msk [tilespmem:v21+s16+$0x0], $0xffff;
	v15 =	vor.u32 s20, v56  }
0x22c: {  	v24 =	vor.u32 s18, v32;
	v12 =	vor.u32 v58, v7  }
0x22d: {  	v27 =	vor.u32 v57, v3;
	v29 =	vor.u32 s21, v41;
	v23 =	vld.idx.msk [tilespmem:v30+s16+$0x0], $0xffff  }
0x22e: {  	v25 =	vld.idx.msk [tilespmem:v25+s16+$0x0], $0xffff;
	v18 =	vor.u32 s23, v61  }
0x22f: {  	v16 =	vld.idx.msk [tilespmem:v28+s16+$0x0], $0xffff;
	v30 =	vor.u32 v63, v4;
	v19 =	vor.u32 s17, v19  }
0x230: {  	v38 =	vld [tilespmem:$0x1FF80];
	[tilespmem:v15+s15+$0x0] =	vst.idx.msk $0xffff, v21  }
0x231: {  	v22 =	vor.u32 s22, v41;
	v12 =	vld.idx.msk [tilespmem:v12+s16+$0x0], $0xffff;
	[tilespmem:v24+s15+$0x0] =	vst.idx.msk $0xffff, v13;
	v26 =	vor.u32 v40, v6  }
0x232: {  	[tilespmem:v29+s15+$0x0] =	vst.idx.msk $0xffff, v23;
	v13 =	vld.idx.msk [tilespmem:v27+s16+$0x0], $0xffff  }
0x233: {  	v14 =	vld.idx.msk [tilespmem:v14+s16+$0x0], $0xffff;
	v15 =	vor.u32 s25, v61;
	v21 =	vor.u32 v63, v5;
	[tilespmem:v18+s15+$0x0] =	vst.idx.msk $0xffff, v25  }
0x234: {  	v18 =	vld.idx.msk [tilespmem:v30+s16+$0x0], $0xffff;
	[tilespmem:v19+s15+$0x0] =	vst.idx.msk $0xffff, v16  }
0x235: {  	v23 =	vor.u32 s20, v31;
	v24 =	vor.u32 v40, v7;
	v31 =	vld [tilespmem:$0x1FD90]  }
0x236: {  	v26 =	vld.idx.msk [tilespmem:v26+s16+$0x0], $0xffff;
	[tilespmem:v22+s15+$0x0] =	vst.idx.msk $0xffff, v17  }
0x237: {  	v41 =	vld [tilespmem:$0x1FC00]  }
0x238: {  	v25 =	vor.u32 s18, v45;
	[tilespmem:v15+s15+$0x0] =	vst.idx.msk $0xffff, v12;
	v12 =	vld.idx.msk [tilespmem:v21+s16+$0x0], $0xffff  }
0x239: {  	v29 =	vor.u32 s21, v46;
	v45 =	vld [tilespmem:$0x1FF00]  }
0x23a: {  	v21 =	vld.idx.msk [tilespmem:v24+s16+$0x0], $0xffff;
	[tilespmem:v23+s15+$0x0] =	vst.idx.msk $0xffff, v13;
	v19 =	vor.u32 s23, v31  }
0x23b: {  	v24 =	vor.u32 s22, v46;
	v46 =	vld [tilespmem:$0x1FD00];
	_ =	sdelay $0x1  }
0x23c: {  	[tilespmem:v25+s15+$0x0] =	vst.idx.msk $0xffff, v14  }
0x23d: {  	v20 =	vor.u32 v43, v0;
	[tilespmem:v29+s15+$0x0] =	vst.idx.msk $0xffff, v18  }
0x23e: {  	v58 =	vld [tilespmem:$0x1FFF0];
	[tilespmem:v19+s15+$0x0] =	vst.idx.msk $0xffff, v26  }
0x23f: {  	v8 =	vor.u32 v8, v0;
	v13 =	vor.u32 v46, v0;
	v0 =	vld [tilespmem:$0x1FF40]  }
0x240: {  	v28 =	vor.u32 v38, v2  }
0x241: {  	v27 =	vor.u32 v47, v3  }
0x242: {  	v20 =	vld.idx.msk [tilespmem:v20+s16+$0x0], $0xffff;
	v30 =	vor.u32 v62, v4;
	v15 =	vor.u32 s19, v45;
	_ =	sdelay $0x1  }
0x243: {  	v26 =	vor.u32 v0, v2;
	v0 =	vld [tilespmem:$0x1FD60]  }
0x244: {  	v16 =	vor.u32 v36, v1;
	v22 =	vld.idx.msk [tilespmem:v28+s16+$0x0], $0xffff  }
0x245: {  	v14 =	vld.idx.msk [tilespmem:v27+s16+$0x0], $0xffff;
	v23 =	vor.u32 s25, v31  }
0x246: {  	v17 =	vor.u32 v41, v6;
	v18 =	vor.u32 s17, v58;
	v19 =	vld.idx.msk [tilespmem:v30+s16+$0x0], $0xffff;
	[tilespmem:v15+s15+$0x0] =	vst.idx.msk $0xffff, v20  }
0x247: {  	v28 =	vor.u32 v62, v5;
	v27 =	vor.u32 s20, v52;
	v47 =	vld [tilespmem:$0x1FDA0]  }
0x248: {  	v25 =	vor.u32 v41, v7;
	v48 =	vld [tilespmem:$0x1FFA0];
	v30 =	vor.u32 s21, v0  }
0x249: {  	v16 =	vld.idx.msk [tilespmem:v16+s16+$0x0], $0xffff;
	[tilespmem:v24+s15+$0x0] =	vst.idx.msk $0xffff, v12  }
0x24a: {  	v12 =	vld [tilespmem:$0x1FEE0];
	[tilespmem:v23+s15+$0x0] =	vst.idx.msk $0xffff, v21  }
0x24b: {  	v31 =	vor.u32 v43, v3;
	v29 =	vld.idx.msk [tilespmem:v17+s16+$0x0], $0xffff;
	[tilespmem:v18+s15+$0x0] =	vst.idx.msk $0xffff, v22  }
0x24c: {  	v21 =	vld.idx.msk [tilespmem:v28+s16+$0x0], $0xffff;
	[tilespmem:v27+s15+$0x0] =	vst.idx.msk $0xffff, v14;
	v15 =	vor.u32 s23, v47  }
0x24d: {  	v23 =	vor.u32 s18, v35;
	v28 =	vld.idx.msk [tilespmem:v25+s16+$0x0], $0xffff;
	v20 =	vor.u32 v48, v4;
	[tilespmem:v30+s15+$0x0] =	vst.idx.msk $0xffff, v19  }
0x24e: {  	v25 =	vor.u32 s22, v0;
	v0 =	vld [tilespmem:$0x1FF60]  }
0x24f: {  	v17 =	vld.idx.msk [tilespmem:v13+s16+$0x0], $0xffff;
	v24 =	vor.u32 v12, v6  }
0x250: {  	v43 =	vld.idx.msk [tilespmem:v31+s16+$0x0], $0xffff  }
0x251: {  	v57 =	vld.idx.msk [tilespmem:v26+s16+$0x0], $0xffff;
	[tilespmem:v15+s15+$0x0] =	vst.idx.msk $0xffff, v29  }
0x252: {  	v52 =	vor.u32 v59, v1;
	v15 =	vld.idx.msk [tilespmem:v20+s16+$0x0], $0xffff;
	[tilespmem:v23+s15+$0x0] =	vst.idx.msk $0xffff, v16  }
0x253: {  	v30 =	vor.u32 s17, v0;
	v0 =	vld [tilespmem:$0x1FDE0]  }
0x254: {  	v22 =	vor.u32 s25, v47;
	v53 =	vor.u32 v48, v5;
	v31 =	vld.idx.msk [tilespmem:v24+s16+$0x0], $0xffff  }
0x255: {  	v59 =	vor.u32 v12, v7;
	v62 =	vld [tilespmem:$0x1FD10]  }
0x256: {  	v18 =	vor.u32 s20, v45;
	v26 =	vor.u32 v55, v2;
	v63 =	vld [tilespmem:$0x1FDB0]  }
0x257: {  	v24 =	vld.idx.msk [tilespmem:v52+s16+$0x0], $0xffff;
	[tilespmem:v25+s15+$0x0] =	vst.idx.msk $0xffff, v21  }
0x258: {  	v10 =	vor.u32 v33, v7;
	v13 =	vor.u32 s17, v60;
	v16 =	vor.u32 s19, v0;
	v0 =	vld [tilespmem:$0x1FF90]  }
0x259: {  	v14 =	vor.u32 s21, v60;
	v12 =	vor.u32 s23, v60;
	v19 =	vor.u32 v42, v2;
	[tilespmem:v22+s15+$0x0] =	vst.idx.msk $0xffff, v28;
	v28 =	vld.idx.msk [tilespmem:v53+s16+$0x0], $0xffff  }
0x25a: {  	v23 =	vor.u32 v46, v3;
	v29 =	vor.u32 s22, v50;
	v25 =	vor.u32 s18, v51;
	[tilespmem:v30+s15+$0x0] =	vst.idx.msk $0xffff, v57;
	v34 =	vld.idx.msk [tilespmem:v59+s16+$0x0], $0xffff  }
0x25b: {  	v20 =	vor.u32 v44, v1;
	v27 =	vor.u32 s19, v62;
	v32 =	vor.u32 s23, v63;
	[tilespmem:v18+s15+$0x0] =	vst.idx.msk $0xffff, v43;
	v26 =	vld.idx.msk [tilespmem:v26+s16+$0x0], $0xffff  }
0x25c: {  	v61 =	vmovc v55;
	v21 =	vor.u32 s20, v62;
	v35 =	vor.u32 s25, v63;
	v22 =	vor.u32 v38, v5;
	v55 =	vld [tilespmem:$0x1FFD0]  }
0x25d: {  	s28 =	simm.s32 $0x90;
	s24 =	simm.s32 $0xE00;
	s26 =	simm.s32 $0x6;
	v30 =	vor.u32 v49, v5;
	v18 =	vor.u32 s18, v56;
	v52 =	vld [tilespmem:$0x1FFC0];
	v33 =	vor.u32 v0, v6;
	v0 =	vmovc v54  }
.LBB2_4:
0x25e: {  	_ = 	snop  }
0x25f: {  	v46 =	vld [tilespmem:$0x1FDD0]  }
0x260: {  	v45 =	vld [tilespmem:$0x1FF50]  }
0x261: {  	v23 =	vld.idx.msk [tilespmem:v23+s16+$0x0], $0xffff  }
0x262: {  	v41 =	vld [tilespmem:$0x1FF90]  }
0x263: {  	v40 =	vld [tilespmem:$0x1FDE0]  }
0x264: {  	v42 =	vld [tilespmem:$0x1FE10]  }
0x265: {  	v56 =	vld [tilespmem:$0x1FC90]  }
0x266: {  	v43 =	vld [tilespmem:$0x1FDC0]  }
0x267: {  	v47 =	vld [tilespmem:$0x1FDF0]  }
0x268: {  	v53 =	vld [tilespmem:$0x1FF40]  }
0x269: {  	v54 =	vld [tilespmem:$0x1FE80]  }
0x26a: {  	v48 =	vld [tilespmem:$0x1FC60]  }
0x26b: {  	v59 =	vld [tilespmem:$0x1FE90]  }
0x26c: {  	v49 =	vld [tilespmem:$0x1FE00]  }
0x26d: {  	v50 =	vld [tilespmem:$0x1FF30]  }
0x26e: {  	[tilespmem:v27+s15+$0x0] =	vst.idx.msk $0xffff, v17;
	v44 =	vld [tilespmem:$0x1FF20]  }
0x26f: {  	s29 =	sadd.s32 $0xFFFFFFF0, s28;
	[tilespmem:v32+s15+$0x0] =	vst.idx.msk $0xffff, v31;
	v11 =	vld.idx.msk [tilespmem:v11+s16+$0x0], $0xffff  }
0x270: {  	v62 =	vmov s28;
	v63 =	vlaneseq.u32;
	v17 =	vmov s29;
	v33 =	vld.idx.msk [tilespmem:v33+s16+$0x0], $0xffff  }
0x271: {  	v27 =	vor.u32 s29, v39;
	v17 =	vshll.u32 v17, $0x3;
	[tilespmem:v25+s15+$0x0] =	vst.idx.msk $0xffff, v24;
	v25 =	vshll.u32 v62, $0x3;
	v62 =	vld [tilespmem:$0x1FC80]  }
0x272: {  	v39 =	vor.u32 s28, v63;
	v24 =	vand.u32 $0x6F, v27;
	v17 =	vand.u32 $0x400, v17;
	[tilespmem:v29+s15+$0x0] =	vst.idx.msk $0xffff, v28;
	v29 =	vld [tilespmem:$0x1FEB0]  }
0x273: {  	v24 =	vor.u32 v17, v24;
	v17 =	vand.u32 $0x7F, v39;
	v39 =	vld [tilespmem:$0x1FE60]  }
0x274: {  	[tilespmem:v13+s15+$0x0] =	vst.idx.msk $0xffff, v26;
	v20 =	vld.idx.msk [tilespmem:v20+s16+$0x0], $0xffff  }
0x275: {  	v19 =	vld.idx.msk [tilespmem:v19+s16+$0x0], $0xffff  }
0x276: {  	v37 =	vor.u32 s25, v46;
	v31 =	vor.u32 s23, v46;
	v46 =	vld [tilespmem:$0x1FD20]  }
0x277: {  	v36 =	vor.u32 v55, v6;
	[tilespmem:v35+s15+$0x0] =	vst.idx.msk $0xffff, v34;
	v35 =	vld [tilespmem:$0x1FD30]  }
0x278: {  	v25 =	vand.u32 $0x400, v25;
	v38 =	vor.u32 s22, v45;
	v27 =	vld.idx.msk [tilespmem:v30+s16+$0x0], $0xffff  }
0x279: {  	v17 =	vor.u32 v25, v17;
	[tilespmem:v21+s15+$0x0] =	vst.idx.msk $0xffff, v23;
	v25 =	vld.idx.msk [tilespmem:v10+s16+$0x0], $0xffff  }
0x27a: {  	v9 =	vld.idx.msk [tilespmem:v9+s16+$0x0], $0xffff;
	[tilespmem:v16+s15+$0x0] =	vst.idx.msk $0xffff, v11  }
0x27b: {  	v21 =	vor.u32 v55, v7;
	v8 =	vld.idx.msk [tilespmem:v8+s16+$0x0], $0xffff;
	[tilespmem:v31+s15+$0x0] =	vst.idx.msk $0xffff, v33  }
0x27c: {  	v28 =	vor.u32 v29, v24;
	v26 =	vor.u32 v29, v17;
	[tilespmem:v18+s15+$0x0] =	vst.idx.msk $0xffff, v20;
	v29 =	vld.idx.msk [tilespmem:v36+s16+$0x0], $0xffff  }
0x27d: {  	[tilespmem:v38+s15+$0x0] =	vst.idx.msk $0xffff, v27;
	v38 =	vld [tilespmem:$0x1FE50]  }
0x27e: {  	v23 =	vor.u32 s17, v62;
	v36 =	vld [tilespmem:$0x1FE30]  }
0x27f: {  	[tilespmem:v37+s15+$0x0] =	vst.idx.msk $0xffff, v25;
	v37 =	vld [tilespmem:$0x1FCD0]  }
0x280: {  	v11 =	vor.u32 s20, v40;
	v22 =	vld.idx.msk [tilespmem:v22+s16+$0x0], $0xffff  }
0x281: {  	v16 =	vor.u32 v42, v3;
	v3 =	vmov v2;
	v18 =	vor.u32 s19, v43;
	v21 =	vld.idx.msk [tilespmem:v21+s16+$0x0], $0xffff  }
0x282: {  	v13 =	vmov v14;
	v14 =	vor.u32 v56, v3;
	s19 =	smov.u32 s18;
	s18 =	smov.u32 s22;
	v20 =	vld.idx.msk [tilespmem:v28+s16+$0x0], $0xffff  }
0x283: {  	s25 =	sadd.s32 $0x400, s25;
	s22 =	smov.u32 s24;
	v60 =	vor.u32 s18, v58;
	[tilespmem:v23+s15+$0x0] =	vst.idx.msk $0xffff, v19;
	v19 =	vld.idx.msk [tilespmem:v26+s16+$0x0], $0xffff  }
0x284: {  	s31 =	sadd.s32 $0xFFFFFE00, s25;
	v28 =	vor.u32 s23, v47;
	v26 =	vor.u32 s22, v47;
	v47 =	vld [tilespmem:$0x1FCA0]  }
0x285: {  	v30 =	vor.u32 s31, v54;
	v23 =	vor.u32 s25, v54;
	v54 =	vld [tilespmem:$0x1FEA0];
	[tilespmem:v11+s15+$0x0] =	vst.idx.msk $0xffff, v9  }
0x286: {  	v27 =	vor.u32 v53, v5;
	[tilespmem:v18+s15+$0x0] =	vst.idx.msk $0xffff, v8;
	v8 =	vor.u32 v42, v1;
	v42 =	vld [tilespmem:$0x1FF60]  }
0x287: {  	v63 =	vld.idx.msk [tilespmem:v14+s16+$0x0], $0xffff  }
0x288: {  	v2 =	vmov v4;
	v4 =	vmov v6;
	[tilespmem:v60+s15+$0x0] =	vst.idx.msk $0xffff, v22;
	v60 =	vld [tilespmem:$0x1FE20]  }
0x289: {  	v57 =	vor.u32 v52, v4;
	[tilespmem:v28+s15+$0x0] =	vst.idx.msk $0xffff, v29;
	v28 =	vor.u32 s20, v43;
	v43 =	vld [tilespmem:$0x1FE70]  }
0x28a: {  	v25 =	vor.u32 v59, v24;
	s20 =	smov.u32 s17;
	[tilespmem:v26+s15+$0x0] =	vst.idx.msk $0xffff, v21;
	v16 =	vld.idx.msk [tilespmem:v16+s16+$0x0], $0xffff  }
0x28b: {  	v6 =	vmovc v24;
	v31 =	vor.u32 s31, v48;
	v11 =	vor.u32 v52, v7;
	v18 =	vor.u32 s17, v47;
	s17 =	smov.u32 s21;
	s21 =	smov.u32 s23;
	s23 =	smov.u32 s31;
	v21 =	vld.idx.msk [tilespmem:v27+s16+$0x0], $0xffff  }
0x28c: {  	v24 =	vor.u32 v59, v17;
	v14 =	vmovc v12;
	v12 =	vmovc v31;
	v31 =	vor.u32 s23, v50;
	v27 =	vor.u32 s25, v50;
	v50 =	vld [tilespmem:$0x1FCE0]  }
0x28d: {  	v33 =	vor.u32 s22, v49;
	[tilespmem:v30+s15+$0x0] =	vst.idx.msk $0xffff, v20;
	v30 =	vor.u32 s21, v49;
	v49 =	vld [tilespmem:$0x1FEF0]  }
0x28e: {  	v20 =	vld.idx.msk [tilespmem:v57+s16+$0x0], $0xffff;
	v29 =	vor.u32 v43, v3  }
0x28f: {  	[tilespmem:v23+s15+$0x0] =	vst.idx.msk $0xffff, v19;
	v25 =	vld.idx.msk [tilespmem:v25+s16+$0x0], $0xffff  }
0x290: {  	v22 =	vor.u32 v37, v1;
	v23 =	vor.u32 s18, v42;
	v19 =	vld.idx.msk [tilespmem:v11+s16+$0x0], $0xffff  }
0x291: {  	v24 =	vld.idx.msk [tilespmem:v24+s16+$0x0], $0xffff  }
0x292: {  	v9 =	vor.u32 v46, v3;
	v11 =	vor.u32 v46, v1;
	v46 =	vld [tilespmem:$0x1FD40];
	[tilespmem:v18+s15+$0x0] =	vst.idx.msk $0xffff, v63  }
0x293: {  	v51 =	vor.u32 v0, v4;
	v29 =	vld.idx.msk [tilespmem:v29+s16+$0x0], $0xffff;
	[tilespmem:v28+s15+$0x0] =	vst.idx.msk $0xffff, v16  }
0x294: {  	v26 =	vor.u32 v54, v6;
	v18 =	vor.u32 v54, v17;
	v54 =	vld [tilespmem:$0x1FF70];
	[tilespmem:v30+s15+$0x0] =	vst.idx.msk $0xffff, v20  }
0x295: {  	v57 =	vor.u32 v61, v5;
	v20 =	vld.idx.msk [tilespmem:v22+s16+$0x0], $0xffff;
	[tilespmem:v23+s15+$0x0] =	vst.idx.msk $0xffff, v21  }
0x296: {  	v63 =	vld [tilespmem:$0x1FC10];
	[tilespmem:v31+s15+$0x0] =	vst.idx.msk $0xffff, v25  }
0x297: {  	v30 =	vor.u32 s21, v60;
	[tilespmem:v33+s15+$0x0] =	vst.idx.msk $0xffff, v19;
	v33 =	vor.u32 s22, v60;
	v60 =	vld [tilespmem:$0x1FF10]  }
0x298: {  	v59 =	vor.u32 v0, v7;
	v22 =	vld.idx.msk [tilespmem:v51+s16+$0x0], $0xffff  }
0x299: {  	v26 =	vld.idx.msk [tilespmem:v26+s16+$0x0], $0xffff  }
0x29a: {  	v19 =	vld.idx.msk [tilespmem:v57+s16+$0x0], $0xffff  }
0x29b: {  	v16 =	vor.u32 s20, v39;
	v57 =	vld [tilespmem:$0x1FCB0]  }
0x29c: {  	[tilespmem:v27+s15+$0x0] =	vst.idx.msk $0xffff, v24;
	v27 =	vor.u32 s18, v48;
	v48 =	vld [tilespmem:$0x1FD70]  }
0x29d: {  	v28 =	vor.u32 s19, v50;
	v24 =	vld.idx.msk [tilespmem:v59+s16+$0x0], $0xffff  }
0x29e: {  	v25 =	vor.u32 v38, v3;
	v18 =	vld.idx.msk [tilespmem:v18+s16+$0x0], $0xffff  }
0x29f: {  	v21 =	vor.u32 v54, v1;
	v23 =	vor.u32 s23, v44;
	v59 =	vld [tilespmem:$0x1FC70]  }
0x2a0: {  	v31 =	vor.u32 v63, v4;
	[tilespmem:v16+s15+$0x0] =	vst.idx.msk $0xffff, v29;
	v29 =	vor.u32 v63, v7;
	v63 =	vld [tilespmem:$0x1FCF0]  }
0x2a1: {  	v51 =	vor.u32 v49, v6;
	v16 =	vor.u32 s25, v44;
	v44 =	vld [tilespmem:$0x1FEC0]  }
0x2a2: {  	[tilespmem:v28+s15+$0x0] =	vst.idx.msk $0xffff, v20;
	v20 =	vor.u32 v49, v17;
	v49 =	vld [tilespmem:$0x1FFB0]  }
0x2a3: {  	v25 =	vld.idx.msk [tilespmem:v25+s16+$0x0], $0xffff;
	[tilespmem:v30+s15+$0x0] =	vst.idx.msk $0xffff, v22;
	v22 =	vor.u32 s20, v57  }
0x2a4: {  	v21 =	vld.idx.msk [tilespmem:v21+s16+$0x0], $0xffff;
	[tilespmem:v23+s15+$0x0] =	vst.idx.msk $0xffff, v26  }
0x2a5: {  	v34 =	vor.u32 v59, v5;
	v23 =	vld.idx.msk [tilespmem:v31+s16+$0x0], $0xffff  }
0x2a6: {  	v26 =	vor.u32 v46, v3;
	v30 =	vld.idx.msk [tilespmem:v51+s16+$0x0], $0xffff  }
0x2a7: {  	[tilespmem:v27+s15+$0x0] =	vst.idx.msk $0xffff, v19;
	v51 =	vld [tilespmem:$0x1FC40]  }
0x2a8: {  	v27 =	vor.u32 s23, v60;
	[tilespmem:v22+s15+$0x0] =	vst.idx.msk $0xffff, v25;
	v22 =	vor.u32 s25, v60;
	v60 =	vld [tilespmem:$0x1FCC0]  }
0x2a9: {  	[tilespmem:v33+s15+$0x0] =	vst.idx.msk $0xffff, v24;
	v28 =	vor.u32 s19, v63;
	v32 =	vor.u32 v49, v4;
	v25 =	vor.u32 v49, v7;
	v49 =	vld [tilespmem:$0x1FC20]  }
0x2aa: {  	v24 =	vld.idx.msk [tilespmem:v34+s16+$0x0], $0xffff  }
0x2ab: {  	v31 =	vor.u32 s21, v36;
	[tilespmem:v16+s15+$0x0] =	vst.idx.msk $0xffff, v18;
	v26 =	vld.idx.msk [tilespmem:v26+s16+$0x0], $0xffff  }
0x2ac: {  	v19 =	vor.u32 v35, v1;
	v16 =	vld.idx.msk [tilespmem:v29+s16+$0x0], $0xffff  }
0x2ad: {  	v20 =	vld.idx.msk [tilespmem:v20+s16+$0x0], $0xffff  }
0x2ae: {  	v33 =	vor.u32 v44, v6;
	[tilespmem:v28+s15+$0x0] =	vst.idx.msk $0xffff, v21;
	v28 =	vor.u32 s18, v62;
	v62 =	vld [tilespmem:$0x1FE40]  }
0x2af: {  	v18 =	vor.u32 s17, v48;
	v29 =	vor.u32 s22, v36;
	v36 =	vld [tilespmem:$0x1FD80]  }
0x2b0: {  	v34 =	vor.u32 v51, v2;
	v21 =	vor.u32 v44, v17;
	[tilespmem:v31+s15+$0x0] =	vst.idx.msk $0xffff, v23;
	v44 =	vld [tilespmem:$0x1FED0]  }
0x2b1: {  	v19 =	vld.idx.msk [tilespmem:v19+s16+$0x0], $0xffff;
	[tilespmem:v27+s15+$0x0] =	vst.idx.msk $0xffff, v30  }
0x2b2: {  	v27 =	vld.idx.msk [tilespmem:v32+s16+$0x0], $0xffff  }
0x2b3: {  	v31 =	vld.idx.msk [tilespmem:v33+s16+$0x0], $0xffff  }
0x2b4: {  	[tilespmem:v18+s15+$0x0] =	vst.idx.msk $0xffff, v15;
	v15 =	vor.u32 v56, v5;
	v56 =	vld [tilespmem:$0x1FF80]  }
0x2b5: {  	v23 =	vor.u32 s20, v60;
	[tilespmem:v29+s15+$0x0] =	vst.idx.msk $0xffff, v16;
	v16 =	vld.idx.msk [tilespmem:v34+s16+$0x0], $0xffff  }
0x2b6: {  	[tilespmem:v22+s15+$0x0] =	vst.idx.msk $0xffff, v20;
	v22 =	vor.u32 s17, v45;
	v45 =	vld [tilespmem:$0x1FD00]  }
0x2b7: {  	v30 =	vor.u32 v37, v3;
	v20 =	vld.idx.msk [tilespmem:v25+s16+$0x0], $0xffff  }
0x2b8: {  	v32 =	vor.u32 s21, v62;
	v21 =	vld.idx.msk [tilespmem:v21+s16+$0x0], $0xffff  }
0x2b9: {  	v18 =	vor.u32 s23, v36;
	v29 =	vor.u32 v44, v6;
	[tilespmem:v28+s15+$0x0] =	vst.idx.msk $0xffff, v24;
	v28 =	vor.u32 v44, v17;
	v44 =	vld [tilespmem:$0x1FF00]  }
0x2ba: {  	v33 =	vor.u32 v49, v4;
	[tilespmem:v23+s15+$0x0] =	vst.idx.msk $0xffff, v26;
	v23 =	vor.u32 s25, v36;
	v36 =	vld [tilespmem:$0x1FD50]  }
0x2bb: {  	v26 =	vor.u32 v49, v7;
	v49 =	vld [tilespmem:$0x1FD90]  }
0x2bc: {  	v25 =	vor.u32 s22, v62;
	v62 =	vor.u32 v56, v2;
	v24 =	vld.idx.msk [tilespmem:v30+s16+$0x0], $0xffff  }
0x2bd: {  	v15 =	vld.idx.msk [tilespmem:v15+s16+$0x0], $0xffff;
	[tilespmem:v32+s15+$0x0] =	vst.idx.msk $0xffff, v27  }
0x2be: {  	v27 =	vor.u32 s20, v50;
	v50 =	vld [tilespmem:$0x1FC30];
	[tilespmem:v18+s15+$0x0] =	vst.idx.msk $0xffff, v31  }
0x2bf: {  	v18 =	vld.idx.msk [tilespmem:v33+s16+$0x0], $0xffff  }
0x2c0: {  	v29 =	vld.idx.msk [tilespmem:v29+s16+$0x0], $0xffff;
	[tilespmem:v22+s15+$0x0] =	vst.idx.msk $0xffff, v16  }
0x2c1: {  	v30 =	vor.u32 s18, v47;
	v31 =	vor.u32 v54, v3;
	[tilespmem:v25+s15+$0x0] =	vst.idx.msk $0xffff, v20;
	v20 =	vld.idx.msk [tilespmem:v62+s16+$0x0], $0xffff  }
0x2c2: {  	v16 =	vor.u32 v43, v5;
	v32 =	vor.u32 s21, v36;
	[tilespmem:v23+s15+$0x0] =	vst.idx.msk $0xffff, v21;
	v62 =	vld [tilespmem:$0x1FC00]  }
0x2c3: {  	v23 =	vor.u32 s19, v44;
	v21 =	vld.idx.msk [tilespmem:v26+s16+$0x0], $0xffff  }
0x2c4: {  	v22 =	vor.u32 s23, v49;
	v26 =	vld.idx.msk [tilespmem:v28+s16+$0x0], $0xffff;
	v28 =	vor.u32 s22, v36  }
0x2c5: {  	v54 =	vor.u32 v50, v4;
	[tilespmem:v27+s15+$0x0] =	vst.idx.msk $0xffff, v24;
	v27 =	vor.u32 s25, v49;
	v49 =	vor.u32 v50, v7;
	v50 =	vld [tilespmem:$0x1FD60]  }
0x2c6: {  	[tilespmem:v30+s15+$0x0] =	vst.idx.msk $0xffff, v15;
	v24 =	vor.u32 v45, v1;
	v15 =	vld.idx.msk [tilespmem:v31+s16+$0x0], $0xffff  }
0x2c7: {  	v16 =	vld.idx.msk [tilespmem:v16+s16+$0x0], $0xffff;
	[tilespmem:v32+s15+$0x0] =	vst.idx.msk $0xffff, v18  }
0x2c8: {  	[tilespmem:v23+s15+$0x0] =	vst.idx.msk $0xffff, v19;
	v25 =	vor.u32 v62, v6;
	v30 =	vor.u32 v62, v17;
	v62 =	vld [tilespmem:$0x1FDA0]  }
0x2c9: {  	v47 =	vld [tilespmem:$0x1FEE0];
	v18 =	vor.u32 s17, v58;
	[tilespmem:v22+s15+$0x0] =	vst.idx.msk $0xffff, v29  }
0x2ca: {  	v10 =	vor.u32 v41, v17;
	v31 =	vor.u32 s20, v63;
	v63 =	vld [tilespmem:$0x1FFA0];
	v29 =	vor.u32 v53, v2;
	[tilespmem:v28+s15+$0x0] =	vst.idx.msk $0xffff, v21  }
0x2cb: {  	v1 =	vmovc v5;
	v5 =	vmov v7;
	v7 =	vmov v17;
	v17 =	vld.idx.msk [tilespmem:v24+s16+$0x0], $0xffff;
	[tilespmem:v27+s15+$0x0] =	vst.idx.msk $0xffff, v26;
	v26 =	vor.u32 s18, v39  }
0x2cc: {  	v22 =	vld.idx.msk [tilespmem:v54+s16+$0x0], $0xffff;
	v53 =	vor.u32 s21, v50  }
0x2cd: {  	v54 =	vor.u32 v35, v3;
	v25 =	vld.idx.msk [tilespmem:v25+s16+$0x0], $0xffff;
	v19 =	vor.u32 s23, v62  }
0x2ce: {  	v21 =	vor.u32 v47, v6;
	v28 =	vld.idx.msk [tilespmem:v30+s16+$0x0], $0xffff;
	[tilespmem:v18+s15+$0x0] =	vst.idx.msk $0xffff, v20  }
0x2cf: {  	v30 =	vor.u32 s22, v50;
	v50 =	vld.idx.msk [tilespmem:v29+s16+$0x0], $0xffff;
	[tilespmem:v31+s15+$0x0] =	vst.idx.msk $0xffff, v15  }
0x2d0: {  	v23 =	vor.u32 v63, v4;
	v24 =	vld.idx.msk [tilespmem:v49+s16+$0x0], $0xffff;
	[tilespmem:v26+s15+$0x0] =	vst.idx.msk $0xffff, v16  }
0x2d1: {  	v18 =	vor.u32 v38, v1;
	v20 =	vor.u32 s25, v62;
	v26 =	vld [tilespmem:$0x1FDB0];
	[tilespmem:v53+s15+$0x0] =	vst.idx.msk $0xffff, v22  }
0x2d2: {  	v49 =	vor.u32 v63, v5;
	v54 =	vld.idx.msk [tilespmem:v54+s16+$0x0], $0xffff;
	[tilespmem:v19+s15+$0x0] =	vst.idx.msk $0xffff, v25  }
0x2d3: {  	s26 =	sadd.s32 $0x2, s26;
	v29 =	vor.u32 v47, v7;
	v53 =	vor.u32 s17, v42;
	v31 =	vld.idx.msk [tilespmem:v21+s16+$0x0], $0xffff  }
0x2d4: {  	p2 =	slt.u32 s26, $0xE;
	v63 =	vor.u32 s20, v44;
	v62 =	vor.u32 v61, v2;
	v21 =	vld [tilespmem:$0x1FD10]  }
.Ltmp5:
0x2d5: {  	v33 =	vor.u32 v41, v6;
	v39 =	vlaneseq.u32;
	v22 =	vor.u32 v56, v5;
	[tilespmem:v30+s15+$0x0] =	vst.idx.msk $0xffff, v24;
	v15 =	vld.idx.msk [tilespmem:v23+s16+$0x0], $0xffff;
	(pc) =	sbr.rel @p2 .LBB2_4-.Ltmp5, $4  }
0x2d6: {  	v16 =	vor.u32 s19, v40;
	v19 =	vor.u32 v59, v2;
	v25 =	vor.u32 s18, v57;
	v24 =	vld.idx.msk [tilespmem:v18+s16+$0x0], $0xffff;
	[tilespmem:v20+s15+$0x0] =	vst.idx.msk $0xffff, v28  }
0x2d7: {  	v30 =	vor.u32 v51, v5;
	v32 =	vor.u32 s23, v26;
	v35 =	vor.u32 s25, v26;
	v28 =	vld.idx.msk [tilespmem:v49+s16+$0x0], $0xffff  }
0x2d8: {  	v23 =	vor.u32 v45, v3;
	v18 =	vor.u32 s18, v60;
	v34 =	vld.idx.msk [tilespmem:v29+s16+$0x0], $0xffff;
	v29 =	vor.u32 s22, v48;
	[tilespmem:v53+s15+$0x0] =	vst.idx.msk $0xffff, v50  }
0x2d9: {  	s28 =	sadd.s32 $0x20, s28;
	s24 =	smov.u32 s25;
	v20 =	vor.u32 v46, v1;
	v26 =	vld.idx.msk [tilespmem:v62+s16+$0x0], $0xffff;
	[tilespmem:v63+s15+$0x0] =	vst.idx.msk $0xffff, v54;
	v27 =	vor.u32 s19, v21;
	v21 =	vor.u32 s20, v21  }
0x2da: {  	_ =	sdelay $0x3  }
0x2db: {  	[tilespmem:v35+s15+$0x0] =	vst.idx.msk $0xffff, v34  }
0x2dc: {  	v35 =	vld [tilespmem:$0x1FDD0];
	_ =	sdelay $0x4  }
0x2dd: {  	[tilespmem:v32+s15+$0x0] =	vst.idx.msk $0xffff, v31;
	v10 =	vld.idx.msk [tilespmem:v10+s16+$0x0], $0xffff;
	v47 =	vor.u32 s25, v35  }
0x2de: {  	v32 =	vld.idx.msk [tilespmem:v33+s16+$0x0], $0xffff;
	v31 =	vor.u32 s23, v35;
	_ =	sdelay $0x3  }
0x2df: {  	[tilespmem:v47+s15+$0x0] =	vst.idx.msk $0xffff, v10  }
0x2e0: {  	[tilespmem:v31+s15+$0x0] =	vst.idx.msk $0xffff, v32  }
0x2e1: {  	v51 =	vor.u32 v55, v7;
	v47 =	vld [tilespmem:$0x1FDF0]  }
0x2e2: {  	v53 =	vor.u32 v55, v6;
	_ =	sdelay $0x3  }
0x2e3: {  	v10 =	vld.idx.msk [tilespmem:v51+s16+$0x0], $0xffff;
	v31 =	vor.u32 s24, v47  }
0x2e4: {  	v32 =	vld.idx.msk [tilespmem:v53+s16+$0x0], $0xffff;
	v54 =	vor.u32 s23, v47;
	_ =	sdelay $0x3  }
0x2e5: {  	[tilespmem:v31+s15+$0x0] =	vst.idx.msk $0xffff, v10  }
0x2e6: {  	[tilespmem:v54+s15+$0x0] =	vst.idx.msk $0xffff, v32  }
0x2e7: {  	v49 =	vmov v55;
	v55 =	vor.u32 v52, v7;
	v63 =	vld [tilespmem:$0x1FE00]  }
0x2e8: {  	v56 =	vor.u32 v52, v6;
	_ =	sdelay $0x3  }
0x2e9: {  	v10 =	vld.idx.msk [tilespmem:v55+s16+$0x0], $0xffff;
	v31 =	vor.u32 s24, v63  }
0x2ea: {  	v32 =	vld.idx.msk [tilespmem:v56+s16+$0x0], $0xffff;
	v57 =	vor.u32 s23, v63;
	_ =	sdelay $0x3  }
0x2eb: {  	[tilespmem:v31+s15+$0x0] =	vst.idx.msk $0xffff, v10  }
0x2ec: {  	[tilespmem:v57+s15+$0x0] =	vst.idx.msk $0xffff, v32  }
0x2ed: {  	v59 =	vor.u32 v0, v7;
	v62 =	vld [tilespmem:$0x1FE20]  }
0x2ee: {  	v60 =	vor.u32 v0, v6;
	_ =	sdelay $0x3  }
0x2ef: {  	v10 =	vld.idx.msk [tilespmem:v59+s16+$0x0], $0xffff;
	v31 =	vor.u32 s24, v62  }
0x2f0: {  	v32 =	vld.idx.msk [tilespmem:v60+s16+$0x0], $0xffff;
	v36 =	vor.u32 s23, v62  }
0x2f1: {  	v37 =	vld [tilespmem:$0x1FC10];
	_ =	sdelay $0x2  }
0x2f2: {  	[tilespmem:v31+s15+$0x0] =	vst.idx.msk $0xffff, v10  }
0x2f3: {  	[tilespmem:v36+s15+$0x0] =	vst.idx.msk $0xffff, v32  }
0x2f4: {  	v38 =	vor.u32 v37, v7;
	v41 =	vld [tilespmem:$0x1FE30]  }
0x2f5: {  	v40 =	vor.u32 v37, v6;
	_ =	sdelay $0x3  }
0x2f6: {  	v10 =	vld.idx.msk [tilespmem:v38+s16+$0x0], $0xffff;
	v31 =	vor.u32 s24, v41  }
0x2f7: {  	v32 =	vld.idx.msk [tilespmem:v40+s16+$0x0], $0xffff;
	v42 =	vor.u32 s23, v41  }
0x2f8: {  	v59 =	vld [tilespmem:$0x1FFB0];
	_ =	sdelay $0x2  }
0x2f9: {  	[tilespmem:v31+s15+$0x0] =	vst.idx.msk $0xffff, v10  }
0x2fa: {  	[tilespmem:v42+s15+$0x0] =	vst.idx.msk $0xffff, v32  }
0x2fb: {  	v43 =	vor.u32 v59, v7;
	v45 =	vld [tilespmem:$0x1FE40]  }
0x2fc: {  	v44 =	vor.u32 v59, v6;
	_ =	sdelay $0x3  }
0x2fd: {  	v10 =	vld.idx.msk [tilespmem:v43+s16+$0x0], $0xffff;
	v31 =	vor.u32 s24, v45  }
0x2fe: {  	v32 =	vld.idx.msk [tilespmem:v44+s16+$0x0], $0xffff;
	v46 =	vor.u32 s23, v45  }
0x2ff: {  	v51 =	vld [tilespmem:$0x1FC20];
	_ =	sdelay $0x2  }
0x300: {  	[tilespmem:v31+s15+$0x0] =	vst.idx.msk $0xffff, v10  }
0x301: {  	[tilespmem:v46+s15+$0x0] =	vst.idx.msk $0xffff, v32  }
0x302: {  	v53 =	vor.u32 v51, v7;
	v55 =	vld [tilespmem:$0x1FD50]  }
0x303: {  	v54 =	vor.u32 v51, v6;
	_ =	sdelay $0x3  }
0x304: {  	v10 =	vld.idx.msk [tilespmem:v53+s16+$0x0], $0xffff;
	v31 =	vor.u32 s24, v55  }
0x305: {  	v32 =	vld.idx.msk [tilespmem:v54+s16+$0x0], $0xffff;
	v56 =	vor.u32 s23, v55  }
0x306: {  	v38 =	vld [tilespmem:$0x1FC30];
	_ =	sdelay $0x2  }
0x307: {  	[tilespmem:v31+s15+$0x0] =	vst.idx.msk $0xffff, v10  }
0x308: {  	[tilespmem:v56+s15+$0x0] =	vst.idx.msk $0xffff, v32  }
0x309: {  	v57 =	vor.u32 v38, v7;
	v62 =	vld [tilespmem:$0x1FD60];
	_ =	sdelay $0x1  }
0x30a: {  	v41 =	vld [tilespmem:$0x1FFA0];
	_ =	sdelay $0x1  }
0x30b: {  	v60 =	vor.u32 v38, v6  }
0x30c: {  	v10 =	vld.idx.msk [tilespmem:v57+s16+$0x0], $0xffff;
	v31 =	vor.u32 s24, v62  }
0x30d: {  	v46 =	vld [tilespmem:$0x1FD70]  }
0x30e: {  	v48 =	vor.u32 v41, v7;
	_ =	sdelay $0x1  }
0x30f: {  	v52 =	vmov v0;
	v32 =	vld.idx.msk [tilespmem:v60+s16+$0x0], $0xffff;
	v0 =	vor.u32 s23, v62  }
0x310: {  	[tilespmem:v31+s15+$0x0] =	vst.idx.msk $0xffff, v10  }
0x311: {  	v36 =	vor.u32 s21, v46;
	v51 =	vld [tilespmem:$0x1FC40]  }
0x312: {  	v56 =	vor.u32 s24, v46;
	v31 =	vld.idx.msk [tilespmem:v48+s16+$0x0], $0xffff;
	_ =	sdelay $0x1  }
0x313: {  	[tilespmem:v0+s15+$0x0] =	vst.idx.msk $0xffff, v32  }
0x314: {  	v50 =	vor.u32 v41, v6;
	[tilespmem:v29+s15+$0x0] =	vst.idx.msk $0xffff, v28  }
0x315: {  	v60 =	vld [tilespmem:$0x1FF50];
	[tilespmem:v36+s15+$0x0] =	vst.idx.msk $0xffff, v15  }
0x316: {  	v10 =	vor.u32 v51, v4;
	[tilespmem:v56+s15+$0x0] =	vst.idx.msk $0xffff, v31  }
0x317: {  	v40 =	vld [tilespmem:$0x1FF80];
	_ =	sdelay $0x1  }
0x318: {  	v0 =	vor.u32 s23, v46;
	v33 =	vld.idx.msk [tilespmem:v50+s16+$0x0], $0xffff;
	v57 =	vor.u32 v51, v7  }
0x319: {  	v29 =	vld.idx.msk [tilespmem:v30+s16+$0x0], $0xffff;
	v37 =	vor.u32 v51, v6;
	v28 =	vor.u32 s22, v60  }
0x31a: {  	v15 =	vor.u32 s21, v60;
	v10 =	vld.idx.msk [tilespmem:v10+s16+$0x0], $0xffff  }
0x31b: {  	v30 =	vor.u32 v40, v4;
	_ =	sdelay $0x1  }
0x31c: {  	v31 =	vor.u32 s24, v60;
	[tilespmem:v0+s15+$0x0] =	vst.idx.msk $0xffff, v33;
	v32 =	vld.idx.msk [tilespmem:v57+s16+$0x0], $0xffff  }
0x31d: {  	v54 =	vor.u32 s23, v60;
	v45 =	vld.idx.msk [tilespmem:v37+s16+$0x0], $0xffff;
	[tilespmem:v28+s15+$0x0] =	vst.idx.msk $0xffff, v29  }
0x31e: {  	v28 =	vor.u32 s22, v58;
	v22 =	vld.idx.msk [tilespmem:v22+s16+$0x0], $0xffff;
	[tilespmem:v15+s15+$0x0] =	vst.idx.msk $0xffff, v10  }
0x31f: {  	v29 =	vor.u32 s21, v58;
	v15 =	vld.idx.msk [tilespmem:v30+s16+$0x0], $0xffff  }
0x320: {  	v51 =	vld [tilespmem:$0x1FF40]  }
0x321: {  	v44 =	vor.u32 v40, v7;
	[tilespmem:v31+s15+$0x0] =	vst.idx.msk $0xffff, v32  }
0x322: {  	v55 =	vor.u32 v40, v6;
	[tilespmem:v54+s15+$0x0] =	vst.idx.msk $0xffff, v45  }
0x323: {  	[tilespmem:v28+s15+$0x0] =	vst.idx.msk $0xffff, v22  }
0x324: {  	[tilespmem:v29+s15+$0x0] =	vst.idx.msk $0xffff, v15  }
0x325: {  	v10 =	vor.u32 v51, v5;
	v53 =	vld [tilespmem:$0x1FF60]  }
0x326: {  	v56 =	vor.u32 s24, v58;
	v31 =	vld.idx.msk [tilespmem:v44+s16+$0x0], $0xffff;
	v30 =	vor.u32 v51, v4  }
0x327: {  	v62 =	vor.u32 s23, v58;
	v34 =	vld.idx.msk [tilespmem:v55+s16+$0x0], $0xffff;
	_ =	sdelay $0x2  }
0x328: {  	v10 =	vld.idx.msk [tilespmem:v10+s16+$0x0], $0xffff;
	v15 =	vor.u32 s22, v53  }
0x329: {  	v57 =	vor.u32 v51, v7;
	[tilespmem:v56+s15+$0x0] =	vst.idx.msk $0xffff, v31;
	v28 =	vld.idx.msk [tilespmem:v30+s16+$0x0], $0xffff;
	v29 =	vor.u32 s21, v53  }
0x32a: {  	[tilespmem:v62+s15+$0x0] =	vst.idx.msk $0xffff, v34  }
0x32b: {  	[tilespmem:v27+s15+$0x0] =	vst.idx.msk $0xffff, v17  }
0x32c: {  	v0 =	vor.u32 v51, v6;
	[tilespmem:v25+s15+$0x0] =	vst.idx.msk $0xffff, v24  }
0x32d: {  	[tilespmem:v15+s15+$0x0] =	vst.idx.msk $0xffff, v10  }
0x32e: {  	v31 =	vld.idx.msk [tilespmem:v57+s16+$0x0], $0xffff;
	[tilespmem:v29+s15+$0x0] =	vst.idx.msk $0xffff, v28  }
0x32f: {  	v22 =	vor.u32 v61, v5;
	v38 =	vor.u32 s24, v53;
	v43 =	vld [tilespmem:$0x1FC60];
	_ =	sdelay $0x1  }
0x330: {  	v27 =	vld.idx.msk [tilespmem:v0+s16+$0x0], $0xffff;
	v42 =	vor.u32 s23, v53;
	_ =	sdelay $0x1  }
0x331: {  	v10 =	vld.idx.msk [tilespmem:v23+s16+$0x0], $0xffff  }
0x332: {  	v30 =	vor.u32 v61, v4;
	v15 =	vld.idx.msk [tilespmem:v22+s16+$0x0], $0xffff;
	[tilespmem:v38+s15+$0x0] =	vst.idx.msk $0xffff, v31;
	v22 =	vor.u32 s22, v43  }
0x333: {  	v29 =	vld [tilespmem:$0x1FC70]  }
0x334: {  	v17 =	vor.u32 v61, v7;
	[tilespmem:v42+s15+$0x0] =	vst.idx.msk $0xffff, v27  }
0x335: {  	v24 =	vor.u32 v61, v6;
	[tilespmem:v13+s15+$0x0] =	vst.idx.msk $0xffff, v26  }
0x336: {  	[tilespmem:v21+s15+$0x0] =	vst.idx.msk $0xffff, v10  }
0x337: {  	v25 =	vld.idx.msk [tilespmem:v30+s16+$0x0], $0xffff;
	[tilespmem:v22+s15+$0x0] =	vst.idx.msk $0xffff, v15  }
0x338: {  	v23 =	vor.u32 v29, v5;
	v44 =	vld [tilespmem:$0x1FC80]  }
0x339: {  	v17 =	vld.idx.msk [tilespmem:v17+s16+$0x0], $0xffff  }
0x33a: {  	v24 =	vld.idx.msk [tilespmem:v24+s16+$0x0], $0xffff;
	v28 =	vor.u32 s24, v43  }
0x33b: {  	v10 =	vld.idx.msk [tilespmem:v11+s16+$0x0], $0xffff  }
0x33c: {  	v15 =	vld.idx.msk [tilespmem:v19+s16+$0x0], $0xffff  }
0x33d: {  	v27 =	vor.u32 v29, v4;
	[tilespmem:v14+s15+$0x0] =	vst.idx.msk $0xffff, v25;
	v21 =	vld.idx.msk [tilespmem:v23+s16+$0x0], $0xffff;
	v19 =	vor.u32 s17, v44  }
0x33e: {  	v26 =	vld [tilespmem:$0x1FC90];
	v22 =	vor.u32 s22, v44  }
0x33f: {  	[tilespmem:v28+s15+$0x0] =	vst.idx.msk $0xffff, v17  }
0x340: {  	v13 =	vor.u32 v29, v7;
	[tilespmem:v12+s15+$0x0] =	vst.idx.msk $0xffff, v24  }
0x341: {  	v11 =	vor.u32 v29, v6;
	[tilespmem:v16+s15+$0x0] =	vst.idx.msk $0xffff, v10  }
0x342: {  	v23 =	vld.idx.msk [tilespmem:v27+s16+$0x0], $0xffff;
	[tilespmem:v19+s15+$0x0] =	vst.idx.msk $0xffff, v15  }
0x343: {  	v25 =	vor.u32 s21, v44;
	v14 =	vor.u32 v26, v2;
	v17 =	vor.u32 v26, v5;
	[tilespmem:v22+s15+$0x0] =	vst.idx.msk $0xffff, v21  }
0x344: {  	v12 =	vor.u32 v26, v4;
	v10 =	vor.u32 v26, v7;
	v19 =	vor.u32 v26, v6;
	v26 =	vld [tilespmem:$0x1FCA0]  }
0x345: {  	v13 =	vld.idx.msk [tilespmem:v13+s16+$0x0], $0xffff  }
0x346: {  	v11 =	vld.idx.msk [tilespmem:v11+s16+$0x0], $0xffff;
	v24 =	vor.u32 s24, v44  }
0x347: {  	v16 =	vor.u32 s23, v44;
	v15 =	vld.idx.msk [tilespmem:v20+s16+$0x0], $0xffff  }
0x348: {  	v14 =	vld.idx.msk [tilespmem:v14+s16+$0x0], $0xffff  }
0x349: {  	[tilespmem:v25+s15+$0x0] =	vst.idx.msk $0xffff, v23;
	v17 =	vld.idx.msk [tilespmem:v17+s16+$0x0], $0xffff;
	v20 =	vor.u32 s17, v26  }
0x34a: {  	v35 =	vld [tilespmem:$0x1FE70];
	v22 =	vor.u32 s22, v26  }
0x34b: {  	[tilespmem:v24+s15+$0x0] =	vst.idx.msk $0xffff, v13  }
0x34c: {  	[tilespmem:v16+s15+$0x0] =	vst.idx.msk $0xffff, v11  }
0x34d: {  	[tilespmem:v18+s15+$0x0] =	vst.idx.msk $0xffff, v15  }
0x34e: {  	v12 =	vld.idx.msk [tilespmem:v12+s16+$0x0], $0xffff;
	[tilespmem:v20+s15+$0x0] =	vst.idx.msk $0xffff, v14  }
0x34f: {  	v21 =	vor.u32 v35, v2;
	v30 =	vld [tilespmem:$0x1FDE0];
	[tilespmem:v22+s15+$0x0] =	vst.idx.msk $0xffff, v17  }
0x350: {  	v23 =	vor.u32 s21, v26;
	v13 =	vor.u32 v35, v5;
	v43 =	vld [tilespmem:$0x1FE60]  }
0x351: {  	v9 =	vld.idx.msk [tilespmem:v9+s16+$0x0], $0xffff  }
0x352: {  	v10 =	vld.idx.msk [tilespmem:v10+s16+$0x0], $0xffff;
	v16 =	vor.u32 s24, v26  }
0x353: {  	v18 =	vld.idx.msk [tilespmem:v19+s16+$0x0], $0xffff;
	v19 =	vor.u32 s23, v26  }
0x354: {  	v17 =	vld.idx.msk [tilespmem:v21+s16+$0x0], $0xffff;
	v14 =	vor.u32 s20, v30  }
0x355: {  	[tilespmem:v23+s15+$0x0] =	vst.idx.msk $0xffff, v12;
	v13 =	vld.idx.msk [tilespmem:v13+s16+$0x0], $0xffff;
	v21 =	vor.u32 s17, v43  }
0x356: {  	v23 =	vld [tilespmem:$0x1FE50];
	v22 =	vor.u32 s22, v43  }
0x357: {  	[tilespmem:v16+s15+$0x0] =	vst.idx.msk $0xffff, v10  }
0x358: {  	v11 =	vor.u32 v35, v4;
	[tilespmem:v19+s15+$0x0] =	vst.idx.msk $0xffff, v18  }
0x359: {  	v15 =	vor.u32 v35, v7;
	[tilespmem:v14+s15+$0x0] =	vst.idx.msk $0xffff, v9  }
0x35a: {  	v8 =	vld.idx.msk [tilespmem:v8+s16+$0x0], $0xffff;
	v20 =	vor.u32 v35, v6;
	[tilespmem:v21+s15+$0x0] =	vst.idx.msk $0xffff, v17  }
0x35b: {  	v12 =	vor.u32 v23, v2;
	v48 =	vld [tilespmem:$0x1FDC0];
	[tilespmem:v22+s15+$0x0] =	vst.idx.msk $0xffff, v13  }
0x35c: {  	v22 =	vld [tilespmem:$0x1FCB0]  }
0x35d: {  	v11 =	vld.idx.msk [tilespmem:v11+s16+$0x0], $0xffff;
	v16 =	vor.u32 s21, v43;
	v10 =	vor.u32 v23, v5  }
0x35e: {  	v15 =	vld.idx.msk [tilespmem:v15+s16+$0x0], $0xffff;
	v19 =	vor.u32 s24, v43  }
0x35f: {  	v14 =	vld.idx.msk [tilespmem:v20+s16+$0x0], $0xffff;
	v20 =	vor.u32 s23, v43  }
0x360: {  	v12 =	vld.idx.msk [tilespmem:v12+s16+$0x0], $0xffff;
	v17 =	vor.u32 s19, v48  }
0x361: {  	v25 =	vld [tilespmem:$0x1FE10];
	v13 =	vor.u32 s17, v22  }
0x362: {  	v21 =	vor.u32 v23, v6;
	[tilespmem:v16+s15+$0x0] =	vst.idx.msk $0xffff, v11;
	v10 =	vld.idx.msk [tilespmem:v10+s16+$0x0], $0xffff;
	v16 =	vor.u32 s22, v22  }
0x363: {  	v62 =	vld [tilespmem:$0x1FD40];
	[tilespmem:v19+s15+$0x0] =	vst.idx.msk $0xffff, v15  }
0x364: {  	v18 =	vor.u32 v23, v4;
	[tilespmem:v20+s15+$0x0] =	vst.idx.msk $0xffff, v14  }
0x365: {  	v9 =	vor.u32 v23, v7;
	[tilespmem:v17+s15+$0x0] =	vst.idx.msk $0xffff, v8  }
0x366: {  	v3 =	vor.u32 v25, v3;
	[tilespmem:v13+s15+$0x0] =	vst.idx.msk $0xffff, v12  }
0x367: {  	v19 =	vor.u32 s21, v22;
	v17 =	vld.idx.msk [tilespmem:v21+s16+$0x0], $0xffff;
	[tilespmem:v16+s15+$0x0] =	vst.idx.msk $0xffff, v10  }
0x368: {  	v20 =	vor.u32 s24, v22;
	v11 =	vor.u32 v62, v2;
	v21 =	vor.u32 s23, v22;
	v22 =	vld [tilespmem:$0x1FCC0]  }
0x369: {  	v18 =	vld.idx.msk [tilespmem:v18+s16+$0x0], $0xffff  }
0x36a: {  	v9 =	vld.idx.msk [tilespmem:v9+s16+$0x0], $0xffff  }
0x36b: {  	v3 =	vld.idx.msk [tilespmem:v3+s16+$0x0], $0xffff  }
0x36c: {  	v12 =	vor.u32 s20, v48;
	v45 =	vld [tilespmem:$0x1FCD0]  }
0x36d: {  	v15 =	vor.u32 v62, v5;
	v11 =	vld.idx.msk [tilespmem:v11+s16+$0x0], $0xffff;
	v16 =	vor.u32 s17, v22  }
0x36e: {  	[tilespmem:v19+s15+$0x0] =	vst.idx.msk $0xffff, v18  }
0x36f: {  	v14 =	vor.u32 v62, v4;
	[tilespmem:v20+s15+$0x0] =	vst.idx.msk $0xffff, v9  }
0x370: {  	v8 =	vor.u32 v62, v7;
	[tilespmem:v21+s15+$0x0] =	vst.idx.msk $0xffff, v17  }
0x371: {  	v13 =	vor.u32 v62, v6;
	[tilespmem:v12+s15+$0x0] =	vst.idx.msk $0xffff, v3  }
0x372: {  	v15 =	vld.idx.msk [tilespmem:v15+s16+$0x0], $0xffff;
	v10 =	vor.u32 v45, v1;
	[tilespmem:v16+s15+$0x0] =	vst.idx.msk $0xffff, v11  }
0x373: {  	v18 =	vor.u32 v45, v2;
	v19 =	vor.u32 s22, v22;
	v33 =	vld [tilespmem:$0x1FCE0]  }
0x374: {  	v14 =	vld.idx.msk [tilespmem:v14+s16+$0x0], $0xffff  }
0x375: {  	v8 =	vld.idx.msk [tilespmem:v8+s16+$0x0], $0xffff;
	v20 =	vor.u32 s21, v22  }
0x376: {  	v12 =	vld.idx.msk [tilespmem:v13+s16+$0x0], $0xffff;
	v21 =	vor.u32 s24, v22  }
0x377: {  	v13 =	vor.u32 s23, v22;
	v10 =	vld.idx.msk [tilespmem:v10+s16+$0x0], $0xffff  }
0x378: {  	[tilespmem:v19+s15+$0x0] =	vst.idx.msk $0xffff, v15;
	v18 =	vld.idx.msk [tilespmem:v18+s16+$0x0], $0xffff;
	v11 =	vor.u32 s18, v33  }
0x379: {  	v9 =	vor.u32 v45, v5;
	v42 =	vld [tilespmem:$0x1FF70];
	v19 =	vor.u32 s17, v33  }
0x37a: {  	[tilespmem:v20+s15+$0x0] =	vst.idx.msk $0xffff, v14  }
0x37b: {  	v17 =	vor.u32 v45, v4;
	[tilespmem:v21+s15+$0x0] =	vst.idx.msk $0xffff, v8  }
0x37c: {  	v50 =	vor.u32 v45, v7;
	[tilespmem:v13+s15+$0x0] =	vst.idx.msk $0xffff, v12  }
0x37d: {  	v16 =	vor.u32 v45, v6;
	[tilespmem:v11+s15+$0x0] =	vst.idx.msk $0xffff, v10  }
0x37e: {  	v9 =	vld.idx.msk [tilespmem:v9+s16+$0x0], $0xffff;
	v15 =	vor.u32 v42, v1;
	[tilespmem:v19+s15+$0x0] =	vst.idx.msk $0xffff, v18  }
0x37f: {  	v20 =	vor.u32 s22, v33;
	v14 =	vor.u32 v42, v2;
	v22 =	vld [tilespmem:$0x1FCF0]  }
0x380: {  	v17 =	vld.idx.msk [tilespmem:v17+s16+$0x0], $0xffff  }
0x381: {  	v3 =	vld.idx.msk [tilespmem:v50+s16+$0x0], $0xffff;
	v21 =	vor.u32 s21, v33  }
0x382: {  	v13 =	vor.u32 s24, v33;
	v11 =	vld.idx.msk [tilespmem:v16+s16+$0x0], $0xffff  }
0x383: {  	v16 =	vor.u32 s23, v33;
	v15 =	vld.idx.msk [tilespmem:v15+s16+$0x0], $0xffff  }
0x384: {  	[tilespmem:v20+s15+$0x0] =	vst.idx.msk $0xffff, v9;
	v14 =	vld.idx.msk [tilespmem:v14+s16+$0x0], $0xffff;
	v18 =	vor.u32 s18, v22  }
0x385: {  	v8 =	vor.u32 v42, v5;
	v45 =	vld [tilespmem:$0x1FD30];
	v20 =	vor.u32 s17, v22  }
0x386: {  	[tilespmem:v21+s15+$0x0] =	vst.idx.msk $0xffff, v17  }
0x387: {  	v12 =	vor.u32 v42, v4;
	[tilespmem:v13+s15+$0x0] =	vst.idx.msk $0xffff, v3  }
0x388: {  	v10 =	vor.u32 v42, v7;
	[tilespmem:v16+s15+$0x0] =	vst.idx.msk $0xffff, v11  }
0x389: {  	v19 =	vor.u32 v42, v6;
	[tilespmem:v18+s15+$0x0] =	vst.idx.msk $0xffff, v15  }
0x38a: {  	v8 =	vld.idx.msk [tilespmem:v8+s16+$0x0], $0xffff;
	v9 =	vor.u32 v45, v1;
	[tilespmem:v20+s15+$0x0] =	vst.idx.msk $0xffff, v14  }
0x38b: {  	v21 =	vor.u32 s22, v22;
	v17 =	vor.u32 v45, v2;
	v34 =	vld [tilespmem:$0x1FF00]  }
0x38c: {  	v12 =	vld.idx.msk [tilespmem:v12+s16+$0x0], $0xffff  }
0x38d: {  	v10 =	vld.idx.msk [tilespmem:v10+s16+$0x0], $0xffff;
	v13 =	vor.u32 s21, v22;
	v53 =	vor.u32 v45, v5  }
0x38e: {  	v16 =	vor.u32 s24, v22;
	v18 =	vld.idx.msk [tilespmem:v19+s16+$0x0], $0xffff  }
0x38f: {  	v19 =	vor.u32 s23, v22;
	v9 =	vld.idx.msk [tilespmem:v9+s16+$0x0], $0xffff  }
0x390: {  	[tilespmem:v21+s15+$0x0] =	vst.idx.msk $0xffff, v8;
	v17 =	vld.idx.msk [tilespmem:v17+s16+$0x0], $0xffff;
	v14 =	vor.u32 s18, v34  }
0x391: {  	v54 =	vld [tilespmem:$0x1FD00];
	v21 =	vor.u32 s17, v34  }
0x392: {  	[tilespmem:v13+s15+$0x0] =	vst.idx.msk $0xffff, v12;
	v3 =	vld.idx.msk [tilespmem:v53+s16+$0x0], $0xffff;
	v13 =	vor.u32 s22, v34  }
0x393: {  	[tilespmem:v16+s15+$0x0] =	vst.idx.msk $0xffff, v10  }
0x394: {  	v11 =	vor.u32 v45, v4;
	[tilespmem:v19+s15+$0x0] =	vst.idx.msk $0xffff, v18  }
0x395: {  	v15 =	vor.u32 v45, v7;
	[tilespmem:v14+s15+$0x0] =	vst.idx.msk $0xffff, v9  }
0x396: {  	v20 =	vor.u32 v45, v6;
	[tilespmem:v21+s15+$0x0] =	vst.idx.msk $0xffff, v17  }
0x397: {  	v8 =	vor.u32 v54, v1;
	v27 =	vld [tilespmem:$0x1FD10];
	[tilespmem:v13+s15+$0x0] =	vst.idx.msk $0xffff, v3  }
0x398: {  	v12 =	vor.u32 v54, v2;
	v24 =	vld [tilespmem:$0x1FD20]  }
0x399: {  	v11 =	vld.idx.msk [tilespmem:v11+s16+$0x0], $0xffff;
	v16 =	vor.u32 s21, v34;
	v10 =	vor.u32 v54, v5  }
0x39a: {  	v15 =	vld.idx.msk [tilespmem:v15+s16+$0x0], $0xffff;
	v19 =	vor.u32 s24, v34;
	v18 =	vor.u32 v54, v4  }
0x39b: {  	v9 =	vor.u32 v54, v7;
	v14 =	vld.idx.msk [tilespmem:v20+s16+$0x0], $0xffff;
	v20 =	vor.u32 s23, v34  }
0x39c: {  	v21 =	vor.u32 v54, v6;
	v8 =	vld.idx.msk [tilespmem:v8+s16+$0x0], $0xffff;
	v17 =	vor.u32 s18, v27  }
0x39d: {  	v12 =	vld.idx.msk [tilespmem:v12+s16+$0x0], $0xffff;
	v13 =	vor.u32 s17, v27;
	v55 =	vor.u32 v24, v1  }
0x39e: {  	[tilespmem:v16+s15+$0x0] =	vst.idx.msk $0xffff, v11;
	v10 =	vld.idx.msk [tilespmem:v10+s16+$0x0], $0xffff;
	v16 =	vor.u32 s22, v27;
	v11 =	vor.u32 v24, v2  }
0x39f: {  	[tilespmem:v19+s15+$0x0] =	vst.idx.msk $0xffff, v15;
	v18 =	vld.idx.msk [tilespmem:v18+s16+$0x0], $0xffff;
	v19 =	vor.u32 s21, v27;
	v15 =	vor.u32 v24, v5  }
0x3a0: {  	[tilespmem:v20+s15+$0x0] =	vst.idx.msk $0xffff, v14;
	v9 =	vld.idx.msk [tilespmem:v9+s16+$0x0], $0xffff;
	v20 =	vor.u32 s24, v27;
	v14 =	vor.u32 v24, v4  }
0x3a1: {  	v21 =	vld.idx.msk [tilespmem:v21+s16+$0x0], $0xffff;
	[tilespmem:v17+s15+$0x0] =	vst.idx.msk $0xffff, v8;
	v8 =	vor.u32 v24, v7;
	v17 =	vor.u32 s23, v27  }
0x3a2: {  	[tilespmem:v13+s15+$0x0] =	vst.idx.msk $0xffff, v12;
	v12 =	vor.u32 s18, v30;
	v13 =	vor.u32 v24, v6;
	v3 =	vld.idx.msk [tilespmem:v55+s16+$0x0], $0xffff  }
0x3a3: {  	v56 =	vor.u32 v25, v1;
	[tilespmem:v16+s15+$0x0] =	vst.idx.msk $0xffff, v10;
	v10 =	vld.idx.msk [tilespmem:v11+s16+$0x0], $0xffff;
	v11 =	vor.u32 s17, v30  }
0x3a4: {  	v57 =	vor.u32 v25, v2;
	[tilespmem:v19+s15+$0x0] =	vst.idx.msk $0xffff, v18;
	v16 =	vor.u32 s22, v30;
	v15 =	vld.idx.msk [tilespmem:v15+s16+$0x0], $0xffff  }
0x3a5: {  	v5 =	vor.u32 v25, v5;
	[tilespmem:v20+s15+$0x0] =	vst.idx.msk $0xffff, v9;
	v9 =	vld.idx.msk [tilespmem:v14+s16+$0x0], $0xffff;
	v14 =	vor.u32 s21, v30  }
0x3a6: {  	v4 =	vor.u32 v25, v4;
	[tilespmem:v17+s15+$0x0] =	vst.idx.msk $0xffff, v21;
	v17 =	vor.u32 s24, v30;
	v8 =	vld.idx.msk [tilespmem:v8+s16+$0x0], $0xffff  }
0x3a7: {  	v61 =	vor.u32 v25, v7;
	[tilespmem:v12+s15+$0x0] =	vst.idx.msk $0xffff, v3;
	v7 =	vld.idx.msk [tilespmem:v13+s16+$0x0], $0xffff;
	v12 =	vor.u32 s23, v30  }
0x3a8: {  	v6 =	vor.u32 v25, v6;
	[tilespmem:v11+s15+$0x0] =	vst.idx.msk $0xffff, v10;
	v10 =	vor.u32 s18, v48;
	v1 =	vld.idx.msk [tilespmem:v56+s16+$0x0], $0xffff  }
0x3a9: {  	[tilespmem:v16+s15+$0x0] =	vst.idx.msk $0xffff, v15;
	v11 =	vor.u32 s17, v48;
	v2 =	vld.idx.msk [tilespmem:v57+s16+$0x0], $0xffff  }
0x3aa: {  	[tilespmem:v14+s15+$0x0] =	vst.idx.msk $0xffff, v9;
	v9 =	vor.u32 s22, v48;
	v5 =	vld.idx.msk [tilespmem:v5+s16+$0x0], $0xffff  }
0x3ab: {  	v4 =	vld.idx.msk [tilespmem:v4+s16+$0x0], $0xffff;
	[tilespmem:v17+s15+$0x0] =	vst.idx.msk $0xffff, v8;
	v8 =	vor.u32 s21, v48  }
0x3ac: {  	[tilespmem:v12+s15+$0x0] =	vst.idx.msk $0xffff, v7;
	v3 =	vld.idx.msk [tilespmem:v61+s16+$0x0], $0xffff;
	v7 =	vor.u32 s24, v48  }
0x3ad: {  	[tilespmem:v10+s15+$0x0] =	vst.idx.msk $0xffff, v1;
	v62 =	vld.idx.msk [tilespmem:v6+s16+$0x0], $0xffff;
	v6 =	vor.u32 s23, v48  }
0x3ae: {  	[tilespmem:v11+s15+$0x0] =	vst.idx.msk $0xffff, v2  }
0x3af: {  	[tilespmem:v9+s15+$0x0] =	vst.idx.msk $0xffff, v5  }
0x3b0: {  	[tilespmem:v8+s15+$0x0] =	vst.idx.msk $0xffff, v4  }
0x3b1: {  	[tilespmem:v7+s15+$0x0] =	vst.idx.msk $0xffff, v3  }
0x3b2: {  	[tilespmem:v6+s15+$0x0] =	vst.idx.msk $0xffff, v62  }
0x3b3: {  	v31 =	vld [tilespmem:$0x1FEB0]  }
0x3b4: {  	v27 =	vld [tilespmem:$0x1FE80]  }
0x3b5: {  	v54 =	vld [tilespmem:$0x1FE90]  }
0x3b6: {  	v29 =	vld [tilespmem:$0x1FEA0]  }
0x3b7: {  	v56 =	vld [tilespmem:$0x1FEF0]  }
0x3b8: {  	v18 =	vld [tilespmem:$0x1FEC0]  }
0x3b9: {  	v12 =	vld [tilespmem:$0x1FED0]  }
0x3ba: {  	v21 =	vld [tilespmem:$0x1FEE0]  }
0x3bb: {  	v50 =	vld [tilespmem:$0x1FF90]  }
0x3bc: {  	v7 =	vld [tilespmem:$0x1FFC0]  }
0x3bd: {  	v57 =	vld [tilespmem:$0x1FF30]  }
0x3be: {  	v30 =	vld [tilespmem:$0x1FF20]  }
0x3bf: {  	v37 =	vld [tilespmem:$0x1FF10]  }
0x3c0: {  	v6 =	vld [tilespmem:$0x1FD80]  }
0x3c1: {  	v8 =	vld [tilespmem:$0x1FD90]  }
0x3c2: {  	v9 =	vld [tilespmem:$0x1FDA0]  }
0x3c3: {  	v11 =	vld [tilespmem:$0x1FDB0]  }
0x3c4: {  	v38 =	vld [tilespmem:$0x1FDD0]  }
.Ltmp6:
0x3c5: {  	v19 =	vld [tilespmem:$0x1FE20];
	(pc) =	sbr.rel .LBB2_6-.Ltmp6, $4  }
0x3c6: {  	s13 =	sshll.u32 s13, $0xA;
	v20 =	vld [tilespmem:$0x1FE30]  }
0x3c7: {  	s13 =	sand.u32 $0x1FFFFC00, s13;
	v42 =	vld [tilespmem:$0x1FE40]  }
0x3c8: {  	s14 =	sadd.s32 $0x3, s14;
	s13 =	sadd.s32 s6, s13;
	v44 =	vmov v58;
	v26 =	vmov v46;
	v35 =	vld [tilespmem:$0x1FD50]  }
0x3c9: {  	v22 =	vmovc v52;
	v15 =	vmovc v60;
	v60 =	vmov v40;
	v16 =	vmov v47;
	v17 =	vmov v63;
	[hbm4b:s13+s4] =	stream.linear.scatter [tilespmem:s15], [sflag:s14], $0x2000, $0x38;
	v61 =	vld [tilespmem:$0x1FD60]  }
.LBB2_8:
0x3ca: {  	_ =	sfence.sel $0x180000  }
0x3cb: {  	[bflag:$0x0] =	sbarrier.arrive $0xFFFF  }
0x3cc: {  	p0 =	sne.s32 s3, $0x0;
	_ =	strace $0x90000047  }
0x3cd: {  	s0 =	sadd.s32 @!p0 $0x100000, s2;
	[bflag:$0x2] =	sbarrier.arrive $0xFFFF  }
0x3ce: {  	[sflag:s0] =	ssyncadd.tile.s32 @!p0 $0x1;
	_ =	shalt  }
.Lfunc_end2:
_tile_overlayer_lowered:
.L_overlay_start_2:
0x3cf: {  	(tag) =	ssettag $0x2  }
0x3d0: {  	s0 =	rddreg [dreg:$0x0];
	s2 =	stileid.u32  }
0x3d1: {  	s1 =	rddreg [dreg:$0x1];
	p0 =	sne.s32 s2, $0x0  }
0x3d2: {  	s3 =	rddreg [dreg:$0x2];
	[bflag:$0x3] =	sbarrier.arrive $0xFFFF;
	s2 =	simm.s32 @!p0 $0x1C05  }
0x3d3: {  	[timem:s3], [sflag:s2] =	dma.local @!p0 [hbm:s0], s1  }
0x3d4: {  	s0 =	simm.s32 @!p0 $0x5  }
0x3d5: {  	_ =	swait.ge @!p0 [sflag:s0], s1  }
0x3d6: {  	s1 =	ssub.s32 @!p0 $0x0, s1;
	[sflag:s0] =	ssyncset.done @!p0 $0x0  }
0x3d7: {  	[sflag:s0] =	ssyncadd.s32 @!p0 s1  }
0x3d8: {  	[bflag:$0x3] =	sbarrier.arrive $0xFFFF  }
0x3d9: {  	_ =	shalt  }

// kernel: kernel.7.cloned.1.call-start
scs
__scs_entry_jumppad:
0x0: {  	(pc) =	sbr.rel $0x88, $3  }
0x1: {  	(tag) =	ssettag $0x0;
	lr =	simm.s32 $0x1  }
0x2: {  	[smem:$0x3F9F] =	sst lr;
	_ =	strace $0xD0000000  }
0x3: {  	_ = 	snop  }
0x4: {  	_ = 	snop  }
0x5: {  	_ = 	snop  }
0x6: {  	_ = 	snop  }
0x7: {  	_ = 	snop  }
__scs_overlays_trampoline_lowered:
0x8: {  	[smem:$0x3FAE] =	sst s0  }
0x9: {  	[smem:$0x3FAF] =	sst s1  }
0xa: {  	[smem:$0x3FB0] =	sst s2  }
0xb: {  	[smem:$0x3FB1] =	sst s3  }
0xc: {  	[smem:$0x3FB2] =	sst s4  }
0xd: {  	[smem:$0x3FB3] =	sst s5  }
0xe: {  	[smem:$0x3FB4] =	sst s6  }
0xf: {  	[smem:$0x3FB5] =	sst s7  }
0x10: {  	[smem:$0x3FB6] =	sst s8  }
0x11: {  	[smem:$0x3FB7] =	sst s9;
	s0 =	simm.s32 @!p0 $0x0  }
0x12: {  	s1 =	sld [smem:$0x3F9D];
	s0 =	simm.s32 @p0 $0x1  }
0x13: {  	[smem:$0x3FB8] =	sst s0;
	s0 =	simm.s32 @!p1 $0x0  }
0x14: {  	s2 =	sld [smem:$0x3F9C];
	s0 =	simm.s32 @p1 $0x1  }
0x15: {  	[smem:$0x3FB9] =	sst s0;
	s0 =	simm.s32 @!p2 $0x0  }
0x16: {  	s3 =	sld [smem:$0x3FDB];
	s0 =	simm.s32 @p2 $0x1  }
0x17: {  	s4 =	simm.s32 $0x1BF5;
	[smem:$0x3FBB] =	sst s0  }
0x18: {  	s0 =	sld [smem:$0x3F9E];
	_ =	swait.ge [sflag:s4], $0x0  }
0x19: {  	s7 =	sld [smem:$0x3F9F]  }
0x1a: {  	s8 =	sadd.s32 $0xFFFFE003, lr  }
0x1b: {  	s9 =	sadd.s32 $0xFFFFFEF7, lr;
	s5 =	simm.s32 $0xFFFFFFFF;
	p2 =	slt.u32 s8, $0xFFFFF086  }
0x1c: {  	p1 =	slt.u32 s9, $0xF7A;
	s5 =	simm.s32 @!p2 $0x0  }
0x1d: {  	s5 =	simm.s32 @p1 $0x1;
	p0 =	seq.s32 s7, s2  }
0x1e: {  	s7 =	smul.u32 @!p0 $0xF7A, s2;
	p2 =	seq.s32 @!p0 s5, $0x0  }
0x1f: {  	s9 =	smul.u32 $0xF7A, s1;
	s8 =	simm.s32 @!p0 $0x1BF5;
	p2 =	por !p2, p0  }
0x20: {  	[sflag:s8] =	ssyncset.s32 @!p0 $0xFFFFF086;
	s6 =	sadd.s32 @!p0 s3, s7;
	s7 =	simm.s32 @!p0 $0x108  }
0x21: {  	s3 =	sadd.s32 s3, s9;
	s6 =	sadd.s32 @!p0 $0x88, s6;
	s7 =	simm.s32 @p2 $0x1082  }
0x22: {  	[simem:s7], [sflag:s8] =	dma.local @!p0 [hbm:s6], $0xF7A  }
0x23: {  	s9 =	sor.u32 $0xD0000000, s2;
	s6 =	simm.s32 $0x108;
	_ =	swait.ge @!p0 [sflag:s8], $0x0  }
0x24: {  	s3 =	sadd.s32 $0x88, s3;
	s6 =	simm.s32 @!p1 $0x1082;
	[sflag:s4] =	ssyncset.s32 $0xFFFFF086  }
0x25: {  	[simem:s6], [sflag:s4] =	dma.local [hbm:s3], $0xF7A  }
0x26: {  	[smem:$0x3F9F] =	sst s1;
	(tag) =	ssettag s2;
	_ =	strace s9  }
0x27: {  	s1 =	sld [smem:$0x3FAF]  }
0x28: {  	s2 =	sld [smem:$0x3FB0]  }
0x29: {  	s4 =	sld [smem:$0x3FB2]  }
0x2a: {  	p0 =	seq.s32 s5, $0x0;
	s5 =	sld [smem:$0x3FB3]  }
0x2b: {  	s6 =	sld [smem:$0x3FB4]  }
0x2c: {  	s7 =	sld [smem:$0x3FB5]  }
0x2d: {  	s3 =	simm.s32 $0x108;
	s8 =	sld [smem:$0x3FB6]  }
0x2e: {  	s3 =	simm.s32 @!p0 $0x1082;
	s9 =	sld [smem:$0x3FB7]  }
0x2f: {  	lr =	sadd.s32 s0, s3;
	s0 =	sld [smem:$0x3FAE]  }
0x30: {  	s3 =	sld [smem:$0x3FB1]  }
0x31: {  	[smem:$0x3FBA] =	sst s10  }
0x32: {  	s10 =	sld [smem:$0x3FB8];
	_ =	sdelay $0x3  }
0x33: {  	p0 =	seq.s32 s10, $0x1;
	s10 =	sld [smem:$0x3FBA];
	_ =	sdelay $0x3  }
0x34: {  	[smem:$0x3FBA] =	sst s10  }
0x35: {  	s10 =	sld [smem:$0x3FB9];
	_ =	sdelay $0x3  }
0x36: {  	p1 =	seq.s32 s10, $0x1;
	s10 =	sld [smem:$0x3FBA];
	_ =	sdelay $0x3  }
0x37: {  	[smem:$0x3FBA] =	sst s10  }
0x38: {  	s10 =	sld [smem:$0x3FBB]  }
0x39: {  	_ = 	snop;
	(pc) =	sbr.ind lr, $3  }
0x3a: {  	_ = 	snop  }
0x3b: {  	_ = 	snop  }
0x3c: {  	p2 =	seq.s32 s10, $0x1;
	s10 =	sld [smem:$0x3FBA]  }
0x3d: {  	_ =	shalt  }
0x3e: {  	_ =	shalt  }
0x3f: {  	_ =	shalt  }
0x40: {  	_ =	shalt  }
0x41: {  	_ =	shalt  }
0x42: {  	_ =	shalt  }
0x43: {  	_ =	shalt  }
0x44: {  	_ =	shalt  }
0x45: {  	_ =	shalt  }
0x46: {  	_ =	shalt  }
0x47: {  	_ =	shalt  }
0x48: {  	_ =	shalt  }
0x49: {  	_ =	shalt  }
0x4a: {  	_ =	shalt  }
0x4b: {  	_ =	shalt  }
0x4c: {  	_ =	shalt  }
0x4d: {  	_ =	shalt  }
0x4e: {  	_ =	shalt  }
0x4f: {  	_ =	shalt  }
0x50: {  	_ =	shalt  }
0x51: {  	_ =	shalt  }
0x52: {  	_ =	shalt  }
0x53: {  	_ =	shalt  }
0x54: {  	_ =	shalt  }
0x55: {  	_ =	shalt  }
0x56: {  	_ =	shalt  }
0x57: {  	_ =	shalt  }
0x58: {  	_ =	shalt  }
0x59: {  	_ =	shalt  }
0x5a: {  	_ =	shalt  }
0x5b: {  	_ =	shalt  }
0x5c: {  	_ =	shalt  }
0x5d: {  	_ =	shalt  }
0x5e: {  	_ =	shalt  }
0x5f: {  	_ =	shalt  }
0x60: {  	_ =	shalt  }
0x61: {  	_ =	shalt  }
0x62: {  	_ =	shalt  }
0x63: {  	_ =	shalt  }
0x64: {  	_ =	shalt  }
0x65: {  	_ =	shalt  }
0x66: {  	_ =	shalt  }
0x67: {  	_ =	shalt  }
0x68: {  	_ =	shalt  }
0x69: {  	_ =	shalt  }
0x6a: {  	_ =	shalt  }
0x6b: {  	_ =	shalt  }
0x6c: {  	_ =	shalt  }
0x6d: {  	_ =	shalt  }
0x6e: {  	_ =	shalt  }
0x6f: {  	_ =	shalt  }
0x70: {  	_ =	shalt  }
0x71: {  	_ =	shalt  }
0x72: {  	_ =	shalt  }
0x73: {  	_ =	shalt  }
0x74: {  	_ =	shalt  }
0x75: {  	_ =	shalt  }
0x76: {  	_ =	shalt  }
0x77: {  	_ =	shalt  }
0x78: {  	_ =	shalt  }
0x79: {  	_ =	shalt  }
0x7a: {  	_ =	shalt  }
0x7b: {  	_ =	shalt  }
0x7c: {  	_ =	shalt  }
0x7d: {  	_ =	shalt  }
0x7e: {  	_ =	shalt  }
0x7f: {  	_ =	shalt  }
0x80: {  	_ =	shalt  }
0x81: {  	_ =	shalt  }
0x82: {  	_ =	shalt  }
0x83: {  	_ =	shalt  }
0x84: {  	_ =	shalt  }
0x85: {  	_ =	shalt  }
0x86: {  	_ =	shalt  }
0x87: {  	_ =	shalt  }
.Lfunc_end0:
.L_simem_size_0:
called_computation.1_lowered:
.L_overlay_start_0:
0x88: {  	s2 =	sld [smem:$0x3FD9]  }
0x89: {  	s3 =	sld [smem:$0x3FFE];
	_ =	sdelay $0x1  }
0x8a: {  	s1 =	srdreg.scid  }
0x8b: {  	s0 =	sand.u32 $0x1, s1  }
0x8c: {  	s17 =	sshll.u32 s0, $0xA;
	s2 =	sadd.s32 s3, s2  }
0x8d: {  	s2 =	sadd.s32 s2, s17  }
0x8e: {  	[smem:$0x3FC6] =	sst s2  }
0x8f: {  	_ = 	snop  }
0x90: {  	s2 =	sld [smem:$0x3FD0];
	(tm) =	ssettm $0x1  }
0x91: {  	s18 =	sld [smem:$0x3FFB];
	_ =	sdelay $0x3  }
0x92: {  	_ =	strace s18  }
0x93: {  	s3 =	sld [smem:$0x3FFC];
	_ =	sdelay $0x3  }
0x94: {  	_ =	strace s3  }
0x95: {  	s3 =	sld [smem:$0x3FFD];
	_ =	sdelay $0x3  }
0x96: {  	_ =	strace s3  }
0x97: {  	_ =	strace $0x8FFFFFFF  }
0x98: {  	s19 =	sld [smem:$0x3FDB];
	_ =	sdelay $0x1  }
0x99: {  	s4 =	simm.s32 $_scs_section_size  }
0x9a: {  	s5 =	simm.s32 $_size__tile_overlayer_lowered;
	s6 =	simm.s32 $_tile_overlayer_lowered  }
0x9b: {  	s22 =	simm.s32 $0x1BFF;
	s21 =	sshll.u32 s6, $0x1;
	s3 =	sadd.s32 s4, s19  }
0x9c: {  	s7 =	simm.s32 $0x0;
	s20 =	sshll.u32 s5, $0x1;
	s5 =	sadd.s32 s21, s3  }
0x9d: {  	[timem:s7], [sflag:s22] =	dma.local [hbm:s5], s20  }
0x9e: {  	_ =	swait.ge [sflag:s22], s20  }
0x9f: {  	s4 =	ssub.s32 $0x0, s20;
	[sflag:s22] =	ssyncset.done $0x0  }
0xa0: {  	[sflag:s22] =	ssyncadd.s32 s4;
	_ =	sdelay $0x1  }
0xa1: {  	s23 =	simm.s32 $0x1B8B  }
0xa2: {  	_ =	swait.ge [sflag:s23], $0x1  }
0xa3: {  	[sflag:s23] =	ssyncset.done $0x0  }
0xa4: {  	s25 =	simm.s32 $0x1B8E;
	s24 =	sld [smem:$0x3FFE];
	[sflag:s23] =	ssyncadd.s32 $0xFFFFFFFF  }
0xa5: {  	s26 =	simm.s32 $execute0_lowered;
	[smem:$0x3FD2] =	sst s25  }
0xa6: {  	s5 =	sshll.u32 s26, $0x1;
	_ =	strace $0x80000049;
	[dreg:$0x1] =	wrdreg $0xFFFFFFFF  }
0xa7: {  	s28 =	simm.s32 $_size_execute0_lowered;
	s3 =	sadd.s32 s3, s5;
	[dreg:$0x0] =	wrdreg $0x0  }
0xa8: {  	s5 =	sshll.u32 s28, $0x1;
	[dreg:$0x2] =	wrdreg s3  }
0xa9: {  	[dreg:$0x3] =	wrdreg s5  }
0xaa: {  	[dreg:$0x4] =	wrdreg $0xC0  }
0xab: {  	_ =	task [dreg:s7], $0x5FFFF  }
0xac: {  	[dreg:$0x1] =	wrdreg $0xFFFFFFFF  }
0xad: {  	[dreg:$0x0] =	wrdreg $0x60  }
0xae: {  	[dreg:$0x2] =	wrdreg s24  }
0xaf: {  	[dreg:$0x3] =	wrdreg s2  }
0xb0: {  	[dreg:$0x4] =	wrdreg $0x9  }
0xb1: {  	_ =	task.clear_ibuf [dreg:s7], $0x5FFFF;
	_ =	strace $0x90000049  }
0xb2: {  	s29 =	simm.s32 $0x9;
	_ =	strace $0x8000004B  }
0xb3: {  	_ =	swait.ge [sflag:s29], $0x1  }
0xb4: {  	[sflag:s29] =	ssyncadd.s32 $0xFFFFFFFF  }
0xb5: {  	_ =	strace $0x9000004B  }
0xb6: {  	_ =	sfence  }
0xb7: {  	s30 =	sld [smem:$0x0];
	_ =	sdelay $0x2  }
0xb8: {  	s31 =	sshll.u32 s1, $0xD;
	s1 =	sshrl.u32 s1, $0x2  }
0xb9: {  	s3 =	sand.u32 $0x4000, s31;
	s1 =	sadd.s32 s1, s30  }
0xba: {  	s0 =	sor.u32 s3, s0;
	s1 =	sshll.u32 s1, $0x11  }
0xbb: {  	s0 =	sor.u32 s1, s0  }
0xbc: {  	s0 =	sadd.s32 $0x8F2B, s0  }
0xbd: {  	[sflag:s0] =	ssyncadd.remote.s32 $0x1  }
0xbe: {  	_ =	sfence.sel $0xFFFF  }
0xbf: {  	[dreg:$0x0] =	wrdreg $0xFFFFFFFF;
	(pc) =	sbr.abs _section_cstart, $3  }
0xc0: {  	[dreg:$0x1] =	wrdreg $0xFFFFFFFF  }
0xc1: {  	_ =	task.clear_ibuf [dreg:s7], $0x2FFFF;
	_ =	strace $0x9FFFFFFF  }
0xc2: {  	(tm) =	ssettm $0x7FFFFFFF  }
0xc3: {  	_ =	shalt  }
tec
execute0_lowered:
.L_overlay_start_1:
0x0: {  	(tag) =	ssettag $0x1  }
0x1: {  	v0 =	vimm.s32 $0x138F  }
0x2: {  	vm15 =	vcmask $0x300;
	vm14 =	vcmask $0x704;
	vm13 =	vcmask $0xB08  }
0x3: {  	vm12 =	vcmask $0xF0C;
	vm11 =	vcmask $0x1310;
	vm10 =	vcmask $0x1714  }
0x4: {  	vm9 =	vcmask $0x1B18;
	vm8 =	vcmask $0x1F1C;
	vm7 =	vcmask $0x2320  }
0x5: {  	vm6 =	vcmask $0x2724;
	v1 =	vimm.s32 $0xF;
	vm5 =	vcmask $0x2B28  }
0x6: {  	vm2 =	vcmask $0x2F2C;
	vm1 =	vcmask $0x3330;
	v2 =	vimm.s32 $0xFEDCBA9  }
0x7: {  	v3 =	vimm.s32 $0x87654321;
	vm3 =	vcmask $0x3734;
	vm4 =	vcmask $0x3B38  }
0x8: {  	v7 =	vimm.s32 $0x10F;
	v9 =	vimm.s32 $0x3210FEDC;
	v10 =	vimm.s32 $0xBA987654  }
0x9: {  	v16 =	vimm.s32 $0xEDCBA987;
	v0 =	vsel vm15, $0x0, v0;
	v1 =	vsel vm15, $0x80, v1  }
0xa: {  	v33 =	vimm.s32 $0x118F;
	v0 =	vsel vm14, $0x81, v0;
	v1 =	vsel vm14, $0x101, v1  }
0xb: {  	v38 =	vimm.s32 $0x120F;
	v0 =	vsel vm13, $0x102, v0;
	v1 =	vsel vm13, $0x182, v1  }
0xc: {  	v44 =	vimm.s32 $0x128F;
	v0 =	vsel vm12, $0x183, v0;
	v1 =	vsel vm12, $0x203, v1  }
0xd: {  	v2 =	vunpack.c.l.s4.s8 v2;
	v0 =	vsel vm11, $0x204, v0;
	v1 =	vsel vm11, $0x284, v1  }
0xe: {  	v3 =	vunpack.c.l.s4.s8 v3;
	v0 =	vsel vm10, $0x285, v0;
	v5 =	vsel vm10, $0x305, v1  }
0xf: {  	v9 =	vunpack.c.l.s4.s8 v9;
	v0 =	vsel vm9, $0x306, v0;
	v56 =	vsel vm9, $0x386, v5  }
0x10: {  	v54 =	vunpack.c.0.s8.s32 v2;
	v0 =	vsel vm8, $0x387, v0;
	v2 =	vsel vm8, $0x1007, v56  }
0x11: {  	v10 =	vunpack.c.l.s4.s8 v10;
	v0 =	vsel vm7, $0x1008, v0;
	v2 =	vsel vm7, $0x1088, v2  }
0x12: {  	v16 =	vunpack.c.l.s4.s8 v16;
	v0 =	vsel vm6, $0x1089, v0;
	v2 =	vsel vm6, $0x1109, v2  }
0x13: {  	v55 =	vunpack.c.0.s8.s32 v3;
	v0 =	vsel vm5, $0x110A, v0;
	v2 =	vsel vm5, $0x118A, v2  }
0x14: {  	v5 =	vimm.s32 $0x8F;
	v0 =	vsel vm2, $0x118B, v0;
	v2 =	vsel vm2, $0x120B, v2  }
0x15: {  	v56 =	vimm.s32 $0x130F;
	v4 =	vsel vm1, $0x120C, v0;
	v6 =	vsel vm1, $0x128C, v2  }
0x16: {  	v0 =	vcombine.low v54, v55;
	v3 =	vsel vm3, $0x128D, v4;
	v4 =	vcombine.low v55, v54  }
0x17: {  	v6 =	vsel vm3, $0x130D, v6;
	v63 =	vsel vm4, $0x130E, v3;
	v3 =	vsel vm15, $0x100, v5  }
0x18: {  	v5 =	vimm.s32 $0x98765432;
	v46 =	vsel vm4, $0x138E, v6;
	v3 =	vsel vm14, $0x181, v3  }
0x19: {  	v45 =	vand.u32 $0xF, v4;
	v4 =	vimm.s32 $0x10FEDCBA;
	v3 =	vsel vm13, $0x202, v3  }
0x1a: {  	v5 =	vunpack.c.l.s4.s8 v5;
	v4 =	vunpack.c.l.s4.s8 v4;
	v3 =	vsel vm12, $0x283, v3  }
0x1b: {  	v6 =	vimm.s32 $0x210FEDCB;
	v24 =	vand.u32 $0xF, v0;
	v3 =	vsel vm11, $0x304, v3  }
0x1c: {  	v57 =	vunpack.c.0.s8.s32 v4;
	v4 =	vsel vm10, $0x385, v3;
	v3 =	vunpack.c.0.s8.s32 v5  }
0x1d: {  	v6 =	vunpack.c.l.s4.s8 v6;
	v5 =	vsel vm15, $0x180, v7;
	v4 =	vsel vm9, $0x1006, v4  }
0x1e: {  	v5 =	vsel vm14, $0x201, v5;
	v4 =	vsel vm8, $0x1087, v4;
	v7 =	vcombine.low v3, v57  }
0x1f: {  	v5 =	vsel vm13, $0x282, v5;
	v2 =	vcombine.low v57, v3;
	v4 =	vsel vm7, $0x1108, v4  }
0x20: {  	v57 =	vimm.s32 $0x338F;
	v5 =	vsel vm12, $0x303, v5;
	v4 =	vsel vm6, $0x1189, v4  }
0x21: {  	v12 =	vand.u32 $0xF, v7;
	v5 =	vsel vm11, $0x384, v5;
	v7 =	vimm.s32 $0xA9876543  }
0x22: {  	v47 =	vand.u32 $0xF, v2;
	v2 =	vsel vm15, $0x1200, v33;
	v4 =	vsel vm5, $0x120A, v4  }
0x23: {  	v5 =	vsel vm10, $0x1005, v5;
	v7 =	vunpack.c.l.s4.s8 v7;
	v37 =	vsel vm14, $0x1281, v2  }
0x24: {  	v2 =	vsel vm15, $0x1280, v38;
	v4 =	vsel vm2, $0x128B, v4;
	v5 =	vsel vm9, $0x1086, v5  }
0x25: {  	v2 =	vsel vm14, $0x1301, v2;
	v4 =	vsel vm1, $0x130C, v4;
	v8 =	vsel vm8, $0x1107, v5  }
0x26: {  	v5 =	vunpack.c.0.s8.s32 v6;
	v4 =	vsel vm3, $0x138D, v4;
	v6 =	vsel vm7, $0x1188, v8  }
0x27: {  	v8 =	vunpack.c.0.s8.s32 v7;
	v7 =	vimm.s32 $0x18F;
	v6 =	vsel vm6, $0x1209, v6  }
0x28: {  	v62 =	vsel vm4, $0xE, v4;
	v4 =	vsel vm5, $0x128A, v6;
	v6 =	vsel vm15, $0x200, v7  }
0x29: {  	v2 =	vsel vm13, $0x1382, v2;
	v7 =	vcombine.low v8, v5;
	v6 =	vsel vm14, $0x281, v6  }
0x2a: {  	v38 =	vimm.s32 $0x208F;
	v2 =	vsel vm12, $0x3, v2;
	v6 =	vsel vm13, $0x302, v6  }
0x2b: {  	v4 =	vsel vm2, $0x130B, v4;
	v49 =	vand.u32 $0xF, v7;
	v6 =	vsel vm12, $0x383, v6  }
0x2c: {  	v7 =	vsel vm1, $0x138C, v4;
	v4 =	vunpack.c.0.s8.s32 v9;
	v11 =	vsel vm11, $0x1004, v6  }
0x2d: {  	v7 =	vsel vm3, $0xD, v7;
	v6 =	vunpack.c.0.s8.s32 v10;
	v9 =	vsel vm10, $0x1085, v11  }
0x2e: {  	v10 =	vimm.s32 $0x20F;
	v7 =	vsel vm4, $0x8E, v7;
	v9 =	vsel vm9, $0x1106, v9  }
0x2f: {  	v10 =	vsel vm15, $0x280, v10;
	v11 =	vcombine.low v6, v4;
	v9 =	vsel vm8, $0x1187, v9  }
0x30: {  	v43 =	vsel vm11, $0x84, v2;
	[tilespmem:$0x1FBE0] =	vst v7;
	v7 =	vsel vm7, $0x1208, v9;
	v9 =	vsel vm14, $0x301, v10  }
0x31: {  	v35 =	vand.u32 $0xF, v11;
	v10 =	vimm.s32 $0x43210FED;
	v9 =	vsel vm13, $0x382, v9  }
0x32: {  	v11 =	vimm.s32 $0xCBA98765;
	v7 =	vsel vm6, $0x1289, v7;
	v9 =	vsel vm12, $0x1003, v9  }
0x33: {  	v10 =	vunpack.c.l.s4.s8 v10;
	v7 =	vsel vm5, $0x130A, v7;
	v9 =	vsel vm11, $0x1084, v9  }
0x34: {  	v11 =	vunpack.c.l.s4.s8 v11;
	v7 =	vsel vm2, $0x138B, v7;
	v9 =	vsel vm10, $0x1105, v9  }
0x35: {  	v13 =	vsel vm1, $0xC, v7;
	v7 =	vunpack.c.0.s8.s32 v10;
	v10 =	vsel vm9, $0x1186, v9  }
0x36: {  	v9 =	vunpack.c.0.s8.s32 v11;
	v11 =	vimm.s32 $0x28F;
	v14 =	vsel vm3, $0x8D, v13  }
0x37: {  	v10 =	vsel vm8, $0x1207, v10;
	v11 =	vsel vm15, $0x300, v11;
	v27 =	vsel vm4, $0x10E, v14  }
0x38: {  	v14 =	vimm.s32 $0x30F;
	v10 =	vsel vm7, $0x1288, v10;
	v11 =	vsel vm14, $0x381, v11  }
0x39: {  	v13 =	vcombine.low v9, v7;
	v14 =	vsel vm15, $0x380, v14;
	v11 =	vsel vm13, $0x1002, v11  }
0x3a: {  	v10 =	vsel vm6, $0x1309, v10;
	v14 =	vsel vm14, $0x1001, v14;
	v11 =	vsel vm12, $0x1083, v11  }
0x3b: {  	v10 =	vsel vm5, $0x138A, v10;
	v19 =	vand.u32 $0xF, v13;
	v11 =	vsel vm11, $0x1104, v11  }
0x3c: {  	v13 =	vimm.s32 $0x543210FE;
	v10 =	vsel vm2, $0xB, v10;
	v11 =	vsel vm10, $0x1185, v11  }
0x3d: {  	v15 =	vunpack.c.l.s4.s8 v13;
	v13 =	vimm.s32 $0xDCBA9876;
	v11 =	vsel vm9, $0x1206, v11  }
0x3e: {  	v10 =	vsel vm1, $0x8C, v10;
	v13 =	vunpack.c.l.s4.s8 v13;
	v11 =	vsel vm8, $0x1287, v11  }
0x3f: {  	v14 =	vsel vm13, $0x1082, v14;
	v10 =	vsel vm3, $0x10D, v10;
	v11 =	vsel vm7, $0x1308, v11  }
0x40: {  	v25 =	vunpack.c.0.s8.s32 v15;
	v23 =	vunpack.c.0.s8.s32 v13;
	v11 =	vsel vm6, $0x1389, v11  }
0x41: {  	v39 =	vsel vm4, $0x18E, v10;
	v10 =	vsel vm5, $0xA, v11;
	v11 =	vsel vm12, $0x1103, v14  }
0x42: {  	v2 =	vsel vm15, $0x1300, v44;
	v44 =	vimm.s32 $0x18171615;
	v11 =	vsel vm11, $0x1184, v11  }
0x43: {  	v15 =	vimm.s32 $0x6543210F;
	v14 =	vcombine.low v23, v25;
	v11 =	vsel vm10, $0x1205, v11  }
0x44: {  	v15 =	vunpack.c.l.s4.s8 v15;
	v10 =	vsel vm2, $0x8B, v10;
	v11 =	vsel vm9, $0x1286, v11  }
0x45: {  	v48 =	vand.u32 $0xF, v14;
	v14 =	vsel vm1, $0x10C, v10;
	v17 =	vsel vm8, $0x1307, v11  }
0x46: {  	v10 =	vunpack.c.0.s8.s32 v15;
	v11 =	vunpack.c.0.s8.s32 v16;
	v15 =	vsel vm7, $0x1388, v17  }
0x47: {  	v14 =	vsel vm3, $0x18D, v14;
	v16 =	vimm.s32 $0x38F;
	v15 =	vsel vm6, $0x9, v15  }
0x48: {  	v16 =	vsel vm15, $0x1000, v16;
	v17 =	vcombine.low v11, v10;
	v15 =	vsel vm5, $0x8A, v15  }
0x49: {  	v51 =	vsel vm4, $0x20E, v14;
	v14 =	vsel vm2, $0x10B, v15;
	v15 =	vsel vm14, $0x1081, v16  }
0x4a: {  	v20 =	vand.u32 $0xF, v17;
	v16 =	vimm.s32 $0xFEDCBA98;
	v15 =	vsel vm13, $0x1102, v15  }
0x4b: {  	v17 =	vimm.s32 $0x76543210;
	v14 =	vsel vm1, $0x18C, v14;
	v15 =	vsel vm12, $0x1183, v15  }
0x4c: {  	v16 =	vunpack.c.l.s4.s8 v16;
	v14 =	vsel vm3, $0x20D, v14;
	v15 =	vsel vm11, $0x1204, v15  }
0x4d: {  	v13 =	vsel vm4, $0x28E, v14;
	v14 =	vunpack.c.l.s4.s8 v17;
	v15 =	vsel vm10, $0x1285, v15  }
0x4e: {  	v16 =	vunpack.c.0.s8.s32 v16;
	v17 =	vimm.s32 $0x100F;
	v15 =	vsel vm9, $0x1306, v15  }
0x4f: {  	v17 =	vsel vm15, $0x1080, v17;
	v14 =	vunpack.c.0.s8.s32 v14;
	v15 =	vsel vm8, $0x1387, v15  }
0x50: {  	v16 =	vand.u32 $0xF, v16;
	v17 =	vsel vm14, $0x1101, v17;
	v15 =	vsel vm7, $0x8, v15  }
0x51: {  	v18 =	vcombine.low v16, v14;
	v14 =	vsel vm6, $0x89, v15;
	v15 =	vsel vm13, $0x1182, v17  }
0x52: {  	v2 =	vsel vm14, $0x1381, v2;
	v16 =	vimm.s32 $0x108F;
	v15 =	vsel vm12, $0x1203, v15  }
0x53: {  	v16 =	vsel vm15, $0x1100, v16;
	v14 =	vsel vm5, $0x10A, v14;
	v15 =	vsel vm11, $0x1284, v15  }
0x54: {  	v16 =	vsel vm14, $0x1181, v16;
	v14 =	vsel vm2, $0x18B, v14;
	v15 =	vsel vm10, $0x1305, v15  }
0x55: {  	v16 =	vsel vm13, $0x1202, v16;
	v14 =	vsel vm1, $0x20C, v14;
	v15 =	vsel vm9, $0x1386, v15  }
0x56: {  	v14 =	vsel vm3, $0x28D, v14;
	v58 =	vsel vm8, $0x7, v15;
	v15 =	vsel vm12, $0x1283, v16  }
0x57: {  	v2 =	vsel vm13, $0x2, v2;
	v16 =	vsel vm4, $0x30E, v14;
	v14 =	vsel vm11, $0x1304, v15  }
0x58: {  	v1 =	vsel vm7, $0x88, v58;
	v60 =	vsel vm10, $0x1385, v14;
	v14 =	vimm.s32 $0x110F  }
0x59: {  	v59 =	vsel vm6, $0x109, v1;
	v1 =	vsel vm9, $0x6, v60;
	v14 =	vsel vm15, $0x1180, v14  }
0x5a: {  	v52 =	vsel vm12, $0x83, v2;
	v1 =	vsel vm8, $0x87, v1;
	v14 =	vsel vm14, $0x1201, v14  }
0x5b: {  	v54 =	vcombine.low v7, v9;
	v1 =	vsel vm7, $0x108, v1;
	v14 =	vsel vm13, $0x1282, v14  }
0x5c: {  	v0 =	vsel vm5, $0x18A, v59;
	v1 =	vsel vm6, $0x189, v1;
	v3 =	vsel vm12, $0x1303, v14  }
0x5d: {  	v0 =	vsel vm2, $0x20B, v0;
	v1 =	vsel vm5, $0x20A, v1;
	v32 =	vsel vm11, $0x1384, v3  }
0x5e: {  	v0 =	vsel vm1, $0x28C, v0;
	v61 =	vsel vm2, $0x28B, v1;
	v1 =	vsel vm10, $0x5, v32  }
0x5f: {  	v2 =	vand.u32 $0xF, v54;
	v0 =	vsel vm3, $0x30D, v0;
	v1 =	vsel vm9, $0x86, v1  }
0x60: {  	[tilespmem:$0x1FC10] =	vst v2;
	v2 =	vsel vm15, $0x2000, v57;
	v41 =	vsel vm4, $0x38E, v0;
	v1 =	vsel vm8, $0x107, v1  }
0x61: {  	v0 =	vsel vm1, $0x30C, v61;
	v36 =	vsel vm7, $0x188, v1;
	v1 =	vsel vm13, $0x1302, v37  }
0x62: {  	v57 =	vimm.s32 $0x11101F1E;
	v0 =	vsel vm3, $0x38D, v0;
	v1 =	vsel vm12, $0x1383, v1  }
0x63: {  	v15 =	vsel vm4, $0x100E, v0;
	v0 =	vsel vm6, $0x209, v36;
	v1 =	vsel vm11, $0x4, v1  }
0x64: {  	v2 =	vsel vm14, $0x2081, v2;
	v0 =	vsel vm5, $0x28A, v0;
	v1 =	vsel vm10, $0x85, v1  }
0x65: {  	v2 =	vsel vm13, $0x2102, v2;
	v0 =	vsel vm2, $0x30B, v0;
	v1 =	vsel vm9, $0x106, v1  }
0x66: {  	v2 =	vsel vm12, $0x2183, v2;
	v0 =	vsel vm1, $0x38C, v0;
	v1 =	vsel vm8, $0x187, v1  }
0x67: {  	v2 =	vsel vm11, $0x2204, v2;
	v0 =	vsel vm3, $0x100D, v0;
	v42 =	vsel vm7, $0x208, v1  }
0x68: {  	v21 =	vsel vm4, $0x108E, v0;
	v1 =	vsel vm10, $0x105, v43;
	v0 =	vsel vm6, $0x289, v42  }
0x69: {  	v2 =	vsel vm10, $0x2285, v2;
	v1 =	vsel vm9, $0x186, v1;
	v0 =	vsel vm5, $0x30A, v0  }
0x6a: {  	v59 =	vsel vm9, $0x2306, v2;
	v1 =	vsel vm8, $0x207, v1;
	v0 =	vsel vm2, $0x38B, v0  }
0x6b: {  	v60 =	vimm.s32 $0x200F;
	v1 =	vsel vm7, $0x288, v1;
	v0 =	vsel vm1, $0x100C, v0  }
0x6c: {  	v2 =	vsel vm15, $0x2080, v60;
	v1 =	vsel vm6, $0x309, v1;
	v0 =	vsel vm3, $0x108D, v0  }
0x6d: {  	v60 =	vimm.s32 $0x1E1D1C1B;
	v50 =	vsel vm5, $0x38A, v1;
	v0 =	vsel vm4, $0x110E, v0  }
0x6e: {  	v2 =	vsel vm14, $0x2101, v2;
	v1 =	vsel vm11, $0x104, v52;
	[tilespmem:$0x1FC00] =	vst v0;
	v0 =	vsel vm2, $0x100B, v50  }
0x6f: {  	v2 =	vsel vm13, $0x2182, v2;
	v1 =	vsel vm10, $0x185, v1;
	v0 =	vsel vm1, $0x108C, v0  }
0x70: {  	v3 =	vcombine.low v5, v8;
	v1 =	vsel vm9, $0x206, v1;
	v0 =	vsel vm3, $0x110D, v0  }
0x71: {  	v55 =	vsel vm8, $0x287, v1;
	v1 =	vsel vm15, $0x1380, v56;
	v0 =	vsel vm4, $0x118E, v0  }
0x72: {  	v2 =	vsel vm12, $0x2203, v2;
	v1 =	vsel vm14, $0x1, v1;
	[tilespmem:$0x1FC20] =	vst v0;
	v0 =	vsel vm7, $0x308, v55  }
0x73: {  	v8 =	vunpack.c.0.s8.s32 v57;
	v1 =	vsel vm13, $0x82, v1;
	v0 =	vsel vm6, $0x389, v0  }
0x74: {  	v2 =	vsel vm11, $0x2284, v2;
	v1 =	vsel vm12, $0x103, v1;
	v0 =	vsel vm5, $0x100A, v0  }
0x75: {  	v40 =	vand.u32 $0xF, v3;
	v1 =	vsel vm11, $0x184, v1;
	v0 =	vsel vm2, $0x108B, v0  }
0x76: {  	v3 =	vcombine.low v4, v6;
	v1 =	vsel vm10, $0x205, v1;
	v0 =	vsel vm1, $0x110C, v0  }
0x77: {  	v61 =	vsel vm10, $0x2305, v2;
	v58 =	vsel vm9, $0x286, v1;
	v0 =	vsel vm3, $0x118D, v0  }
0x78: {  	v6 =	vunpack.c.0.s8.s32 v44;
	v55 =	vsel vm4, $0x120E, v0;
	v0 =	vsel vm8, $0x307, v58  }
0x79: {  	v53 =	vand.u32 $0xF, v3;
	v3 =	vcombine.low v25, v23;
	v0 =	vsel vm7, $0x388, v0  }
0x7a: {  	v37 =	vimm.s32 $0x101F1E1D;
	v1 =	vsel vm8, $0x2387, v59;
	v0 =	vsel vm6, $0x1009, v0  }
0x7b: {  	v36 =	vimm.s32 $0x1C1B1A19;
	v1 =	vsel vm7, $0x3008, v1;
	v0 =	vsel vm5, $0x108A, v0  }
0x7c: {  	v4 =	vunpack.c.0.s8.s32 v37;
	v1 =	vsel vm6, $0x3089, v1;
	v0 =	vsel vm2, $0x110B, v0  }
0x7d: {  	v37 =	vimm.s32 $0x1A191817;
	v1 =	vsel vm5, $0x310A, v1;
	v0 =	vsel vm1, $0x118C, v0  }
0x7e: {  	[tilespmem:$0x1FBF0] =	vst v13;
	v13 =	vand.u32 $0xF, v3;
	v1 =	vsel vm2, $0x318B, v1;
	v0 =	vsel vm3, $0x120D, v0  }
0x7f: {  	v1 =	vsel vm1, $0x320C, v1;
	v43 =	vsel vm4, $0x128E, v0;
	v0 =	vsel vm9, $0x2386, v61  }
0x80: {  	v3 =	vcombine.low v10, v11;
	v1 =	vsel vm3, $0x328D, v1;
	v0 =	vsel vm8, $0x3007, v0  }
0x81: {  	v32 =	vsel vm4, $0x330E, v1;
	v1 =	vsel vm15, $0x2100, v38;
	v0 =	vsel vm7, $0x3088, v0  }
0x82: {  	v33 =	vand.u32 $0xF, v3;
	v1 =	vsel vm14, $0x2181, v1;
	v0 =	vsel vm6, $0x3109, v0  }
0x83: {  	v3 =	vunpack.c.0.s8.s32 v36;
	v1 =	vsel vm13, $0x2202, v1;
	v0 =	vsel vm5, $0x318A, v0  }
0x84: {  	v36 =	vimm.s32 $0x16151413;
	v1 =	vsel vm12, $0x2283, v1;
	v0 =	vsel vm2, $0x320B, v0  }
0x85: {  	v42 =	vimm.s32 $0x14131211;
	v1 =	vsel vm11, $0x2304, v1;
	v0 =	vsel vm1, $0x328C, v0  }
0x86: {  	v50 =	vimm.s32 $0x210F;
	v52 =	vsel vm10, $0x2385, v1;
	v0 =	vsel vm3, $0x330D, v0  }
0x87: {  	v54 =	vsel vm15, $0x2180, v50;
	v44 =	vsel vm4, $0x338E, v0;
	v0 =	vsel vm9, $0x3006, v52  }
0x88: {  	v5 =	vunpack.c.0.s8.s32 v42;
	v1 =	vsel vm14, $0x2201, v54;
	v0 =	vsel vm8, $0x3087, v0  }
0x89: {  	v42 =	vimm.s32 $0x1F1E1D1C;
	v1 =	vsel vm13, $0x2282, v1;
	v0 =	vsel vm7, $0x3108, v0  }
0x8a: {  	v56 =	vimm.s32 $0x1D1C1B1A;
	v1 =	vsel vm12, $0x2303, v1;
	v0 =	vsel vm6, $0x3189, v0  }
0x8b: {  	v58 =	vimm.s32 $0x15141312;
	v1 =	vsel vm11, $0x2384, v1;
	v0 =	vsel vm5, $0x320A, v0  }
0x8c: {  	v2 =	vunpack.c.0.s8.s32 v58;
	v1 =	vsel vm10, $0x3005, v1;
	v0 =	vsel vm2, $0x328B, v0  }
0x8d: {  	v59 =	vimm.s32 $0x19181716;
	v1 =	vsel vm9, $0x3086, v1;
	v0 =	vsel vm1, $0x330C, v0  }
0x8e: {  	[tilespmem:$0x1FC30] =	vst v2;
	v2 =	vunpack.c.0.s8.s32 v59;
	v1 =	vsel vm8, $0x3107, v1;
	v0 =	vsel vm3, $0x338D, v0  }
0x8f: {  	v30 =	vsel vm4, $0x200E, v0;
	v0 =	vunpack.c.0.s8.s32 v60;
	v60 =	vimm.s32 $0x228F  }
0x90: {  	v50 =	vunpack.c.0.s8.s32 v42;
	[tilespmem:$0x1FC40] =	vst v2;
	v1 =	vsel vm7, $0x3188, v1;
	v2 =	vsel vm15, $0x2300, v60  }
0x91: {  	v42 =	vimm.s32 $0x238F;
	v1 =	vsel vm6, $0x3209, v1;
	v2 =	vsel vm14, $0x2381, v2  }
0x92: {  	v7 =	vunpack.c.0.s8.s32 v56;
	v1 =	vsel vm5, $0x328A, v1;
	v2 =	vsel vm13, $0x3002, v2  }
0x93: {  	v56 =	vimm.s32 $0x1B1A1918;
	v1 =	vsel vm2, $0x330B, v1;
	v2 =	vsel vm12, $0x3083, v2  }
0x94: {  	v59 =	vimm.s32 $0x220F;
	v1 =	vsel vm1, $0x338C, v1;
	v2 =	vsel vm11, $0x3104, v2  }
0x95: {  	v38 =	vsel vm3, $0x200D, v1;
	v1 =	vsel vm15, $0x2280, v59;
	v2 =	vsel vm10, $0x3185, v2  }
0x96: {  	v57 =	vunpack.c.0.s8.s32 v56;
	v1 =	vsel vm14, $0x2301, v1;
	v2 =	vsel vm9, $0x3206, v2  }
0x97: {  	v61 =	vimm.s32 $0x1211101F;
	v1 =	vsel vm13, $0x2382, v1;
	v2 =	vsel vm8, $0x3287, v2  }
0x98: {  	v1 =	vsel vm12, $0x3003, v1;
	[tilespmem:$0x1FC50] =	vst v0;
	v0 =	vunpack.c.0.s8.s32 v61;
	v2 =	vsel vm7, $0x3308, v2  }
0x99: {  	[tilespmem:$0x1FC90] =	vst v50;
	v50 =	vimm.s32 $0x300F;
	v1 =	vsel vm11, $0x3084, v1;
	v2 =	vsel vm6, $0x3389, v2  }
0x9a: {  	v1 =	vsel vm10, $0x3105, v1;
	[tilespmem:$0x1FC60] =	vst v0;
	v0 =	vunpack.c.0.s8.s32 v36;
	v2 =	vsel vm5, $0x200A, v2  }
0x9b: {  	v58 =	vimm.s32 $0x218F;
	v1 =	vsel vm9, $0x3186, v1;
	v2 =	vsel vm2, $0x208B, v2  }
0x9c: {  	v1 =	vsel vm8, $0x3207, v1;
	[tilespmem:$0x1FC70] =	vst v0;
	v0 =	vunpack.c.0.s8.s32 v37;
	v2 =	vsel vm1, $0x210C, v2  }
0x9d: {  	v1 =	vsel vm7, $0x3288, v1;
	v36 =	vsel vm3, $0x218D, v2;
	v2 =	vsel vm15, $0x3080, v50  }
0x9e: {  	v52 =	vimm.s32 $0x13121110;
	v1 =	vsel vm6, $0x3309, v1;
	v2 =	vsel vm14, $0x3101, v2  }
0x9f: {  	[tilespmem:$0x1FC80] =	vst v0;
	v0 =	vunpack.c.0.s8.s32 v52;
	v1 =	vsel vm5, $0x338A, v1;
	v2 =	vsel vm13, $0x3182, v2  }
0xa0: {  	v54 =	vimm.s32 $0x17161514;
	v1 =	vsel vm2, $0x200B, v1;
	v2 =	vsel vm12, $0x3203, v2  }
0xa1: {  	[tilespmem:$0x1FCA0] =	vst v0;
	v0 =	vunpack.c.0.s8.s32 v54;
	v1 =	vsel vm1, $0x208C, v1;
	v2 =	vsel vm11, $0x3284, v2  }
0xa2: {  	v61 =	vsel vm3, $0x210D, v1;
	v1 =	vsel vm15, $0x3000, v42;
	v2 =	vsel vm10, $0x3305, v2  }
0xa3: {  	[tilespmem:$0x1FCB0] =	vst v0;
	v0 =	vsel vm15, $0x2200, v58;
	v1 =	vsel vm14, $0x3081, v1;
	v2 =	vsel vm9, $0x3386, v2  }
0xa4: {  	v0 =	vsel vm14, $0x2281, v0;
	v1 =	vsel vm13, $0x3102, v1;
	v2 =	vsel vm8, $0x2007, v2  }
0xa5: {  	v0 =	vsel vm13, $0x2302, v0;
	v1 =	vsel vm12, $0x3183, v1;
	v2 =	vsel vm7, $0x2088, v2  }
0xa6: {  	v0 =	vsel vm12, $0x2383, v0;
	v1 =	vsel vm11, $0x3204, v1;
	v2 =	vsel vm6, $0x2109, v2  }
0xa7: {  	v37 =	vsel vm4, $0x220E, v36;
	v1 =	vsel vm10, $0x3285, v1;
	v2 =	vsel vm5, $0x218A, v2  }
0xa8: {  	v0 =	vsel vm11, $0x3004, v0;
	v1 =	vsel vm9, $0x3306, v1;
	v2 =	vsel vm2, $0x220B, v2  }
0xa9: {  	v0 =	vsel vm10, $0x3085, v0;
	v1 =	vsel vm8, $0x3387, v1;
	v2 =	vsel vm1, $0x228C, v2  }
0xaa: {  	[tilespmem:$0x1FCC0] =	vst v57;
	v0 =	vsel vm9, $0x3106, v0;
	v1 =	vsel vm7, $0x2008, v1;
	v54 =	vsel vm3, $0x230D, v2  }
0xab: {  	s0 =	rddreg [dreg:$0x0];
	s2 =	simm.s32 $0x0;
	[tilespmem:$0x1FCD0] =	vst v37;
	v0 =	vsel vm8, $0x3187, v0;
	v1 =	vsel vm6, $0x2089, v1;
	v60 =	vsel vm4, $0x238E, v54  }
0xac: {  	[smem:$0x7FF] =	sst s2;
	v0 =	vsel vm7, $0x3208, v0;
	v1 =	vsel vm5, $0x210A, v1;
	[tilespmem:$0x1FCE0] =	vst v60  }
0xad: {  	s1 =	rddreg [dreg:$0x1];
	v0 =	vsel vm6, $0x3289, v0;
	v1 =	vsel vm2, $0x218B, v1;
	_ =	strace $0x8000004A;
	[tilespmem:$0x1FCF0] =	vst v3  }
0xae: {  	v34 =	vlaneseq.u32;
	v0 =	vsel vm5, $0x330A, v0;
	v1 =	vsel vm1, $0x220C, v1;
	[tilespmem:$0x1FD00] =	vst v4  }
0xaf: {  	vm0 =	vcmask $0x1F10;
	v0 =	vsel vm2, $0x338B, v0;
	v52 =	vsel vm3, $0x228D, v1;
	[tilespmem:$0x1FD10] =	vst v5  }
0xb0: {  	v0 =	vsel vm1, $0x200C, v0;
	v58 =	vsel vm4, $0x230E, v52;
	v52 =	vsel vm0, v6, v5;
	[tilespmem:$0x1FD20] =	vst v6  }
0xb1: {  	v14 =	vsel vm4, $0x208E, v38;
	v38 =	vimm.s32 $0x230F;
	v0 =	vsel vm3, $0x208D, v0;
	[tilespmem:$0x1FD40] =	vst v52  }
0xb2: {  	v11 =	vmul.u32 $0x20, v34;
	v59 =	vsel vm4, $0x210E, v0;
	v0 =	vsel vm15, $0x2380, v38;
	[tilespmem:$0x1FD50] =	vst v7  }
0xb3: {  	v0 =	vsel vm14, $0x3001, v0;
	[tilespmem:$0x1FD60] =	vst v8  }
0xb4: {  	v0 =	vsel vm13, $0x3082, v0;
	[tilespmem:$0x1FDA0] =	vst v11  }
0xb5: {  	v0 =	vsel vm12, $0x3103, v0;
	[tilespmem:$0x1FE10] =	vst v58  }
0xb6: {  	v56 =	vsel vm4, $0x218E, v61;
	v0 =	vsel vm11, $0x3184, v0;
	[tilespmem:$0x1FE20] =	vst v13  }
0xb7: {  	v61 =	vimm.s32 $0x308F;
	v36 =	vimm.s32 $0x310F;
	[tilespmem:$0x1FE30] =	vst v55;
	v0 =	vsel vm10, $0x3205, v0  }
0xb8: {  	v37 =	vimm.s32 $0x318F;
	v1 =	vsel vm15, $0x3180, v36;
	[tilespmem:$0x1FE40] =	vst v33;
	v0 =	vsel vm9, $0x3286, v0  }
0xb9: {  	v36 =	vimm.s32 $0x330F;
	v1 =	vsel vm14, $0x3201, v1;
	[tilespmem:$0x1FE50] =	vst v43;
	v0 =	vsel vm8, $0x3307, v0  }
0xba: {  	v1 =	vsel vm13, $0x3282, v1;
	v2 =	vsel vm15, $0x3200, v37;
	[tilespmem:$0x1FE60] =	vst v32;
	v0 =	vsel vm7, $0x3388, v0  }
0xbb: {  	v1 =	vsel vm12, $0x3303, v1;
	v2 =	vsel vm14, $0x3281, v2;
	[tilespmem:$0x1FE70] =	vst v44;
	v0 =	vsel vm6, $0x2009, v0  }
0xbc: {  	v1 =	vsel vm11, $0x3384, v1;
	v2 =	vsel vm13, $0x3302, v2;
	[tilespmem:$0x1FE80] =	vst v30;
	v0 =	vsel vm5, $0x208A, v0  }
0xbd: {  	v1 =	vsel vm10, $0x2005, v1;
	v60 =	vimm.s32 $0x320F;
	[tilespmem:$0x1FE90] =	vst v14;
	v0 =	vsel vm2, $0x210B, v0  }
0xbe: {  	v2 =	vsel vm12, $0x3383, v2;
	v1 =	vsel vm9, $0x2086, v1;
	[tilespmem:$0x1FEA0] =	vst v59;
	v0 =	vsel vm1, $0x218C, v0  }
0xbf: {  	[tilespmem:$0x1FEB0] =	vst v16;
	v2 =	vsel vm11, $0x2004, v2;
	v1 =	vsel vm8, $0x2107, v1;
	v0 =	vsel vm3, $0x220D, v0  }
0xc0: {  	[tilespmem:$0x1FEC0] =	vst v41;
	v2 =	vsel vm10, $0x2085, v2;
	v57 =	vsel vm4, $0x228E, v0;
	v0 =	vsel vm15, $0x3100, v61  }
0xc1: {  	[tilespmem:$0x1FED0] =	vst v24;
	v1 =	vsel vm7, $0x2188, v1;
	v2 =	vsel vm9, $0x2106, v2;
	v0 =	vsel vm14, $0x3181, v0  }
0xc2: {  	[tilespmem:$0x1FEE0] =	vst v15;
	v1 =	vsel vm6, $0x2209, v1;
	v2 =	vsel vm8, $0x2187, v2;
	v0 =	vsel vm13, $0x3202, v0  }
0xc3: {  	[tilespmem:$0x1FEF0] =	vst v40;
	v1 =	vsel vm5, $0x228A, v1;
	v2 =	vsel vm7, $0x2208, v2;
	v0 =	vsel vm12, $0x3283, v0  }
0xc4: {  	[tilespmem:$0x1FF00] =	vst v21;
	v1 =	vsel vm2, $0x230B, v1;
	v2 =	vsel vm6, $0x2289, v2;
	v0 =	vsel vm11, $0x3304, v0  }
0xc5: {  	[tilespmem:$0x1FF10] =	vst v53;
	v1 =	vsel vm1, $0x238C, v1;
	v2 =	vsel vm5, $0x230A, v2;
	v0 =	vsel vm10, $0x3385, v0  }
0xc6: {  	[tilespmem:$0x1FF20] =	vst v18;
	v38 =	vsel vm3, $0x300D, v1;
	v2 =	vsel vm2, $0x238B, v2;
	v0 =	vsel vm9, $0x2006, v0  }
0xc7: {  	[tilespmem:$0x1FF30] =	vst v47;
	v54 =	vsel vm4, $0x308E, v38;
	v2 =	vsel vm1, $0x300C, v2;
	v0 =	vsel vm8, $0x2087, v0  }
0xc8: {  	[tilespmem:$0x1FF50] =	vst v56;
	v50 =	vsel vm3, $0x308D, v2;
	v61 =	vimm.s32 $0x328F;
	v0 =	vsel vm7, $0x2108, v0  }
0xc9: {  	[tilespmem:$0x1FF60] =	vst v20;
	v2 =	vsel vm15, $0x3380, v36;
	v17 =	vsel vm4, $0x310E, v50;
	v0 =	vsel vm6, $0x2189, v0  }
0xca: {  	[tilespmem:$0x1FF70] =	vst v27;
	v1 =	vsel vm15, $0x3300, v61;
	v2 =	vsel vm14, $0x2001, v2;
	v0 =	vsel vm5, $0x220A, v0  }
0xcb: {  	[tilespmem:$0x1FF80] =	vst v19;
	v50 =	vsel vm0, v4, v3;
	v61 =	vor.u32 $0x10, v34;
	v0 =	vsel vm2, $0x228B, v0  }
0xcc: {  	[tilespmem:$0x1FF90] =	vst v39;
	v1 =	vsel vm14, $0x3381, v1;
	v2 =	vsel vm13, $0x2082, v2;
	v0 =	vsel vm1, $0x230C, v0  }
0xcd: {  	[tilespmem:$0x1FFA0] =	vst v48;
	v5 =	vcombine.low v52, v50;
	v1 =	vsel vm13, $0x2002, v1;
	v0 =	vsel vm3, $0x238D, v0  }
0xce: {  	[tilespmem:$0x1FFB0] =	vst v49;
	v2 =	vsel vm12, $0x2103, v2;
	v42 =	vsel vm4, $0x300E, v0;
	v0 =	vsel vm15, $0x3280, v60  }
0xcf: {  	[tilespmem:$0x1FFC0] =	vst v12;
	v1 =	vsel vm12, $0x2083, v1;
	v2 =	vsel vm11, $0x2184, v2;
	v0 =	vsel vm14, $0x3301, v0  }
0xd0: {  	[tilespmem:$0x1FFD0] =	vst v51;
	v1 =	vsel vm11, $0x2104, v1;
	v2 =	vsel vm10, $0x2205, v2;
	v0 =	vsel vm13, $0x3382, v0  }
0xd1: {  	[tilespmem:$0x1FFE0] =	vst v45;
	v1 =	vsel vm10, $0x2185, v1;
	v2 =	vsel vm9, $0x2286, v2;
	v0 =	vsel vm12, $0x2003, v0  }
0xd2: {  	[tilespmem:$0x1FFF0] =	vst v46;
	v1 =	vsel vm9, $0x2206, v1;
	v2 =	vsel vm8, $0x2307, v2;
	v0 =	vsel vm11, $0x2084, v0  }
0xd3: {  	[tilespmem:$0x1FDC0] =	vst v54;
	v1 =	vsel vm8, $0x2287, v1;
	v2 =	vsel vm7, $0x2388, v2;
	v0 =	vsel vm10, $0x2105, v0  }
0xd4: {  	[tilespmem:$0x1FE00] =	vst v57;
	v1 =	vsel vm7, $0x2308, v1;
	v2 =	vsel vm6, $0x3009, v2;
	v0 =	vsel vm9, $0x2186, v0  }
0xd5: {  	[tilespmem:$0x1FD30] =	vst v50;
	v1 =	vsel vm6, $0x2389, v1;
	v2 =	vsel vm5, $0x308A, v2;
	v0 =	vsel vm8, $0x2207, v0  }
0xd6: {  	s3 =	srdreg.scid;
	[tilespmem:$0x1FDB0] =	vst v61;
	v1 =	vsel vm5, $0x300A, v1;
	v2 =	vsel vm2, $0x310B, v2;
	v0 =	vsel vm7, $0x2288, v0  }
0xd7: {  	s6 =	stileid.u32;
	s9 =	simm.s32 $0x7;
	s3 =	sand.u32 $0x1, s3;
	[tilespmem:$0x1FDD0] =	vst v17;
	v1 =	vsel vm2, $0x308B, v1;
	v2 =	vsel vm1, $0x318C, v2;
	v0 =	vsel vm6, $0x2309, v0  }
0xd8: {  	s10 =	simm.s32 $0x9;
	s11 =	simm.s32 $0x0;
	s5 =	ssub.s32 $0x2, s3;
	[tilespmem:$0x1FD80] =	vst v5;
	v38 =	vsel vm3, $0x320D, v2;
	v60 =	vsel vm0, v8, v7;
	v0 =	vsel vm5, $0x238A, v0  }
.Ltmp0:
0xd9: {  	s4 =	sshll.u32 s6, $0x1;
	s7 =	sshrl.u32 s5, $0x1;
	v1 =	vsel vm1, $0x310C, v1;
	v9 =	vsel vm4, $0x328E, v38;
	[tilespmem:$0x1FD70] =	vst v60;
	v0 =	vsel vm2, $0x300B, v0;
	(pc) =	sbr.rel .LBB2_1-.Ltmp0, $4  }
0xda: {  	p0 =	sne.s32 s6, $0x0;
	s3 =	sor.u32 s3, s4;
	s7 =	ssub.s32 s5, s7;
	v37 =	vsel vm3, $0x318D, v1;
	[tilespmem:$0x1FD90] =	vst v9;
	v0 =	vsel vm1, $0x308C, v0  }
0xdb: {  	p1 =	seq.s32 s6, $0x0;
	s8 =	sshll.u32 s3, $0x2;
	s30 =	smax.u32 s7, $0x1;
	v28 =	vsel vm4, $0x320E, v37;
	[tilespmem:$0x1FF40] =	vst v42;
	v0 =	vsel vm3, $0x310D, v0  }
0xdc: {  	s4 =	sadd.s32 $0xA00, s0;
	s31 =	sor.u32 $0xFFFFFF80, s8;
	[dreg:$0x3] =	wrdreg s30;
	[tilespmem:$0x1FDF0] =	vst v28;
	v26 =	vsel vm4, $0x318E, v0  }
0xdd: {  	s5 =	sadd.s32 $0x1E9000, s0;
	s8 =	simm.s32 $0x80;
	v10 =	vimm.f32 $0.0e+00;
	[dreg:$0x4] =	wrdreg s31;
	v8 =	vmov v27;
	[tilespmem:$0x1FDE0] =	vst v26  }
.LBB2_11:
0xde: {  	s0 =	simm.s32 @!p0 $0x8  }
0xdf: {  	_ =	swait.ge @!p0 [sflag:s0], $0x4000  }
0xe0: {  	[sflag:s0] =	ssyncset.done @!p0 $0x0  }
0xe1: {  	[sflag:s0] =	ssyncadd.s32 @!p0 $0xFFFFC000  }
0xe2: {  	_ =	swait.ge [sflag:s9], $0x4000  }
0xe3: {  	[sflag:s9] =	ssyncset.done $0x0  }
0xe4: {  	[sflag:s9] =	ssyncadd.s32 $0xFFFFC000  }
0xe5: {  	_ =	swait.ge [sflag:s10], $0x4000  }
0xe6: {  	[sflag:s10] =	ssyncset.done $0x0  }
0xe7: {  	s0 =	simm.s32 @!p1 $0x8;
	[sflag:s10] =	ssyncadd.s32 $0xFFFFC000  }
0xe8: {  	_ =	swait.ge @!p1 [sflag:s0], $0x4000  }
0xe9: {  	s11 =	sadd.s32 $0x1, s11;
	s6 =	rddreg [dreg:$0x3]  }
0xea: {  	p2 =	sne.s32 s11, s6  }
.Ltmp1:
0xeb: {  	_ = 	snop;
	(pc) =	sbr.rel @!p2 .LBB2_12-.Ltmp1, $3  }
0xec: {  	_ =	sdelay $0x1  }
0xed: {  	[sflag:s0] =	ssyncset.done @!p1 $0x0  }
0xee: {  	[sflag:s0] =	ssyncadd.s32 @!p1 $0xFFFFC000  }
.LBB2_1:
.Ltmp2:
0xef: {  	(pc) =	sbr.rel .LBB2_2-.Ltmp2, $3  }
0xf0: {  	_ =	sdelay $0x1  }
0xf1: {  	s12 =	simm.s32 $0xFF  }
0xf2: {  	s13 =	simm.s32 $0xFE;
	s14 =	rddreg [dreg:$0x4];
	s15 =	simm.s32 $0x0  }
.LBB2_10:
0xf3: {  	s15 =	sadd.s32 $0x1, s15  }
0xf4: {  	p2 =	sne.s32 s15, $0x40  }
.Ltmp3:
0xf5: {  	_ = 	snop;
	(pc) =	sbr.rel @!p2 .LBB2_11-.Ltmp3, $2  }
0xf6: {  	_ =	sdelay $0x2  }
0xf7: {  	s14 =	sadd.s32 $0x80, s14;
	s12 =	sadd.s32 $0x1, s12;
	s13 =	sadd.s32 $0x1, s13  }
.LBB2_2:
0xf8: {  	s0 =	sshll.u32 s15, $0x5  }
0xf9: {  	s0 =	sor.u32 s3, s0  }
0xfa: {  	p2 =	sgt.u32 s0, $0x7A1  }
0xfb: {  	s6 =	smul.u32 @!p2 $0xAB, s15;
	_ =	sdelay $0x1  }
0xfc: {  	s6 =	sshrl.u32 @!p2 s6, $0x9  }
0xfd: {  	s6 =	sand.u32 @!p2 $0x7F, s6  }
0xfe: {  	s6 =	smul.u32 @!p2 $0x3, s6  }
0xff: {  	s0 =	sshll.u32 @!p2 s0, $0x2  }
0x100: {  	s0 =	smin.u32 @!p2 s0, $0x1E81;
	s6 =	ssub.s32 @!p2 s15, s6  }
0x101: {  	s17 =	simm.s32 @!p2 $0x0;
	s0 =	sshll.u32 @!p2 s0, $0x4;
	s6 =	sand.u32 @!p2 $0xFF, s6  }
0x102: {  	s0 =	sadd.s32 @!p2 s5, s0;
	s16 =	sshll.u32 @!p2 s6, $0x9;
	s6 =	sadd.s32 @!p2 $0x1, s6  }
0x103: {  	[tilespmem:s16], [sflag:s6] =	stream.linear.gather @!p2 [hbm4b:s0+s17], $0x200, $0x38;
	[tilespmem:$0x19200] =	vst v63  }
0x104: {  	s0 =	sadd.s32 $0xFFFFFFFF, s15  }
0x105: {  	s31 =	sshll.u32 s0, $0x5  }
0x106: {  	p2 =	sgt.u32 s0, $0x3D;
	s6 =	sor.u32 s3, s31  }
0x107: {  	p3 =	sgt.s32 @!p2 s6, $0x7A1  }
0x108: {  	p2 =	por p2, p3  }
.Ltmp4:
0x109: {  	_ = 	snop;
	(pc) =	sbr.rel @p2 .LBB2_6-.Ltmp4, $1  }
0x10a: {  	_ =	sdelay $0x3  }
0x10b: {  	s6 =	smul.u32 $0xAB, s0;
	_ =	sdelay $0x1  }
0x10c: {  	s6 =	sshrl.u32 s6, $0x9  }
0x10d: {  	s6 =	sand.u32 $0x7F, s6  }
0x10e: {  	s16 =	sand.u32 $0xFF, s12;
	s6 =	smul.u32 $0x3, s6  }
0x10f: {  	s17 =	smulhi.u32 $0x55555556, s16  }
0x110: {  	s29 =	ssub.s32 s0, s6  }
0x111: {  	s30 =	smul.u32 $0x1800, s17;
	s0 =	sand.u32 $0xFF, s29  }
0x112: {  	s16 =	sshll.u32 s16, $0xB;
	s31 =	sadd.s32 $0x1, s0  }
0x113: {  	s6 =	ssub.s32 s16, s30;
	_ =	swait.ge [sflag:s31], $0x200  }
0x114: {  	p2 =	slt.s32 s14, $0x1E81;
	s16 =	sshra.s32 s6, $0x2;
	[sflag:s31] =	ssyncset.done $0x0  }
0x115: {  	s6 =	smov.u32 s14;
	s18 =	sor.u32 $0x10, s16;
	[sflag:s31] =	ssyncadd.s32 $0xFFFFFE00  }
0x116: {  	s6 =	simm.s32 @!p2 $0x1E81;
	v0 =	vld [tilespmem:s18+$0xFFFFFFF0]  }
0x117: {  	s6 =	sshll.u32 s6, $0x7;
	v1 =	vld [tilespmem:s18+$0x0]  }
0x118: {  	s19 =	sor.u32 $0x10, s6  }
0x119: {  	s6 =	sadd.s32 $0xFFFFFFF0, s19  }
0x11a: {  	v2 =	vor.u32 s6, v34  }
0x11b: {  	v3 =	vor.u32 s19, v34;
	v2 =	vand.u32 $0x3FFEF, v2;
	vm1 =	vgt.s32 v0, $0xFFFFFFFF  }
0x11c: {  	s6 =	sadd.s32 $0x610, s16;
	s18 =	sadd.s32 $0x20, s18;
	v3 =	vand.u32 $0x3FFFF, v3;
	vm2 =	vgt.s32 v1, $0xFFFFFFFF;
	v2 =	vsel vm1, v0, v2  }
0x11d: {  	s17 =	sadd.s32 $0xC10, s16;
	v0 =	vld [tilespmem:s18+$0xFFFFFFF0];
	[tilespmem:s6+$0xFFFFFFF0] =	vst v2;
	v2 =	vsel vm2, v1, v3  }
0x11e: {  	s20 =	simm.s32 $0x2;
	s19 =	sadd.s32 $0x20, s19;
	s16 =	sadd.s32 $0x20, s17;
	v1 =	vld [tilespmem:s18+$0x0];
	v3 =	vsel vm1, $0x3F800000, v10;
	[tilespmem:s6+$0x0] =	vst v2;
	v2 =	vsel vm2, $0x3F800000, v10  }
.LBB2_4:
0x11f: {  	s20 =	sadd.s32 $0x2, s20  }
0x120: {  	s21 =	sadd.s32 $0xFFFFFFF0, s19;
	[tilespmem:s17+$0xFFFFFFF0] =	vst v3;
	s6 =	sadd.s32 $0x20, s6;
	p2 =	slt.u32 s20, $0x1E  }
.Ltmp5:
0x121: {  	v3 =	vor.u32 s21, v34;
	[tilespmem:s17+$0x0] =	vst v2;
	s17 =	smov.u32 s16;
	(pc) =	sbr.rel @p2 .LBB2_4-.Ltmp5, $4  }
0x122: {  	s18 =	sadd.s32 $0x20, s18;
	vm1 =	vgt.s32 v0, $0xFFFFFFFF;
	v2 =	vand.u32 $0x3FFEF, v3;
	v3 =	vor.u32 s19, v34  }
0x123: {  	v2 =	vsel vm1, v0, v2;
	v0 =	vld [tilespmem:s18+$0xFFFFFFF0];
	vm2 =	vgt.s32 v1, $0xFFFFFFFF;
	v3 =	vand.u32 $0x3FFFF, v3  }
0x124: {  	[tilespmem:s6+$0xFFFFFFF0] =	vst v2;
	v2 =	vsel vm2, v1, v3;
	v1 =	vld [tilespmem:s18+$0x0]  }
0x125: {  	s16 =	sadd.s32 $0x20, s16;
	s19 =	sadd.s32 $0x20, s19;
	v3 =	vsel vm1, $0x3F800000, v10;
	[tilespmem:s6+$0x0] =	vst v2;
	v2 =	vsel vm2, $0x3F800000, v10  }
0x126: {  	s18 =	sadd.s32 $0xFFFFFFF0, s19  }
0x127: {  	v4 =	vor.u32 s18, v34  }
0x128: {  	[tilespmem:s17+$0xFFFFFFF0] =	vst v3;
	vm1 =	vgt.s32 v0, $0xFFFFFFFF;
	v3 =	vand.u32 $0x3FFEF, v4;
	v4 =	vor.u32 s19, v34  }
0x129: {  	[tilespmem:s17+$0x0] =	vst v2;
	s6 =	sadd.s32 $0x20, s6;
	v0 =	vsel vm1, v0, v3;
	vm2 =	vgt.s32 v1, $0xFFFFFFFF;
	v57 =	vand.u32 $0x3FFFF, v4  }
0x12a: {  	[tilespmem:s6+$0xFFFFFFF0] =	vst v0;
	v58 =	vsel vm2, v1, v57  }
0x12b: {  	v59 =	vsel vm1, $0x3F800000, v10;
	[tilespmem:s6+$0x0] =	vst v58  }
0x12c: {  	p2 =	slt.u32 s15, $0x4;
	v60 =	vsel vm2, $0x3F800000, v10;
	[tilespmem:s16+$0xFFFFFFF0] =	vst v59  }
0x12d: {  	s6 =	sadd.s32 @!p2 $0x7, s0;
	[tilespmem:s16+$0x0] =	vst v60  }
0x12e: {  	s22 =	sshll.u32 s0, $0xE;
	_ =	swait.ge @!p2 [sflag:s6], $0x4000  }
0x12f: {  	s23 =	sshll.u32 s0, $0x9;
	s26 =	sadd.s32 $0x4, s0;
	[sflag:s6] =	ssyncset.done @!p2 $0x0  }
0x130: {  	s24 =	sor.u32 $0x1200, s22;
	s25 =	sadd.s32 $0x600, s23;
	[sflag:s6] =	ssyncadd.s32 @!p2 $0xFFFFC000  }
0x131: {  	[tilespmem:s24], [sflag:s26] =	stream.indirect.gather [hbm4b:s4+s8], $0x20, s25, s8, $0xb8;
	[tilespmem:$0x19200] =	vst v63  }
0x132: {  	s28 =	sor.u32 $0x2200, s22;
	s29 =	sadd.s32 $0x680, s23  }
0x133: {  	[tilespmem:s28], [sflag:s26] =	stream.indirect.gather [hbm4b:s4+s8], $0x20, s29, s8, $0xb8;
	[tilespmem:$0x19200] =	vst v63  }
0x134: {  	s30 =	sor.u32 $0x3200, s22;
	s31 =	sadd.s32 $0x700, s23  }
0x135: {  	[tilespmem:s30], [sflag:s26] =	stream.indirect.gather [hbm4b:s4+s8], $0x20, s31, s8, $0xb8;
	[tilespmem:$0x19200] =	vst v63  }
0x136: {  	s16 =	sadd.s32 $0x780, s23;
	s6 =	sadd.s32 $0x4200, s22  }
0x137: {  	[tilespmem:s6], [sflag:s26] =	stream.indirect.gather [hbm4b:s4+s8], $0x20, s16, s8, $0xb8;
	[tilespmem:$0x19200] =	vst v63  }
.LBB2_6:
0x138: {  	s0 =	sadd.s32 $0xFFFFFFFE, s15  }
0x139: {  	s6 =	sshll.u32 s0, $0x5  }
0x13a: {  	p2 =	sgt.u32 s0, $0x3D;
	s16 =	sor.u32 s3, s6  }
0x13b: {  	p3 =	sgt.s32 @!p2 s16, $0x7A1  }
0x13c: {  	p2 =	por p2, p3  }
.Ltmp6:
0x13d: {  	_ = 	snop;
	(pc) =	sbr.rel @p2 .LBB2_10-.Ltmp6, $1  }
0x13e: {  	_ =	sdelay $0x3  }
0x13f: {  	s6 =	smul.u32 $0xAB, s0;
	_ =	sdelay $0x1  }
0x140: {  	s6 =	sshrl.u32 s6, $0x9  }
0x141: {  	s6 =	sand.u32 $0x7F, s6  }
0x142: {  	s18 =	sand.u32 $0xFF, s13;
	s19 =	simm.s32 $0x0;
	s6 =	smul.u32 $0x3, s6  }
0x143: {  	s17 =	smulhi.u32 $0x55555556, s18;
	v0 =	vmov s19  }
0x144: {  	v0 =	vshll.u32 v0, $0x5;
	s20 =	ssub.s32 s0, s6  }
0x145: {  	s21 =	smul.u32 $0x1800, s17;
	v2 =	vor.u32 v11, v0;
	s17 =	sand.u32 $0xFF, s20  }
0x146: {  	s22 =	sshll.u32 s18, $0xB;
	v0 =	vor.u32 v34, v2;
	s20 =	sor.u32 $0x4, s17  }
0x147: {  	s23 =	simm.s32 $0x10;
	s0 =	ssub.s32 s22, s21;
	_ =	swait.ge [sflag:s20], $0x4000  }
0x148: {  	v1 =	vmov s23;
	s0 =	sshra.s32 s0, $0x2;
	[sflag:s20] =	ssyncset.done $0x0  }
0x149: {  	v1 =	vshll.u32 v1, $0x5;
	s0 =	sadd.s32 $0xC10, s0;
	s18 =	sshll.u32 s17, $0xE;
	[sflag:s20] =	ssyncadd.s32 $0xFFFFC000  }
0x14a: {  	v60 =	vmov v39;
	v4 =	vor.u32 v11, v1;
	s21 =	simm.s32 $0x0;
	s20 =	sor.u32 $0x1200, s18;
	v39 =	vld [tilespmem:s0+$0xFFFFFFF0]  }
0x14b: {  	s19 =	sand.u32 $0x60, s19;
	v1 =	vor.u32 v34, v4;
	s21 =	sand.u32 $0xC00, s21;
	v0 =	vld.idx.msk [tilespmem:v0+s20+$0x0], $0xffff  }
0x14c: {  	s29 =	sor.u32 s19, s21  }
0x14d: {  	v3 =	vor.u32 s29, v63  }
0x14e: {  	v22 =	vmovc v21;
	v21 =	vmov v15;
	v15 =	vmov v5;
	v5 =	vor.u32 v45, v2  }
0x14f: {  	v23 =	vmov v48;
	v48 =	vld [tilespmem:s0+$0x0]  }
0x150: {  	s6 =	sand.u32 $0x70, s23;
	v1 =	vld.idx.msk [tilespmem:v1+s20+$0x0], $0xffff;
	v0 =	vmul.f32 v0, v39  }
0x151: {  	s21 =	sor.u32 s21, s6;
	s19 =	sadd.s32 $0xD200, s18  }
0x152: {  	v6 =	vor.u32 s21, v63;
	[tilespmem:v3+s19+$0x0] =	vst.idx.msk $0xffff, v0  }
0x153: {  	v0 =	vor.u32 v45, v4;
	v3 =	vld.idx.msk [tilespmem:v5+s20+$0x0], $0xffff;
	_ =	sdelay $0x1  }
0x154: {  	v1 =	vmul.f32 v1, v48;
	v5 =	vor.u32 s29, v46  }
0x155: {  	v7 =	vor.u32 v12, v2  }
0x156: {  	[tilespmem:v6+s19+$0x0] =	vst.idx.msk $0xffff, v1  }
0x157: {  	v0 =	vld.idx.msk [tilespmem:v0+s20+$0x0], $0xffff;
	v1 =	vmul.f32 v3, v39;
	_ =	sdelay $0x1  }
0x158: {  	v3 =	vor.u32 s21, v46;
	[tilespmem:v5+s19+$0x0] =	vst.idx.msk $0xffff, v1  }
0x159: {  	v1 =	vor.u32 v12, v4;
	v5 =	vld.idx.msk [tilespmem:v7+s20+$0x0], $0xffff;
	_ =	sdelay $0x1  }
0x15a: {  	v6 =	vor.u32 s29, v62;
	v0 =	vmul.f32 v0, v48;
	_ =	sdelay $0x1  }
0x15b: {  	[tilespmem:v3+s19+$0x0] =	vst.idx.msk $0xffff, v0  }
0x15c: {  	v0 =	vld.idx.msk [tilespmem:v1+s20+$0x0], $0xffff;
	v1 =	vmul.f32 v5, v39  }
0x15d: {  	v7 =	vor.u32 v49, v2  }
0x15e: {  	[tilespmem:v6+s19+$0x0] =	vst.idx.msk $0xffff, v1  }
0x15f: {  	v58 =	vmov v13;
	v13 =	vld [tilespmem:$0x1FBE0];
	_ =	sdelay $0x1  }
0x160: {  	v3 =	vor.u32 s21, v62  }
0x161: {  	v1 =	vor.u32 v49, v4;
	v5 =	vld.idx.msk [tilespmem:v7+s20+$0x0], $0xffff;
	_ =	sdelay $0x1  }
0x162: {  	v0 =	vmul.f32 v0, v48;
	v6 =	vor.u32 s29, v13  }
0x163: {  	v7 =	vor.u32 v35, v2  }
0x164: {  	[tilespmem:v3+s19+$0x0] =	vst.idx.msk $0xffff, v0  }
0x165: {  	v0 =	vld.idx.msk [tilespmem:v1+s20+$0x0], $0xffff;
	v1 =	vmul.f32 v5, v39;
	_ =	sdelay $0x1  }
0x166: {  	v3 =	vor.u32 s21, v13;
	[tilespmem:v6+s19+$0x0] =	vst.idx.msk $0xffff, v1  }
0x167: {  	v1 =	vor.u32 v35, v4;
	v5 =	vld.idx.msk [tilespmem:v7+s20+$0x0], $0xffff;
	_ =	sdelay $0x1  }
0x168: {  	v0 =	vmul.f32 v0, v48;
	v6 =	vor.u32 s29, v8  }
0x169: {  	v7 =	vor.u32 v19, v2  }
0x16a: {  	[tilespmem:v3+s19+$0x0] =	vst.idx.msk $0xffff, v0  }
0x16b: {  	v0 =	vld.idx.msk [tilespmem:v1+s20+$0x0], $0xffff;
	v1 =	vmul.f32 v5, v39;
	_ =	sdelay $0x1  }
0x16c: {  	v3 =	vor.u32 s21, v8;
	[tilespmem:v6+s19+$0x0] =	vst.idx.msk $0xffff, v1  }
0x16d: {  	v1 =	vor.u32 v19, v4;
	v5 =	vld.idx.msk [tilespmem:v7+s20+$0x0], $0xffff;
	_ =	sdelay $0x1  }
0x16e: {  	v6 =	vor.u32 s29, v60;
	v0 =	vmul.f32 v0, v48  }
0x16f: {  	v7 =	vor.u32 v23, v2  }
0x170: {  	[tilespmem:v3+s19+$0x0] =	vst.idx.msk $0xffff, v0  }
0x171: {  	v0 =	vld.idx.msk [tilespmem:v1+s20+$0x0], $0xffff;
	v1 =	vmul.f32 v5, v39;
	_ =	sdelay $0x1  }
0x172: {  	v3 =	vor.u32 s21, v60;
	[tilespmem:v6+s19+$0x0] =	vst.idx.msk $0xffff, v1  }
0x173: {  	v1 =	vor.u32 v23, v4;
	v5 =	vld.idx.msk [tilespmem:v7+s20+$0x0], $0xffff;
	_ =	sdelay $0x1  }
0x174: {  	v6 =	vor.u32 s29, v51;
	v0 =	vmul.f32 v0, v48;
	_ =	sdelay $0x1  }
0x175: {  	[tilespmem:v3+s19+$0x0] =	vst.idx.msk $0xffff, v0  }
0x176: {  	v0 =	vld.idx.msk [tilespmem:v1+s20+$0x0], $0xffff;
	v1 =	vmul.f32 v5, v39  }
0x177: {  	v7 =	vor.u32 v20, v2  }
0x178: {  	[tilespmem:v6+s19+$0x0] =	vst.idx.msk $0xffff, v1  }
0x179: {  	v10 =	vld [tilespmem:$0x1FBF0];
	_ =	sdelay $0x1  }
0x17a: {  	v3 =	vor.u32 s21, v51  }
0x17b: {  	v1 =	vor.u32 v20, v4;
	v5 =	vld.idx.msk [tilespmem:v7+s20+$0x0], $0xffff;
	_ =	sdelay $0x1  }
0x17c: {  	v0 =	vmul.f32 v0, v48;
	v6 =	vor.u32 s29, v10  }
0x17d: {  	v7 =	vor.u32 v18, v2  }
0x17e: {  	[tilespmem:v3+s19+$0x0] =	vst.idx.msk $0xffff, v0  }
0x17f: {  	v0 =	vld.idx.msk [tilespmem:v1+s20+$0x0], $0xffff;
	v1 =	vmul.f32 v5, v39;
	_ =	sdelay $0x1  }
0x180: {  	v3 =	vor.u32 s21, v10;
	[tilespmem:v6+s19+$0x0] =	vst.idx.msk $0xffff, v1  }
0x181: {  	v1 =	vor.u32 v18, v4;
	v5 =	vld.idx.msk [tilespmem:v7+s20+$0x0], $0xffff;
	_ =	sdelay $0x1  }
0x182: {  	s24 =	simm.s32 $0x20;
	v0 =	vmul.f32 v0, v48;
	v6 =	vor.u32 s29, v16  }
0x183: {  	v52 =	vmovc v55;
	v55 =	vmovc v33;
	v33 =	vmov v8;
	s23 =	simm.s32 $0x30;
	v8 =	vmov s24;
	v7 =	vor.u32 v24, v2  }
0x184: {  	[tilespmem:v3+s19+$0x0] =	vst.idx.msk $0xffff, v0;
	v0 =	vmov s23;
	v3 =	vshll.u32 v8, $0x5  }
0x185: {  	v27 =	vmovc v51;
	v0 =	vshll.u32 v0, $0x5;
	v51 =	vor.u32 v11, v3;
	v1 =	vld.idx.msk [tilespmem:v1+s20+$0x0], $0xffff;
	v3 =	vmul.f32 v5, v39  }
0x186: {  	v38 =	vor.u32 v11, v0;
	v0 =	vor.u32 v34, v51  }
0x187: {  	v8 =	vor.u32 v34, v38;
	v5 =	vor.u32 s21, v16;
	[tilespmem:v6+s19+$0x0] =	vst.idx.msk $0xffff, v3  }
0x188: {  	s0 =	sadd.s32 $0x20, s0;
	v3 =	vor.u32 v24, v4;
	v6 =	vld.idx.msk [tilespmem:v7+s20+$0x0], $0xffff  }
0x189: {  	v57 =	vmov v41;
	v50 =	vld [tilespmem:s0+$0x0]  }
0x18a: {  	v36 =	vmov v49;
	s22 =	simm.s32 $0x100;
	v49 =	vld [tilespmem:s0+$0xFFFFFFF0];
	v7 =	vor.u32 s29, v57;
	v1 =	vmul.f32 v1, v48  }
0x18b: {  	s6 =	sand.u32 $0x60, s24;
	s24 =	sand.u32 $0xC00, s22;
	v0 =	vld.idx.msk [tilespmem:v0+s20+$0x0], $0xffff  }
0x18c: {  	v9 =	vor.u32 v47, v2;
	s25 =	sand.u32 $0x70, s23;
	s22 =	sor.u32 s6, s24;
	[tilespmem:v5+s19+$0x0] =	vst.idx.msk $0xffff, v1;
	v1 =	vld.idx.msk [tilespmem:v8+s20+$0x0], $0xffff  }
0x18d: {  	s23 =	sor.u32 s24, s25;
	v5 =	vor.u32 s22, v63;
	v3 =	vld.idx.msk [tilespmem:v3+s20+$0x0], $0xffff;
	v6 =	vmul.f32 v6, v39  }
0x18e: {  	v41 =	vmov v10;
	v10 =	vor.u32 s23, v63;
	v8 =	vor.u32 v45, v51  }
0x18f: {  	v59 =	vmovc v43;
	v43 =	vmov v11;
	v11 =	vor.u32 s21, v57;
	[tilespmem:v7+s19+$0x0] =	vst.idx.msk $0xffff, v6;
	v6 =	vor.u32 v45, v38  }
0x190: {  	v0 =	vmul.f32 v0, v49;
	v7 =	vor.u32 v47, v4  }
0x191: {  	v9 =	vld.idx.msk [tilespmem:v9+s20+$0x0], $0xffff;
	v1 =	vmul.f32 v1, v50  }
0x192: {  	[tilespmem:v5+s19+$0x0] =	vst.idx.msk $0xffff, v0;
	v3 =	vmul.f32 v3, v48  }
0x193: {  	v0 =	vor.u32 s29, v21;
	v5 =	vld.idx.msk [tilespmem:v8+s20+$0x0], $0xffff;
	[tilespmem:v10+s19+$0x0] =	vst.idx.msk $0xffff, v1  }
0x194: {  	[tilespmem:v11+s19+$0x0] =	vst.idx.msk $0xffff, v3;
	v3 =	vld.idx.msk [tilespmem:v6+s20+$0x0], $0xffff  }
0x195: {  	v1 =	vor.u32 v40, v2;
	v6 =	vld.idx.msk [tilespmem:v7+s20+$0x0], $0xffff;
	v7 =	vor.u32 s22, v46  }
0x196: {  	v8 =	vmul.f32 v9, v39;
	v9 =	vor.u32 v12, v51  }
0x197: {  	v11 =	vor.u32 s21, v21  }
0x198: {  	v5 =	vmul.f32 v5, v49;
	[tilespmem:v0+s19+$0x0] =	vst.idx.msk $0xffff, v8;
	v8 =	vor.u32 v40, v4;
	_ =	sdelay $0x1  }
0x199: {  	v1 =	vld.idx.msk [tilespmem:v1+s20+$0x0], $0xffff;
	v6 =	vmul.f32 v6, v48;
	[tilespmem:v7+s19+$0x0] =	vst.idx.msk $0xffff, v5  }
0x19a: {  	v10 =	vor.u32 s23, v46;
	v7 =	vld.idx.msk [tilespmem:v9+s20+$0x0], $0xffff  }
0x19b: {  	v5 =	vor.u32 s29, v22;
	[tilespmem:v11+s19+$0x0] =	vst.idx.msk $0xffff, v6  }
0x19c: {  	v6 =	vld.idx.msk [tilespmem:v8+s20+$0x0], $0xffff;
	v8 =	vor.u32 s22, v62  }
0x19d: {  	v3 =	vmul.f32 v3, v50  }
0x19e: {  	v0 =	vor.u32 v12, v38;
	v1 =	vmul.f32 v1, v39  }
0x19f: {  	[tilespmem:v10+s19+$0x0] =	vst.idx.msk $0xffff, v3;
	v7 =	vmul.f32 v7, v49  }
0x1a0: {  	v3 =	vor.u32 v53, v2;
	[tilespmem:v5+s19+$0x0] =	vst.idx.msk $0xffff, v1  }
0x1a1: {  	[tilespmem:v8+s19+$0x0] =	vst.idx.msk $0xffff, v7  }
0x1a2: {  	v42 =	vmov v45;
	v45 =	vld [tilespmem:$0x1FC00]  }
0x1a3: {  	v0 =	vld.idx.msk [tilespmem:v0+s20+$0x0], $0xffff;
	_ =	sdelay $0x1  }
0x1a4: {  	v9 =	vor.u32 v36, v51;
	v10 =	vor.u32 s23, v62;
	v3 =	vld.idx.msk [tilespmem:v3+s20+$0x0], $0xffff  }
0x1a5: {  	v11 =	vor.u32 s21, v22;
	v1 =	vor.u32 v36, v38;
	v25 =	vld [tilespmem:$0x1FC10]  }
0x1a6: {  	v5 =	vor.u32 v53, v4;
	v7 =	vor.u32 s29, v45  }
0x1a7: {  	v0 =	vmul.f32 v0, v50  }
0x1a8: {  	v6 =	vmul.f32 v6, v48  }
0x1a9: {  	v8 =	vld.idx.msk [tilespmem:v9+s20+$0x0], $0xffff;
	[tilespmem:v10+s19+$0x0] =	vst.idx.msk $0xffff, v0;
	v3 =	vmul.f32 v3, v39  }
0x1aa: {  	[tilespmem:v11+s19+$0x0] =	vst.idx.msk $0xffff, v6;
	v1 =	vld.idx.msk [tilespmem:v1+s20+$0x0], $0xffff;
	v0 =	vor.u32 v25, v2  }
0x1ab: {  	v5 =	vld.idx.msk [tilespmem:v5+s20+$0x0], $0xffff;
	[tilespmem:v7+s19+$0x0] =	vst.idx.msk $0xffff, v3  }
0x1ac: {  	v17 =	vmov v61;
	v6 =	vor.u32 s22, v13;
	v61 =	vld [tilespmem:$0x1FC20]  }
0x1ad: {  	v9 =	vor.u32 v35, v51;
	v10 =	vor.u32 s23, v13  }
0x1ae: {  	v3 =	vor.u32 v35, v38;
	v7 =	vor.u32 s21, v45  }
0x1af: {  	v8 =	vmul.f32 v8, v49;
	v11 =	vor.u32 v25, v4;
	v0 =	vld.idx.msk [tilespmem:v0+s20+$0x0], $0xffff  }
0x1b0: {  	v1 =	vmul.f32 v1, v50  }
0x1b1: {  	v5 =	vmul.f32 v5, v48;
	[tilespmem:v6+s19+$0x0] =	vst.idx.msk $0xffff, v8;
	v54 =	vor.u32 s29, v61  }
0x1b2: {  	[tilespmem:v10+s19+$0x0] =	vst.idx.msk $0xffff, v1;
	v1 =	vor.u32 v58, v2;
	v6 =	vld.idx.msk [tilespmem:v9+s20+$0x0], $0xffff  }
0x1b3: {  	v3 =	vld.idx.msk [tilespmem:v3+s20+$0x0], $0xffff;
	[tilespmem:v7+s19+$0x0] =	vst.idx.msk $0xffff, v5  }
0x1b4: {  	v5 =	vor.u32 s22, v33;
	v0 =	vmul.f32 v0, v39;
	v7 =	vld.idx.msk [tilespmem:v11+s20+$0x0], $0xffff  }
0x1b5: {  	v8 =	vor.u32 v19, v51;
	v9 =	vor.u32 s23, v33  }
0x1b6: {  	v10 =	vor.u32 s21, v61;
	[tilespmem:v54+s19+$0x0] =	vst.idx.msk $0xffff, v0;
	v0 =	vor.u32 v19, v38  }
0x1b7: {  	v11 =	vor.u32 v58, v4;
	v6 =	vmul.f32 v6, v49;
	v1 =	vld.idx.msk [tilespmem:v1+s20+$0x0], $0xffff  }
0x1b8: {  	v3 =	vmul.f32 v3, v50  }
0x1b9: {  	[tilespmem:v5+s19+$0x0] =	vst.idx.msk $0xffff, v6;
	v5 =	vor.u32 s29, v52;
	v6 =	vmul.f32 v7, v48  }
0x1ba: {  	v7 =	vld.idx.msk [tilespmem:v8+s20+$0x0], $0xffff;
	[tilespmem:v9+s19+$0x0] =	vst.idx.msk $0xffff, v3  }
0x1bb: {  	[tilespmem:v10+s19+$0x0] =	vst.idx.msk $0xffff, v6;
	v0 =	vld.idx.msk [tilespmem:v0+s20+$0x0], $0xffff  }
0x1bc: {  	v6 =	vor.u32 s22, v60;
	v8 =	vld.idx.msk [tilespmem:v11+s20+$0x0], $0xffff;
	v1 =	vmul.f32 v1, v39  }
0x1bd: {  	v10 =	vor.u32 s23, v60  }
0x1be: {  	v9 =	vor.u32 v23, v51;
	[tilespmem:v5+s19+$0x0] =	vst.idx.msk $0xffff, v1;
	v5 =	vor.u32 s21, v52  }
0x1bf: {  	v7 =	vmul.f32 v7, v49  }
0x1c0: {  	v0 =	vmul.f32 v0, v50  }
0x1c1: {  	v3 =	vor.u32 v55, v2;
	[tilespmem:v6+s19+$0x0] =	vst.idx.msk $0xffff, v7;
	v7 =	vmul.f32 v8, v48  }
0x1c2: {  	[tilespmem:v10+s19+$0x0] =	vst.idx.msk $0xffff, v0  }
0x1c3: {  	v8 =	vld.idx.msk [tilespmem:v9+s20+$0x0], $0xffff;
	[tilespmem:v5+s19+$0x0] =	vst.idx.msk $0xffff, v7  }
0x1c4: {  	v9 =	vld [tilespmem:$0x1FD30]  }
0x1c5: {  	v1 =	vor.u32 v23, v38;
	v10 =	vld [tilespmem:$0x1FD40]  }
0x1c6: {  	v11 =	vor.u32 v55, v4;
	v3 =	vld.idx.msk [tilespmem:v3+s20+$0x0], $0xffff;
	_ =	sdelay $0x1  }
0x1c7: {  	v6 =	vor.u32 s29, v59;
	_ =	sdelay $0x1  }
0x1c8: {  	v1 =	vld.idx.msk [tilespmem:v1+s20+$0x0], $0xffff;
	v9 =	vcombine.low v9, v10  }
0x1c9: {  	v3 =	vmul.f32 v3, v39;
	v7 =	vld.idx.msk [tilespmem:v11+s20+$0x0], $0xffff  }
0x1ca: {  	v36 =	vmov v30;
	v30 =	vld [tilespmem:$0x1FC90];
	[tilespmem:$0x1FB10] =	vst v9  }
0x1cb: {  	v37 =	vld [tilespmem:$0x1FCC0];
	[tilespmem:v6+s19+$0x0] =	vst.idx.msk $0xffff, v3  }
0x1cc: {  	v31 =	vld [tilespmem:$0x1FCA0]  }
0x1cd: {  	v46 =	vmov v32;
	v32 =	vld [tilespmem:$0x1FCB0]  }
0x1ce: {  	v25 =	vld [tilespmem:$0x1FC50]  }
0x1cf: {  	v29 =	vld [tilespmem:$0x1FC80]  }
0x1d0: {  	v0 =	vor.u32 v17, v2;
	v26 =	vld [tilespmem:$0x1FC60]  }
0x1d1: {  	v28 =	vld [tilespmem:$0x1FC70]  }
0x1d2: {  	v5 =	vor.u32 s22, v27  }
0x1d3: {  	v10 =	vor.u32 s23, v27;
	v11 =	vsel vm0, v30, v37;
	v60 =	vsel vm0, v32, v31  }
0x1d4: {  	v9 =	vor.u32 v20, v51;
	v33 =	vsel vm0, v25, v29;
	v11 =	vcombine.low v11, v60  }
0x1d5: {  	v0 =	vld.idx.msk [tilespmem:v0+s20+$0x0], $0xffff;
	[tilespmem:$0x1FB50] =	vst v33  }
0x1d6: {  	v8 =	vmul.f32 v8, v49;
	[tilespmem:$0x1FAE0] =	vst v11;
	v11 =	vsel vm0, v28, v26  }
0x1d7: {  	v1 =	vmul.f32 v1, v50;
	[tilespmem:$0x1FB40] =	vst v11  }
0x1d8: {  	[tilespmem:v5+s19+$0x0] =	vst.idx.msk $0xffff, v8  }
0x1d9: {  	[tilespmem:v10+s19+$0x0] =	vst.idx.msk $0xffff, v1;
	v8 =	vld.idx.msk [tilespmem:v9+s20+$0x0], $0xffff  }
0x1da: {  	v9 =	vld [tilespmem:$0x1FCF0]  }
0x1db: {  	v6 =	vor.u32 s21, v59;
	v10 =	vld [tilespmem:$0x1FD20];
	_ =	sdelay $0x2  }
0x1dc: {  	v7 =	vmul.f32 v7, v48  }
0x1dd: {  	v23 =	vld [tilespmem:$0x1FC30]  }
0x1de: {  	v59 =	vmov v16;
	v16 =	vor.u32 v17, v4;
	v17 =	vsel vm0, v9, v10;
	v9 =	vld [tilespmem:$0x1FD60];
	[tilespmem:v6+s19+$0x0] =	vst.idx.msk $0xffff, v7  }
0x1df: {  	v6 =	vld [tilespmem:$0x1FD50]  }
0x1e0: {  	v3 =	vor.u32 v20, v38;
	v13 =	vcombine.low v33, v11;
	v5 =	vor.u32 s29, v46;
	v11 =	vld [tilespmem:$0x1FD00]  }
0x1e1: {  	v45 =	vld [tilespmem:$0x1FD10]  }
0x1e2: {  	v20 =	vmov v46;
	v46 =	vmov v24;
	v24 =	vld [tilespmem:$0x1FC40]  }
0x1e3: {  	v0 =	vmul.f32 v0, v39;
	_ =	sdelay $0x1  }
0x1e4: {  	v1 =	vor.u32 v15, v2;
	v3 =	vld.idx.msk [tilespmem:v3+s20+$0x0], $0xffff;
	[tilespmem:v5+s19+$0x0] =	vst.idx.msk $0xffff, v0  }
0x1e5: {  	v12 =	vsel vm0, v45, v11;
	v11 =	vld [tilespmem:$0x1FD70]  }
0x1e6: {  	v7 =	vld.idx.msk [tilespmem:v16+s20+$0x0], $0xffff;
	v54 =	vsel vm0, v6, v24;
	v6 =	vor.u32 s22, v41  }
0x1e7: {  	v60 =	vmovc v57;
	v10 =	vor.u32 s23, v41;
	v57 =	vsel vm0, v23, v9;
	v9 =	vor.u32 v18, v51  }
0x1e8: {  	v19 =	vor.u32 s21, v20;
	v33 =	vmov v21;
	v0 =	vor.u32 v18, v38  }
0x1e9: {  	v21 =	vor.u32 v15, v4;
	v8 =	vmul.f32 v8, v49;
	v1 =	vld.idx.msk [tilespmem:v1+s20+$0x0], $0xffff;
	v20 =	vsel vm0, v24, v23  }
0x1ea: {  	v3 =	vmul.f32 v3, v50;
	v15 =	vcombine.low v20, v11  }
0x1eb: {  	v56 =	vmovc v52;
	v52 =	vmov v22;
	v7 =	vmul.f32 v7, v48;
	[tilespmem:v6+s19+$0x0] =	vst.idx.msk $0xffff, v8;
	v6 =	vor.u32 s29, v44  }
0x1ec: {  	s25 =	simm.s32 $0x50;
	v22 =	vsel vm0, v29, v28;
	[tilespmem:v10+s19+$0x0] =	vst.idx.msk $0xffff, v3;
	v8 =	vld.idx.msk [tilespmem:v9+s20+$0x0], $0xffff;
	v9 =	vor.u32 v15, v2  }
0x1ed: {  	s26 =	simm.s32 $0x40;
	v28 =	vmov s25;
	v23 =	vsel vm0, v26, v25;
	v10 =	vor.u32 s23, v59;
	v0 =	vld.idx.msk [tilespmem:v0+s20+$0x0], $0xffff;
	[tilespmem:v19+s19+$0x0] =	vst.idx.msk $0xffff, v7  }
0x1ee: {  	v26 =	vmov s26;
	v1 =	vmul.f32 v1, v39;
	v19 =	vld.idx.msk [tilespmem:v21+s20+$0x0], $0xffff;
	v21 =	vor.u32 s22, v59  }
0x1ef: {  	v25 =	vor.u32 v46, v51;
	v3 =	vmovc v43;
	v45 =	vcombine.low v22, v23;
	v26 =	vshll.u32 v26, $0x5  }
0x1f0: {  	v7 =	vor.u32 s21, v44;
	v43 =	vor.u32 v43, v26;
	[tilespmem:v6+s19+$0x0] =	vst.idx.msk $0xffff, v1;
	v1 =	vor.u32 v46, v38  }
0x1f1: {  	s0 =	sadd.s32 $0x20, s0;
	v24 =	vor.u32 v15, v4;
	v6 =	vshll.u32 v28, $0x5;
	v8 =	vmul.f32 v8, v49;
	v9 =	vld.idx.msk [tilespmem:v9+s20+$0x0], $0xffff  }
0x1f2: {  	v27 =	vmovc v40;
	v40 =	vld [tilespmem:s0+$0x0];
	v0 =	vmul.f32 v0, v50;
	v44 =	vor.u32 v3, v6;
	v6 =	vor.u32 v34, v43  }
0x1f3: {  	v41 =	vld [tilespmem:s0+$0xFFFFFFF0];
	v19 =	vmul.f32 v19, v48;
	v26 =	vor.u32 v34, v44;
	[tilespmem:v21+s19+$0x0] =	vst.idx.msk $0xffff, v8;
	v8 =	vor.u32 s29, v36  }
0x1f4: {  	[tilespmem:v10+s19+$0x0] =	vst.idx.msk $0xffff, v0;
	v0 =	vor.u32 v45, v2;
	v25 =	vld.idx.msk [tilespmem:v25+s20+$0x0], $0xffff  }
0x1f5: {  	[tilespmem:v7+s19+$0x0] =	vst.idx.msk $0xffff, v19;
	v1 =	vld.idx.msk [tilespmem:v1+s20+$0x0], $0xffff  }
0x1f6: {  	s7 =	simm.s32 $0x200;
	v10 =	vor.u32 s22, v60;
	v7 =	vmul.f32 v9, v39;
	v9 =	vld.idx.msk [tilespmem:v24+s20+$0x0], $0xffff  }
0x1f7: {  	s6 =	sand.u32 $0x60, s26;
	s26 =	sand.u32 $0xC00, s7;
	v19 =	vld.idx.msk [tilespmem:v6+s20+$0x0], $0xffff;
	v24 =	vsel vm0, v31, v30;
	v30 =	vor.u32 s23, v60  }
0x1f8: {  	s25 =	sand.u32 $0x70, s25;
	s24 =	sor.u32 s6, s26;
	[tilespmem:v8+s19+$0x0] =	vst.idx.msk $0xffff, v7;
	v7 =	vld.idx.msk [tilespmem:v26+s20+$0x0], $0xffff;
	v26 =	vor.u32 s21, v36  }
0x1f9: {  	v29 =	vor.u32 v47, v51;
	s25 =	sor.u32 s26, s25;
	v31 =	vor.u32 s24, v63;
	v25 =	vmul.f32 v25, v49;
	v0 =	vld.idx.msk [tilespmem:v0+s20+$0x0], $0xffff  }
0x1fa: {  	v8 =	vor.u32 v47, v38;
	v47 =	vor.u32 s25, v63;
	v1 =	vmul.f32 v1, v50  }
0x1fb: {  	v21 =	vor.u32 v45, v4;
	[tilespmem:v10+s19+$0x0] =	vst.idx.msk $0xffff, v25;
	v25 =	vor.u32 s29, v14;
	v9 =	vmul.f32 v9, v48  }
0x1fc: {  	[tilespmem:v30+s19+$0x0] =	vst.idx.msk $0xffff, v1;
	v1 =	vmul.f32 v19, v41  }
0x1fd: {  	[tilespmem:v26+s19+$0x0] =	vst.idx.msk $0xffff, v9;
	v7 =	vmul.f32 v7, v40  }
0x1fe: {  	v29 =	vld.idx.msk [tilespmem:v29+s20+$0x0], $0xffff;
	[tilespmem:v31+s19+$0x0] =	vst.idx.msk $0xffff, v1;
	v0 =	vmul.f32 v0, v39  }
0x1ff: {  	v28 =	vsel vm0, v37, v32;
	v32 =	vor.u32 v42, v43;
	[tilespmem:v47+s19+$0x0] =	vst.idx.msk $0xffff, v7  }
0x200: {  	v1 =	vor.u32 s22, v33;
	v9 =	vld.idx.msk [tilespmem:v21+s20+$0x0], $0xffff;
	[tilespmem:v25+s19+$0x0] =	vst.idx.msk $0xffff, v0  }
0x201: {  	v3 =	vld [tilespmem:$0x1FFC0]  }
0x202: {  	v36 =	vcombine.low v28, v24;
	v8 =	vld.idx.msk [tilespmem:v8+s20+$0x0], $0xffff  }
0x203: {  	v5 =	vcombine.low v11, v20;
	v10 =	vor.u32 v42, v44;
	v25 =	vmul.f32 v29, v49;
	v11 =	vld [tilespmem:$0x1FFF0]  }
0x204: {  	v19 =	vor.u32 v36, v2;
	v21 =	vld.idx.msk [tilespmem:v32+s20+$0x0], $0xffff  }
0x205: {  	v30 =	vor.u32 s23, v33;
	v26 =	vor.u32 v27, v51;
	v6 =	vld [tilespmem:$0x1FF40];
	[tilespmem:v1+s19+$0x0] =	vst.idx.msk $0xffff, v25  }
0x206: {  	v1 =	vmul.f32 v9, v48;
	v37 =	vor.u32 v3, v43;
	v9 =	vor.u32 v3, v44;
	v3 =	vld [tilespmem:$0x1FEA0]  }
0x207: {  	v31 =	vor.u32 s21, v14  }
0x208: {  	v10 =	vld.idx.msk [tilespmem:v10+s20+$0x0], $0xffff;
	v0 =	vor.u32 s24, v11  }
0x209: {  	v47 =	vor.u32 v27, v38;
	v19 =	vld.idx.msk [tilespmem:v19+s20+$0x0], $0xffff;
	v8 =	vmul.f32 v8, v50  }
0x20a: {  	v29 =	vor.u32 v36, v4;
	v14 =	vor.u32 s25, v11  }
0x20b: {  	v26 =	vld.idx.msk [tilespmem:v26+s20+$0x0], $0xffff;
	v21 =	vmul.f32 v21, v41;
	[tilespmem:v30+s19+$0x0] =	vst.idx.msk $0xffff, v8;
	v25 =	vor.u32 s29, v3  }
0x20c: {  	[tilespmem:v31+s19+$0x0] =	vst.idx.msk $0xffff, v1  }
0x20d: {  	v1 =	vmul.f32 v10, v40;
	[tilespmem:v0+s19+$0x0] =	vst.idx.msk $0xffff, v21;
	v21 =	vor.u32 s22, v52  }
0x20e: {  	v19 =	vmul.f32 v19, v39;
	v30 =	vld.idx.msk [tilespmem:v47+s20+$0x0], $0xffff  }
0x20f: {  	v18 =	vcombine.low v17, v12;
	v10 =	vld.idx.msk [tilespmem:v29+s20+$0x0], $0xffff;
	v29 =	vor.u32 s23, v52;
	[tilespmem:v14+s19+$0x0] =	vst.idx.msk $0xffff, v1  }
0x210: {  	v1 =	vor.u32 v53, v51;
	v31 =	vld.idx.msk [tilespmem:v37+s20+$0x0], $0xffff;
	[tilespmem:v25+s19+$0x0] =	vst.idx.msk $0xffff, v19;
	v19 =	vmul.f32 v26, v49  }
0x211: {  	v11 =	vcombine.low v23, v22;
	v47 =	vor.u32 v18, v2;
	v23 =	vor.u32 s21, v3;
	v9 =	vld.idx.msk [tilespmem:v9+s20+$0x0], $0xffff  }
0x212: {  	v37 =	vor.u32 s24, v62;
	v0 =	vld [tilespmem:$0x1FFB0];
	[tilespmem:v21+s19+$0x0] =	vst.idx.msk $0xffff, v19  }
0x213: {  	v30 =	vmul.f32 v30, v50;
	v33 =	vld [tilespmem:$0x1FF50]  }
0x214: {  	v10 =	vmul.f32 v10, v48;
	v3 =	vld [tilespmem:$0x1FCE0]  }
0x215: {  	v52 =	vld.idx.msk [tilespmem:v1+s20+$0x0], $0xffff;
	[tilespmem:v29+s19+$0x0] =	vst.idx.msk $0xffff, v30;
	v1 =	vmul.f32 v31, v41  }
0x216: {  	v32 =	vld.idx.msk [tilespmem:v47+s20+$0x0], $0xffff;
	[tilespmem:v23+s19+$0x0] =	vst.idx.msk $0xffff, v10  }
0x217: {  	v14 =	vor.u32 s25, v62;
	v25 =	vor.u32 v18, v4;
	[tilespmem:v37+s19+$0x0] =	vst.idx.msk $0xffff, v1  }
0x218: {  	v1 =	vld [tilespmem:$0x1FC00];
	v47 =	vor.u32 s29, v33;
	_ =	sdelay $0x1  }
0x219: {  	v22 =	vor.u32 v53, v38;
	v9 =	vmul.f32 v9, v40  }
0x21a: {  	v26 =	vor.u32 v0, v43;
	v30 =	vmul.f32 v32, v39  }
0x21b: {  	v23 =	vld.idx.msk [tilespmem:v25+s20+$0x0], $0xffff;
	v21 =	vor.u32 v0, v44;
	[tilespmem:v14+s19+$0x0] =	vst.idx.msk $0xffff, v9  }
0x21c: {  	v0 =	vld [tilespmem:$0x1FC10];
	v25 =	vor.u32 s22, v1;
	[tilespmem:v47+s19+$0x0] =	vst.idx.msk $0xffff, v30  }
0x21d: {  	v14 =	vcombine.low v24, v28;
	v9 =	vld [tilespmem:$0x1FBE0]  }
0x21e: {  	v16 =	vcombine.low v54, v57;
	v22 =	vld.idx.msk [tilespmem:v22+s20+$0x0], $0xffff  }
0x21f: {  	v53 =	vmul.f32 v52, v49;
	v10 =	vor.u32 v14, v4;
	v26 =	vld.idx.msk [tilespmem:v26+s20+$0x0], $0xffff  }
0x220: {  	v29 =	vor.u32 v16, v2;
	v24 =	vld.idx.msk [tilespmem:v21+s20+$0x0], $0xffff;
	[tilespmem:$0x1FBA0] =	vst v10  }
0x221: {  	v28 =	vor.u32 s21, v33;
	[tilespmem:v25+s19+$0x0] =	vst.idx.msk $0xffff, v53  }
0x222: {  	v32 =	vor.u32 s23, v1;
	v31 =	vor.u32 v0, v51;
	v1 =	vld [tilespmem:$0x1FCD0];
	v30 =	vor.u32 s24, v9  }
0x223: {  	v37 =	vor.u32 v16, v4;
	v42 =	vor.u32 s25, v9  }
0x224: {  	v20 =	vor.u32 v35, v43;
	v23 =	vmul.f32 v23, v48  }
0x225: {  	v29 =	vld.idx.msk [tilespmem:v29+s20+$0x0], $0xffff;
	v26 =	vmul.f32 v26, v41  }
0x226: {  	v22 =	vmul.f32 v22, v50;
	[tilespmem:v28+s19+$0x0] =	vst.idx.msk $0xffff, v23;
	v23 =	vmul.f32 v24, v40  }
0x227: {  	v25 =	vor.u32 v35, v44;
	v31 =	vld.idx.msk [tilespmem:v31+s20+$0x0], $0xffff;
	v47 =	vor.u32 s29, v1;
	[tilespmem:v30+s19+$0x0] =	vst.idx.msk $0xffff, v26  }
0x228: {  	v28 =	vld.idx.msk [tilespmem:v37+s20+$0x0], $0xffff;
	v10 =	vmov v9;
	v9 =	vmov v35;
	v35 =	vor.u32 v0, v38;
	[tilespmem:v42+s19+$0x0] =	vst.idx.msk $0xffff, v23  }
0x229: {  	v20 =	vld.idx.msk [tilespmem:v20+s20+$0x0], $0xffff;
	[tilespmem:$0x1FAB0] =	vst v13  }
0x22a: {  	v24 =	vor.u32 s22, v61;
	v26 =	vmul.f32 v29, v39;
	[tilespmem:v32+s19+$0x0] =	vst.idx.msk $0xffff, v22  }
0x22b: {  	v0 =	vld [tilespmem:$0x1FF70]  }
0x22c: {  	v25 =	vld.idx.msk [tilespmem:v25+s20+$0x0], $0xffff;
	[tilespmem:v47+s19+$0x0] =	vst.idx.msk $0xffff, v26  }
0x22d: {  	v53 =	vor.u32 v13, v2;
	v31 =	vmul.f32 v31, v49;
	v22 =	vor.u32 s21, v1;
	v32 =	vld.idx.msk [tilespmem:v35+s20+$0x0], $0xffff;
	[tilespmem:$0x1FAC0] =	vst v17  }
0x22e: {  	v29 =	vor.u32 v13, v4;
	[tilespmem:$0x1FAD0] =	vst v12  }
0x22f: {  	v1 =	vld [tilespmem:$0x1FF80];
	[tilespmem:v24+s19+$0x0] =	vst.idx.msk $0xffff, v31;
	v24 =	vmul.f32 v28, v48  }
0x230: {  	v31 =	vor.u32 s23, v61;
	v30 =	vor.u32 s24, v0;
	v35 =	vor.u32 s25, v0;
	v0 =	vld [tilespmem:$0x1FE00];
	_ =	sdelay $0x1  }
0x231: {  	v23 =	vor.u32 v58, v51;
	v13 =	vcombine.low v12, v17;
	v12 =	vld.idx.msk [tilespmem:v53+s20+$0x0], $0xffff;
	[tilespmem:v22+s19+$0x0] =	vst.idx.msk $0xffff, v24  }
0x232: {  	v22 =	vmul.f32 v25, v40;
	v25 =	vld.idx.msk [tilespmem:v29+s20+$0x0], $0xffff;
	v29 =	vmul.f32 v32, v50  }
0x233: {  	v20 =	vmul.f32 v20, v41  }
0x234: {  	v26 =	vor.u32 v1, v43;
	v28 =	vor.u32 v1, v44;
	v1 =	vld [tilespmem:$0x1FAE0];
	[tilespmem:v31+s19+$0x0] =	vst.idx.msk $0xffff, v29;
	v52 =	vor.u32 s29, v0  }
0x235: {  	[tilespmem:v30+s19+$0x0] =	vst.idx.msk $0xffff, v20  }
0x236: {  	v47 =	vor.u32 v58, v38;
	v23 =	vld.idx.msk [tilespmem:v23+s20+$0x0], $0xffff;
	[tilespmem:v35+s19+$0x0] =	vst.idx.msk $0xffff, v22  }
0x237: {  	v30 =	vmul.f32 v12, v39;
	v58 =	vld [tilespmem:$0x1FF90];
	_ =	sdelay $0x1  }
0x238: {  	v20 =	vor.u32 s22, v56;
	v26 =	vld.idx.msk [tilespmem:v26+s20+$0x0], $0xffff;
	[tilespmem:v52+s19+$0x0] =	vst.idx.msk $0xffff, v30  }
0x239: {  	v29 =	vor.u32 s21, v0;
	v0 =	vld [tilespmem:$0x1FFA0]  }
0x23a: {  	v35 =	vld.idx.msk [tilespmem:v47+s20+$0x0], $0xffff;
	v24 =	vor.u32 v1, v2  }
0x23b: {  	v23 =	vmul.f32 v23, v49;
	v28 =	vld.idx.msk [tilespmem:v28+s20+$0x0], $0xffff;
	v61 =	vor.u32 s24, v58;
	[tilespmem:$0x1FAF0] =	vst v57  }
0x23c: {  	v22 =	vor.u32 v55, v51;
	[tilespmem:$0x1FB00] =	vst v54  }
0x23d: {  	v58 =	vor.u32 s25, v58;
	v26 =	vmul.f32 v26, v41;
	[tilespmem:v20+s19+$0x0] =	vst.idx.msk $0xffff, v23;
	v20 =	vmul.f32 v25, v48  }
0x23e: {  	v25 =	vor.u32 s23, v56;
	v30 =	vor.u32 v0, v43;
	v23 =	vor.u32 v0, v44;
	v0 =	vld [tilespmem:$0x1FE10]  }
0x23f: {  	v24 =	vld.idx.msk [tilespmem:v24+s20+$0x0], $0xffff;
	[tilespmem:v29+s19+$0x0] =	vst.idx.msk $0xffff, v20  }
0x240: {  	v20 =	vmul.f32 v28, v40;
	v17 =	vld [tilespmem:$0x1FB10];
	[tilespmem:v61+s19+$0x0] =	vst.idx.msk $0xffff, v26  }
0x241: {  	v31 =	vor.u32 v1, v4;
	v26 =	vmul.f32 v35, v50;
	v53 =	vld [tilespmem:$0x1FE50]  }
0x242: {  	v22 =	vld.idx.msk [tilespmem:v22+s20+$0x0], $0xffff;
	[tilespmem:v58+s19+$0x0] =	vst.idx.msk $0xffff, v20  }
0x243: {  	v61 =	vld [tilespmem:$0x1FDB0];
	[tilespmem:v25+s19+$0x0] =	vst.idx.msk $0xffff, v26;
	v52 =	vor.u32 s29, v0  }
0x244: {  	v12 =	vld [tilespmem:$0x1FFD0]  }
0x245: {  	v47 =	vor.u32 v55, v38  }
0x246: {  	v29 =	vld.idx.msk [tilespmem:v31+s20+$0x0], $0xffff;
	v24 =	vmul.f32 v24, v39;
	v31 =	vor.u32 s22, v53  }
0x247: {  	v30 =	vld.idx.msk [tilespmem:v30+s20+$0x0], $0xffff;
	v28 =	vor.u32 v17, v2  }
0x248: {  	v1 =	vcombine.low v57, v54;
	v23 =	vld.idx.msk [tilespmem:v23+s20+$0x0], $0xffff;
	v57 =	vor.u32 s21, v0;
	[tilespmem:v52+s19+$0x0] =	vst.idx.msk $0xffff, v24  }
0x249: {  	v22 =	vmul.f32 v22, v49;
	v20 =	vor.u32 v61, v51;
	v58 =	vor.u32 s24, v12;
	v0 =	vld [tilespmem:$0x1FF60]  }
0x24a: {  	v47 =	vld.idx.msk [tilespmem:v47+s20+$0x0], $0xffff;
	v32 =	vor.u32 v17, v4  }
0x24b: {  	v29 =	vmul.f32 v29, v48;
	v52 =	vor.u32 s25, v12;
	[tilespmem:v31+s19+$0x0] =	vst.idx.msk $0xffff, v22  }
0x24c: {  	v53 =	vor.u32 s23, v53;
	v30 =	vmul.f32 v30, v41;
	v28 =	vld.idx.msk [tilespmem:v28+s20+$0x0], $0xffff;
	[tilespmem:$0x1FB20] =	vst v13  }
0x24d: {  	[tilespmem:v57+s19+$0x0] =	vst.idx.msk $0xffff, v29  }
0x24e: {  	v20 =	vld.idx.msk [tilespmem:v20+s20+$0x0], $0xffff;
	v29 =	vmul.f32 v23, v40;
	[tilespmem:v58+s19+$0x0] =	vst.idx.msk $0xffff, v30;
	v24 =	vor.u32 v0, v43  }
0x24f: {  	v58 =	vmul.f32 v47, v50;
	v32 =	vld.idx.msk [tilespmem:v32+s20+$0x0], $0xffff;
	[tilespmem:$0x1FB30] =	vst v1;
	v31 =	vor.u32 v0, v44  }
0x250: {  	v57 =	vld [tilespmem:$0x1FE60];
	[tilespmem:v52+s19+$0x0] =	vst.idx.msk $0xffff, v29  }
0x251: {  	v35 =	vor.u32 v1, v4;
	v25 =	vor.u32 v1, v2;
	v1 =	vld [tilespmem:$0x1FD80];
	[tilespmem:v53+s19+$0x0] =	vst.idx.msk $0xffff, v58  }
0x252: {  	v0 =	vld [tilespmem:$0x1FB40]  }
0x253: {  	v42 =	vld.idx.msk [tilespmem:v24+s20+$0x0], $0xffff  }
0x254: {  	v24 =	vmul.f32 v28, v39;
	v28 =	vld.idx.msk [tilespmem:v31+s20+$0x0], $0xffff  }
0x255: {  	v54 =	vor.u32 v61, v38;
	v61 =	vor.u32 s29, v3;
	v31 =	vor.u32 s21, v3;
	v3 =	vld [tilespmem:$0x1FB50];
	_ =	sdelay $0x4  }
0x256: {  	v0 =	vcombine.low v0, v3;
	v3 =	vld [tilespmem:$0x1FBF0];
	_ =	sdelay $0x1  }
0x257: {  	v7 =	vor.u32 v5, v2;
	v30 =	vor.u32 s22, v57  }
0x258: {  	v29 =	vor.u32 v1, v51;
	_ =	sdelay $0x1  }
0x259: {  	v47 =	vld.idx.msk [tilespmem:v54+s20+$0x0], $0xffff;
	v20 =	vmul.f32 v20, v49;
	[tilespmem:v61+s19+$0x0] =	vst.idx.msk $0xffff, v24;
	v37 =	vor.u32 s24, v3  }
0x25a: {  	v19 =	vor.u32 v11, v2;
	v21 =	vor.u32 v14, v2;
	v26 =	vor.u32 v13, v2;
	v61 =	vld [tilespmem:$0x1FF20]  }
0x25b: {  	v22 =	vor.u32 v13, v4;
	v55 =	vld.idx.msk [tilespmem:v7+s20+$0x0], $0xffff;
	[tilespmem:v30+s19+$0x0] =	vst.idx.msk $0xffff, v20;
	v20 =	vmul.f32 v32, v48  }
0x25c: {  	v13 =	vor.u32 v0, v2;
	v2 =	vld.idx.msk [tilespmem:v29+s20+$0x0], $0xffff;
	v29 =	vmul.f32 v42, v41;
	[tilespmem:$0x1FB60] =	vst v0  }
0x25d: {  	[tilespmem:v31+s19+$0x0] =	vst.idx.msk $0xffff, v20  }
0x25e: {  	[tilespmem:v37+s19+$0x0] =	vst.idx.msk $0xffff, v29  }
0x25f: {  	v7 =	vor.u32 v0, v4;
	v0 =	vld [tilespmem:$0x1FE70]  }
0x260: {  	v8 =	vor.u32 v5, v4;
	v58 =	vor.u32 s25, v3  }
0x261: {  	v52 =	vor.u32 s23, v57;
	v57 =	vor.u32 v61, v43  }
0x262: {  	v30 =	vor.u32 v61, v44  }
0x263: {  	v27 =	vor.u32 v11, v4;
	v4 =	vor.u32 s29, v6;
	v20 =	vmul.f32 v28, v40  }
0x264: {  	v31 =	vmul.f32 v47, v50;
	v29 =	vor.u32 s22, v0  }
0x265: {  	v8 =	vld.idx.msk [tilespmem:v8+s20+$0x0], $0xffff;
	[tilespmem:v58+s19+$0x0] =	vst.idx.msk $0xffff, v20  }
0x266: {  	v42 =	vld.idx.msk [tilespmem:v57+s20+$0x0], $0xffff;
	v57 =	vmul.f32 v55, v39;
	[tilespmem:v52+s19+$0x0] =	vst.idx.msk $0xffff, v31  }
0x267: {  	v2 =	vmul.f32 v2, v49;
	v20 =	vor.u32 v15, v51;
	v30 =	vld.idx.msk [tilespmem:v30+s20+$0x0], $0xffff;
	[tilespmem:$0x1FB70] =	vst v15  }
0x268: {  	v28 =	vor.u32 s21, v6;
	[tilespmem:v4+s19+$0x0] =	vst.idx.msk $0xffff, v57  }
0x269: {  	v47 =	vor.u32 s24, v59;
	v61 =	vor.u32 v1, v38;
	[tilespmem:v29+s19+$0x0] =	vst.idx.msk $0xffff, v2  }
0x26a: {  	v31 =	vor.u32 s23, v0;
	v0 =	vld [tilespmem:$0x1FDA0]  }
0x26b: {  	v29 =	vmul.f32 v8, v48  }
0x26c: {  	s30 =	simm.s32 $0x70;
	s26 =	simm.s32 $0x60;
	v57 =	vld.idx.msk [tilespmem:v20+s20+$0x0], $0xffff;
	v20 =	vmul.f32 v42, v41  }
0x26d: {  	v53 =	vor.u32 s25, v59;
	v58 =	vmov s30;
	v4 =	vmov s26;
	v1 =	vld [tilespmem:$0x1FDC0];
	[tilespmem:v28+s19+$0x0] =	vst.idx.msk $0xffff, v29  }
0x26e: {  	v54 =	vor.u32 v46, v43;
	v32 =	vshll.u32 v58, $0x5;
	v55 =	vld.idx.msk [tilespmem:v61+s20+$0x0], $0xffff;
	v4 =	vshll.u32 v4, $0x5;
	[tilespmem:v47+s19+$0x0] =	vst.idx.msk $0xffff, v20  }
0x26f: {  	v2 =	vor.u32 v0, v4;
	v4 =	vor.u32 v0, v32;
	v0 =	vld [tilespmem:$0x1FE80]  }
0x270: {  	s31 =	sadd.s32 $0x20, s0;
	v61 =	vor.u32 v46, v44;
	v19 =	vld.idx.msk [tilespmem:v19+s20+$0x0], $0xffff  }
0x271: {  	v8 =	vld [tilespmem:s31+$0x0];
	v29 =	vmul.f32 v30, v40  }
0x272: {  	v30 =	vld.idx.msk [tilespmem:v27+s20+$0x0], $0xffff  }
0x273: {  	v47 =	vmul.f32 v55, v50;
	v54 =	vld.idx.msk [tilespmem:v54+s20+$0x0], $0xffff;
	v58 =	vor.u32 s29, v1;
	[tilespmem:v53+s19+$0x0] =	vst.idx.msk $0xffff, v29  }
0x274: {  	v59 =	vor.u32 v34, v2;
	v28 =	vor.u32 v34, v4;
	v34 =	vmovc v10;
	v10 =	vld [tilespmem:s31+$0xFFFFFFF0];
	v42 =	vor.u32 s22, v0  }
0x275: {  	v53 =	vld.idx.msk [tilespmem:v61+s20+$0x0], $0xffff;
	[tilespmem:$0x1FB80] =	vst v45  }
0x276: {  	v29 =	vmul.f32 v19, v39;
	[tilespmem:v31+s19+$0x0] =	vst.idx.msk $0xffff, v47  }
0x277: {  	v52 =	vor.u32 v15, v38;
	v31 =	vmul.f32 v57, v49;
	[tilespmem:$0x1FB90] =	vst v5  }
0x278: {  	[tilespmem:v58+s19+$0x0] =	vst.idx.msk $0xffff, v29  }
0x279: {  	v55 =	vor.u32 s21, v1;
	v1 =	vld [tilespmem:$0x1FF30];
	[tilespmem:v42+s19+$0x0] =	vst.idx.msk $0xffff, v31  }
0x27a: {  	v29 =	vor.u32 s24, v60;
	v42 =	vor.u32 s23, v0;
	v0 =	vld [tilespmem:$0x1FDD0];
	_ =	sdelay $0x1  }
0x27b: {  	v57 =	vor.u32 s25, v60;
	v30 =	vmul.f32 v30, v48;
	v47 =	vld.idx.msk [tilespmem:v52+s20+$0x0], $0xffff  }
0x27c: {  	s0 =	simm.s32 $0x300;
	v54 =	vmul.f32 v54, v41;
	v21 =	vld.idx.msk [tilespmem:v21+s20+$0x0], $0xffff  }
0x27d: {  	s28 =	sand.u32 $0xC00, s0;
	s6 =	sand.u32 $0x60, s26;
	v37 =	vor.u32 v45, v38;
	v61 =	vor.u32 v45, v51;
	v58 =	vld.idx.msk [tilespmem:v59+s20+$0x0], $0xffff;
	[tilespmem:v55+s19+$0x0] =	vst.idx.msk $0xffff, v30  }
0x27e: {  	s26 =	sor.u32 s6, s28;
	v53 =	vmul.f32 v53, v40;
	v52 =	vor.u32 v1, v43;
	v45 =	vld [tilespmem:$0x1FFE0];
	[tilespmem:v29+s19+$0x0] =	vst.idx.msk $0xffff, v54;
	v59 =	vor.u32 s29, v0  }
0x27f: {  	v31 =	vor.u32 v1, v44;
	v30 =	vor.u32 s26, v63;
	v1 =	vld [tilespmem:$0x1FBA0]  }
0x280: {  	v28 =	vld.idx.msk [tilespmem:v28+s20+$0x0], $0xffff;
	v47 =	vmul.f32 v47, v50;
	[tilespmem:v57+s19+$0x0] =	vst.idx.msk $0xffff, v53  }
0x281: {  	v20 =	vor.u32 v5, v51;
	v19 =	vor.u32 v5, v38;
	v21 =	vmul.f32 v21, v39;
	v5 =	vld [tilespmem:$0x1FE90]  }
0x282: {  	s7 =	sand.u32 $0x70, s30;
	v55 =	vld.idx.msk [tilespmem:v61+s20+$0x0], $0xffff;
	v58 =	vmul.f32 v58, v10;
	[tilespmem:v42+s19+$0x0] =	vst.idx.msk $0xffff, v47  }
0x283: {  	s28 =	sor.u32 s28, s7;
	v52 =	vld.idx.msk [tilespmem:v52+s20+$0x0], $0xffff;
	[tilespmem:v59+s19+$0x0] =	vst.idx.msk $0xffff, v21  }
0x284: {  	v29 =	vor.u32 s28, v63;
	v53 =	vor.u32 s21, v0;
	v0 =	vld [tilespmem:$0x1FDF0];
	[tilespmem:v30+s19+$0x0] =	vst.idx.msk $0xffff, v58  }
0x285: {  	v3 =	vld [tilespmem:$0x1FEE0]  }
0x286: {  	v31 =	vld.idx.msk [tilespmem:v31+s20+$0x0], $0xffff;
	v46 =	vor.u32 s22, v5  }
0x287: {  	v6 =	vmov v9;
	v32 =	vor.u32 v9, v2;
	v28 =	vmul.f32 v28, v8;
	v9 =	vld.idx.msk [tilespmem:v1+s20+$0x0], $0xffff  }
0x288: {  	v37 =	vld.idx.msk [tilespmem:v37+s20+$0x0], $0xffff;
	v60 =	vor.u32 v45, v2  }
0x289: {  	v55 =	vmul.f32 v55, v49;
	v61 =	vor.u32 v45, v4;
	v1 =	vld [tilespmem:$0x1FDE0];
	[tilespmem:v29+s19+$0x0] =	vst.idx.msk $0xffff, v28  }
0x28a: {  	v42 =	vor.u32 v36, v51;
	v30 =	vor.u32 s24, v3;
	v28 =	vor.u32 s25, v3;
	v3 =	vld [tilespmem:$0x1FEF0]  }
0x28b: {  	v26 =	vld.idx.msk [tilespmem:v26+s20+$0x0], $0xffff;
	[tilespmem:v46+s19+$0x0] =	vst.idx.msk $0xffff, v55  }
0x28c: {  	v9 =	vmul.f32 v9, v48;
	v46 =	vld [tilespmem:$0x1FFF0]  }
0x28d: {  	v59 =	vor.u32 s23, v5;
	v56 =	vld.idx.msk [tilespmem:v60+s20+$0x0], $0xffff  }
0x28e: {  	v52 =	vmul.f32 v52, v41;
	v54 =	vld.idx.msk [tilespmem:v61+s20+$0x0], $0xffff;
	[tilespmem:v53+s19+$0x0] =	vst.idx.msk $0xffff, v9;
	v9 =	vor.u32 v36, v38  }
0x28f: {  	v31 =	vmul.f32 v31, v40;
	v58 =	vor.u32 s29, v1;
	v42 =	vld.idx.msk [tilespmem:v42+s20+$0x0], $0xffff;
	[tilespmem:$0x1FBB0] =	vst v36;
	v29 =	vor.u32 v3, v43  }
0x290: {  	v37 =	vmul.f32 v37, v50;
	v60 =	vor.u32 v3, v44;
	v3 =	vld [tilespmem:$0x1FFC0];
	[tilespmem:v30+s19+$0x0] =	vst.idx.msk $0xffff, v52  }
0x291: {  	[tilespmem:v28+s19+$0x0] =	vst.idx.msk $0xffff, v31;
	v31 =	vld.idx.msk [tilespmem:v22+s20+$0x0], $0xffff;
	v61 =	vor.u32 s26, v46  }
0x292: {  	v22 =	vmul.f32 v26, v39;
	v27 =	vld [tilespmem:$0x1FEA0];
	[tilespmem:v59+s19+$0x0] =	vst.idx.msk $0xffff, v37  }
0x293: {  	v9 =	vld.idx.msk [tilespmem:v9+s20+$0x0], $0xffff  }
0x294: {  	v56 =	vmul.f32 v56, v10;
	[tilespmem:v58+s19+$0x0] =	vst.idx.msk $0xffff, v22;
	v29 =	vld.idx.msk [tilespmem:v29+s20+$0x0], $0xffff  }
0x295: {  	v37 =	vld.idx.msk [tilespmem:v60+s20+$0x0], $0xffff;
	[tilespmem:$0x1FBC0] =	vst v11  }
0x296: {  	[tilespmem:v61+s19+$0x0] =	vst.idx.msk $0xffff, v56  }
0x297: {  	v30 =	vor.u32 s21, v1;
	v1 =	vld [tilespmem:$0x1FF00];
	_ =	sdelay $0x2  }
0x298: {  	v47 =	vor.u32 s28, v46;
	v53 =	vor.u32 v3, v2  }
0x299: {  	v26 =	vor.u32 v3, v4;
	v28 =	vor.u32 s22, v27  }
0x29a: {  	v60 =	vor.u32 s24, v1;
	v57 =	vor.u32 s25, v1;
	v1 =	vld [tilespmem:$0x1FF10]  }
0x29b: {  	v54 =	vmul.f32 v54, v8  }
0x29c: {  	v36 =	vor.u32 v18, v51;
	v42 =	vmul.f32 v42, v49;
	v31 =	vmul.f32 v31, v48;
	v25 =	vld.idx.msk [tilespmem:v25+s20+$0x0], $0xffff  }
0x29d: {  	v15 =	vor.u32 s29, v0;
	v53 =	vld.idx.msk [tilespmem:v53+s20+$0x0], $0xffff;
	v37 =	vmul.f32 v37, v40;
	[tilespmem:v47+s19+$0x0] =	vst.idx.msk $0xffff, v54;
	v54 =	vor.u32 s23, v27  }
0x29e: {  	[tilespmem:v28+s19+$0x0] =	vst.idx.msk $0xffff, v42;
	v28 =	vmul.f32 v29, v41;
	v29 =	vor.u32 v18, v38;
	v26 =	vld.idx.msk [tilespmem:v26+s20+$0x0], $0xffff  }
0x29f: {  	v47 =	vor.u32 s26, v62;
	v58 =	vor.u32 v1, v43;
	v61 =	vor.u32 v1, v44;
	v1 =	vld [tilespmem:$0x1FFB0];
	[tilespmem:v30+s19+$0x0] =	vst.idx.msk $0xffff, v31  }
0x2a0: {  	v9 =	vmul.f32 v9, v50;
	v31 =	vor.u32 s28, v62;
	[tilespmem:v60+s19+$0x0] =	vst.idx.msk $0xffff, v28  }
0x2a1: {  	v25 =	vmul.f32 v25, v39;
	v55 =	vld.idx.msk [tilespmem:v36+s20+$0x0], $0xffff;
	[tilespmem:v57+s19+$0x0] =	vst.idx.msk $0xffff, v37  }
0x2a2: {  	v28 =	vmul.f32 v53, v10;
	[tilespmem:v54+s19+$0x0] =	vst.idx.msk $0xffff, v9;
	v60 =	vld.idx.msk [tilespmem:v35+s20+$0x0], $0xffff  }
0x2a3: {  	[tilespmem:v15+s19+$0x0] =	vst.idx.msk $0xffff, v25;
	v9 =	vmul.f32 v26, v8;
	v42 =	vld.idx.msk [tilespmem:v29+s20+$0x0], $0xffff  }
0x2a4: {  	[tilespmem:v47+s19+$0x0] =	vst.idx.msk $0xffff, v28;
	v28 =	vld.idx.msk [tilespmem:v13+s20+$0x0], $0xffff;
	v23 =	vor.u32 v1, v2  }
0x2a5: {  	v56 =	vor.u32 s22, v33;
	v27 =	vld [tilespmem:$0x1FC00];
	[tilespmem:v31+s19+$0x0] =	vst.idx.msk $0xffff, v9  }
0x2a6: {  	v30 =	vor.u32 s21, v0;
	v0 =	vld [tilespmem:$0x1FC10]  }
0x2a7: {  	v24 =	vor.u32 v1, v4;
	v1 =	vld.idx.msk [tilespmem:v58+s20+$0x0], $0xffff  }
0x2a8: {  	v25 =	vmul.f32 v55, v49;
	v53 =	vld.idx.msk [tilespmem:v61+s20+$0x0], $0xffff  }
0x2a9: {  	v57 =	vld.idx.msk [tilespmem:v23+s20+$0x0], $0xffff;
	[tilespmem:$0x1FBD0] =	vst v14  }
0x2aa: {  	[tilespmem:v56+s19+$0x0] =	vst.idx.msk $0xffff, v25  }
0x2ab: {  	v61 =	vor.u32 v16, v51;
	v55 =	vor.u32 v0, v43;
	v0 =	vld [tilespmem:$0x1FD90];
	_ =	sdelay $0x1  }
0x2ac: {  	v21 =	vor.u32 v11, v51;
	v52 =	vor.u32 v16, v38;
	v59 =	vor.u32 s26, v34  }
0x2ad: {  	v22 =	vor.u32 v11, v38;
	v11 =	vlaneseq.u32;
	v3 =	vmovc v12;
	v26 =	vor.u32 v14, v51  }
0x2ae: {  	v47 =	vor.u32 s23, v33;
	v9 =	vmovc v17;
	v31 =	vmul.f32 v60, v48;
	v23 =	vor.u32 v14, v38;
	v58 =	vld.idx.msk [tilespmem:v24+s20+$0x0], $0xffff  }
0x2af: {  	v54 =	vor.u32 s24, v27;
	v56 =	vmul.f32 v1, v41;
	v25 =	vmovc v17;
	v24 =	vmovc v17;
	v37 =	vld.idx.msk [tilespmem:v61+s20+$0x0], $0xffff;
	v29 =	vor.u32 s29, v0;
	s29 =	simm.s32 $0x6  }
.LBB2_8:
0x2b0: {  	v0 =	vld [tilespmem:$0x1FCD0]  }
0x2b1: {  	v35 =	vld [tilespmem:$0x1FAB0]  }
0x2b2: {  	v1 =	vld [tilespmem:$0x1FAC0]  }
0x2b3: {  	v5 =	vld [tilespmem:$0x1FAD0]  }
0x2b4: {  	v15 =	vld [tilespmem:$0x1FC20]  }
0x2b5: {  	v14 =	vld [tilespmem:$0x1FD90]  }
0x2b6: {  	v13 =	vld [tilespmem:$0x1FE20]  }
0x2b7: {  	v33 =	vld [tilespmem:$0x1FB50];
	[tilespmem:v54+s19+$0x0] =	vst.idx.msk $0xffff, v56  }
0x2b8: {  	[tilespmem:v30+s19+$0x0] =	vst.idx.msk $0xffff, v31;
	v54 =	vld.idx.msk [tilespmem:v55+s20+$0x0], $0xffff;
	v31 =	vmul.f32 v42, v50  }
0x2b9: {  	v28 =	vmul.f32 v28, v39;
	v30 =	vor.u32 s28, v34;
	v55 =	vor.u32 s25, v27;
	v27 =	vld [tilespmem:$0x1FB00]  }
0x2ba: {  	v12 =	vmov v62;
	v42 =	vor.u32 v6, v4;
	v62 =	vcombine.low v5, v1;
	v1 =	vld [tilespmem:$0x1FC10];
	[tilespmem:v47+s19+$0x0] =	vst.idx.msk $0xffff, v31  }
0x2bb: {  	v5 =	vmul.f32 v57, v10;
	v7 =	vld.idx.msk [tilespmem:v7+s20+$0x0], $0xffff  }
0x2bc: {  	[tilespmem:v29+s19+$0x0] =	vst.idx.msk $0xffff, v28;
	v60 =	vor.u32 s22, v0;
	v31 =	vmul.f32 v58, v8;
	v52 =	vld.idx.msk [tilespmem:v52+s20+$0x0], $0xffff  }
0x2bd: {  	v39 =	vmov v49;
	[tilespmem:v59+s19+$0x0] =	vst.idx.msk $0xffff, v5;
	v5 =	vld [tilespmem:$0x1FAF0]  }
0x2be: {  	v29 =	vmul.f32 v53, v40;
	v61 =	vor.u32 v35, v51;
	[tilespmem:v30+s19+$0x0] =	vst.idx.msk $0xffff, v31;
	v32 =	vld.idx.msk [tilespmem:v32+s20+$0x0], $0xffff  }
0x2bf: {  	v37 =	vmul.f32 v37, v39;
	v28 =	vor.u32 s21, v14;
	s21 =	smov.u32 s23;
	v42 =	vld.idx.msk [tilespmem:v42+s20+$0x0], $0xffff  }
0x2c0: {  	s23 =	smov.u32 s25;
	[tilespmem:v55+s19+$0x0] =	vst.idx.msk $0xffff, v29;
	v55 =	vor.u32 s21, v0;
	v0 =	vld [tilespmem:$0x1FF70]  }
0x2c1: {  	v47 =	vor.u32 s24, v15;
	v56 =	vor.u32 v1, v44;
	[tilespmem:v60+s19+$0x0] =	vst.idx.msk $0xffff, v37;
	v60 =	vor.u32 s23, v15;
	v15 =	vld [tilespmem:$0x1FE30]  }
0x2c2: {  	v49 =	vmov v41;
	v30 =	vor.u32 v13, v43;
	v29 =	vcombine.low v5, v27;
	v5 =	vld [tilespmem:$0x1FF80]  }
0x2c3: {  	v31 =	vmul.f32 v54, v49;
	v57 =	vld.idx.msk [tilespmem:v61+s20+$0x0], $0xffff  }
0x2c4: {  	s25 =	smov.u32 s28;
	v53 =	vor.u32 v35, v38;
	v7 =	vmul.f32 v7, v48;
	v36 =	vmul.f32 v52, v50;
	v48 =	vmovc v50;
	v50 =	vld [tilespmem:$0x1FE00]  }
0x2c5: {  	v41 =	vmov v10;
	v10 =	vor.u32 s26, v0;
	v58 =	vor.u32 s25, v0;
	v0 =	vld [tilespmem:$0x1FAE0]  }
0x2c6: {  	[tilespmem:v47+s19+$0x0] =	vst.idx.msk $0xffff, v31;
	v54 =	vld.idx.msk [tilespmem:v56+s20+$0x0], $0xffff  }
0x2c7: {  	v59 =	vld.idx.msk [tilespmem:v30+s20+$0x0], $0xffff;
	[tilespmem:v28+s19+$0x0] =	vst.idx.msk $0xffff, v7;
	v56 =	vor.u32 v5, v2  }
0x2c8: {  	v37 =	vor.u32 v62, v51;
	v27 =	vld [tilespmem:$0x1FE40];
	[tilespmem:v55+s19+$0x0] =	vst.idx.msk $0xffff, v36;
	v52 =	vor.u32 v5, v4  }
0x2c9: {  	v7 =	vmul.f32 v32, v41;
	v32 =	vor.u32 v13, v44;
	v61 =	vor.u32 s22, v50;
	v53 =	vld.idx.msk [tilespmem:v53+s20+$0x0], $0xffff  }
0x2ca: {  	v31 =	vor.u32 v62, v38;
	v42 =	vmul.f32 v42, v8;
	v5 =	vld [tilespmem:$0x1FFA0];
	v62 =	vor.u32 v0, v51  }
0x2cb: {  	[tilespmem:v10+s19+$0x0] =	vst.idx.msk $0xffff, v7;
	v55 =	vor.u32 v0, v38;
	v0 =	vld [tilespmem:$0x1FF90];
	v10 =	vmul.f32 v54, v40  }
0x2cc: {  	v36 =	vmul.f32 v57, v39;
	v7 =	vor.u32 s24, v15;
	[tilespmem:v58+s19+$0x0] =	vst.idx.msk $0xffff, v42;
	v54 =	vld.idx.msk [tilespmem:v56+s20+$0x0], $0xffff  }
0x2cd: {  	v52 =	vld.idx.msk [tilespmem:v52+s20+$0x0], $0xffff;
	[tilespmem:v60+s19+$0x0] =	vst.idx.msk $0xffff, v10  }
0x2ce: {  	v30 =	vor.u32 v29, v51;
	v10 =	vor.u32 s21, v50;
	[tilespmem:v61+s19+$0x0] =	vst.idx.msk $0xffff, v36;
	v32 =	vld.idx.msk [tilespmem:v32+s20+$0x0], $0xffff  }
0x2cf: {  	v28 =	vor.u32 v29, v38;
	v29 =	vor.u32 v27, v43;
	v60 =	vmul.f32 v59, v49;
	v42 =	vld.idx.msk [tilespmem:v62+s20+$0x0], $0xffff  }
0x2d0: {  	v62 =	vld [tilespmem:$0x1FB40];
	v59 =	vor.u32 s25, v0  }
0x2d1: {  	v13 =	vld [tilespmem:$0x1FE10];
	v56 =	vor.u32 s26, v0;
	[tilespmem:v7+s19+$0x0] =	vst.idx.msk $0xffff, v60;
	v7 =	vmul.f32 v53, v48;
	v53 =	vor.u32 v5, v4  }
0x2d2: {  	v34 =	vld [tilespmem:$0x1FE50];
	v50 =	vmovc v40;
	v40 =	vmov v8;
	v8 =	vor.u32 v5, v2;
	v60 =	vor.u32 s23, v15  }
0x2d3: {  	v61 =	vor.u32 v27, v44;
	v27 =	vld [tilespmem:$0x1FDB0];
	[tilespmem:v10+s19+$0x0] =	vst.idx.msk $0xffff, v7;
	v10 =	vmul.f32 v52, v40  }
0x2d4: {  	v57 =	vld.idx.msk [tilespmem:v29+s20+$0x0], $0xffff;
	v54 =	vmul.f32 v54, v41  }
0x2d5: {  	v36 =	vcombine.low v62, v33;
	v52 =	vld.idx.msk [tilespmem:v55+s20+$0x0], $0xffff;
	v0 =	vmul.f32 v32, v50;
	[tilespmem:v59+s19+$0x0] =	vst.idx.msk $0xffff, v10  }
0x2d6: {  	v62 =	vor.u32 s22, v13;
	[tilespmem:v56+s19+$0x0] =	vst.idx.msk $0xffff, v54;
	v47 =	vld.idx.msk [tilespmem:v53+s20+$0x0], $0xffff  }
0x2d7: {  	v29 =	vor.u32 v36, v51;
	v51 =	vor.u32 v24, v51;
	[tilespmem:v60+s19+$0x0] =	vst.idx.msk $0xffff, v0;
	v0 =	vld [tilespmem:$0x1FF60]  }
0x2d8: {  	v58 =	vor.u32 v24, v38;
	v7 =	vor.u32 v36, v38;
	v38 =	vor.u32 s24, v34;
	v8 =	vld.idx.msk [tilespmem:v8+s20+$0x0], $0xffff  }
0x2d9: {  	v10 =	vor.u32 v27, v43;
	v59 =	vmul.f32 v42, v39  }
0x2da: {  	v60 =	vor.u32 s26, v3  }
0x2db: {  	v5 =	vmul.f32 v57, v49;
	v55 =	vld.idx.msk [tilespmem:v61+s20+$0x0], $0xffff;
	[tilespmem:v62+s19+$0x0] =	vst.idx.msk $0xffff, v59  }
0x2dc: {  	v61 =	vmul.f32 v52, v48;
	v32 =	vor.u32 v0, v2;
	v51 =	vld.idx.msk [tilespmem:v51+s20+$0x0], $0xffff  }
0x2dd: {  	[tilespmem:v38+s19+$0x0] =	vst.idx.msk $0xffff, v5;
	v52 =	vor.u32 v0, v4;
	v8 =	vmul.f32 v8, v41;
	v0 =	vld [tilespmem:$0x1FCE0]  }
0x2de: {  	v10 =	vld.idx.msk [tilespmem:v10+s20+$0x0], $0xffff  }
0x2df: {  	v53 =	vor.u32 s21, v13;
	[tilespmem:v60+s19+$0x0] =	vst.idx.msk $0xffff, v8;
	v60 =	vld [tilespmem:$0x1FE60]  }
0x2e0: {  	v56 =	vor.u32 s25, v3;
	v24 =	vmovc v9;
	v9 =	vmov v25;
	v25 =	vor.u32 v27, v44;
	v27 =	vld [tilespmem:$0x1FD80]  }
0x2e1: {  	v5 =	vld [tilespmem:$0x1FBF0]  }
0x2e2: {  	v35 =	vld [tilespmem:$0x1FED0];
	v57 =	vor.u32 s23, v34  }
0x2e3: {  	v34 =	vld [tilespmem:$0x1FF40];
	v62 =	vmul.f32 v47, v40;
	v59 =	vor.u32 s22, v0  }
0x2e4: {  	[tilespmem:v53+s19+$0x0] =	vst.idx.msk $0xffff, v61;
	v32 =	vld.idx.msk [tilespmem:v32+s20+$0x0], $0xffff;
	v8 =	vor.u32 s24, v60  }
0x2e5: {  	v38 =	vor.u32 v27, v43;
	v47 =	vld.idx.msk [tilespmem:v58+s20+$0x0], $0xffff;
	v61 =	vmul.f32 v55, v50;
	[tilespmem:v56+s19+$0x0] =	vst.idx.msk $0xffff, v62  }
0x2e6: {  	v51 =	vmul.f32 v51, v39;
	v52 =	vld.idx.msk [tilespmem:v52+s20+$0x0], $0xffff;
	v62 =	vor.u32 s26, v5  }
0x2e7: {  	[tilespmem:v57+s19+$0x0] =	vst.idx.msk $0xffff, v61;
	v53 =	vor.u32 s21, v0;
	v0 =	vld [tilespmem:$0x1FF20];
	v10 =	vmul.f32 v10, v49  }
0x2e8: {  	v25 =	vld.idx.msk [tilespmem:v25+s20+$0x0], $0xffff;
	[tilespmem:v59+s19+$0x0] =	vst.idx.msk $0xffff, v51  }
0x2e9: {  	v32 =	vmul.f32 v32, v41;
	v20 =	vld.idx.msk [tilespmem:v20+s20+$0x0], $0xffff;
	[tilespmem:v8+s19+$0x0] =	vst.idx.msk $0xffff, v10  }
0x2ea: {  	v38 =	vld.idx.msk [tilespmem:v38+s20+$0x0], $0xffff  }
0x2eb: {  	v61 =	vor.u32 s25, v5;
	v56 =	vor.u32 s23, v60;
	[tilespmem:v62+s19+$0x0] =	vst.idx.msk $0xffff, v32;
	v62 =	vld [tilespmem:$0x1FE70]  }
0x2ec: {  	v60 =	vor.u32 v0, v2;
	v8 =	vmul.f32 v47, v48;
	v47 =	vor.u32 v27, v44;
	v27 =	vld [tilespmem:$0x1FB70]  }
0x2ed: {  	v15 =	vld [tilespmem:$0x1FDC0];
	v10 =	vor.u32 v0, v4  }
0x2ee: {  	v36 =	vor.u32 s22, v34;
	v5 =	vld [tilespmem:$0x1FB80]  }
0x2ef: {  	v0 =	vld [tilespmem:$0x1FEB0];
	[tilespmem:v53+s19+$0x0] =	vst.idx.msk $0xffff, v8;
	v8 =	vmul.f32 v52, v40  }
0x2f0: {  	v25 =	vmul.f32 v25, v50;
	v19 =	vld.idx.msk [tilespmem:v19+s20+$0x0], $0xffff;
	v32 =	vor.u32 s24, v62  }
0x2f1: {  	v53 =	vld.idx.msk [tilespmem:v60+s20+$0x0], $0xffff;
	[tilespmem:v61+s19+$0x0] =	vst.idx.msk $0xffff, v8;
	v20 =	vmul.f32 v20, v39;
	v8 =	vor.u32 v27, v43  }
0x2f2: {  	v55 =	vld.idx.msk [tilespmem:v10+s20+$0x0], $0xffff;
	[tilespmem:v56+s19+$0x0] =	vst.idx.msk $0xffff, v25  }
0x2f3: {  	v54 =	vor.u32 s21, v34;
	v10 =	vmul.f32 v38, v49;
	v61 =	vld.idx.msk [tilespmem:v47+s20+$0x0], $0xffff;
	[tilespmem:v36+s19+$0x0] =	vst.idx.msk $0xffff, v20  }
0x2f4: {  	v57 =	vor.u32 s25, v0;
	v21 =	vld.idx.msk [tilespmem:v21+s20+$0x0], $0xffff  }
0x2f5: {  	v59 =	vor.u32 v27, v44;
	v27 =	vmov v63;
	v63 =	vor.u32 v35, v4;
	[tilespmem:v32+s19+$0x0] =	vst.idx.msk $0xffff, v10;
	v10 =	vld [tilespmem:$0x1FDA0]  }
0x2f6: {  	s31 =	sadd.s32 $0x20, s31;
	v19 =	vmul.f32 v19, v48;
	v34 =	vld.idx.msk [tilespmem:v8+s20+$0x0], $0xffff  }
0x2f7: {  	s30 =	sadd.s32 $0x20, s30;
	v56 =	vor.u32 s23, v62;
	v33 =	vmul.f32 v55, v40;
	v8 =	vld [tilespmem:s31+$0x0]  }
0x2f8: {  	s6 =	sadd.s32 $0xFFFFFFF0, s30;
	v42 =	vor.u32 s22, v15;
	v58 =	vor.u32 s26, v0;
	[tilespmem:v54+s19+$0x0] =	vst.idx.msk $0xffff, v19;
	v54 =	vor.u32 s21, v15;
	v15 =	vld [tilespmem:$0x1FB90]  }
0x2f9: {  	v60 =	vor.u32 v35, v2;
	v20 =	vmov s6;
	v62 =	vmov s30;
	v22 =	vld.idx.msk [tilespmem:v22+s20+$0x0], $0xffff;
	[tilespmem:v57+s19+$0x0] =	vst.idx.msk $0xffff, v33  }
0x2fa: {  	v51 =	vmovc v43;
	v20 =	vshll.u32 v20, $0x5;
	v0 =	vshll.u32 v62, $0x5;
	v19 =	vmul.f32 v61, v50;
	v57 =	vld.idx.msk [tilespmem:v63+s20+$0x0], $0xffff  }
0x2fb: {  	v43 =	vmovc v2;
	v2 =	vor.u32 v10, v20;
	v62 =	vor.u32 v10, v0;
	v20 =	vmul.f32 v53, v41;
	v10 =	vld [tilespmem:s31+$0xFFFFFFF0]  }
0x2fc: {  	v38 =	vmov v44;
	[tilespmem:v56+s19+$0x0] =	vst.idx.msk $0xffff, v19;
	v0 =	vld [tilespmem:$0x1FE80]  }
0x2fd: {  	v19 =	vor.u32 v15, v38;
	[tilespmem:v58+s19+$0x0] =	vst.idx.msk $0xffff, v20;
	v20 =	vor.u32 v15, v51;
	v15 =	vld [tilespmem:$0x1FEC0]  }
0x2fe: {  	v52 =	vor.u32 v5, v44;
	v44 =	vmov v4;
	v4 =	vld [tilespmem:$0x1FF30]  }
0x2ff: {  	v33 =	vld [tilespmem:$0x1FBB0]  }
0x300: {  	v21 =	vmul.f32 v21, v39;
	v56 =	vld.idx.msk [tilespmem:v59+s20+$0x0], $0xffff;
	v36 =	vor.u32 v11, v62  }
0x301: {  	v35 =	vor.u32 v11, v2;
	v55 =	vld.idx.msk [tilespmem:v60+s20+$0x0], $0xffff;
	v53 =	vor.u32 s24, v0  }
0x302: {  	[tilespmem:v42+s19+$0x0] =	vst.idx.msk $0xffff, v21;
	v21 =	vor.u32 s26, v15;
	v59 =	vor.u32 s25, v15;
	v15 =	vld [tilespmem:$0x1FDD0]  }
0x303: {  	v58 =	vor.u32 v5, v51;
	v22 =	vmul.f32 v22, v48;
	v26 =	vld.idx.msk [tilespmem:v26+s20+$0x0], $0xffff  }
0x304: {  	v34 =	vmul.f32 v34, v49;
	v60 =	vor.u32 s23, v0;
	v0 =	vld [tilespmem:$0x1FE90]  }
0x305: {  	s0 =	sadd.s32 $0x100, s0;
	v36 =	vld.idx.msk [tilespmem:v36+s20+$0x0], $0xffff;
	[tilespmem:v54+s19+$0x0] =	vst.idx.msk $0xffff, v22  }
0x306: {  	s28 =	sand.u32 $0xC00, s0;
	s6 =	sand.u32 $0x60, s6;
	v35 =	vld.idx.msk [tilespmem:v35+s20+$0x0], $0xffff;
	v55 =	vmul.f32 v55, v41;
	[tilespmem:v53+s19+$0x0] =	vst.idx.msk $0xffff, v34;
	v53 =	vor.u32 v4, v44  }
0x307: {  	s6 =	sor.u32 s6, s28;
	v63 =	vmovc v27;
	v42 =	vor.u32 v4, v43;
	v57 =	vmul.f32 v57, v40;
	v23 =	vld.idx.msk [tilespmem:v23+s20+$0x0], $0xffff;
	v34 =	vor.u32 s22, v15  }
0x308: {  	v61 =	vor.u32 s6, v63;
	v58 =	vld.idx.msk [tilespmem:v58+s20+$0x0], $0xffff;
	[tilespmem:v21+s19+$0x0] =	vst.idx.msk $0xffff, v55  }
0x309: {  	v26 =	vmul.f32 v26, v39;
	v21 =	vmul.f32 v56, v50;
	[tilespmem:v59+s19+$0x0] =	vst.idx.msk $0xffff, v57;
	v59 =	vld [tilespmem:$0x1FEE0]  }
0x30a: {  	v4 =	vmovc v62;
	v62 =	vor.u32 v45, v2;
	v22 =	vor.u32 s21, v15;
	v55 =	vor.u32 s24, v0;
	v15 =	vld [tilespmem:$0x1FDE0]  }
0x30b: {  	v35 =	vmul.f32 v35, v10;
	v57 =	vor.u32 v33, v51;
	v53 =	vld.idx.msk [tilespmem:v53+s20+$0x0], $0xffff;
	[tilespmem:v60+s19+$0x0] =	vst.idx.msk $0xffff, v21  }
0x30c: {  	s7 =	sand.u32 $0x70, s30;
	v42 =	vld.idx.msk [tilespmem:v42+s20+$0x0], $0xffff;
	[tilespmem:v34+s19+$0x0] =	vst.idx.msk $0xffff, v26  }
0x30d: {  	s28 =	sor.u32 s28, s7;
	v60 =	vld [tilespmem:$0x1FEF0];
	v34 =	vmul.f32 v58, v49;
	[tilespmem:v61+s19+$0x0] =	vst.idx.msk $0xffff, v35  }
0x30e: {  	v54 =	vor.u32 s28, v63;
	v35 =	vld.idx.msk [tilespmem:v37+s20+$0x0], $0xffff  }
0x30f: {  	v58 =	vld.idx.msk [tilespmem:v62+s20+$0x0], $0xffff;
	[tilespmem:v55+s19+$0x0] =	vst.idx.msk $0xffff, v34  }
0x310: {  	v56 =	vor.u32 v45, v4;
	v55 =	vld.idx.msk [tilespmem:v57+s20+$0x0], $0xffff  }
0x311: {  	v36 =	vmul.f32 v36, v8;
	v57 =	vor.u32 v33, v38;
	v33 =	vld [tilespmem:$0x1FFC0]  }
0x312: {  	v13 =	vld [tilespmem:$0x1FDF0];
	v26 =	vor.u32 s26, v59  }
0x313: {  	v52 =	vld.idx.msk [tilespmem:v52+s20+$0x0], $0xffff;
	[tilespmem:v54+s19+$0x0] =	vst.idx.msk $0xffff, v36;
	v54 =	vor.u32 s25, v59  }
0x314: {  	v5 =	vld [tilespmem:$0x1FBC0];
	v23 =	vmul.f32 v23, v48;
	v37 =	vor.u32 s22, v15;
	v36 =	vor.u32 v60, v43  }
0x315: {  	v56 =	vld.idx.msk [tilespmem:v56+s20+$0x0], $0xffff;
	v42 =	vmul.f32 v42, v41;
	v34 =	vor.u32 s6, v46;
	v60 =	vor.u32 v60, v44  }
0x316: {  	v59 =	vor.u32 s23, v0;
	[tilespmem:v22+s19+$0x0] =	vst.idx.msk $0xffff, v23;
	v0 =	vld [tilespmem:$0x1FEA0];
	v53 =	vmul.f32 v53, v40;
	v61 =	vor.u32 v33, v2  }
0x317: {  	v31 =	vld.idx.msk [tilespmem:v31+s20+$0x0], $0xffff;
	[tilespmem:v26+s19+$0x0] =	vst.idx.msk $0xffff, v42;
	v35 =	vmul.f32 v35, v39  }
0x318: {  	v23 =	vor.u32 s21, v15;
	v15 =	vld [tilespmem:$0x1FF00];
	[tilespmem:v54+s19+$0x0] =	vst.idx.msk $0xffff, v53;
	v42 =	vor.u32 v33, v4;
	v33 =	vmul.f32 v58, v10  }
0x319: {  	v36 =	vld.idx.msk [tilespmem:v36+s20+$0x0], $0xffff;
	[tilespmem:v37+s19+$0x0] =	vst.idx.msk $0xffff, v35  }
0x31a: {  	v62 =	vor.u32 s28, v46;
	v53 =	vld.idx.msk [tilespmem:v60+s20+$0x0], $0xffff;
	[tilespmem:v34+s19+$0x0] =	vst.idx.msk $0xffff, v33  }
0x31b: {  	v22 =	vmul.f32 v52, v50;
	v26 =	vor.u32 s24, v0;
	v33 =	vmul.f32 v55, v49;
	v55 =	vld.idx.msk [tilespmem:v61+s20+$0x0], $0xffff  }
0x31c: {  	v21 =	vor.u32 v5, v51;
	v61 =	vld [tilespmem:$0x1FF10]  }
0x31d: {  	v56 =	vmul.f32 v56, v8;
	[tilespmem:v59+s19+$0x0] =	vst.idx.msk $0xffff, v22;
	v22 =	vor.u32 v5, v38;
	v5 =	vld [tilespmem:$0x1FFB0]  }
0x31e: {  	v54 =	vor.u32 v18, v51;
	v57 =	vld.idx.msk [tilespmem:v57+s20+$0x0], $0xffff  }
0x31f: {  	[tilespmem:v62+s19+$0x0] =	vst.idx.msk $0xffff, v56;
	v34 =	vor.u32 s26, v15;
	v52 =	vld.idx.msk [tilespmem:v30+s20+$0x0], $0xffff  }
0x320: {  	v47 =	vor.u32 s22, v13;
	v35 =	vor.u32 s25, v15;
	v62 =	vmovc v12;
	[tilespmem:v26+s19+$0x0] =	vst.idx.msk $0xffff, v33;
	v26 =	vor.u32 s23, v0;
	v0 =	vld [tilespmem:$0x1FF50]  }
0x321: {  	v27 =	vld [tilespmem:$0x1FC00];
	v59 =	vor.u32 s6, v62;
	v30 =	vmul.f32 v31, v48;
	v56 =	vor.u32 v61, v43  }
0x322: {  	v42 =	vld.idx.msk [tilespmem:v42+s20+$0x0], $0xffff;
	v31 =	vor.u32 v5, v2;
	v36 =	vmul.f32 v36, v41;
	v12 =	vor.u32 v61, v44  }
0x323: {  	v53 =	vmul.f32 v53, v40;
	[tilespmem:v23+s19+$0x0] =	vst.idx.msk $0xffff, v30;
	v30 =	vor.u32 s21, v13;
	v37 =	vld.idx.msk [tilespmem:v54+s20+$0x0], $0xffff  }
0x324: {  	v13 =	vmul.f32 v57, v50;
	v60 =	vld.idx.msk [tilespmem:v28+s20+$0x0], $0xffff;
	[tilespmem:v34+s19+$0x0] =	vst.idx.msk $0xffff, v36;
	v28 =	vmul.f32 v52, v39  }
0x325: {  	[tilespmem:v35+s19+$0x0] =	vst.idx.msk $0xffff, v53;
	v34 =	vor.u32 s24, v0;
	v61 =	vor.u32 v5, v4;
	v57 =	vmul.f32 v55, v10;
	v5 =	vld [tilespmem:$0x1FBD0]  }
0x326: {  	v56 =	vld.idx.msk [tilespmem:v56+s20+$0x0], $0xffff;
	[tilespmem:v47+s19+$0x0] =	vst.idx.msk $0xffff, v28  }
0x327: {  	v53 =	vld.idx.msk [tilespmem:v12+s20+$0x0], $0xffff;
	[tilespmem:v59+s19+$0x0] =	vst.idx.msk $0xffff, v57  }
0x328: {  	v23 =	vor.u32 s28, v62;
	v54 =	vor.u32 v18, v38;
	v47 =	vmul.f32 v37, v49;
	v28 =	vld.idx.msk [tilespmem:v29+s20+$0x0], $0xffff  }
0x329: {  	s29 =	sadd.s32 $0x2, s29;
	v57 =	vld.idx.msk [tilespmem:v31+s20+$0x0], $0xffff  }
0x32a: {  	p2 =	slt.u32 s29, $0x1E;
	v12 =	vor.u32 v16, v51;
	[tilespmem:v34+s19+$0x0] =	vst.idx.msk $0xffff, v47;
	v34 =	vld [tilespmem:$0x1FBE0]  }
.Ltmp7:
0x32b: {  	[tilespmem:v26+s19+$0x0] =	vst.idx.msk $0xffff, v13;
	v13 =	vmul.f32 v42, v8;
	(pc) =	sbr.rel @p2 .LBB2_8-.Ltmp7, $4  }
0x32c: {  	v32 =	vor.u32 v6, v2;
	v52 =	vor.u32 v16, v38;
	v55 =	vor.u32 v1, v43  }
0x32d: {  	v26 =	vor.u32 v5, v51;
	v42 =	vld.idx.msk [tilespmem:v54+s20+$0x0], $0xffff;
	v54 =	vor.u32 s26, v27;
	[tilespmem:v23+s19+$0x0] =	vst.idx.msk $0xffff, v13  }
0x32e: {  	v23 =	vor.u32 v5, v38;
	v47 =	vor.u32 s23, v0;
	v29 =	vor.u32 s22, v14;
	s22 =	smov.u32 s24;
	s24 =	smov.u32 s26;
	s26 =	smov.u32 s6;
	v58 =	vld.idx.msk [tilespmem:v61+s20+$0x0], $0xffff  }
0x32f: {  	v25 =	vmovc v17;
	v31 =	vmul.f32 v60, v48;
	v56 =	vmul.f32 v56, v41;
	v37 =	vld.idx.msk [tilespmem:v12+s20+$0x0], $0xffff;
	v59 =	vor.u32 s26, v34  }
0x330: {  	v11 =	vor.u32 s28, v34;
	_ =	sdelay $0x1  }
0x331: {  	v13 =	vmul.f32 v57, v10  }
0x332: {  	v14 =	vmul.f32 v58, v8  }
0x333: {  	[tilespmem:v59+s19+$0x0] =	vst.idx.msk $0xffff, v13  }
0x334: {  	v12 =	vor.u32 v6, v4;
	[tilespmem:v11+s19+$0x0] =	vst.idx.msk $0xffff, v14  }
0x335: {  	v1 =	vld [tilespmem:$0x1FF70];
	_ =	sdelay $0x2  }
0x336: {  	v13 =	vld.idx.msk [tilespmem:v32+s20+$0x0], $0xffff  }
0x337: {  	v11 =	vld.idx.msk [tilespmem:v12+s20+$0x0], $0xffff  }
0x338: {  	v0 =	vld [tilespmem:$0x1FF80];
	v12 =	vor.u32 s26, v1  }
0x339: {  	v15 =	vor.u32 s28, v1;
	_ =	sdelay $0x1  }
0x33a: {  	v13 =	vmul.f32 v13, v10  }
0x33b: {  	v11 =	vmul.f32 v11, v8  }
0x33c: {  	v14 =	vor.u32 v0, v2;
	[tilespmem:v12+s19+$0x0] =	vst.idx.msk $0xffff, v13  }
0x33d: {  	v16 =	vor.u32 v0, v4;
	[tilespmem:v15+s19+$0x0] =	vst.idx.msk $0xffff, v11  }
0x33e: {  	v58 =	vld [tilespmem:$0x1FF90]  }
0x33f: {  	v59 =	vld [tilespmem:$0x1FFA0];
	_ =	sdelay $0x1  }
0x340: {  	v12 =	vld.idx.msk [tilespmem:v14+s20+$0x0], $0xffff  }
0x341: {  	v11 =	vld.idx.msk [tilespmem:v16+s20+$0x0], $0xffff  }
0x342: {  	v13 =	vor.u32 s26, v58  }
0x343: {  	v14 =	vor.u32 v59, v2;
	v15 =	vor.u32 s28, v58  }
0x344: {  	v16 =	vor.u32 v59, v4  }
0x345: {  	v12 =	vmul.f32 v12, v10  }
0x346: {  	v11 =	vmul.f32 v11, v8  }
0x347: {  	[tilespmem:v13+s19+$0x0] =	vst.idx.msk $0xffff, v12  }
0x348: {  	[tilespmem:v15+s19+$0x0] =	vst.idx.msk $0xffff, v11;
	v12 =	vld.idx.msk [tilespmem:v14+s20+$0x0], $0xffff  }
0x349: {  	v11 =	vld.idx.msk [tilespmem:v16+s20+$0x0], $0xffff  }
0x34a: {  	v13 =	vor.u32 s26, v3;
	v60 =	vld [tilespmem:$0x1FF60]  }
0x34b: {  	v15 =	vor.u32 s28, v3;
	_ =	sdelay $0x1  }
0x34c: {  	v12 =	vmul.f32 v12, v10  }
0x34d: {  	v11 =	vmul.f32 v11, v8  }
0x34e: {  	v14 =	vor.u32 v60, v2;
	[tilespmem:v13+s19+$0x0] =	vst.idx.msk $0xffff, v12  }
0x34f: {  	v16 =	vor.u32 v60, v4;
	[tilespmem:v15+s19+$0x0] =	vst.idx.msk $0xffff, v11  }
0x350: {  	v61 =	vld [tilespmem:$0x1FBF0];
	_ =	sdelay $0x2  }
0x351: {  	v12 =	vld.idx.msk [tilespmem:v14+s20+$0x0], $0xffff  }
0x352: {  	v11 =	vld.idx.msk [tilespmem:v16+s20+$0x0], $0xffff  }
0x353: {  	v32 =	vld [tilespmem:$0x1FF20];
	v13 =	vor.u32 s26, v61  }
0x354: {  	v15 =	vor.u32 s28, v61;
	_ =	sdelay $0x1  }
0x355: {  	v12 =	vmul.f32 v12, v10  }
0x356: {  	v11 =	vmul.f32 v11, v8  }
0x357: {  	v14 =	vor.u32 v32, v2;
	[tilespmem:v13+s19+$0x0] =	vst.idx.msk $0xffff, v12  }
0x358: {  	v16 =	vor.u32 v32, v4;
	[tilespmem:v15+s19+$0x0] =	vst.idx.msk $0xffff, v11  }
0x359: {  	v33 =	vld [tilespmem:$0x1FEB0];
	_ =	sdelay $0x2  }
0x35a: {  	v12 =	vld.idx.msk [tilespmem:v14+s20+$0x0], $0xffff  }
0x35b: {  	v11 =	vld.idx.msk [tilespmem:v16+s20+$0x0], $0xffff  }
0x35c: {  	v34 =	vld [tilespmem:$0x1FED0];
	v13 =	vor.u32 s26, v33  }
0x35d: {  	v14 =	vor.u32 s28, v33;
	_ =	sdelay $0x1  }
0x35e: {  	v12 =	vmul.f32 v12, v10  }
0x35f: {  	v11 =	vmul.f32 v11, v8  }
0x360: {  	v15 =	vor.u32 v34, v2;
	[tilespmem:v13+s19+$0x0] =	vst.idx.msk $0xffff, v12  }
0x361: {  	v16 =	vor.u32 v34, v4;
	[tilespmem:v14+s19+$0x0] =	vst.idx.msk $0xffff, v11  }
0x362: {  	v35 =	vld [tilespmem:$0x1FEC0];
	_ =	sdelay $0x2  }
0x363: {  	v12 =	vld.idx.msk [tilespmem:v15+s20+$0x0], $0xffff  }
0x364: {  	v11 =	vld.idx.msk [tilespmem:v16+s20+$0x0], $0xffff  }
0x365: {  	v36 =	vld [tilespmem:$0x1FF30];
	v13 =	vor.u32 s26, v35  }
0x366: {  	v15 =	vor.u32 s28, v35;
	_ =	sdelay $0x1  }
0x367: {  	v12 =	vmul.f32 v12, v10  }
0x368: {  	v11 =	vmul.f32 v11, v8  }
0x369: {  	v14 =	vor.u32 v36, v2;
	[tilespmem:v13+s19+$0x0] =	vst.idx.msk $0xffff, v12  }
0x36a: {  	v16 =	vor.u32 v36, v4;
	[tilespmem:v15+s19+$0x0] =	vst.idx.msk $0xffff, v11  }
0x36b: {  	v57 =	vld [tilespmem:$0x1FEE0];
	_ =	sdelay $0x2  }
0x36c: {  	v12 =	vld.idx.msk [tilespmem:v14+s20+$0x0], $0xffff  }
0x36d: {  	v11 =	vld.idx.msk [tilespmem:v16+s20+$0x0], $0xffff  }
0x36e: {  	v58 =	vld [tilespmem:$0x1FEF0];
	v13 =	vor.u32 s26, v57  }
0x36f: {  	v15 =	vor.u32 s28, v57;
	_ =	sdelay $0x1  }
0x370: {  	v12 =	vmul.f32 v12, v10  }
0x371: {  	v11 =	vmul.f32 v11, v8  }
0x372: {  	v14 =	vor.u32 v58, v2;
	[tilespmem:v13+s19+$0x0] =	vst.idx.msk $0xffff, v12  }
0x373: {  	[tilespmem:v15+s19+$0x0] =	vst.idx.msk $0xffff, v11  }
0x374: {  	v16 =	vor.u32 v58, v4;
	v59 =	vld [tilespmem:$0x1FF00]  }
0x375: {  	v60 =	vld [tilespmem:$0x1FF10];
	_ =	sdelay $0x1  }
0x376: {  	v12 =	vld.idx.msk [tilespmem:v14+s20+$0x0], $0xffff;
	_ =	sdelay $0x1  }
0x377: {  	v11 =	vld.idx.msk [tilespmem:v16+s20+$0x0], $0xffff;
	v13 =	vor.u32 s26, v59  }
0x378: {  	v15 =	vor.u32 v60, v2  }
0x379: {  	v14 =	vor.u32 s28, v59  }
0x37a: {  	v12 =	vmul.f32 v12, v10;
	_ =	sdelay $0x1  }
0x37b: {  	v11 =	vmul.f32 v11, v8;
	[tilespmem:v13+s19+$0x0] =	vst.idx.msk $0xffff, v12  }
0x37c: {  	v12 =	vld.idx.msk [tilespmem:v15+s20+$0x0], $0xffff  }
0x37d: {  	v16 =	vor.u32 v60, v4;
	[tilespmem:v14+s19+$0x0] =	vst.idx.msk $0xffff, v11;
	v11 =	vor.u32 s25, v27  }
0x37e: {  	v61 =	vld [tilespmem:$0x1FC10];
	v15 =	vor.u32 s26, v27;
	_ =	sdelay $0x1  }
0x37f: {  	v18 =	vmul.f32 v53, v40  }
0x380: {  	[tilespmem:v54+s19+$0x0] =	vst.idx.msk $0xffff, v56;
	v12 =	vmul.f32 v12, v10  }
0x381: {  	v13 =	vld.idx.msk [tilespmem:v16+s20+$0x0], $0xffff;
	[tilespmem:v11+s19+$0x0] =	vst.idx.msk $0xffff, v18  }
0x382: {  	v54 =	vld.idx.msk [tilespmem:v55+s20+$0x0], $0xffff;
	v14 =	vor.u32 v61, v44;
	[tilespmem:v15+s19+$0x0] =	vst.idx.msk $0xffff, v12  }
0x383: {  	v36 =	vor.u32 s28, v27;
	v16 =	vor.u32 v61, v2;
	v55 =	vld [tilespmem:$0x1FC20];
	_ =	sdelay $0x1  }
0x384: {  	v27 =	vor.u32 v61, v4  }
0x385: {  	v11 =	vmul.f32 v13, v8  }
0x386: {  	v13 =	vld.idx.msk [tilespmem:v14+s20+$0x0], $0xffff  }
0x387: {  	[tilespmem:v36+s19+$0x0] =	vst.idx.msk $0xffff, v11;
	v14 =	vld.idx.msk [tilespmem:v16+s20+$0x0], $0xffff;
	v12 =	vor.u32 s24, v55  }
0x388: {  	v56 =	vld [tilespmem:$0x1FE20];
	v15 =	vor.u32 s25, v55  }
0x389: {  	v16 =	vld.idx.msk [tilespmem:v27+s20+$0x0], $0xffff;
	v18 =	vor.u32 s26, v55  }
0x38a: {  	v27 =	vmul.f32 v54, v41  }
0x38b: {  	v58 =	vor.u32 s28, v55;
	v13 =	vmul.f32 v13, v40  }
0x38c: {  	[tilespmem:v12+s19+$0x0] =	vst.idx.msk $0xffff, v27;
	v12 =	vmul.f32 v14, v10  }
0x38d: {  	v11 =	vor.u32 v56, v43;
	[tilespmem:v15+s19+$0x0] =	vst.idx.msk $0xffff, v13  }
0x38e: {  	v36 =	vor.u32 v56, v44;
	v13 =	vmul.f32 v16, v8;
	[tilespmem:v18+s19+$0x0] =	vst.idx.msk $0xffff, v12  }
0x38f: {  	v57 =	vor.u32 v56, v2;
	v55 =	vld [tilespmem:$0x1FE30]  }
0x390: {  	[tilespmem:v58+s19+$0x0] =	vst.idx.msk $0xffff, v13  }
0x391: {  	v35 =	vor.u32 v56, v4;
	v59 =	vld [tilespmem:$0x1FE40]  }
0x392: {  	v11 =	vld.idx.msk [tilespmem:v11+s20+$0x0], $0xffff  }
0x393: {  	v14 =	vld.idx.msk [tilespmem:v36+s20+$0x0], $0xffff  }
0x394: {  	v15 =	vld.idx.msk [tilespmem:v57+s20+$0x0], $0xffff;
	v12 =	vor.u32 s24, v55  }
0x395: {  	v16 =	vor.u32 s25, v55  }
0x396: {  	v60 =	vld.idx.msk [tilespmem:v35+s20+$0x0], $0xffff;
	v27 =	vor.u32 s26, v55;
	v13 =	vor.u32 v59, v43  }
0x397: {  	v11 =	vmul.f32 v11, v41  }
0x398: {  	v14 =	vmul.f32 v14, v40;
	v53 =	vor.u32 s28, v55  }
0x399: {  	[tilespmem:v12+s19+$0x0] =	vst.idx.msk $0xffff, v11;
	v11 =	vmul.f32 v15, v10  }
0x39a: {  	[tilespmem:v16+s19+$0x0] =	vst.idx.msk $0xffff, v14  }
0x39b: {  	v18 =	vor.u32 v59, v44;
	v12 =	vld.idx.msk [tilespmem:v13+s20+$0x0], $0xffff;
	v13 =	vmul.f32 v60, v8;
	[tilespmem:v27+s19+$0x0] =	vst.idx.msk $0xffff, v11  }
0x39c: {  	v61 =	vor.u32 v59, v2;
	v56 =	vld [tilespmem:$0x1FE50]  }
0x39d: {  	[tilespmem:v53+s19+$0x0] =	vst.idx.msk $0xffff, v13  }
0x39e: {  	v54 =	vor.u32 v59, v4;
	v57 =	vld [tilespmem:$0x1FDB0];
	_ =	sdelay $0x1  }
0x39f: {  	v14 =	vld.idx.msk [tilespmem:v18+s20+$0x0], $0xffff  }
0x3a0: {  	v15 =	vld.idx.msk [tilespmem:v61+s20+$0x0], $0xffff;
	v11 =	vor.u32 s24, v56  }
0x3a1: {  	v16 =	vor.u32 s25, v56  }
0x3a2: {  	v58 =	vld.idx.msk [tilespmem:v54+s20+$0x0], $0xffff;
	v27 =	vor.u32 s26, v56;
	v13 =	vor.u32 v57, v43  }
0x3a3: {  	v12 =	vmul.f32 v12, v41  }
0x3a4: {  	v14 =	vmul.f32 v14, v40;
	v60 =	vor.u32 s28, v56  }
0x3a5: {  	[tilespmem:v11+s19+$0x0] =	vst.idx.msk $0xffff, v12;
	v11 =	vmul.f32 v15, v10  }
0x3a6: {  	[tilespmem:v16+s19+$0x0] =	vst.idx.msk $0xffff, v14  }
0x3a7: {  	v18 =	vor.u32 v57, v44;
	v12 =	vld.idx.msk [tilespmem:v13+s20+$0x0], $0xffff;
	v13 =	vmul.f32 v58, v8;
	[tilespmem:v27+s19+$0x0] =	vst.idx.msk $0xffff, v11  }
0x3a8: {  	v59 =	vor.u32 v57, v2;
	v53 =	vld [tilespmem:$0x1FE60]  }
0x3a9: {  	[tilespmem:v60+s19+$0x0] =	vst.idx.msk $0xffff, v13  }
0x3aa: {  	v61 =	vor.u32 v57, v4;
	v54 =	vld [tilespmem:$0x1FD80];
	_ =	sdelay $0x1  }
0x3ab: {  	v14 =	vld.idx.msk [tilespmem:v18+s20+$0x0], $0xffff  }
0x3ac: {  	v15 =	vld.idx.msk [tilespmem:v59+s20+$0x0], $0xffff;
	v11 =	vor.u32 s24, v53  }
0x3ad: {  	v16 =	vor.u32 s25, v53  }
0x3ae: {  	v56 =	vld.idx.msk [tilespmem:v61+s20+$0x0], $0xffff;
	v27 =	vor.u32 s26, v53;
	v13 =	vor.u32 v54, v43  }
0x3af: {  	v12 =	vmul.f32 v12, v41  }
0x3b0: {  	v14 =	vmul.f32 v14, v40;
	v58 =	vor.u32 s28, v53  }
0x3b1: {  	[tilespmem:v11+s19+$0x0] =	vst.idx.msk $0xffff, v12;
	v11 =	vmul.f32 v15, v10  }
0x3b2: {  	[tilespmem:v16+s19+$0x0] =	vst.idx.msk $0xffff, v14  }
0x3b3: {  	v18 =	vor.u32 v54, v44;
	v12 =	vld.idx.msk [tilespmem:v13+s20+$0x0], $0xffff;
	v13 =	vmul.f32 v56, v8;
	[tilespmem:v27+s19+$0x0] =	vst.idx.msk $0xffff, v11  }
0x3b4: {  	v57 =	vor.u32 v54, v2;
	v60 =	vld [tilespmem:$0x1FE70]  }
0x3b5: {  	[tilespmem:v58+s19+$0x0] =	vst.idx.msk $0xffff, v13  }
0x3b6: {  	v59 =	vor.u32 v54, v4;
	v61 =	vld [tilespmem:$0x1FB70];
	_ =	sdelay $0x1  }
0x3b7: {  	v14 =	vld.idx.msk [tilespmem:v18+s20+$0x0], $0xffff  }
0x3b8: {  	v15 =	vld.idx.msk [tilespmem:v57+s20+$0x0], $0xffff;
	v11 =	vor.u32 s24, v60  }
0x3b9: {  	v16 =	vor.u32 s25, v60  }
0x3ba: {  	v35 =	vld.idx.msk [tilespmem:v59+s20+$0x0], $0xffff;
	v27 =	vor.u32 s26, v60;
	v13 =	vor.u32 v61, v43  }
0x3bb: {  	v12 =	vmul.f32 v12, v41  }
0x3bc: {  	v14 =	vmul.f32 v14, v40;
	v53 =	vor.u32 s28, v60  }
0x3bd: {  	[tilespmem:v11+s19+$0x0] =	vst.idx.msk $0xffff, v12;
	v11 =	vmul.f32 v15, v10  }
0x3be: {  	[tilespmem:v16+s19+$0x0] =	vst.idx.msk $0xffff, v14  }
0x3bf: {  	v18 =	vor.u32 v61, v44;
	v12 =	vld.idx.msk [tilespmem:v13+s20+$0x0], $0xffff;
	v13 =	vmul.f32 v35, v8;
	[tilespmem:v27+s19+$0x0] =	vst.idx.msk $0xffff, v11  }
0x3c0: {  	v36 =	vor.u32 v61, v2;
	v5 =	vor.u32 v61, v4;
	v61 =	vld [tilespmem:$0x1FE80]  }
0x3c1: {  	[tilespmem:v53+s19+$0x0] =	vst.idx.msk $0xffff, v13  }
0x3c2: {  	v54 =	vld [tilespmem:$0x1FB80];
	_ =	sdelay $0x1  }
0x3c3: {  	v14 =	vld.idx.msk [tilespmem:v18+s20+$0x0], $0xffff  }
0x3c4: {  	v15 =	vld.idx.msk [tilespmem:v36+s20+$0x0], $0xffff;
	v11 =	vor.u32 s24, v61  }
0x3c5: {  	v16 =	vor.u32 s25, v61  }
0x3c6: {  	v18 =	vor.u32 s26, v61;
	v13 =	vor.u32 v54, v43  }
0x3c7: {  	v12 =	vmul.f32 v12, v41  }
0x3c8: {  	v14 =	vmul.f32 v14, v40;
	v56 =	vor.u32 v54, v44  }
0x3c9: {  	v5 =	vld.idx.msk [tilespmem:v5+s20+$0x0], $0xffff;
	[tilespmem:v11+s19+$0x0] =	vst.idx.msk $0xffff, v12;
	v11 =	vmul.f32 v15, v10  }
0x3ca: {  	[tilespmem:v16+s19+$0x0] =	vst.idx.msk $0xffff, v14  }
0x3cb: {  	v57 =	vor.u32 s28, v61;
	v27 =	vor.u32 v54, v2;
	v12 =	vld.idx.msk [tilespmem:v13+s20+$0x0], $0xffff;
	[tilespmem:v18+s19+$0x0] =	vst.idx.msk $0xffff, v11  }
0x3cc: {  	v60 =	vld [tilespmem:$0x1FE90]  }
0x3cd: {  	v13 =	vld.idx.msk [tilespmem:v56+s20+$0x0], $0xffff  }
0x3ce: {  	v5 =	vmul.f32 v5, v8;
	_ =	sdelay $0x1  }
0x3cf: {  	v14 =	vld.idx.msk [tilespmem:v27+s20+$0x0], $0xffff;
	[tilespmem:v57+s19+$0x0] =	vst.idx.msk $0xffff, v5  }
0x3d0: {  	v18 =	vmul.f32 v12, v41;
	v12 =	vld [tilespmem:$0x1FCF0];
	v11 =	vor.u32 s24, v60  }
0x3d1: {  	v34 =	vmul.f32 v13, v40;
	v13 =	vld [tilespmem:$0x1FD20]  }
0x3d2: {  	v58 =	vld [tilespmem:$0x1FBB0];
	v15 =	vor.u32 s25, v60  }
0x3d3: {  	v3 =	vor.u32 v54, v4;
	v59 =	vor.u32 s26, v60;
	_ =	sdelay $0x1  }
0x3d4: {  	[tilespmem:v11+s19+$0x0] =	vst.idx.msk $0xffff, v18  }
0x3d5: {  	v12 =	vsel vm0, v12, v13;
	v11 =	vmul.f32 v14, v10;
	v13 =	vld [tilespmem:$0x1FD00]  }
0x3d6: {  	v5 =	vor.u32 v58, v43;
	v14 =	vld [tilespmem:$0x1FD10];
	[tilespmem:v15+s19+$0x0] =	vst.idx.msk $0xffff, v34  }
0x3d7: {  	v3 =	vld.idx.msk [tilespmem:v3+s20+$0x0], $0xffff;
	[tilespmem:v59+s19+$0x0] =	vst.idx.msk $0xffff, v11  }
0x3d8: {  	v16 =	vor.u32 v58, v44;
	v59 =	vld [tilespmem:$0x1FEA0]  }
0x3d9: {  	v27 =	vor.u32 v58, v2  }
0x3da: {  	v53 =	vor.u32 s28, v60  }
0x3db: {  	v54 =	vor.u32 v58, v4;
	v5 =	vld.idx.msk [tilespmem:v5+s20+$0x0], $0xffff;
	_ =	sdelay $0x1  }
0x3dc: {  	v3 =	vmul.f32 v3, v8;
	v15 =	vld.idx.msk [tilespmem:v16+s20+$0x0], $0xffff;
	v11 =	vor.u32 s24, v59  }
0x3dd: {  	v16 =	vld.idx.msk [tilespmem:v27+s20+$0x0], $0xffff  }
0x3de: {  	[tilespmem:v53+s19+$0x0] =	vst.idx.msk $0xffff, v3;
	v18 =	vor.u32 s25, v59  }
0x3df: {  	v27 =	vld.idx.msk [tilespmem:v54+s20+$0x0], $0xffff;
	v13 =	vsel vm0, v14, v13;
	v5 =	vmul.f32 v5, v41;
	v56 =	vor.u32 s26, v59  }
0x3e0: {  	v3 =	vld [tilespmem:$0x1FD60];
	v14 =	vcombine.low v12, v13  }
0x3e1: {  	v57 =	vld [tilespmem:$0x1FC30];
	v15 =	vmul.f32 v15, v40;
	[tilespmem:v11+s19+$0x0] =	vst.idx.msk $0xffff, v5  }
0x3e2: {  	v35 =	vor.u32 v14, v2;
	v5 =	vmul.f32 v16, v10;
	v11 =	vld [tilespmem:$0x1FD50]  }
0x3e3: {  	v36 =	vor.u32 s28, v59;
	v17 =	vor.u32 v14, v43;
	v16 =	vld [tilespmem:$0x1FC40];
	[tilespmem:v18+s19+$0x0] =	vst.idx.msk $0xffff, v15  }
0x3e4: {  	v58 =	vor.u32 v14, v44;
	v14 =	vor.u32 v14, v4;
	[tilespmem:v56+s19+$0x0] =	vst.idx.msk $0xffff, v5  }
0x3e5: {  	v56 =	vld [tilespmem:$0x1FF50]  }
0x3e6: {  	v15 =	vmul.f32 v27, v8  }
0x3e7: {  	v33 =	vsel vm0, v57, v3;
	v27 =	vld.idx.msk [tilespmem:v35+s20+$0x0], $0xffff  }
0x3e8: {  	v5 =	vmul.f32 v42, v50;
	[tilespmem:v36+s19+$0x0] =	vst.idx.msk $0xffff, v15;
	v3 =	vsel vm0, v11, v16;
	v11 =	vld.idx.msk [tilespmem:v17+s20+$0x0], $0xffff  }
0x3e9: {  	v14 =	vld.idx.msk [tilespmem:v14+s20+$0x0], $0xffff  }
0x3ea: {  	v1 =	vld [tilespmem:$0x1FCD0];
	[tilespmem:v47+s19+$0x0] =	vst.idx.msk $0xffff, v5;
	v18 =	vor.u32 s24, v56  }
0x3eb: {  	v59 =	vld [tilespmem:$0x1FAB0];
	v16 =	vcombine.low v3, v33  }
0x3ec: {  	v17 =	vld.idx.msk [tilespmem:v58+s20+$0x0], $0xffff  }
0x3ed: {  	v52 =	vld.idx.msk [tilespmem:v52+s20+$0x0], $0xffff;
	v15 =	vor.u32 v16, v43;
	v11 =	vmul.f32 v11, v41  }
0x3ee: {  	v5 =	vld [tilespmem:$0x1FC60];
	v32 =	vor.u32 s25, v56  }
0x3ef: {  	v54 =	vld [tilespmem:$0x1FC70];
	v58 =	vor.u32 s26, v56;
	[tilespmem:v18+s19+$0x0] =	vst.idx.msk $0xffff, v11  }
0x3f0: {  	v47 =	vor.u32 s28, v56;
	v11 =	vld [tilespmem:$0x1FC50]  }
0x3f1: {  	v17 =	vmul.f32 v17, v40;
	v18 =	vmul.f32 v27, v10;
	v27 =	vld [tilespmem:$0x1FC80]  }
0x3f2: {  	v34 =	vor.u32 s22, v1;
	v15 =	vld.idx.msk [tilespmem:v15+s20+$0x0], $0xffff  }
0x3f3: {  	v35 =	vor.u32 v16, v44;
	v14 =	vmul.f32 v14, v8;
	[tilespmem:v32+s19+$0x0] =	vst.idx.msk $0xffff, v17;
	v17 =	vor.u32 s23, v1  }
0x3f4: {  	v57 =	vor.u32 v59, v51;
	[tilespmem:v58+s19+$0x0] =	vst.idx.msk $0xffff, v18;
	v58 =	vor.u32 s24, v1  }
0x3f5: {  	v42 =	vor.u32 v16, v2;
	[tilespmem:v47+s19+$0x0] =	vst.idx.msk $0xffff, v14;
	v14 =	vmul.f32 v37, v49  }
0x3f6: {  	v16 =	vor.u32 v16, v4;
	v5 =	vsel vm0, v54, v5;
	v0 =	vmul.f32 v52, v50  }
0x3f7: {  	[tilespmem:v34+s19+$0x0] =	vst.idx.msk $0xffff, v14;
	v11 =	vsel vm0, v11, v27;
	v14 =	vmul.f32 v15, v41  }
0x3f8: {  	v32 =	vld.idx.msk [tilespmem:v35+s20+$0x0], $0xffff;
	[tilespmem:v17+s19+$0x0] =	vst.idx.msk $0xffff, v0;
	v27 =	vcombine.low v11, v5  }
0x3f9: {  	v18 =	vor.u32 v59, v38;
	v17 =	vld.idx.msk [tilespmem:v57+s20+$0x0], $0xffff;
	[tilespmem:v58+s19+$0x0] =	vst.idx.msk $0xffff, v14  }
0x3fa: {  	v37 =	vor.u32 s25, v1;
	v36 =	vor.u32 v27, v43;
	v57 =	vld [tilespmem:$0x1FE00]  }
0x3fb: {  	v16 =	vld.idx.msk [tilespmem:v16+s20+$0x0], $0xffff  }
0x3fc: {  	v59 =	vld.idx.msk [tilespmem:v42+s20+$0x0], $0xffff  }
0x3fd: {  	v34 =	vor.u32 s28, v1;
	v32 =	vmul.f32 v32, v40  }
0x3fe: {  	v52 =	vor.u32 s26, v1;
	v18 =	vld.idx.msk [tilespmem:v18+s20+$0x0], $0xffff  }
0x3ff: {  	[tilespmem:v37+s19+$0x0] =	vst.idx.msk $0xffff, v32;
	v53 =	vor.u32 s22, v57;
	v35 =	vld.idx.msk [tilespmem:v36+s20+$0x0], $0xffff  }
0x400: {  	v16 =	vmul.f32 v16, v8;
	v47 =	vor.u32 v27, v44;
	v0 =	vld [tilespmem:$0x1FAE0];
	v58 =	vor.u32 s23, v57  }
0x401: {  	v14 =	vmul.f32 v59, v10;
	v15 =	vor.u32 v27, v2;
	v59 =	vor.u32 s24, v57  }
0x402: {  	[tilespmem:v34+s19+$0x0] =	vst.idx.msk $0xffff, v16;
	v16 =	vmul.f32 v17, v49  }
0x403: {  	v27 =	vor.u32 v27, v4;
	[tilespmem:v52+s19+$0x0] =	vst.idx.msk $0xffff, v14;
	v18 =	vmul.f32 v18, v50  }
0x404: {  	[tilespmem:v53+s19+$0x0] =	vst.idx.msk $0xffff, v16;
	v16 =	vmul.f32 v35, v41  }
0x405: {  	v37 =	vld.idx.msk [tilespmem:v47+s20+$0x0], $0xffff;
	v56 =	vor.u32 v0, v51;
	[tilespmem:v58+s19+$0x0] =	vst.idx.msk $0xffff, v18  }
0x406: {  	v15 =	vld.idx.msk [tilespmem:v15+s20+$0x0], $0xffff;
	v14 =	vor.u32 v0, v38;
	[tilespmem:v59+s19+$0x0] =	vst.idx.msk $0xffff, v16  }
0x407: {  	v17 =	vor.u32 v0, v43;
	v58 =	vld [tilespmem:$0x1FE10]  }
0x408: {  	v27 =	vld.idx.msk [tilespmem:v27+s20+$0x0], $0xffff  }
0x409: {  	v52 =	vor.u32 s26, v57  }
0x40a: {  	v34 =	vor.u32 s25, v57;
	v18 =	vld.idx.msk [tilespmem:v56+s20+$0x0], $0xffff  }
0x40b: {  	v1 =	vor.u32 v0, v44;
	v36 =	vor.u32 v0, v4;
	v35 =	vor.u32 s28, v57;
	v14 =	vld.idx.msk [tilespmem:v14+s20+$0x0], $0xffff  }
0x40c: {  	v53 =	vor.u32 v0, v2;
	v15 =	vmul.f32 v15, v10;
	v17 =	vld.idx.msk [tilespmem:v17+s20+$0x0], $0xffff;
	v16 =	vor.u32 s22, v58  }
0x40d: {  	v54 =	vmul.f32 v37, v40;
	v27 =	vmul.f32 v27, v8;
	v0 =	vor.u32 s23, v58  }
0x40e: {  	v59 =	vor.u32 v24, v51;
	[tilespmem:v52+s19+$0x0] =	vst.idx.msk $0xffff, v15;
	v15 =	vor.u32 v24, v38;
	v24 =	vor.u32 s24, v58  }
0x40f: {  	[tilespmem:v34+s19+$0x0] =	vst.idx.msk $0xffff, v54;
	v18 =	vmul.f32 v18, v49  }
0x410: {  	v1 =	vld.idx.msk [tilespmem:v1+s20+$0x0], $0xffff;
	[tilespmem:v35+s19+$0x0] =	vst.idx.msk $0xffff, v27;
	v14 =	vmul.f32 v14, v50  }
0x411: {  	v54 =	vld.idx.msk [tilespmem:v53+s20+$0x0], $0xffff;
	[tilespmem:v16+s19+$0x0] =	vst.idx.msk $0xffff, v18;
	v16 =	vmul.f32 v17, v41  }
0x412: {  	v36 =	vld.idx.msk [tilespmem:v36+s20+$0x0], $0xffff;
	[tilespmem:v0+s19+$0x0] =	vst.idx.msk $0xffff, v14  }
0x413: {  	v14 =	vld.idx.msk [tilespmem:v59+s20+$0x0], $0xffff;
	[tilespmem:v24+s19+$0x0] =	vst.idx.msk $0xffff, v16  }
0x414: {  	v27 =	vor.u32 v9, v43;
	v56 =	vor.u32 s25, v58;
	v59 =	vld [tilespmem:$0x1FCE0]  }
0x415: {  	v57 =	vor.u32 s26, v58  }
0x416: {  	v18 =	vor.u32 s28, v58  }
0x417: {  	v58 =	vmul.f32 v1, v40  }
0x418: {  	v9 =	vor.u32 v9, v44;
	v15 =	vld.idx.msk [tilespmem:v15+s20+$0x0], $0xffff;
	v16 =	vmul.f32 v54, v10  }
0x419: {  	v0 =	vmul.f32 v36, v8;
	v27 =	vld.idx.msk [tilespmem:v27+s20+$0x0], $0xffff;
	[tilespmem:v56+s19+$0x0] =	vst.idx.msk $0xffff, v58;
	v24 =	vor.u32 s22, v59  }
0x41a: {  	v17 =	vor.u32 v25, v2;
	[tilespmem:v57+s19+$0x0] =	vst.idx.msk $0xffff, v16;
	v47 =	vor.u32 s23, v59  }
0x41b: {  	v25 =	vor.u32 v25, v4;
	[tilespmem:v18+s19+$0x0] =	vst.idx.msk $0xffff, v0;
	v16 =	vor.u32 s24, v59  }
0x41c: {  	v14 =	vmul.f32 v14, v49;
	v52 =	vld [tilespmem:$0x1FB90]  }
0x41d: {  	v15 =	vmul.f32 v15, v50  }
0x41e: {  	v9 =	vld.idx.msk [tilespmem:v9+s20+$0x0], $0xffff;
	[tilespmem:v24+s19+$0x0] =	vst.idx.msk $0xffff, v14;
	v14 =	vmul.f32 v27, v41  }
0x41f: {  	v17 =	vld.idx.msk [tilespmem:v17+s20+$0x0], $0xffff;
	[tilespmem:v47+s19+$0x0] =	vst.idx.msk $0xffff, v15  }
0x420: {  	v25 =	vld.idx.msk [tilespmem:v25+s20+$0x0], $0xffff;
	[tilespmem:v16+s19+$0x0] =	vst.idx.msk $0xffff, v14  }
0x421: {  	v53 =	vor.u32 s25, v59;
	v18 =	vor.u32 v52, v43;
	v42 =	vld [tilespmem:$0x1FF40]  }
0x422: {  	v56 =	vor.u32 s26, v59  }
0x423: {  	v27 =	vor.u32 s28, v59  }
0x424: {  	v9 =	vmul.f32 v9, v40;
	v15 =	vld.idx.msk [tilespmem:v20+s20+$0x0], $0xffff  }
0x425: {  	v14 =	vld.idx.msk [tilespmem:v19+s20+$0x0], $0xffff;
	v16 =	vmul.f32 v17, v10  }
0x426: {  	v18 =	vld.idx.msk [tilespmem:v18+s20+$0x0], $0xffff;
	[tilespmem:v53+s19+$0x0] =	vst.idx.msk $0xffff, v9;
	v9 =	vmul.f32 v25, v8;
	v17 =	vor.u32 s22, v42  }
0x427: {  	v54 =	vor.u32 v52, v44;
	[tilespmem:v56+s19+$0x0] =	vst.idx.msk $0xffff, v16;
	v19 =	vor.u32 s23, v42  }
0x428: {  	v24 =	vor.u32 v52, v2;
	[tilespmem:v27+s19+$0x0] =	vst.idx.msk $0xffff, v9;
	v16 =	vor.u32 s24, v42  }
0x429: {  	v9 =	vmul.f32 v15, v49;
	v57 =	vld [tilespmem:$0x1FBC0]  }
0x42a: {  	v20 =	vor.u32 v52, v4;
	v14 =	vmul.f32 v14, v50  }
0x42b: {  	[tilespmem:v17+s19+$0x0] =	vst.idx.msk $0xffff, v9;
	v9 =	vmul.f32 v18, v41  }
0x42c: {  	v25 =	vld.idx.msk [tilespmem:v54+s20+$0x0], $0xffff;
	[tilespmem:v19+s19+$0x0] =	vst.idx.msk $0xffff, v14  }
0x42d: {  	v24 =	vld.idx.msk [tilespmem:v24+s20+$0x0], $0xffff;
	[tilespmem:v16+s19+$0x0] =	vst.idx.msk $0xffff, v9  }
0x42e: {  	v27 =	vor.u32 s25, v42;
	v15 =	vor.u32 v57, v43;
	v54 =	vld [tilespmem:$0x1FDC0]  }
0x42f: {  	v20 =	vld.idx.msk [tilespmem:v20+s20+$0x0], $0xffff;
	v58 =	vor.u32 v57, v44  }
0x430: {  	v59 =	vor.u32 s26, v42  }
0x431: {  	v18 =	vor.u32 s28, v42;
	v19 =	vmul.f32 v25, v40;
	v14 =	vld.idx.msk [tilespmem:v21+s20+$0x0], $0xffff  }
0x432: {  	v9 =	vld.idx.msk [tilespmem:v22+s20+$0x0], $0xffff  }
0x433: {  	v16 =	vmul.f32 v24, v10;
	v15 =	vld.idx.msk [tilespmem:v15+s20+$0x0], $0xffff;
	[tilespmem:v27+s19+$0x0] =	vst.idx.msk $0xffff, v19;
	v21 =	vor.u32 s22, v54  }
0x434: {  	v19 =	vmul.f32 v20, v8;
	v22 =	vld.idx.msk [tilespmem:v58+s20+$0x0], $0xffff;
	v20 =	vor.u32 s23, v54  }
0x435: {  	v17 =	vor.u32 v57, v2;
	[tilespmem:v59+s19+$0x0] =	vst.idx.msk $0xffff, v16;
	v16 =	vor.u32 s24, v54  }
0x436: {  	[tilespmem:v18+s19+$0x0] =	vst.idx.msk $0xffff, v19;
	v14 =	vmul.f32 v14, v49;
	v19 =	vor.u32 s25, v54  }
0x437: {  	v32 =	vld [tilespmem:$0x1FBD0];
	v9 =	vmul.f32 v9, v50  }
0x438: {  	v0 =	vor.u32 v57, v4;
	[tilespmem:v21+s19+$0x0] =	vst.idx.msk $0xffff, v14;
	v14 =	vmul.f32 v15, v41  }
0x439: {  	[tilespmem:v20+s19+$0x0] =	vst.idx.msk $0xffff, v9;
	v20 =	vmul.f32 v22, v40  }
0x43a: {  	v17 =	vld.idx.msk [tilespmem:v17+s20+$0x0], $0xffff;
	[tilespmem:v16+s19+$0x0] =	vst.idx.msk $0xffff, v14  }
0x43b: {  	v22 =	vld [tilespmem:$0x1FB20];
	[tilespmem:v19+s19+$0x0] =	vst.idx.msk $0xffff, v20  }
0x43c: {  	v18 =	vor.u32 v32, v43;
	v27 =	vld [tilespmem:$0x1FDD0]  }
0x43d: {  	v0 =	vld.idx.msk [tilespmem:v0+s20+$0x0], $0xffff;
	v24 =	vor.u32 v32, v44  }
0x43e: {  	v25 =	vor.u32 s26, v54  }
0x43f: {  	v21 =	vor.u32 s28, v54;
	v9 =	vld.idx.msk [tilespmem:v26+s20+$0x0], $0xffff  }
0x440: {  	v16 =	vld.idx.msk [tilespmem:v23+s20+$0x0], $0xffff  }
0x441: {  	v17 =	vmul.f32 v17, v10;
	v15 =	vor.u32 v32, v2;
	v18 =	vld.idx.msk [tilespmem:v18+s20+$0x0], $0xffff;
	v19 =	vor.u32 s22, v27  }
0x442: {  	v12 =	vcombine.low v13, v12;
	v0 =	vmul.f32 v0, v8;
	v13 =	vld.idx.msk [tilespmem:v24+s20+$0x0], $0xffff;
	v20 =	vor.u32 s23, v27  }
0x443: {  	[tilespmem:v25+s19+$0x0] =	vst.idx.msk $0xffff, v17;
	v14 =	vor.u32 v22, v51;
	v17 =	vor.u32 v22, v38;
	v22 =	vor.u32 s24, v27  }
0x444: {  	[tilespmem:v21+s19+$0x0] =	vst.idx.msk $0xffff, v0;
	v34 =	vmul.f32 v9, v49;
	v21 =	vor.u32 s25, v27  }
0x445: {  	v16 =	vmul.f32 v16, v50  }
0x446: {  	v1 =	vor.u32 v32, v4;
	v15 =	vld.idx.msk [tilespmem:v15+s20+$0x0], $0xffff;
	v35 =	vmul.f32 v18, v41;
	[tilespmem:v19+s19+$0x0] =	vst.idx.msk $0xffff, v34  }
0x447: {  	v13 =	vmul.f32 v13, v40;
	[tilespmem:v20+s19+$0x0] =	vst.idx.msk $0xffff, v16  }
0x448: {  	v24 =	vor.u32 s26, v27;
	[tilespmem:v22+s19+$0x0] =	vst.idx.msk $0xffff, v35  }
0x449: {  	[tilespmem:v21+s19+$0x0] =	vst.idx.msk $0xffff, v13  }
0x44a: {  	v9 =	vor.u32 v12, v43;
	v26 =	vld [tilespmem:$0x1FDE0]  }
0x44b: {  	v23 =	vor.u32 v12, v44;
	v1 =	vld.idx.msk [tilespmem:v1+s20+$0x0], $0xffff;
	v15 =	vmul.f32 v15, v10  }
0x44c: {  	v18 =	vor.u32 v12, v2;
	v14 =	vld.idx.msk [tilespmem:v14+s20+$0x0], $0xffff  }
0x44d: {  	v36 =	vld.idx.msk [tilespmem:v17+s20+$0x0], $0xffff;
	[tilespmem:v24+s19+$0x0] =	vst.idx.msk $0xffff, v15  }
0x44e: {  	v19 =	vor.u32 s28, v27;
	v20 =	vld [tilespmem:$0x1FB30]  }
0x44f: {  	v9 =	vld.idx.msk [tilespmem:v9+s20+$0x0], $0xffff;
	v13 =	vor.u32 s22, v26  }
0x450: {  	v16 =	vld.idx.msk [tilespmem:v23+s20+$0x0], $0xffff;
	v15 =	vor.u32 s23, v26  }
0x451: {  	v12 =	vor.u32 v12, v4;
	v1 =	vmul.f32 v1, v8;
	v18 =	vld.idx.msk [tilespmem:v18+s20+$0x0], $0xffff;
	v37 =	vor.u32 s24, v26  }
0x452: {  	v14 =	vmul.f32 v14, v49;
	v21 =	vor.u32 s25, v26;
	v0 =	vmul.f32 v36, v50  }
0x453: {  	[tilespmem:v19+s19+$0x0] =	vst.idx.msk $0xffff, v1;
	v17 =	vor.u32 v20, v51;
	v19 =	vor.u32 v20, v38;
	v20 =	vor.u32 s26, v26  }
0x454: {  	v9 =	vmul.f32 v9, v41;
	[tilespmem:v13+s19+$0x0] =	vst.idx.msk $0xffff, v14  }
0x455: {  	[tilespmem:v15+s19+$0x0] =	vst.idx.msk $0xffff, v0;
	v15 =	vmul.f32 v16, v40  }
0x456: {  	[tilespmem:v37+s19+$0x0] =	vst.idx.msk $0xffff, v9;
	v16 =	vmul.f32 v18, v10  }
0x457: {  	v3 =	vcombine.low v33, v3;
	[tilespmem:v21+s19+$0x0] =	vst.idx.msk $0xffff, v15  }
0x458: {  	v12 =	vld.idx.msk [tilespmem:v12+s20+$0x0], $0xffff;
	[tilespmem:v20+s19+$0x0] =	vst.idx.msk $0xffff, v16  }
0x459: {  	v13 =	vor.u32 v3, v43;
	v36 =	vld [tilespmem:$0x1FDF0]  }
0x45a: {  	v14 =	vor.u32 s28, v26;
	_ =	sdelay $0x1  }
0x45b: {  	v47 =	vld.idx.msk [tilespmem:v17+s20+$0x0], $0xffff  }
0x45c: {  	v17 =	vmul.f32 v12, v8;
	v15 =	vld.idx.msk [tilespmem:v19+s20+$0x0], $0xffff  }
0x45d: {  	v19 =	vld.idx.msk [tilespmem:v13+s20+$0x0], $0xffff;
	v12 =	vor.u32 s22, v36  }
0x45e: {  	v5 =	vcombine.low v5, v11;
	v42 =	vor.u32 v3, v44;
	[tilespmem:v14+s19+$0x0] =	vst.idx.msk $0xffff, v17;
	v11 =	vor.u32 s23, v36  }
0x45f: {  	v9 =	vor.u32 v3, v2;
	v14 =	vld [tilespmem:$0x1FB60];
	v16 =	vor.u32 s24, v36  }
0x460: {  	v1 =	vmul.f32 v47, v49  }
0x461: {  	v3 =	vor.u32 v3, v4;
	[tilespmem:v30+s19+$0x0] =	vst.idx.msk $0xffff, v31;
	v52 =	vmul.f32 v15, v50  }
0x462: {  	v20 =	vmul.f32 v19, v41;
	[tilespmem:v12+s19+$0x0] =	vst.idx.msk $0xffff, v1  }
0x463: {  	v0 =	vld.idx.msk [tilespmem:v42+s20+$0x0], $0xffff;
	[tilespmem:v11+s19+$0x0] =	vst.idx.msk $0xffff, v52  }
0x464: {  	v9 =	vld.idx.msk [tilespmem:v9+s20+$0x0], $0xffff;
	v13 =	vor.u32 v14, v51;
	[tilespmem:v16+s19+$0x0] =	vst.idx.msk $0xffff, v20  }
0x465: {  	v14 =	vor.u32 v14, v38;
	v56 =	vld [tilespmem:$0x1FD90]  }
0x466: {  	v17 =	vor.u32 v5, v43;
	v3 =	vld.idx.msk [tilespmem:v3+s20+$0x0], $0xffff;
	v18 =	vor.u32 s25, v36  }
0x467: {  	v15 =	vor.u32 s26, v36;
	v12 =	vor.u32 v5, v44  }
0x468: {  	v53 =	vor.u32 v5, v2;
	v7 =	vld.idx.msk [tilespmem:v7+s20+$0x0], $0xffff;
	v19 =	vor.u32 s28, v36  }
0x469: {  	v54 =	vor.u32 v5, v4;
	v0 =	vmul.f32 v0, v40;
	v4 =	vld.idx.msk [tilespmem:v13+s20+$0x0], $0xffff  }
0x46a: {  	v9 =	vmul.f32 v9, v10;
	v14 =	vld.idx.msk [tilespmem:v14+s20+$0x0], $0xffff;
	v5 =	vor.u32 s21, v56  }
0x46b: {  	v3 =	vmul.f32 v3, v8;
	[tilespmem:v18+s19+$0x0] =	vst.idx.msk $0xffff, v0;
	v11 =	vld.idx.msk [tilespmem:v17+s20+$0x0], $0xffff;
	v57 =	vor.u32 s22, v56  }
0x46c: {  	[tilespmem:v15+s19+$0x0] =	vst.idx.msk $0xffff, v9;
	v9 =	vmul.f32 v28, v39;
	v12 =	vld.idx.msk [tilespmem:v12+s20+$0x0], $0xffff;
	v13 =	vor.u32 s23, v56  }
0x46d: {  	[tilespmem:v19+s19+$0x0] =	vst.idx.msk $0xffff, v3;
	v3 =	vmul.f32 v7, v48;
	v2 =	vld.idx.msk [tilespmem:v53+s20+$0x0], $0xffff;
	v7 =	vor.u32 s24, v56  }
0x46e: {  	[tilespmem:v29+s19+$0x0] =	vst.idx.msk $0xffff, v9;
	v1 =	vld.idx.msk [tilespmem:v54+s20+$0x0], $0xffff;
	v9 =	vor.u32 s25, v56;
	v4 =	vmul.f32 v4, v49  }
0x46f: {  	[tilespmem:v5+s19+$0x0] =	vst.idx.msk $0xffff, v3;
	v3 =	vmul.f32 v14, v50;
	v5 =	vor.u32 s26, v56  }
0x470: {  	v58 =	vmul.f32 v11, v41;
	[tilespmem:v57+s19+$0x0] =	vst.idx.msk $0xffff, v4;
	v4 =	vor.u32 s28, v56  }
0x471: {  	[tilespmem:v13+s19+$0x0] =	vst.idx.msk $0xffff, v3;
	v3 =	vmul.f32 v12, v40  }
0x472: {  	v59 =	vmul.f32 v2, v10;
	[tilespmem:v7+s19+$0x0] =	vst.idx.msk $0xffff, v58  }
0x473: {  	v1 =	vmul.f32 v1, v8;
	[tilespmem:v9+s19+$0x0] =	vst.idx.msk $0xffff, v3  }
0x474: {  	[tilespmem:v5+s19+$0x0] =	vst.idx.msk $0xffff, v59  }
0x475: {  	[tilespmem:v4+s19+$0x0] =	vst.idx.msk $0xffff, v1  }
0x476: {  	v12 =	vld [tilespmem:$0x1FFC0]  }
0x477: {  	v49 =	vld [tilespmem:$0x1FFB0]  }
0x478: {  	v8 =	vld [tilespmem:$0x1FF70]  }
0x479: {  	v19 =	vld [tilespmem:$0x1FF80]  }
0x47a: {  	v39 =	vld [tilespmem:$0x1FF90]  }
0x47b: {  	v48 =	vld [tilespmem:$0x1FFA0]  }
0x47c: {  	v51 =	vld [tilespmem:$0x1FFD0]  }
0x47d: {  	v20 =	vld [tilespmem:$0x1FF60]  }
0x47e: {  	v18 =	vld [tilespmem:$0x1FF20]  }
0x47f: {  	v16 =	vld [tilespmem:$0x1FEB0]  }
0x480: {  	v24 =	vld [tilespmem:$0x1FED0]  }
0x481: {  	v41 =	vld [tilespmem:$0x1FEC0]  }
0x482: {  	v47 =	vld [tilespmem:$0x1FF30]  }
0x483: {  	s0 =	sshll.u32 s16, $0x2;
	v15 =	vld [tilespmem:$0x1FEE0]  }
0x484: {  	s0 =	smin.u32 s0, $0x1E81;
	v40 =	vld [tilespmem:$0x1FEF0]  }
0x485: {  	s0 =	sshll.u32 s0, $0x7;
	v21 =	vld [tilespmem:$0x1FF00]  }
0x486: {  	s6 =	sadd.s32 $0x7, s17;
	s0 =	sadd.s32 s1, s0;
	v53 =	vld [tilespmem:$0x1FF10]  }
0x487: {  	[hbm4b:s0+s2] =	stream.linear.scatter [tilespmem:s19], [sflag:s6], $0x1000, $0x38;
	v13 =	vld [tilespmem:$0x1FE20]  }
0x488: {  	s7 =	sadd.s32 $0xF4280, s0;
	s28 =	sadd.s32 $0xE200, s18;
	v33 =	vld [tilespmem:$0x1FE40]  }
0x489: {  	v43 =	vld [tilespmem:$0x1FE50];
	[hbm4b:s7+s2] =	stream.linear.scatter [tilespmem:s28], [sflag:s6], $0x1000, $0x38  }
.Ltmp8:
0x48a: {  	v32 =	vld [tilespmem:$0x1FE60];
	(pc) =	sbr.rel .LBB2_10-.Ltmp8, $4  }
0x48b: {  	s30 =	sadd.s32 $0xF200, s18;
	s29 =	sadd.s32 $0x1E8500, s0;
	v44 =	vld [tilespmem:$0x1FE70]  }
0x48c: {  	v11 =	vld [tilespmem:$0x1FDA0];
	[hbm4b:s29+s2] =	stream.linear.scatter [tilespmem:s30], [sflag:s6], $0x1000, $0x38  }
0x48d: {  	s31 =	sadd.s32 $0x10200, s18;
	v30 =	vmov v61;
	s0 =	sadd.s32 $0x2DC780, s0;
	v61 =	vld [tilespmem:$0x1FDB0]  }
0x48e: {  	v34 =	vlaneseq.u32;
	v35 =	vmovc v6;
	v10 =	vimm.f32 $0.0e+00;
	v14 =	vmov v60;
	v5 =	vld [tilespmem:$0x1FD80];
	[hbm4b:s0+s2] =	stream.linear.scatter [tilespmem:s31], [sflag:s6], $0x1000, $0x38  }
.LBB2_12:
0x48f: {  	_ =	sfence.sel $0x180000  }
0x490: {  	[bflag:$0x0] =	sbarrier.arrive $0xFFFF  }
0x491: {  	_ =	strace $0x9000004A  }
0x492: {  	[bflag:$0x2] =	sbarrier.arrive $0xFFFF  }
0x493: {  	s0 =	rddreg [dreg:$0x2]  }
0x494: {  	s0 =	sadd.s32 @!p0 $0x100000, s0  }
0x495: {  	[sflag:s0] =	ssyncadd.tile.s32 @!p0 $0x1;
	_ =	shalt  }
.Lfunc_end2:
_tile_overlayer_lowered:
.L_overlay_start_2:
0x496: {  	(tag) =	ssettag $0x2  }
0x497: {  	s0 =	rddreg [dreg:$0x0];
	s2 =	stileid.u32  }
0x498: {  	s1 =	rddreg [dreg:$0x1];
	p0 =	sne.s32 s2, $0x0  }
0x499: {  	s3 =	rddreg [dreg:$0x2];
	[bflag:$0x3] =	sbarrier.arrive $0xFFFF;
	s2 =	simm.s32 @!p0 $0x1C0A  }
0x49a: {  	[timem:s3], [sflag:s2] =	dma.local @!p0 [hbm:s0], s1  }
0x49b: {  	s0 =	simm.s32 @!p0 $0xA  }
0x49c: {  	_ =	swait.ge @!p0 [sflag:s0], s1  }
0x49d: {  	s1 =	ssub.s32 @!p0 $0x0, s1;
	[sflag:s0] =	ssyncset.done @!p0 $0x0  }
0x49e: {  	[sflag:s0] =	ssyncadd.s32 @!p0 s1  }
0x49f: {  	[bflag:$0x3] =	sbarrier.arrive $0xFFFF  }
0x4a0: {  	_ =	shalt  }

</sc_bundles>
